<compile_context>
chip_gen: v7x
topology: tpu7x:2x2x1
jax: 0.10.2.dev20260603
libtpu: 0.0.44.dev20260713+nightly
codegen_flags: <defaults>
</compile_context>

<pallas_src>
import functools

import jax
import jax.numpy as jnp
from jax import lax
from jax.experimental import pallas as pl
from jax.experimental.pallas import tpu as pltpu
from jax.experimental.pallas import tpu_sc as plsc

N = 10000
E = 320000
D = 128

NC = 2
NS = 16
CHUNK = 128
N_ACC = 10240
ROWS_PER_TILE = N_ACC // NS
E_PAD = 327680
EDGES_PER_TILE = E_PAD // NS
NCHUNK = EDGES_PER_TILE // CHUNK
DUMMY = N
IBLK = 16

_sc_mesh = plsc.VectorSubcoreMesh(
    core_axis_name="c", subcore_axis_name="s", num_cores=NC, num_subcores=NS
)


@functools.partial(
    pl.kernel,
    out_type=(
        jax.ShapeDtypeStruct((N_ACC, D), jnp.float32),
        jax.ShapeDtypeStruct((N_ACC, D), jnp.float32),
        jax.ShapeDtypeStruct((N_ACC, D), jnp.float32),
    ),
    mesh=_sc_mesh,
    scratch_types=(
        pltpu.VMEM((CHUNK,), jnp.int32),
        pltpu.VMEM((NCHUNK // 2, CHUNK), jnp.int32),
        pltpu.VMEM((CHUNK, D), jnp.float32),
        pltpu.VMEM((CHUNK, D), jnp.float32),
        pltpu.VMEM_SHARED((N_ACC, D), jnp.float32),
        pltpu.SemaphoreType.DMA,
    ),
)
def _sc_deg_perm(dst2_hbm, perm_hbm, p_hbm, ones_hbm, zrows_hbm,
                 dega_out, degb_out, pc_out, idx_v, didx2, rows_v, ones_v,
                 acc_deg, sem):
    c = lax.axis_index("c")
    s = lax.axis_index("s")
    base = s * ROWS_PER_TILE
    half = NCHUNK // 2

    for j in range(ROWS_PER_TILE // CHUNK):
        pltpu.sync_copy(zrows_hbm, acc_deg.at[pl.ds(base + j * CHUNK, CHUNK)])
    pltpu.sync_copy(ones_hbm, ones_v)
    pltpu.sync_copy(dst2_hbm.at[pl.ds((c * NS + s) * half, half)], didx2)
    plsc.subcore_barrier()

    def body(j, _):
        pltpu.sync_copy(ones_v, acc_deg.at[didx2.at[j]], add=True)
        return _

    lax.fori_loop(0, half, body, None)
    plsc.subcore_barrier()

    @pl.when(c == 0)
    def _outa():
        for j in range(ROWS_PER_TILE // CHUNK):
            pltpu.sync_copy(
                acc_deg.at[pl.ds(base + j * CHUNK, CHUNK)],
                dega_out.at[pl.ds(base + j * CHUNK, CHUNK)],
            )

    @pl.when(c == 1)
    def _outb():
        for j in range(ROWS_PER_TILE // CHUNK):
            pltpu.sync_copy(
                acc_deg.at[pl.ds(base + j * CHUNK, CHUNK)],
                degb_out.at[pl.ds(base + j * CHUNK, CHUNK)],
            )

    @pl.when(c == 1)
    def _permgather():
        def body(j, _):
            off = s * ROWS_PER_TILE + j * CHUNK
            pltpu.sync_copy(perm_hbm.at[pl.ds(off, CHUNK)], idx_v)
            pltpu.async_copy(p_hbm.at[idx_v], rows_v, sem).wait()
            pltpu.sync_copy(rows_v, pc_out.at[pl.ds(off, CHUNK)])
            return _

        lax.fori_loop(0, ROWS_PER_TILE // CHUNK, body, None)


@functools.partial(
    pl.kernel,
    out_type=(
        jax.ShapeDtypeStruct((N_ACC, D), jnp.float32),
        jax.ShapeDtypeStruct((N_ACC, D), jnp.float32),
    ),
    mesh=_sc_mesh,
    scratch_types=(
        pltpu.VMEM((IBLK, CHUNK), jnp.int32),
        pltpu.VMEM((IBLK, CHUNK), jnp.int32),
        pltpu.VMEM((CHUNK, D), jnp.float32),
        pltpu.VMEM((CHUNK, D), jnp.float32),
        pltpu.VMEM_SHARED((N_ACC, D), jnp.float32),
        pltpu.SemaphoreType.DMA,
        pltpu.SemaphoreType.DMA,
    ),
)
def _sc_edge_pass(src2_hbm, dst2_hbm, za_hbm, zb_hbm, zrows_hbm,
                  sa_out, sb_out, sidx2, didx2, rows0, rows1,
                  acc, sem0, sem1):
    c = lax.axis_index("c")
    s = lax.axis_index("s")

    def do_pass(table, out):
        base = s * ROWS_PER_TILE
        cbase = s * NCHUNK
        for j in range(ROWS_PER_TILE // CHUNK):
            pltpu.sync_copy(zrows_hbm, acc.at[pl.ds(base + j * CHUNK, CHUNK)])
        plsc.subcore_barrier()

        def block(k, _):
            pltpu.sync_copy(src2_hbm.at[pl.ds(cbase + k * IBLK, IBLK)], sidx2)
            pltpu.sync_copy(dst2_hbm.at[pl.ds(cbase + k * IBLK, IBLK)], didx2)
            pltpu.async_copy(table.at[sidx2.at[0]], rows0, sem0)

            def body(m, _):
                j0 = 2 * m
                j1 = j0 + 1
                pltpu.async_copy(table.at[sidx2.at[j1]], rows1, sem1)
                pltpu.make_async_copy(table.at[sidx2.at[j0]], rows0, sem0).wait()
                pltpu.sync_copy(rows0, acc.at[didx2.at[j0]], add=True)

                @pl.when(j0 + 2 < IBLK)
                def _():
                    pltpu.async_copy(table.at[sidx2.at[j0 + 2]], rows0, sem0)

                pltpu.make_async_copy(table.at[sidx2.at[j1]], rows1, sem1).wait()
                pltpu.sync_copy(rows1, acc.at[didx2.at[j1]], add=True)
                return _

            lax.fori_loop(0, IBLK // 2, body, None)
            return _

        lax.fori_loop(0, NCHUNK // IBLK, block, None)
        plsc.subcore_barrier()
        for j in range(ROWS_PER_TILE // CHUNK):
            pltpu.sync_copy(
                acc.at[pl.ds(base + j * CHUNK, CHUNK)],
                out.at[pl.ds(base + j * CHUNK, CHUNK)],
            )

    @pl.when(c == 0)
    def _a():
        do_pass(za_hbm, sa_out)

    @pl.when(c == 1)
    def _b():
        do_pass(zb_hbm, sb_out)


BM = 1000
GRID = N // BM


def _tc_matmul_body(x_ref, w_ref, o_ref):
    o_ref[...] = jnp.dot(x_ref[...], w_ref[...], preferred_element_type=jnp.float32)


def _tc_matmul(x, w):
    return pl.pallas_call(
        _tc_matmul_body,
        grid=(GRID,),
        in_specs=[
            pl.BlockSpec((BM, D), lambda i: (i, 0)),
            pl.BlockSpec((D, D), lambda i: (0, 0)),
        ],
        out_specs=pl.BlockSpec((BM, D), lambda i: (i, 0)),
        out_shape=jax.ShapeDtypeStruct((N, D), jnp.float32),
    )(x, w)


def _dinv_of(dega_blk, degb_blk):
    return lax.rsqrt(dega_blk[:, 0:1] + degb_blk[:, 0:1] + 1.0)


def _tc_scale_body(p_ref, pc_ref, dega_ref, degb_ref, za_ref, zb_ref):
    dinv = _dinv_of(dega_ref[...], degb_ref[...])
    za_ref[...] = p_ref[...] * dinv
    zb_ref[...] = pc_ref[...] * dinv


def _tc_scale(p, pc, dega, degb):
    return pl.pallas_call(
        _tc_scale_body,
        grid=(GRID,),
        in_specs=[
            pl.BlockSpec((BM, D), lambda i: (i, 0)),
            pl.BlockSpec((BM, D), lambda i: (i, 0)),
            pl.BlockSpec((BM, D), lambda i: (i, 0)),
            pl.BlockSpec((BM, D), lambda i: (i, 0)),
        ],
        out_specs=[
            pl.BlockSpec((BM, D), lambda i: (i, 0)),
            pl.BlockSpec((BM, D), lambda i: (i, 0)),
        ],
        out_shape=[
            jax.ShapeDtypeStruct((N, D), jnp.float32),
            jax.ShapeDtypeStruct((N, D), jnp.float32),
        ],
    )(p, pc, dega, degb)


def _tc_layer_body(sa_ref, sb_ref, za_ref, zb_ref, dega_ref, degb_ref, b1_ref,
                   w2_ref, oa_ref, ob_ref):
    dinv = _dinv_of(dega_ref[...], degb_ref[...])
    h1a = jax.nn.relu(dinv * (sa_ref[...] + za_ref[...]) + b1_ref[...])
    h1b = jax.nn.relu(dinv * (sb_ref[...] + zb_ref[...]) + b1_ref[...])
    oa_ref[...] = dinv * jnp.dot(h1a, w2_ref[...], preferred_element_type=jnp.float32)
    ob_ref[...] = dinv * jnp.dot(h1b, w2_ref[...], preferred_element_type=jnp.float32)


def _tc_layer(sa, sb, za, zb, dega, degb, b1, w2):
    return pl.pallas_call(
        _tc_layer_body,
        grid=(GRID,),
        in_specs=[
            pl.BlockSpec((BM, D), lambda i: (i, 0)),
            pl.BlockSpec((BM, D), lambda i: (i, 0)),
            pl.BlockSpec((BM, D), lambda i: (i, 0)),
            pl.BlockSpec((BM, D), lambda i: (i, 0)),
            pl.BlockSpec((BM, D), lambda i: (i, 0)),
            pl.BlockSpec((BM, D), lambda i: (i, 0)),
            pl.BlockSpec((1, D), lambda i: (0, 0)),
            pl.BlockSpec((D, D), lambda i: (0, 0)),
        ],
        out_specs=[
            pl.BlockSpec((BM, D), lambda i: (i, 0)),
            pl.BlockSpec((BM, D), lambda i: (i, 0)),
        ],
        out_shape=[
            jax.ShapeDtypeStruct((N, D), jnp.float32),
            jax.ShapeDtypeStruct((N, D), jnp.float32),
        ],
    )(sa, sb, za, zb, dega, degb, b1, w2)


def _tc_final_h_body(sa_ref, sb_ref, za_ref, zb_ref, dega_ref, degb_ref,
                     b2_ref, ha_ref, hb_ref, cs_ref):
    i = pl.program_id(0)
    dinv = _dinv_of(dega_ref[...], degb_ref[...])
    ha = dinv * (sa_ref[...] + za_ref[...]) + b2_ref[...]
    hb = dinv * (sb_ref[...] + zb_ref[...]) + b2_ref[...]
    ha_ref[...] = ha
    hb_ref[...] = hb

    @pl.when(i == 0)
    def _():
        cs_ref[...] = jnp.zeros_like(cs_ref)

    cs_ref[...] += jnp.sum(ha, axis=0, keepdims=True)


def _tc_final_h(sa, sb, za, zb, dega, degb, b2):
    return pl.pallas_call(
        _tc_final_h_body,
        grid=(GRID,),
        in_specs=[
            pl.BlockSpec((BM, D), lambda i: (i, 0)),
            pl.BlockSpec((BM, D), lambda i: (i, 0)),
            pl.BlockSpec((BM, D), lambda i: (i, 0)),
            pl.BlockSpec((BM, D), lambda i: (i, 0)),
            pl.BlockSpec((BM, D), lambda i: (i, 0)),
            pl.BlockSpec((BM, D), lambda i: (i, 0)),
            pl.BlockSpec((1, D), lambda i: (0, 0)),
        ],
        out_specs=[
            pl.BlockSpec((BM, D), lambda i: (i, 0)),
            pl.BlockSpec((BM, D), lambda i: (i, 0)),
            pl.BlockSpec((1, D), lambda i: (0, 0)),
        ],
        out_shape=[
            jax.ShapeDtypeStruct((N, D), jnp.float32),
            jax.ShapeDtypeStruct((N, D), jnp.float32),
            jax.ShapeDtypeStruct((1, D), jnp.float32),
        ],
    )(sa, sb, za, zb, dega, degb, b2)


def _tc_score_body(ha_ref, hb_ref, wb_ref, cs_ref, bb_ref, pos_ref, neg_ref):
    s_row = jax.nn.sigmoid(cs_ref[...] / float(N))
    ta = jnp.dot(ha_ref[...], wb_ref[...], preferred_element_type=jnp.float32)
    tb = jnp.dot(hb_ref[...], wb_ref[...], preferred_element_type=jnp.float32)
    pos_ref[...] = jnp.sum(ta * s_row, axis=1, keepdims=True) + bb_ref[...]
    neg_ref[...] = jnp.sum(tb * s_row, axis=1, keepdims=True) + bb_ref[...]


def _tc_score(ha, hb, wb0, cs, bb):
    return pl.pallas_call(
        _tc_score_body,
        grid=(GRID,),
        in_specs=[
            pl.BlockSpec((BM, D), lambda i: (i, 0)),
            pl.BlockSpec((BM, D), lambda i: (i, 0)),
            pl.BlockSpec((D, D), lambda i: (0, 0)),
            pl.BlockSpec((1, D), lambda i: (0, 0)),
            pl.BlockSpec((1, 1), lambda i: (0, 0)),
        ],
        out_specs=[
            pl.BlockSpec((BM, 1), lambda i: (i, 0)),
            pl.BlockSpec((BM, 1), lambda i: (i, 0)),
        ],
        out_shape=[
            jax.ShapeDtypeStruct((N, 1), jnp.float32),
            jax.ShapeDtypeStruct((N, 1), jnp.float32),
        ],
    )(ha, hb, wb0, cs, bb)


def kernel(x, edge_index, W1, b1, W2, b2, Wb, bb, perm):
    src = edge_index[0].astype(jnp.int32)
    dst = edge_index[1].astype(jnp.int32)
    pad_e = E_PAD - E
    src2 = jnp.concatenate([src, jnp.zeros((pad_e,), jnp.int32)]).reshape(
        E_PAD // CHUNK, CHUNK)
    dst2 = jnp.concatenate([dst, jnp.full((pad_e,), DUMMY, jnp.int32)]).reshape(
        E_PAD // CHUNK, CHUNK)
    perm_pad = jnp.concatenate(
        [perm.astype(jnp.int32), jnp.zeros((N_ACC - N,), jnp.int32)]
    )
    ones = jnp.ones((CHUNK, D), jnp.float32)
    zrows = jnp.zeros((CHUNK, D), jnp.float32)
    b1r = b1.reshape(1, D)
    b2r = b2.reshape(1, D)
    wb0 = Wb.reshape(D, D)
    bbr = bb.reshape(1, 1)

    p = _tc_matmul(x, W1)
    dega, degb, pc = _sc_deg_perm(dst2, perm_pad, p, ones, zrows)
    pc = pc[:N]
    dega = dega[:N]
    degb = degb[:N]
    za, zb = _tc_scale(p, pc, dega, degb)
    sa, sb = _sc_edge_pass(src2, dst2, za, zb, zrows)
    z2a, z2b = _tc_layer(sa[:N], sb[:N], za, zb, dega, degb, b1r, W2)
    s2a, s2b = _sc_edge_pass(src2, dst2, z2a, z2b, zrows)
    ha, hb, cs = _tc_final_h(s2a[:N], s2b[:N], z2a, z2b, dega, degb, b2r)
    pos, neg = _tc_score(ha, hb, wb0, cs, bbr)
    return (pos, neg)

# --- scband reference (transcript-rebuilt; emitter-appended) ---
"""Pipeline reference for scband-dgi-13297218748904 (READ-ONLY COPY).

The authoritative reference and input builder live on the scoring server;
editing this copy changes nothing except your own understanding.
"""

import jax, jax.numpy as jnp
import numpy as np

N = 10000
E = 320000
D_IN = 128
D_HID = 128
D_OUT = 128


def setup_inputs(seed: int = 0) -> dict:
    key = jax.random.key(seed)
    ks = jax.random.split(key, 9)
    x = jax.random.normal(ks[0], (N, D_IN), dtype=jnp.float32)
    edge_index = jax.random.randint(ks[1], (2, E), 0, N, dtype=jnp.int32)
    W1 = jax.random.normal(ks[2], (D_IN, D_HID), dtype=jnp.float32) * (1.0 / np.sqrt(D_IN))
    b1 = jnp.zeros((D_HID,), dtype=jnp.float32)
    W2 = jax.random.normal(ks[3], (D_HID, D_OUT), dtype=jnp.float32) * (1.0 / np.sqrt(D_HID))
    b2 = jnp.zeros((D_OUT,), dtype=jnp.float32)
    Wb = jax.random.normal(ks[4], (1, D_OUT, D_OUT), dtype=jnp.float32) * (1.0 / np.sqrt(D_OUT))
    bb = jnp.zeros((1,), dtype=jnp.float32)
    perm = jax.random.permutation(ks[5], N)
    return {"x": x, "edge_index": edge_index, "W1": W1, "b1": b1, "W2": W2, "b2": b2, "Wb": Wb, "bb": bb, "perm": perm}


def _gcn_conv(x, edge_index, W, b):
    n = x.shape[0]
    loop = jnp.arange(n, dtype=edge_index.dtype)
    src = jnp.concatenate([edge_index[0], loop])
    dst = jnp.concatenate([edge_index[1], loop])
    ones = jnp.ones(src.shape[0], dtype=x.dtype)
    deg = jax.ops.segment_sum(ones, dst, num_segments=n)
    dinv = jnp.where(deg > 0, 1.0 / jnp.sqrt(deg), 0.0)
    norm = dinv[src] * dinv[dst]
    h = x @ W
    msgs = h[src] * norm[:, None]
    out = jax.ops.segment_sum(msgs, dst, num_segments=n)
    return out + b


def _encoder(x, edge_index, W1, b1, W2, b2):
    h = jax.nn.relu(_gcn_conv(x, edge_index, W1, b1))
    return _gcn_conv(h, edge_index, W2, b2)


def reference(x, edge_index, W1, b1, W2, b2, Wb, bb, perm):
    H = _encoder(x, edge_index, W1, b1, W2, b2)
    s = jax.nn.sigmoid(jnp.mean(H, axis=0))
    # nn.Bilinear(d, d, 1): out[n, o] = sum_{d,e} H[n,d] * Wb[o,d,e] * s[e] + bb[o]
    pos_scores = jnp.einsum('nd,ode,e->no', H, Wb, s) + bb
    H_corrupt = _encoder(x[perm], edge_index, W1, b1, W2, b2)
    neg_scores = jnp.einsum('nd,ode,e->no', H_corrupt, Wb, s) + bb
    return (pos_scores, neg_scores)

if __name__ == "__main__":
    import jax
    _d = setup_inputs()
    print(jax.jit(kernel)(*tuple(_d.values())))

</pallas_src>

<mosaic_0001>
#map = affine_map<(d0, d1) -> (0, 0)>
#map1 = affine_map<(d0, d1) -> (0)>
module attributes {stable_mosaic.version = 14 : i64} {
  func.func @_sc_deg_perm(%arg0: i32, %arg1: i32, %arg2: memref<2560x128xi32, #tpu.memory_space<hbm>>, %arg3: memref<10240xi32, #tpu.memory_space<hbm>>, %arg4: memref<10000x128xf32, #tpu.memory_space<hbm>>, %arg5: memref<128x128xf32, #tpu.memory_space<hbm>>, %arg6: memref<128x128xf32, #tpu.memory_space<hbm>>, %arg7: memref<10240x128xf32, #tpu.memory_space<hbm>>, %arg8: memref<10240x128xf32, #tpu.memory_space<hbm>>, %arg9: memref<10240x128xf32, #tpu.memory_space<hbm>>, %arg10: memref<128xi32, #tpu.memory_space<vmem>>, %arg11: memref<80x128xi32, #tpu.memory_space<vmem>>, %arg12: memref<128x128xf32, #tpu.memory_space<vmem>>, %arg13: memref<128x128xf32, #tpu.memory_space<vmem>>, %arg14: memref<10240x128xf32, #tpu.memory_space<vmem_shared>>, %arg15: memref<!tpu.dma_semaphore, #tpu.memory_space<semaphore_mem>>) attributes {dimension_semantics = [#tpu.dimension_semantics<core_parallel>, #tpu.dimension_semantics<subcore_parallel>], iteration_bounds = array<i64: 2, 16>, scalar_prefetch = 0 : i64, scratch_operands = 6 : i64, tpu.core_type = #tpu.core_type<sc_vector_subcore>, window_params = [{transform_indices = #map}, {transform_indices = #map1}, {transform_indices = #map}, {transform_indices = #map}, {transform_indices = #map}, {transform_indices = #map}, {transform_indices = #map}, {transform_indices = #map}]} {
    %mul3A = arith.constant 640 : i32
    %mul3A_0 = arith.muli %arg1, %mul3A : i32
    %add3A = arith.constant 0 : i32
    %add3A_1 = arith.addi %mul3A_0, %add3A : i32
    "tpu.region"() ({
      %run_scoped3A = tpu.sem_alloc : memref<!tpu.dma_semaphore, #tpu.memory_space<semaphore_mem>>
      %dma_start3A = arith.constant 0 : i32
      %dma_start3A_32 = tpu.memref_slice %arg14[%add3A_1, %dma_start3A] : memref<10240x128xf32, #tpu.memory_space<vmem_shared>> -> memref<128x128xf32, #tpu.memory_space<vmem_shared>>
      tpu.enqueue_dma source(%arg6 : memref<128x128xf32, #tpu.memory_space<hbm>>) target(%dma_start3A_32 : memref<128x128xf32, #tpu.memory_space<vmem_shared>>) target_semaphore(%run_scoped3A : memref<!tpu.dma_semaphore, #tpu.memory_space<semaphore_mem>>)
      %dma_wait3A = arith.constant 0 : i32
      %dma_wait3A_33 = tpu.memref_slice %arg14[%add3A_1, %dma_wait3A] : memref<10240x128xf32, #tpu.memory_space<vmem_shared>> -> memref<128x128xf32, #tpu.memory_space<vmem_shared>>
      tpu.wait_dma2 semaphore(%run_scoped3A : memref<!tpu.dma_semaphore, #tpu.memory_space<semaphore_mem>>) src(%arg6 : memref<128x128xf32, #tpu.memory_space<hbm>>) dst(%dma_wait3A_33 : memref<128x128xf32, #tpu.memory_space<vmem_shared>>)
      tpu.yield
    }) : () -> ()
    %add3A_2 = arith.constant 128 : i32
    %add3A_3 = arith.addi %mul3A_0, %add3A_2 : i32
    "tpu.region"() ({
      %run_scoped3A = tpu.sem_alloc : memref<!tpu.dma_semaphore, #tpu.memory_space<semaphore_mem>>
      %dma_start3A = arith.constant 0 : i32
      %dma_start3A_32 = tpu.memref_slice %arg14[%add3A_3, %dma_start3A] : memref<10240x128xf32, #tpu.memory_space<vmem_shared>> -> memref<128x128xf32, #tpu.memory_space<vmem_shared>>
      tpu.enqueue_dma source(%arg6 : memref<128x128xf32, #tpu.memory_space<hbm>>) target(%dma_start3A_32 : memref<128x128xf32, #tpu.memory_space<vmem_shared>>) target_semaphore(%run_scoped3A : memref<!tpu.dma_semaphore, #tpu.memory_space<semaphore_mem>>)
      %dma_wait3A = arith.constant 0 : i32
      %dma_wait3A_33 = tpu.memref_slice %arg14[%add3A_3, %dma_wait3A] : memref<10240x128xf32, #tpu.memory_space<vmem_shared>> -> memref<128x128xf32, #tpu.memory_space<vmem_shared>>
      tpu.wait_dma2 semaphore(%run_scoped3A : memref<!tpu.dma_semaphore, #tpu.memory_space<semaphore_mem>>) src(%arg6 : memref<128x128xf32, #tpu.memory_space<hbm>>) dst(%dma_wait3A_33 : memref<128x128xf32, #tpu.memory_space<vmem_shared>>)
      tpu.yield
    }) : () -> ()
    %add3A_4 = arith.constant 256 : i32
    %add3A_5 = arith.addi %mul3A_0, %add3A_4 : i32
    "tpu.region"() ({
      %run_scoped3A = tpu.sem_alloc : memref<!tpu.dma_semaphore, #tpu.memory_space<semaphore_mem>>
      %dma_start3A = arith.constant 0 : i32
      %dma_start3A_32 = tpu.memref_slice %arg14[%add3A_5, %dma_start3A] : memref<10240x128xf32, #tpu.memory_space<vmem_shared>> -> memref<128x128xf32, #tpu.memory_space<vmem_shared>>
      tpu.enqueue_dma source(%arg6 : memref<128x128xf32, #tpu.memory_space<hbm>>) target(%dma_start3A_32 : memref<128x128xf32, #tpu.memory_space<vmem_shared>>) target_semaphore(%run_scoped3A : memref<!tpu.dma_semaphore, #tpu.memory_space<semaphore_mem>>)
      %dma_wait3A = arith.constant 0 : i32
      %dma_wait3A_33 = tpu.memref_slice %arg14[%add3A_5, %dma_wait3A] : memref<10240x128xf32, #tpu.memory_space<vmem_shared>> -> memref<128x128xf32, #tpu.memory_space<vmem_shared>>
      tpu.wait_dma2 semaphore(%run_scoped3A : memref<!tpu.dma_semaphore, #tpu.memory_space<semaphore_mem>>) src(%arg6 : memref<128x128xf32, #tpu.memory_space<hbm>>) dst(%dma_wait3A_33 : memref<128x128xf32, #tpu.memory_space<vmem_shared>>)
      tpu.yield
    }) : () -> ()
    %add3A_6 = arith.constant 384 : i32
    %add3A_7 = arith.addi %mul3A_0, %add3A_6 : i32
    "tpu.region"() ({
      %run_scoped3A = tpu.sem_alloc : memref<!tpu.dma_semaphore, #tpu.memory_space<semaphore_mem>>
      %dma_start3A = arith.constant 0 : i32
      %dma_start3A_32 = tpu.memref_slice %arg14[%add3A_7, %dma_start3A] : memref<10240x128xf32, #tpu.memory_space<vmem_shared>> -> memref<128x128xf32, #tpu.memory_space<vmem_shared>>
      tpu.enqueue_dma source(%arg6 : memref<128x128xf32, #tpu.memory_space<hbm>>) target(%dma_start3A_32 : memref<128x128xf32, #tpu.memory_space<vmem_shared>>) target_semaphore(%run_scoped3A : memref<!tpu.dma_semaphore, #tpu.memory_space<semaphore_mem>>)
      %dma_wait3A = arith.constant 0 : i32
      %dma_wait3A_33 = tpu.memref_slice %arg14[%add3A_7, %dma_wait3A] : memref<10240x128xf32, #tpu.memory_space<vmem_shared>> -> memref<128x128xf32, #tpu.memory_space<vmem_shared>>
      tpu.wait_dma2 semaphore(%run_scoped3A : memref<!tpu.dma_semaphore, #tpu.memory_space<semaphore_mem>>) src(%arg6 : memref<128x128xf32, #tpu.memory_space<hbm>>) dst(%dma_wait3A_33 : memref<128x128xf32, #tpu.memory_space<vmem_shared>>)
      tpu.yield
    }) : () -> ()
    %add3A_8 = arith.constant 512 : i32
    %add3A_9 = arith.addi %mul3A_0, %add3A_8 : i32
    "tpu.region"() ({
      %run_scoped3A = tpu.sem_alloc : memref<!tpu.dma_semaphore, #tpu.memory_space<semaphore_mem>>
      %dma_start3A = arith.constant 0 : i32
      %dma_start3A_32 = tpu.memref_slice %arg14[%add3A_9, %dma_start3A] : memref<10240x128xf32, #tpu.memory_space<vmem_shared>> -> memref<128x128xf32, #tpu.memory_space<vmem_shared>>
      tpu.enqueue_dma source(%arg6 : memref<128x128xf32, #tpu.memory_space<hbm>>) target(%dma_start3A_32 : memref<128x128xf32, #tpu.memory_space<vmem_shared>>) target_semaphore(%run_scoped3A : memref<!tpu.dma_semaphore, #tpu.memory_space<semaphore_mem>>)
      %dma_wait3A = arith.constant 0 : i32
      %dma_wait3A_33 = tpu.memref_slice %arg14[%add3A_9, %dma_wait3A] : memref<10240x128xf32, #tpu.memory_space<vmem_shared>> -> memref<128x128xf32, #tpu.memory_space<vmem_shared>>
      tpu.wait_dma2 semaphore(%run_scoped3A : memref<!tpu.dma_semaphore, #tpu.memory_space<semaphore_mem>>) src(%arg6 : memref<128x128xf32, #tpu.memory_space<hbm>>) dst(%dma_wait3A_33 : memref<128x128xf32, #tpu.memory_space<vmem_shared>>)
      tpu.yield
    }) : () -> ()
    "tpu.region"() ({
      %run_scoped3A = tpu.sem_alloc : memref<!tpu.dma_semaphore, #tpu.memory_space<semaphore_mem>>
      tpu.enqueue_dma source(%arg5 : memref<128x128xf32, #tpu.memory_space<hbm>>) target(%arg13 : memref<128x128xf32, #tpu.memory_space<vmem>>) target_semaphore(%run_scoped3A : memref<!tpu.dma_semaphore, #tpu.memory_space<semaphore_mem>>)
      tpu.wait_dma2 semaphore(%run_scoped3A : memref<!tpu.dma_semaphore, #tpu.memory_space<semaphore_mem>>) src(%arg5 : memref<128x128xf32, #tpu.memory_space<hbm>>) dst(%arg13 : memref<128x128xf32, #tpu.memory_space<vmem>>)
      tpu.yield
    }) : () -> ()
    %mul3A_10 = arith.constant 16 : i32
    %mul3A_11 = arith.muli %arg0, %mul3A_10 : i32
    %add3A_12 = arith.addi %mul3A_11, %arg1 : i32
    %mul3A_13 = arith.constant 80 : i32
    %mul3A_14 = arith.muli %add3A_12, %mul3A_13 : i32
    "tpu.region"() ({
      %run_scoped3A = tpu.sem_alloc : memref<!tpu.dma_semaphore, #tpu.memory_space<semaphore_mem>>
      %dma_start3A = arith.constant 0 : i32
      %dma_start3A_32 = tpu.memref_slice %arg2[%mul3A_14, %dma_start3A] : memref<2560x128xi32, #tpu.memory_space<hbm>> -> memref<80x128xi32, #tpu.memory_space<hbm>>
      %dma_start3A_33 = arith.constant 0 : i32
      %dma_start3A_34 = tpu.memref_slice %arg2[%mul3A_14, %dma_start3A_33] : memref<2560x128xi32, #tpu.memory_space<hbm>> -> memref<80x128xi32, #tpu.memory_space<hbm>>
      tpu.enqueue_dma source(%dma_start3A_34 : memref<80x128xi32, #tpu.memory_space<hbm>>) target(%arg11 : memref<80x128xi32, #tpu.memory_space<vmem>>) target_semaphore(%run_scoped3A : memref<!tpu.dma_semaphore, #tpu.memory_space<semaphore_mem>>)
      %dma_wait3A = arith.constant 0 : i32
      %dma_wait3A_35 = tpu.memref_slice %arg2[%mul3A_14, %dma_wait3A] : memref<2560x128xi32, #tpu.memory_space<hbm>> -> memref<80x128xi32, #tpu.memory_space<hbm>>
      %dma_wait3A_36 = arith.constant 0 : i32
      %dma_wait3A_37 = tpu.memref_slice %arg2[%mul3A_14, %dma_wait3A_36] : memref<2560x128xi32, #tpu.memory_space<hbm>> -> memref<80x128xi32, #tpu.memory_space<hbm>>
      tpu.wait_dma2 semaphore(%run_scoped3A : memref<!tpu.dma_semaphore, #tpu.memory_space<semaphore_mem>>) src(%dma_wait3A_37 : memref<80x128xi32, #tpu.memory_space<hbm>>) dst(%arg11 : memref<80x128xi32, #tpu.memory_space<vmem>>)
      tpu.yield
    }) : () -> ()
    %barrier3A = arith.constant 0 : index
    tpu.barrier barrier_id(%barrier3A)
    %scan3A = arith.constant 0 : i32
    %scan3A_15 = arith.constant 80 : i32
    %scan3A_16 = arith.addi %scan3A, %scan3A_15 : i32
    %scan3A_17 = arith.constant 1 : i32
    scf.for %scan3A_32 = %scan3A to %scan3A_16 step %scan3A_17  : i32 {
      "tpu.region"() ({
        %run_scoped3A = tpu.sem_alloc : memref<!tpu.dma_semaphore, #tpu.memory_space<semaphore_mem>>
        %dma_start3A = arith.constant 0 : i32
        %dma_start3A_33 = tpu.memref_slice %arg11[%scan3A_32, %dma_start3A] : memref<80x128xi32, #tpu.memory_space<vmem>> -> memref<1x128xi32, #tpu.memory_space<vmem>>
        %dma_start3A_34 = tpu.memref_squeeze %dma_start3A_33 : memref<1x128xi32, #tpu.memory_space<vmem>> -> memref<128xi32, #tpu.memory_space<vmem>>
        %dma_start3A_35 = arith.constant 0 : i32
        %dma_start3A_36 = arith.constant 0 : i32
        %dma_start3A_37 = tpu.memref_slice %arg14[%dma_start3A_35, %dma_start3A_36] : memref<10240x128xf32, #tpu.memory_space<vmem_shared>> -> memref<10240x128xf32, #tpu.memory_space<vmem_shared>>
        tpu.enqueue_indirect_dma source(%arg13 : memref<128x128xf32, #tpu.memory_space<vmem>>) target(%dma_start3A_37 : memref<10240x128xf32, #tpu.memory_space<vmem_shared>>) offsets(%dma_start3A_34 : memref<128xi32, #tpu.memory_space<vmem>>) semaphore(%run_scoped3A : memref<!tpu.dma_semaphore, #tpu.memory_space<semaphore_mem>>) {add = true}
        %dma_wait3A = arith.constant 0 : i32
        %dma_wait3A_38 = tpu.memref_slice %arg11[%scan3A_32, %dma_wait3A] : memref<80x128xi32, #tpu.memory_space<vmem>> -> memref<1x128xi32, #tpu.memory_space<vmem>>
        %dma_wait3A_39 = tpu.memref_squeeze %dma_wait3A_38 : memref<1x128xi32, #tpu.memory_space<vmem>> -> memref<128xi32, #tpu.memory_space<vmem>>
        %dma_wait3A_40 = arith.constant 0 : i32
        %dma_wait3A_41 = arith.constant 0 : i32
        %dma_wait3A_42 = tpu.memref_slice %arg14[%dma_wait3A_40, %dma_wait3A_41] : memref<10240x128xf32, #tpu.memory_space<vmem_shared>> -> memref<10240x128xf32, #tpu.memory_space<vmem_shared>>
        tpu.wait_indirect_dma semaphore(%run_scoped3A : memref<!tpu.dma_semaphore, #tpu.memory_space<semaphore_mem>>) src(%arg13 : memref<128x128xf32, #tpu.memory_space<vmem>>) dst(%dma_wait3A_42 : memref<10240x128xf32, #tpu.memory_space<vmem_shared>>)
        tpu.yield
      }) : () -> ()
    }
    %scan3A_18 = arith.constant 80 : i32
    %barrier3A_19 = arith.constant 0 : index
    tpu.barrier barrier_id(%barrier3A_19)
    %eq3A = arith.constant 0 : i32
    %eq3A_20 = arith.cmpi eq, %arg0, %eq3A : i32
    %convert_element_type3A = arith.extui %eq3A_20 : i1 to i32
    %cond3A = arith.constant 0 : i32
    %cond3A_21 = arith.cmpi ne, %convert_element_type3A, %cond3A : i32
    scf.if %cond3A_21 {
      %add3A_32 = arith.constant 0 : i32
      %add3A_33 = arith.addi %mul3A_0, %add3A_32 : i32
      %add3A_34 = arith.constant 0 : i32
      %add3A_35 = arith.addi %mul3A_0, %add3A_34 : i32
      "tpu.region"() ({
        %run_scoped3A = tpu.sem_alloc : memref<!tpu.dma_semaphore, #tpu.memory_space<semaphore_mem>>
        %dma_start3A = arith.constant 0 : i32
        %dma_start3A_52 = tpu.memref_slice %arg7[%add3A_35, %dma_start3A] : memref<10240x128xf32, #tpu.memory_space<hbm>> -> memref<128x128xf32, #tpu.memory_space<hbm>>
        %dma_start3A_53 = arith.constant 0 : i32
        %dma_start3A_54 = tpu.memref_slice %arg14[%add3A_33, %dma_start3A_53] : memref<10240x128xf32, #tpu.memory_space<vmem_shared>> -> memref<128x128xf32, #tpu.memory_space<vmem_shared>>
        tpu.enqueue_dma source(%dma_start3A_54 : memref<128x128xf32, #tpu.memory_space<vmem_shared>>) target(%dma_start3A_52 : memref<128x128xf32, #tpu.memory_space<hbm>>) target_semaphore(%run_scoped3A : memref<!tpu.dma_semaphore, #tpu.memory_space<semaphore_mem>>)
        %dma_wait3A = arith.constant 0 : i32
        %dma_wait3A_55 = tpu.memref_slice %arg7[%add3A_35, %dma_wait3A] : memref<10240x128xf32, #tpu.memory_space<hbm>> -> memref<128x128xf32, #tpu.memory_space<hbm>>
        %dma_wait3A_56 = arith.constant 0 : i32
        %dma_wait3A_57 = tpu.memref_slice %arg14[%add3A_33, %dma_wait3A_56] : memref<10240x128xf32, #tpu.memory_space<vmem_shared>> -> memref<128x128xf32, #tpu.memory_space<vmem_shared>>
        tpu.wait_dma2 semaphore(%run_scoped3A : memref<!tpu.dma_semaphore, #tpu.memory_space<semaphore_mem>>) src(%dma_wait3A_57 : memref<128x128xf32, #tpu.memory_space<vmem_shared>>) dst(%dma_wait3A_55 : memref<128x128xf32, #tpu.memory_space<hbm>>)
        tpu.yield
      }) : () -> ()
      %add3A_36 = arith.constant 128 : i32
      %add3A_37 = arith.addi %mul3A_0, %add3A_36 : i32
      %add3A_38 = arith.constant 128 : i32
      %add3A_39 = arith.addi %mul3A_0, %add3A_38 : i32
      "tpu.region"() ({
        %run_scoped3A = tpu.sem_alloc : memref<!tpu.dma_semaphore, #tpu.memory_space<semaphore_mem>>
        %dma_start3A = arith.constant 0 : i32
        %dma_start3A_52 = tpu.memref_slice %arg7[%add3A_39, %dma_start3A] : memref<10240x128xf32, #tpu.memory_space<hbm>> -> memref<128x128xf32, #tpu.memory_space<hbm>>
        %dma_start3A_53 = arith.constant 0 : i32
        %dma_start3A_54 = tpu.memref_slice %arg14[%add3A_37, %dma_start3A_53] : memref<10240x128xf32, #tpu.memory_space<vmem_shared>> -> memref<128x128xf32, #tpu.memory_space<vmem_shared>>
        tpu.enqueue_dma source(%dma_start3A_54 : memref<128x128xf32, #tpu.memory_space<vmem_shared>>) target(%dma_start3A_52 : memref<128x128xf32, #tpu.memory_space<hbm>>) target_semaphore(%run_scoped3A : memref<!tpu.dma_semaphore, #tpu.memory_space<semaphore_mem>>)
        %dma_wait3A = arith.constant 0 : i32
        %dma_wait3A_55 = tpu.memref_slice %arg7[%add3A_39, %dma_wait3A] : memref<10240x128xf32, #tpu.memory_space<hbm>> -> memref<128x128xf32, #tpu.memory_space<hbm>>
        %dma_wait3A_56 = arith.constant 0 : i32
        %dma_wait3A_57 = tpu.memref_slice %arg14[%add3A_37, %dma_wait3A_56] : memref<10240x128xf32, #tpu.memory_space<vmem_shared>> -> memref<128x128xf32, #tpu.memory_space<vmem_shared>>
        tpu.wait_dma2 semaphore(%run_scoped3A : memref<!tpu.dma_semaphore, #tpu.memory_space<semaphore_mem>>) src(%dma_wait3A_57 : memref<128x128xf32, #tpu.memory_space<vmem_shared>>) dst(%dma_wait3A_55 : memref<128x128xf32, #tpu.memory_space<hbm>>)
        tpu.yield
      }) : () -> ()
      %add3A_40 = arith.constant 256 : i32
      %add3A_41 = arith.addi %mul3A_0, %add3A_40 : i32
      %add3A_42 = arith.constant 256 : i32
      %add3A_43 = arith.addi %mul3A_0, %add3A_42 : i32
      "tpu.region"() ({
        %run_scoped3A = tpu.sem_alloc : memref<!tpu.dma_semaphore, #tpu.memory_space<semaphore_mem>>
        %dma_start3A = arith.constant 0 : i32
        %dma_start3A_52 = tpu.memref_slice %arg7[%add3A_43, %dma_start3A] : memref<10240x128xf32, #tpu.memory_space<hbm>> -> memref<128x128xf32, #tpu.memory_space<hbm>>
        %dma_start3A_53 = arith.constant 0 : i32
        %dma_start3A_54 = tpu.memref_slice %arg14[%add3A_41, %dma_start3A_53] : memref<10240x128xf32, #tpu.memory_space<vmem_shared>> -> memref<128x128xf32, #tpu.memory_space<vmem_shared>>
        tpu.enqueue_dma source(%dma_start3A_54 : memref<128x128xf32, #tpu.memory_space<vmem_shared>>) target(%dma_start3A_52 : memref<128x128xf32, #tpu.memory_space<hbm>>) target_semaphore(%run_scoped3A : memref<!tpu.dma_semaphore, #tpu.memory_space<semaphore_mem>>)
        %dma_wait3A = arith.constant 0 : i32
        %dma_wait3A_55 = tpu.memref_slice %arg7[%add3A_43, %dma_wait3A] : memref<10240x128xf32, #tpu.memory_space<hbm>> -> memref<128x128xf32, #tpu.memory_space<hbm>>
        %dma_wait3A_56 = arith.constant 0 : i32
        %dma_wait3A_57 = tpu.memref_slice %arg14[%add3A_41, %dma_wait3A_56] : memref<10240x128xf32, #tpu.memory_space<vmem_shared>> -> memref<128x128xf32, #tpu.memory_space<vmem_shared>>
        tpu.wait_dma2 semaphore(%run_scoped3A : memref<!tpu.dma_semaphore, #tpu.memory_space<semaphore_mem>>) src(%dma_wait3A_57 : memref<128x128xf32, #tpu.memory_space<vmem_shared>>) dst(%dma_wait3A_55 : memref<128x128xf32, #tpu.memory_space<hbm>>)
        tpu.yield
      }) : () -> ()
      %add3A_44 = arith.constant 384 : i32
      %add3A_45 = arith.addi %mul3A_0, %add3A_44 : i32
      %add3A_46 = arith.constant 384 : i32
      %add3A_47 = arith.addi %mul3A_0, %add3A_46 : i32
      "tpu.region"() ({
        %run_scoped3A = tpu.sem_alloc : memref<!tpu.dma_semaphore, #tpu.memory_space<semaphore_mem>>
        %dma_start3A = arith.constant 0 : i32
        %dma_start3A_52 = tpu.memref_slice %arg7[%add3A_47, %dma_start3A] : memref<10240x128xf32, #tpu.memory_space<hbm>> -> memref<128x128xf32, #tpu.memory_space<hbm>>
        %dma_start3A_53 = arith.constant 0 : i32
        %dma_start3A_54 = tpu.memref_slice %arg14[%add3A_45, %dma_start3A_53] : memref<10240x128xf32, #tpu.memory_space<vmem_shared>> -> memref<128x128xf32, #tpu.memory_space<vmem_shared>>
        tpu.enqueue_dma source(%dma_start3A_54 : memref<128x128xf32, #tpu.memory_space<vmem_shared>>) target(%dma_start3A_52 : memref<128x128xf32, #tpu.memory_space<hbm>>) target_semaphore(%run_scoped3A : memref<!tpu.dma_semaphore, #tpu.memory_space<semaphore_mem>>)
        %dma_wait3A = arith.constant 0 : i32
        %dma_wait3A_55 = tpu.memref_slice %arg7[%add3A_47, %dma_wait3A] : memref<10240x128xf32, #tpu.memory_space<hbm>> -> memref<128x128xf32, #tpu.memory_space<hbm>>
        %dma_wait3A_56 = arith.constant 0 : i32
        %dma_wait3A_57 = tpu.memref_slice %arg14[%add3A_45, %dma_wait3A_56] : memref<10240x128xf32, #tpu.memory_space<vmem_shared>> -> memref<128x128xf32, #tpu.memory_space<vmem_shared>>
        tpu.wait_dma2 semaphore(%run_scoped3A : memref<!tpu.dma_semaphore, #tpu.memory_space<semaphore_mem>>) src(%dma_wait3A_57 : memref<128x128xf32, #tpu.memory_space<vmem_shared>>) dst(%dma_wait3A_55 : memref<128x128xf32, #tpu.memory_space<hbm>>)
        tpu.yield
      }) : () -> ()
      %add3A_48 = arith.constant 512 : i32
      %add3A_49 = arith.addi %mul3A_0, %add3A_48 : i32
      %add3A_50 = arith.constant 512 : i32
      %add3A_51 = arith.addi %mul3A_0, %add3A_50 : i32
      "tpu.region"() ({
        %run_scoped3A = tpu.sem_alloc : memref<!tpu.dma_semaphore, #tpu.memory_space<semaphore_mem>>
        %dma_start3A = arith.constant 0 : i32
        %dma_start3A_52 = tpu.memref_slice %arg7[%add3A_51, %dma_start3A] : memref<10240x128xf32, #tpu.memory_space<hbm>> -> memref<128x128xf32, #tpu.memory_space<hbm>>
        %dma_start3A_53 = arith.constant 0 : i32
        %dma_start3A_54 = tpu.memref_slice %arg14[%add3A_49, %dma_start3A_53] : memref<10240x128xf32, #tpu.memory_space<vmem_shared>> -> memref<128x128xf32, #tpu.memory_space<vmem_shared>>
        tpu.enqueue_dma source(%dma_start3A_54 : memref<128x128xf32, #tpu.memory_space<vmem_shared>>) target(%dma_start3A_52 : memref<128x128xf32, #tpu.memory_space<hbm>>) target_semaphore(%run_scoped3A : memref<!tpu.dma_semaphore, #tpu.memory_space<semaphore_mem>>)
        %dma_wait3A = arith.constant 0 : i32
        %dma_wait3A_55 = tpu.memref_slice %arg7[%add3A_51, %dma_wait3A] : memref<10240x128xf32, #tpu.memory_space<hbm>> -> memref<128x128xf32, #tpu.memory_space<hbm>>
        %dma_wait3A_56 = arith.constant 0 : i32
        %dma_wait3A_57 = tpu.memref_slice %arg14[%add3A_49, %dma_wait3A_56] : memref<10240x128xf32, #tpu.memory_space<vmem_shared>> -> memref<128x128xf32, #tpu.memory_space<vmem_shared>>
        tpu.wait_dma2 semaphore(%run_scoped3A : memref<!tpu.dma_semaphore, #tpu.memory_space<semaphore_mem>>) src(%dma_wait3A_57 : memref<128x128xf32, #tpu.memory_space<vmem_shared>>) dst(%dma_wait3A_55 : memref<128x128xf32, #tpu.memory_space<hbm>>)
        tpu.yield
      }) : () -> ()
    } else {
    }
    %eq3A_22 = arith.constant 1 : i32
    %eq3A_23 = arith.cmpi eq, %arg0, %eq3A_22 : i32
    %convert_element_type3A_24 = arith.extui %eq3A_23 : i1 to i32
    %cond3A_25 = arith.constant 0 : i32
    %cond3A_26 = arith.cmpi ne, %convert_element_type3A_24, %cond3A_25 : i32
    scf.if %cond3A_26 {
      %add3A_32 = arith.constant 0 : i32
      %add3A_33 = arith.addi %mul3A_0, %add3A_32 : i32
      %add3A_34 = arith.constant 0 : i32
      %add3A_35 = arith.addi %mul3A_0, %add3A_34 : i32
      "tpu.region"() ({
        %run_scoped3A = tpu.sem_alloc : memref<!tpu.dma_semaphore, #tpu.memory_space<semaphore_mem>>
        %dma_start3A = arith.constant 0 : i32
        %dma_start3A_52 = tpu.memref_slice %arg8[%add3A_35, %dma_start3A] : memref<10240x128xf32, #tpu.memory_space<hbm>> -> memref<128x128xf32, #tpu.memory_space<hbm>>
        %dma_start3A_53 = arith.constant 0 : i32
        %dma_start3A_54 = tpu.memref_slice %arg14[%add3A_33, %dma_start3A_53] : memref<10240x128xf32, #tpu.memory_space<vmem_shared>> -> memref<128x128xf32, #tpu.memory_space<vmem_shared>>
        tpu.enqueue_dma source(%dma_start3A_54 : memref<128x128xf32, #tpu.memory_space<vmem_shared>>) target(%dma_start3A_52 : memref<128x128xf32, #tpu.memory_space<hbm>>) target_semaphore(%run_scoped3A : memref<!tpu.dma_semaphore, #tpu.memory_space<semaphore_mem>>)
        %dma_wait3A = arith.constant 0 : i32
        %dma_wait3A_55 = tpu.memref_slice %arg8[%add3A_35, %dma_wait3A] : memref<10240x128xf32, #tpu.memory_space<hbm>> -> memref<128x128xf32, #tpu.memory_space<hbm>>
        %dma_wait3A_56 = arith.constant 0 : i32
        %dma_wait3A_57 = tpu.memref_slice %arg14[%add3A_33, %dma_wait3A_56] : memref<10240x128xf32, #tpu.memory_space<vmem_shared>> -> memref<128x128xf32, #tpu.memory_space<vmem_shared>>
        tpu.wait_dma2 semaphore(%run_scoped3A : memref<!tpu.dma_semaphore, #tpu.memory_space<semaphore_mem>>) src(%dma_wait3A_57 : memref<128x128xf32, #tpu.memory_space<vmem_shared>>) dst(%dma_wait3A_55 : memref<128x128xf32, #tpu.memory_space<hbm>>)
        tpu.yield
      }) : () -> ()
      %add3A_36 = arith.constant 128 : i32
      %add3A_37 = arith.addi %mul3A_0, %add3A_36 : i32
      %add3A_38 = arith.constant 128 : i32
      %add3A_39 = arith.addi %mul3A_0, %add3A_38 : i32
      "tpu.region"() ({
        %run_scoped3A = tpu.sem_alloc : memref<!tpu.dma_semaphore, #tpu.memory_space<semaphore_mem>>
        %dma_start3A = arith.constant 0 : i32
        %dma_start3A_52 = tpu.memref_slice %arg8[%add3A_39, %dma_start3A] : memref<10240x128xf32, #tpu.memory_space<hbm>> -> memref<128x128xf32, #tpu.memory_space<hbm>>
        %dma_start3A_53 = arith.constant 0 : i32
        %dma_start3A_54 = tpu.memref_slice %arg14[%add3A_37, %dma_start3A_53] : memref<10240x128xf32, #tpu.memory_space<vmem_shared>> -> memref<128x128xf32, #tpu.memory_space<vmem_shared>>
        tpu.enqueue_dma source(%dma_start3A_54 : memref<128x128xf32, #tpu.memory_space<vmem_shared>>) target(%dma_start3A_52 : memref<128x128xf32, #tpu.memory_space<hbm>>) target_semaphore(%run_scoped3A : memref<!tpu.dma_semaphore, #tpu.memory_space<semaphore_mem>>)
        %dma_wait3A = arith.constant 0 : i32
        %dma_wait3A_55 = tpu.memref_slice %arg8[%add3A_39, %dma_wait3A] : memref<10240x128xf32, #tpu.memory_space<hbm>> -> memref<128x128xf32, #tpu.memory_space<hbm>>
        %dma_wait3A_56 = arith.constant 0 : i32
        %dma_wait3A_57 = tpu.memref_slice %arg14[%add3A_37, %dma_wait3A_56] : memref<10240x128xf32, #tpu.memory_space<vmem_shared>> -> memref<128x128xf32, #tpu.memory_space<vmem_shared>>
        tpu.wait_dma2 semaphore(%run_scoped3A : memref<!tpu.dma_semaphore, #tpu.memory_space<semaphore_mem>>) src(%dma_wait3A_57 : memref<128x128xf32, #tpu.memory_space<vmem_shared>>) dst(%dma_wait3A_55 : memref<128x128xf32, #tpu.memory_space<hbm>>)
        tpu.yield
      }) : () -> ()
      %add3A_40 = arith.constant 256 : i32
      %add3A_41 = arith.addi %mul3A_0, %add3A_40 : i32
      %add3A_42 = arith.constant 256 : i32
      %add3A_43 = arith.addi %mul3A_0, %add3A_42 : i32
      "tpu.region"() ({
        %run_scoped3A = tpu.sem_alloc : memref<!tpu.dma_semaphore, #tpu.memory_space<semaphore_mem>>
        %dma_start3A = arith.constant 0 : i32
        %dma_start3A_52 = tpu.memref_slice %arg8[%add3A_43, %dma_start3A] : memref<10240x128xf32, #tpu.memory_space<hbm>> -> memref<128x128xf32, #tpu.memory_space<hbm>>
        %dma_start3A_53 = arith.constant 0 : i32
        %dma_start3A_54 = tpu.memref_slice %arg14[%add3A_41, %dma_start3A_53] : memref<10240x128xf32, #tpu.memory_space<vmem_shared>> -> memref<128x128xf32, #tpu.memory_space<vmem_shared>>
        tpu.enqueue_dma source(%dma_start3A_54 : memref<128x128xf32, #tpu.memory_space<vmem_shared>>) target(%dma_start3A_52 : memref<128x128xf32, #tpu.memory_space<hbm>>) target_semaphore(%run_scoped3A : memref<!tpu.dma_semaphore, #tpu.memory_space<semaphore_mem>>)
        %dma_wait3A = arith.constant 0 : i32
        %dma_wait3A_55 = tpu.memref_slice %arg8[%add3A_43, %dma_wait3A] : memref<10240x128xf32, #tpu.memory_space<hbm>> -> memref<128x128xf32, #tpu.memory_space<hbm>>
        %dma_wait3A_56 = arith.constant 0 : i32
        %dma_wait3A_57 = tpu.memref_slice %arg14[%add3A_41, %dma_wait3A_56] : memref<10240x128xf32, #tpu.memory_space<vmem_shared>> -> memref<128x128xf32, #tpu.memory_space<vmem_shared>>
        tpu.wait_dma2 semaphore(%run_scoped3A : memref<!tpu.dma_semaphore, #tpu.memory_space<semaphore_mem>>) src(%dma_wait3A_57 : memref<128x128xf32, #tpu.memory_space<vmem_shared>>) dst(%dma_wait3A_55 : memref<128x128xf32, #tpu.memory_space<hbm>>)
        tpu.yield
      }) : () -> ()
      %add3A_44 = arith.constant 384 : i32
      %add3A_45 = arith.addi %mul3A_0, %add3A_44 : i32
      %add3A_46 = arith.constant 384 : i32
      %add3A_47 = arith.addi %mul3A_0, %add3A_46 : i32
      "tpu.region"() ({
        %run_scoped3A = tpu.sem_alloc : memref<!tpu.dma_semaphore, #tpu.memory_space<semaphore_mem>>
        %dma_start3A = arith.constant 0 : i32
        %dma_start3A_52 = tpu.memref_slice %arg8[%add3A_47, %dma_start3A] : memref<10240x128xf32, #tpu.memory_space<hbm>> -> memref<128x128xf32, #tpu.memory_space<hbm>>
        %dma_start3A_53 = arith.constant 0 : i32
        %dma_start3A_54 = tpu.memref_slice %arg14[%add3A_45, %dma_start3A_53] : memref<10240x128xf32, #tpu.memory_space<vmem_shared>> -> memref<128x128xf32, #tpu.memory_space<vmem_shared>>
        tpu.enqueue_dma source(%dma_start3A_54 : memref<128x128xf32, #tpu.memory_space<vmem_shared>>) target(%dma_start3A_52 : memref<128x128xf32, #tpu.memory_space<hbm>>) target_semaphore(%run_scoped3A : memref<!tpu.dma_semaphore, #tpu.memory_space<semaphore_mem>>)
        %dma_wait3A = arith.constant 0 : i32
        %dma_wait3A_55 = tpu.memref_slice %arg8[%add3A_47, %dma_wait3A] : memref<10240x128xf32, #tpu.memory_space<hbm>> -> memref<128x128xf32, #tpu.memory_space<hbm>>
        %dma_wait3A_56 = arith.constant 0 : i32
        %dma_wait3A_57 = tpu.memref_slice %arg14[%add3A_45, %dma_wait3A_56] : memref<10240x128xf32, #tpu.memory_space<vmem_shared>> -> memref<128x128xf32, #tpu.memory_space<vmem_shared>>
        tpu.wait_dma2 semaphore(%run_scoped3A : memref<!tpu.dma_semaphore, #tpu.memory_space<semaphore_mem>>) src(%dma_wait3A_57 : memref<128x128xf32, #tpu.memory_space<vmem_shared>>) dst(%dma_wait3A_55 : memref<128x128xf32, #tpu.memory_space<hbm>>)
        tpu.yield
      }) : () -> ()
      %add3A_48 = arith.constant 512 : i32
      %add3A_49 = arith.addi %mul3A_0, %add3A_48 : i32
      %add3A_50 = arith.constant 512 : i32
      %add3A_51 = arith.addi %mul3A_0, %add3A_50 : i32
      "tpu.region"() ({
        %run_scoped3A = tpu.sem_alloc : memref<!tpu.dma_semaphore, #tpu.memory_space<semaphore_mem>>
        %dma_start3A = arith.constant 0 : i32
        %dma_start3A_52 = tpu.memref_slice %arg8[%add3A_51, %dma_start3A] : memref<10240x128xf32, #tpu.memory_space<hbm>> -> memref<128x128xf32, #tpu.memory_space<hbm>>
        %dma_start3A_53 = arith.constant 0 : i32
        %dma_start3A_54 = tpu.memref_slice %arg14[%add3A_49, %dma_start3A_53] : memref<10240x128xf32, #tpu.memory_space<vmem_shared>> -> memref<128x128xf32, #tpu.memory_space<vmem_shared>>
        tpu.enqueue_dma source(%dma_start3A_54 : memref<128x128xf32, #tpu.memory_space<vmem_shared>>) target(%dma_start3A_52 : memref<128x128xf32, #tpu.memory_space<hbm>>) target_semaphore(%run_scoped3A : memref<!tpu.dma_semaphore, #tpu.memory_space<semaphore_mem>>)
        %dma_wait3A = arith.constant 0 : i32
        %dma_wait3A_55 = tpu.memref_slice %arg8[%add3A_51, %dma_wait3A] : memref<10240x128xf32, #tpu.memory_space<hbm>> -> memref<128x128xf32, #tpu.memory_space<hbm>>
        %dma_wait3A_56 = arith.constant 0 : i32
        %dma_wait3A_57 = tpu.memref_slice %arg14[%add3A_49, %dma_wait3A_56] : memref<10240x128xf32, #tpu.memory_space<vmem_shared>> -> memref<128x128xf32, #tpu.memory_space<vmem_shared>>
        tpu.wait_dma2 semaphore(%run_scoped3A : memref<!tpu.dma_semaphore, #tpu.memory_space<semaphore_mem>>) src(%dma_wait3A_57 : memref<128x128xf32, #tpu.memory_space<vmem_shared>>) dst(%dma_wait3A_55 : memref<128x128xf32, #tpu.memory_space<hbm>>)
        tpu.yield
      }) : () -> ()
    } else {
    }
    %eq3A_27 = arith.constant 1 : i32
    %eq3A_28 = arith.cmpi eq, %arg0, %eq3A_27 : i32
    %convert_element_type3A_29 = arith.extui %eq3A_28 : i1 to i32
    %cond3A_30 = arith.constant 0 : i32
    %cond3A_31 = arith.cmpi ne, %convert_element_type3A_29, %cond3A_30 : i32
    scf.if %cond3A_31 {
      %scan3A_32 = arith.constant 0 : i32
      %scan3A_33 = arith.constant 5 : i32
      %scan3A_34 = arith.addi %scan3A_32, %scan3A_33 : i32
      %scan3A_35 = arith.constant 1 : i32
      scf.for %scan3A_37 = %scan3A_32 to %scan3A_34 step %scan3A_35  : i32 {
        %mul3A_38 = arith.constant 640 : i32
        %mul3A_39 = arith.muli %arg1, %mul3A_38 : i32
        %mul3A_40 = arith.constant 128 : i32
        %mul3A_41 = arith.muli %scan3A_37, %mul3A_40 : i32
        %add3A_42 = arith.addi %mul3A_39, %mul3A_41 : i32
        "tpu.region"() ({
          %run_scoped3A = tpu.sem_alloc : memref<!tpu.dma_semaphore, #tpu.memory_space<semaphore_mem>>
          %dma_start3A_47 = tpu.memref_slice %arg3[%add3A_42] : memref<10240xi32, #tpu.memory_space<hbm>> -> memref<128xi32, #tpu.memory_space<hbm>>
          %dma_start3A_48 = tpu.memref_slice %arg3[%add3A_42] : memref<10240xi32, #tpu.memory_space<hbm>> -> memref<128xi32, #tpu.memory_space<hbm>>
          tpu.enqueue_dma source(%dma_start3A_48 : memref<128xi32, #tpu.memory_space<hbm>>) target(%arg10 : memref<128xi32, #tpu.memory_space<vmem>>) target_semaphore(%run_scoped3A : memref<!tpu.dma_semaphore, #tpu.memory_space<semaphore_mem>>)
          %dma_wait3A_49 = tpu.memref_slice %arg3[%add3A_42] : memref<10240xi32, #tpu.memory_space<hbm>> -> memref<128xi32, #tpu.memory_space<hbm>>
          %dma_wait3A_50 = tpu.memref_slice %arg3[%add3A_42] : memref<10240xi32, #tpu.memory_space<hbm>> -> memref<128xi32, #tpu.memory_space<hbm>>
          tpu.wait_dma2 semaphore(%run_scoped3A : memref<!tpu.dma_semaphore, #tpu.memory_space<semaphore_mem>>) src(%dma_wait3A_50 : memref<128xi32, #tpu.memory_space<hbm>>) dst(%arg10 : memref<128xi32, #tpu.memory_space<vmem>>)
          tpu.yield
        }) : () -> ()
        %dma_start3A = arith.constant 0 : i32
        %dma_start3A_43 = arith.constant 0 : i32
        %dma_start3A_44 = tpu.memref_slice %arg4[%dma_start3A, %dma_start3A_43] : memref<10000x128xf32, #tpu.memory_space<hbm>> -> memref<10000x128xf32, #tpu.memory_space<hbm>>
        tpu.enqueue_indirect_dma source(%dma_start3A_44 : memref<10000x128xf32, #tpu.memory_space<hbm>>) target(%arg12 : memref<128x128xf32, #tpu.memory_space<vmem>>) offsets(%arg10 : memref<128xi32, #tpu.memory_space<vmem>>) semaphore(%arg15 : memref<!tpu.dma_semaphore, #tpu.memory_space<semaphore_mem>>)
        %dma_wait3A = arith.constant 0 : i32
        %dma_wait3A_45 = arith.constant 0 : i32
        %dma_wait3A_46 = tpu.memref_slice %arg4[%dma_wait3A, %dma_wait3A_45] : memref<10000x128xf32, #tpu.memory_space<hbm>> -> memref<10000x128xf32, #tpu.memory_space<hbm>>
        tpu.wait_indirect_dma semaphore(%arg15 : memref<!tpu.dma_semaphore, #tpu.memory_space<semaphore_mem>>) src(%dma_wait3A_46 : memref<10000x128xf32, #tpu.memory_space<hbm>>) dst(%arg12 : memref<128x128xf32, #tpu.memory_space<vmem>>)
        "tpu.region"() ({
          %run_scoped3A = tpu.sem_alloc : memref<!tpu.dma_semaphore, #tpu.memory_space<semaphore_mem>>
          %dma_start3A_47 = arith.constant 0 : i32
          %dma_start3A_48 = tpu.memref_slice %arg9[%add3A_42, %dma_start3A_47] : memref<10240x128xf32, #tpu.memory_space<hbm>> -> memref<128x128xf32, #tpu.memory_space<hbm>>
          %dma_start3A_49 = arith.constant 0 : i32
          %dma_start3A_50 = tpu.memref_slice %arg9[%add3A_42, %dma_start3A_49] : memref<10240x128xf32, #tpu.memory_space<hbm>> -> memref<128x128xf32, #tpu.memory_space<hbm>>
          tpu.enqueue_dma source(%arg12 : memref<128x128xf32, #tpu.memory_space<vmem>>) target(%dma_start3A_50 : memref<128x128xf32, #tpu.memory_space<hbm>>) target_semaphore(%run_scoped3A : memref<!tpu.dma_semaphore, #tpu.memory_space<semaphore_mem>>)
          %dma_wait3A_51 = arith.constant 0 : i32
          %dma_wait3A_52 = tpu.memref_slice %arg9[%add3A_42, %dma_wait3A_51] : memref<10240x128xf32, #tpu.memory_space<hbm>> -> memref<128x128xf32, #tpu.memory_space<hbm>>
          %dma_wait3A_53 = arith.constant 0 : i32
          %dma_wait3A_54 = tpu.memref_slice %arg9[%add3A_42, %dma_wait3A_53] : memref<10240x128xf32, #tpu.memory_space<hbm>> -> memref<128x128xf32, #tpu.memory_space<hbm>>
          tpu.wait_dma2 semaphore(%run_scoped3A : memref<!tpu.dma_semaphore, #tpu.memory_space<semaphore_mem>>) src(%arg12 : memref<128x128xf32, #tpu.memory_space<vmem>>) dst(%dma_wait3A_54 : memref<128x128xf32, #tpu.memory_space<hbm>>)
          tpu.yield
        }) : () -> ()
      }
      %scan3A_36 = arith.constant 5 : i32
    } else {
    }
    return
  }
}

#map = affine_map<(d0, d1) -> (0, 0)>
module attributes {stable_mosaic.version = 14 : i64} {
  func.func @_sc_edge_pass(%arg0: i32, %arg1: i32, %arg2: memref<2560x128xi32, #tpu.memory_space<hbm>>, %arg3: memref<2560x128xi32, #tpu.memory_space<hbm>>, %arg4: memref<10000x128xf32, #tpu.memory_space<hbm>>, %arg5: memref<10000x128xf32, #tpu.memory_space<hbm>>, %arg6: memref<128x128xf32, #tpu.memory_space<hbm>>, %arg7: memref<10240x128xf32, #tpu.memory_space<hbm>>, %arg8: memref<10240x128xf32, #tpu.memory_space<hbm>>, %arg9: memref<16x128xi32, #tpu.memory_space<vmem>>, %arg10: memref<16x128xi32, #tpu.memory_space<vmem>>, %arg11: memref<128x128xf32, #tpu.memory_space<vmem>>, %arg12: memref<128x128xf32, #tpu.memory_space<vmem>>, %arg13: memref<10240x128xf32, #tpu.memory_space<vmem_shared>>, %arg14: memref<!tpu.dma_semaphore, #tpu.memory_space<semaphore_mem>>, %arg15: memref<!tpu.dma_semaphore, #tpu.memory_space<semaphore_mem>>) attributes {dimension_semantics = [#tpu.dimension_semantics<core_parallel>, #tpu.dimension_semantics<subcore_parallel>], iteration_bounds = array<i64: 2, 16>, scalar_prefetch = 0 : i64, scratch_operands = 7 : i64, tpu.core_type = #tpu.core_type<sc_vector_subcore>, window_params = [{transform_indices = #map}, {transform_indices = #map}, {transform_indices = #map}, {transform_indices = #map}, {transform_indices = #map}, {transform_indices = #map}, {transform_indices = #map}]} {
    %eq3A = arith.constant 0 : i32
    %eq3A_0 = arith.cmpi eq, %arg0, %eq3A : i32
    %convert_element_type3A = arith.extui %eq3A_0 : i1 to i32
    %cond3A = arith.constant 0 : i32
    %cond3A_1 = arith.cmpi ne, %convert_element_type3A, %cond3A : i32
    scf.if %cond3A_1 {
      %mul3A = arith.constant 640 : i32
      %mul3A_7 = arith.muli %arg1, %mul3A : i32
      %mul3A_8 = arith.constant 160 : i32
      %mul3A_9 = arith.muli %arg1, %mul3A_8 : i32
      %add3A = arith.constant 0 : i32
      %add3A_10 = arith.addi %mul3A_7, %add3A : i32
      "tpu.region"() ({
        %run_scoped3A = tpu.sem_alloc : memref<!tpu.dma_semaphore, #tpu.memory_space<semaphore_mem>>
        %dma_start3A = arith.constant 0 : i32
        %dma_start3A_44 = tpu.memref_slice %arg13[%add3A_10, %dma_start3A] : memref<10240x128xf32, #tpu.memory_space<vmem_shared>> -> memref<128x128xf32, #tpu.memory_space<vmem_shared>>
        tpu.enqueue_dma source(%arg6 : memref<128x128xf32, #tpu.memory_space<hbm>>) target(%dma_start3A_44 : memref<128x128xf32, #tpu.memory_space<vmem_shared>>) target_semaphore(%run_scoped3A : memref<!tpu.dma_semaphore, #tpu.memory_space<semaphore_mem>>)
        %dma_wait3A = arith.constant 0 : i32
        %dma_wait3A_45 = tpu.memref_slice %arg13[%add3A_10, %dma_wait3A] : memref<10240x128xf32, #tpu.memory_space<vmem_shared>> -> memref<128x128xf32, #tpu.memory_space<vmem_shared>>
        tpu.wait_dma2 semaphore(%run_scoped3A : memref<!tpu.dma_semaphore, #tpu.memory_space<semaphore_mem>>) src(%arg6 : memref<128x128xf32, #tpu.memory_space<hbm>>) dst(%dma_wait3A_45 : memref<128x128xf32, #tpu.memory_space<vmem_shared>>)
        tpu.yield
      }) : () -> ()
      %add3A_11 = arith.constant 128 : i32
      %add3A_12 = arith.addi %mul3A_7, %add3A_11 : i32
      "tpu.region"() ({
        %run_scoped3A = tpu.sem_alloc : memref<!tpu.dma_semaphore, #tpu.memory_space<semaphore_mem>>
        %dma_start3A = arith.constant 0 : i32
        %dma_start3A_44 = tpu.memref_slice %arg13[%add3A_12, %dma_start3A] : memref<10240x128xf32, #tpu.memory_space<vmem_shared>> -> memref<128x128xf32, #tpu.memory_space<vmem_shared>>
        tpu.enqueue_dma source(%arg6 : memref<128x128xf32, #tpu.memory_space<hbm>>) target(%dma_start3A_44 : memref<128x128xf32, #tpu.memory_space<vmem_shared>>) target_semaphore(%run_scoped3A : memref<!tpu.dma_semaphore, #tpu.memory_space<semaphore_mem>>)
        %dma_wait3A = arith.constant 0 : i32
        %dma_wait3A_45 = tpu.memref_slice %arg13[%add3A_12, %dma_wait3A] : memref<10240x128xf32, #tpu.memory_space<vmem_shared>> -> memref<128x128xf32, #tpu.memory_space<vmem_shared>>
        tpu.wait_dma2 semaphore(%run_scoped3A : memref<!tpu.dma_semaphore, #tpu.memory_space<semaphore_mem>>) src(%arg6 : memref<128x128xf32, #tpu.memory_space<hbm>>) dst(%dma_wait3A_45 : memref<128x128xf32, #tpu.memory_space<vmem_shared>>)
        tpu.yield
      }) : () -> ()
      %add3A_13 = arith.constant 256 : i32
      %add3A_14 = arith.addi %mul3A_7, %add3A_13 : i32
      "tpu.region"() ({
        %run_scoped3A = tpu.sem_alloc : memref<!tpu.dma_semaphore, #tpu.memory_space<semaphore_mem>>
        %dma_start3A = arith.constant 0 : i32
        %dma_start3A_44 = tpu.memref_slice %arg13[%add3A_14, %dma_start3A] : memref<10240x128xf32, #tpu.memory_space<vmem_shared>> -> memref<128x128xf32, #tpu.memory_space<vmem_shared>>
        tpu.enqueue_dma source(%arg6 : memref<128x128xf32, #tpu.memory_space<hbm>>) target(%dma_start3A_44 : memref<128x128xf32, #tpu.memory_space<vmem_shared>>) target_semaphore(%run_scoped3A : memref<!tpu.dma_semaphore, #tpu.memory_space<semaphore_mem>>)
        %dma_wait3A = arith.constant 0 : i32
        %dma_wait3A_45 = tpu.memref_slice %arg13[%add3A_14, %dma_wait3A] : memref<10240x128xf32, #tpu.memory_space<vmem_shared>> -> memref<128x128xf32, #tpu.memory_space<vmem_shared>>
        tpu.wait_dma2 semaphore(%run_scoped3A : memref<!tpu.dma_semaphore, #tpu.memory_space<semaphore_mem>>) src(%arg6 : memref<128x128xf32, #tpu.memory_space<hbm>>) dst(%dma_wait3A_45 : memref<128x128xf32, #tpu.memory_space<vmem_shared>>)
        tpu.yield
      }) : () -> ()
      %add3A_15 = arith.constant 384 : i32
      %add3A_16 = arith.addi %mul3A_7, %add3A_15 : i32
      "tpu.region"() ({
        %run_scoped3A = tpu.sem_alloc : memref<!tpu.dma_semaphore, #tpu.memory_space<semaphore_mem>>
        %dma_start3A = arith.constant 0 : i32
        %dma_start3A_44 = tpu.memref_slice %arg13[%add3A_16, %dma_start3A] : memref<10240x128xf32, #tpu.memory_space<vmem_shared>> -> memref<128x128xf32, #tpu.memory_space<vmem_shared>>
        tpu.enqueue_dma source(%arg6 : memref<128x128xf32, #tpu.memory_space<hbm>>) target(%dma_start3A_44 : memref<128x128xf32, #tpu.memory_space<vmem_shared>>) target_semaphore(%run_scoped3A : memref<!tpu.dma_semaphore, #tpu.memory_space<semaphore_mem>>)
        %dma_wait3A = arith.constant 0 : i32
        %dma_wait3A_45 = tpu.memref_slice %arg13[%add3A_16, %dma_wait3A] : memref<10240x128xf32, #tpu.memory_space<vmem_shared>> -> memref<128x128xf32, #tpu.memory_space<vmem_shared>>
        tpu.wait_dma2 semaphore(%run_scoped3A : memref<!tpu.dma_semaphore, #tpu.memory_space<semaphore_mem>>) src(%arg6 : memref<128x128xf32, #tpu.memory_space<hbm>>) dst(%dma_wait3A_45 : memref<128x128xf32, #tpu.memory_space<vmem_shared>>)
        tpu.yield
      }) : () -> ()
      %add3A_17 = arith.constant 512 : i32
      %add3A_18 = arith.addi %mul3A_7, %add3A_17 : i32
      "tpu.region"() ({
        %run_scoped3A = tpu.sem_alloc : memref<!tpu.dma_semaphore, #tpu.memory_space<semaphore_mem>>
        %dma_start3A = arith.constant 0 : i32
        %dma_start3A_44 = tpu.memref_slice %arg13[%add3A_18, %dma_start3A] : memref<10240x128xf32, #tpu.memory_space<vmem_shared>> -> memref<128x128xf32, #tpu.memory_space<vmem_shared>>
        tpu.enqueue_dma source(%arg6 : memref<128x128xf32, #tpu.memory_space<hbm>>) target(%dma_start3A_44 : memref<128x128xf32, #tpu.memory_space<vmem_shared>>) target_semaphore(%run_scoped3A : memref<!tpu.dma_semaphore, #tpu.memory_space<semaphore_mem>>)
        %dma_wait3A = arith.constant 0 : i32
        %dma_wait3A_45 = tpu.memref_slice %arg13[%add3A_18, %dma_wait3A] : memref<10240x128xf32, #tpu.memory_space<vmem_shared>> -> memref<128x128xf32, #tpu.memory_space<vmem_shared>>
        tpu.wait_dma2 semaphore(%run_scoped3A : memref<!tpu.dma_semaphore, #tpu.memory_space<semaphore_mem>>) src(%arg6 : memref<128x128xf32, #tpu.memory_space<hbm>>) dst(%dma_wait3A_45 : memref<128x128xf32, #tpu.memory_space<vmem_shared>>)
        tpu.yield
      }) : () -> ()
      %barrier3A = arith.constant 0 : index
      tpu.barrier barrier_id(%barrier3A)
      %scan3A = arith.constant 0 : i32
      %scan3A_19 = arith.constant 10 : i32
      %scan3A_20 = arith.addi %scan3A, %scan3A_19 : i32
      %scan3A_21 = arith.constant 1 : i32
      scf.for %scan3A_44 = %scan3A to %scan3A_20 step %scan3A_21  : i32 {
        %mul3A_45 = arith.constant 16 : i32
        %mul3A_46 = arith.muli %scan3A_44, %mul3A_45 : i32
        %add3A_47 = arith.addi %mul3A_9, %mul3A_46 : i32
        "tpu.region"() ({
          %run_scoped3A = tpu.sem_alloc : memref<!tpu.dma_semaphore, #tpu.memory_space<semaphore_mem>>
          %dma_start3A_62 = arith.constant 0 : i32
          %dma_start3A_63 = tpu.memref_slice %arg2[%add3A_47, %dma_start3A_62] : memref<2560x128xi32, #tpu.memory_space<hbm>> -> memref<16x128xi32, #tpu.memory_space<hbm>>
          %dma_start3A_64 = arith.constant 0 : i32
          %dma_start3A_65 = tpu.memref_slice %arg2[%add3A_47, %dma_start3A_64] : memref<2560x128xi32, #tpu.memory_space<hbm>> -> memref<16x128xi32, #tpu.memory_space<hbm>>
          tpu.enqueue_dma source(%dma_start3A_65 : memref<16x128xi32, #tpu.memory_space<hbm>>) target(%arg9 : memref<16x128xi32, #tpu.memory_space<vmem>>) target_semaphore(%run_scoped3A : memref<!tpu.dma_semaphore, #tpu.memory_space<semaphore_mem>>)
          %dma_wait3A = arith.constant 0 : i32
          %dma_wait3A_66 = tpu.memref_slice %arg2[%add3A_47, %dma_wait3A] : memref<2560x128xi32, #tpu.memory_space<hbm>> -> memref<16x128xi32, #tpu.memory_space<hbm>>
          %dma_wait3A_67 = arith.constant 0 : i32
          %dma_wait3A_68 = tpu.memref_slice %arg2[%add3A_47, %dma_wait3A_67] : memref<2560x128xi32, #tpu.memory_space<hbm>> -> memref<16x128xi32, #tpu.memory_space<hbm>>
          tpu.wait_dma2 semaphore(%run_scoped3A : memref<!tpu.dma_semaphore, #tpu.memory_space<semaphore_mem>>) src(%dma_wait3A_68 : memref<16x128xi32, #tpu.memory_space<hbm>>) dst(%arg9 : memref<16x128xi32, #tpu.memory_space<vmem>>)
          tpu.yield
        }) : () -> ()
        %mul3A_48 = arith.constant 16 : i32
        %mul3A_49 = arith.muli %scan3A_44, %mul3A_48 : i32
        %add3A_50 = arith.addi %mul3A_9, %mul3A_49 : i32
        "tpu.region"() ({
          %run_scoped3A = tpu.sem_alloc : memref<!tpu.dma_semaphore, #tpu.memory_space<semaphore_mem>>
          %dma_start3A_62 = arith.constant 0 : i32
          %dma_start3A_63 = tpu.memref_slice %arg3[%add3A_50, %dma_start3A_62] : memref<2560x128xi32, #tpu.memory_space<hbm>> -> memref<16x128xi32, #tpu.memory_space<hbm>>
          %dma_start3A_64 = arith.constant 0 : i32
          %dma_start3A_65 = tpu.memref_slice %arg3[%add3A_50, %dma_start3A_64] : memref<2560x128xi32, #tpu.memory_space<hbm>> -> memref<16x128xi32, #tpu.memory_space<hbm>>
          tpu.enqueue_dma source(%dma_start3A_65 : memref<16x128xi32, #tpu.memory_space<hbm>>) target(%arg10 : memref<16x128xi32, #tpu.memory_space<vmem>>) target_semaphore(%run_scoped3A : memref<!tpu.dma_semaphore, #tpu.memory_space<semaphore_mem>>)
          %dma_wait3A = arith.constant 0 : i32
          %dma_wait3A_66 = tpu.memref_slice %arg3[%add3A_50, %dma_wait3A] : memref<2560x128xi32, #tpu.memory_space<hbm>> -> memref<16x128xi32, #tpu.memory_space<hbm>>
          %dma_wait3A_67 = arith.constant 0 : i32
          %dma_wait3A_68 = tpu.memref_slice %arg3[%add3A_50, %dma_wait3A_67] : memref<2560x128xi32, #tpu.memory_space<hbm>> -> memref<16x128xi32, #tpu.memory_space<hbm>>
          tpu.wait_dma2 semaphore(%run_scoped3A : memref<!tpu.dma_semaphore, #tpu.memory_space<semaphore_mem>>) src(%dma_wait3A_68 : memref<16x128xi32, #tpu.memory_space<hbm>>) dst(%arg10 : memref<16x128xi32, #tpu.memory_space<vmem>>)
          tpu.yield
        }) : () -> ()
        %dma_start3A = arith.constant 0 : i32
        %dma_start3A_51 = arith.constant 0 : i32
        %dma_start3A_52 = tpu.memref_slice %arg9[%dma_start3A, %dma_start3A_51] : memref<16x128xi32, #tpu.memory_space<vmem>> -> memref<1x128xi32, #tpu.memory_space<vmem>>
        %dma_start3A_53 = tpu.memref_squeeze %dma_start3A_52 : memref<1x128xi32, #tpu.memory_space<vmem>> -> memref<128xi32, #tpu.memory_space<vmem>>
        %dma_start3A_54 = arith.constant 0 : i32
        %dma_start3A_55 = arith.constant 0 : i32
        %dma_start3A_56 = tpu.memref_slice %arg4[%dma_start3A_54, %dma_start3A_55] : memref<10000x128xf32, #tpu.memory_space<hbm>> -> memref<10000x128xf32, #tpu.memory_space<hbm>>
        tpu.enqueue_indirect_dma source(%dma_start3A_56 : memref<10000x128xf32, #tpu.memory_space<hbm>>) target(%arg11 : memref<128x128xf32, #tpu.memory_space<vmem>>) offsets(%dma_start3A_53 : memref<128xi32, #tpu.memory_space<vmem>>) semaphore(%arg14 : memref<!tpu.dma_semaphore, #tpu.memory_space<semaphore_mem>>)
        %scan3A_57 = arith.constant 0 : i32
        %scan3A_58 = arith.constant 8 : i32
        %scan3A_59 = arith.addi %scan3A_57, %scan3A_58 : i32
        %scan3A_60 = arith.constant 1 : i32
        scf.for %scan3A_62 = %scan3A_57 to %scan3A_59 step %scan3A_60  : i32 {
          %mul3A_63 = arith.constant 2 : i32
          %mul3A_64 = arith.muli %mul3A_63, %scan3A_62 : i32
          %add3A_65 = arith.constant 1 : i32
          %add3A_66 = arith.addi %mul3A_64, %add3A_65 : i32
          %dma_start3A_67 = arith.constant 0 : i32
          %dma_start3A_68 = tpu.memref_slice %arg9[%add3A_66, %dma_start3A_67] : memref<16x128xi32, #tpu.memory_space<vmem>> -> memref<1x128xi32, #tpu.memory_space<vmem>>
          %dma_start3A_69 = tpu.memref_squeeze %dma_start3A_68 : memref<1x128xi32, #tpu.memory_space<vmem>> -> memref<128xi32, #tpu.memory_space<vmem>>
          %dma_start3A_70 = arith.constant 0 : i32
          %dma_start3A_71 = arith.constant 0 : i32
          %dma_start3A_72 = tpu.memref_slice %arg4[%dma_start3A_70, %dma_start3A_71] : memref<10000x128xf32, #tpu.memory_space<hbm>> -> memref<10000x128xf32, #tpu.memory_space<hbm>>
          tpu.enqueue_indirect_dma source(%dma_start3A_72 : memref<10000x128xf32, #tpu.memory_space<hbm>>) target(%arg12 : memref<128x128xf32, #tpu.memory_space<vmem>>) offsets(%dma_start3A_69 : memref<128xi32, #tpu.memory_space<vmem>>) semaphore(%arg15 : memref<!tpu.dma_semaphore, #tpu.memory_space<semaphore_mem>>)
          %dma_wait3A = arith.constant 0 : i32
          %dma_wait3A_73 = tpu.memref_slice %arg9[%mul3A_64, %dma_wait3A] : memref<16x128xi32, #tpu.memory_space<vmem>> -> memref<1x128xi32, #tpu.memory_space<vmem>>
          %dma_wait3A_74 = tpu.memref_squeeze %dma_wait3A_73 : memref<1x128xi32, #tpu.memory_space<vmem>> -> memref<128xi32, #tpu.memory_space<vmem>>
          %dma_wait3A_75 = arith.constant 0 : i32
          %dma_wait3A_76 = arith.constant 0 : i32
          %dma_wait3A_77 = tpu.memref_slice %arg4[%dma_wait3A_75, %dma_wait3A_76] : memref<10000x128xf32, #tpu.memory_space<hbm>> -> memref<10000x128xf32, #tpu.memory_space<hbm>>
          tpu.wait_indirect_dma semaphore(%arg14 : memref<!tpu.dma_semaphore, #tpu.memory_space<semaphore_mem>>) src(%dma_wait3A_77 : memref<10000x128xf32, #tpu.memory_space<hbm>>) dst(%arg11 : memref<128x128xf32, #tpu.memory_space<vmem>>)
          "tpu.region"() ({
            %run_scoped3A = tpu.sem_alloc : memref<!tpu.dma_semaphore, #tpu.memory_space<semaphore_mem>>
            %dma_start3A_90 = arith.constant 0 : i32
            %dma_start3A_91 = tpu.memref_slice %arg10[%mul3A_64, %dma_start3A_90] : memref<16x128xi32, #tpu.memory_space<vmem>> -> memref<1x128xi32, #tpu.memory_space<vmem>>
            %dma_start3A_92 = tpu.memref_squeeze %dma_start3A_91 : memref<1x128xi32, #tpu.memory_space<vmem>> -> memref<128xi32, #tpu.memory_space<vmem>>
            %dma_start3A_93 = arith.constant 0 : i32
            %dma_start3A_94 = arith.constant 0 : i32
            %dma_start3A_95 = tpu.memref_slice %arg13[%dma_start3A_93, %dma_start3A_94] : memref<10240x128xf32, #tpu.memory_space<vmem_shared>> -> memref<10240x128xf32, #tpu.memory_space<vmem_shared>>
            tpu.enqueue_indirect_dma source(%arg11 : memref<128x128xf32, #tpu.memory_space<vmem>>) target(%dma_start3A_95 : memref<10240x128xf32, #tpu.memory_space<vmem_shared>>) offsets(%dma_start3A_92 : memref<128xi32, #tpu.memory_space<vmem>>) semaphore(%run_scoped3A : memref<!tpu.dma_semaphore, #tpu.memory_space<semaphore_mem>>) {add = true}
            %dma_wait3A_96 = arith.constant 0 : i32
            %dma_wait3A_97 = tpu.memref_slice %arg10[%mul3A_64, %dma_wait3A_96] : memref<16x128xi32, #tpu.memory_space<vmem>> -> memref<1x128xi32, #tpu.memory_space<vmem>>
            %dma_wait3A_98 = tpu.memref_squeeze %dma_wait3A_97 : memref<1x128xi32, #tpu.memory_space<vmem>> -> memref<128xi32, #tpu.memory_space<vmem>>
            %dma_wait3A_99 = arith.constant 0 : i32
            %dma_wait3A_100 = arith.constant 0 : i32
            %dma_wait3A_101 = tpu.memref_slice %arg13[%dma_wait3A_99, %dma_wait3A_100] : memref<10240x128xf32, #tpu.memory_space<vmem_shared>> -> memref<10240x128xf32, #tpu.memory_space<vmem_shared>>
            tpu.wait_indirect_dma semaphore(%run_scoped3A : memref<!tpu.dma_semaphore, #tpu.memory_space<semaphore_mem>>) src(%arg11 : memref<128x128xf32, #tpu.memory_space<vmem>>) dst(%dma_wait3A_101 : memref<10240x128xf32, #tpu.memory_space<vmem_shared>>)
            tpu.yield
          }) : () -> ()
          %add3A_78 = arith.constant 2 : i32
          %add3A_79 = arith.addi %mul3A_64, %add3A_78 : i32
          %lt3A = arith.constant 16 : i32
          %lt3A_80 = arith.cmpi slt, %add3A_79, %lt3A : i32
          %convert_element_type3A_81 = arith.extui %lt3A_80 : i1 to i32
          %cond3A_82 = arith.constant 0 : i32
          %cond3A_83 = arith.cmpi ne, %convert_element_type3A_81, %cond3A_82 : i32
          scf.if %cond3A_83 {
            %add3A_90 = arith.constant 2 : i32
            %add3A_91 = arith.addi %mul3A_64, %add3A_90 : i32
            %dma_start3A_92 = arith.constant 0 : i32
            %dma_start3A_93 = tpu.memref_slice %arg9[%add3A_91, %dma_start3A_92] : memref<16x128xi32, #tpu.memory_space<vmem>> -> memref<1x128xi32, #tpu.memory_space<vmem>>
            %dma_start3A_94 = tpu.memref_squeeze %dma_start3A_93 : memref<1x128xi32, #tpu.memory_space<vmem>> -> memref<128xi32, #tpu.memory_space<vmem>>
            %dma_start3A_95 = arith.constant 0 : i32
            %dma_start3A_96 = arith.constant 0 : i32
            %dma_start3A_97 = tpu.memref_slice %arg4[%dma_start3A_95, %dma_start3A_96] : memref<10000x128xf32, #tpu.memory_space<hbm>> -> memref<10000x128xf32, #tpu.memory_space<hbm>>
            tpu.enqueue_indirect_dma source(%dma_start3A_97 : memref<10000x128xf32, #tpu.memory_space<hbm>>) target(%arg11 : memref<128x128xf32, #tpu.memory_space<vmem>>) offsets(%dma_start3A_94 : memref<128xi32, #tpu.memory_space<vmem>>) semaphore(%arg14 : memref<!tpu.dma_semaphore, #tpu.memory_space<semaphore_mem>>)
          } else {
          }
          %dma_wait3A_84 = arith.constant 0 : i32
          %dma_wait3A_85 = tpu.memref_slice %arg9[%add3A_66, %dma_wait3A_84] : memref<16x128xi32, #tpu.memory_space<vmem>> -> memref<1x128xi32, #tpu.memory_space<vmem>>
          %dma_wait3A_86 = tpu.memref_squeeze %dma_wait3A_85 : memref<1x128xi32, #tpu.memory_space<vmem>> -> memref<128xi32, #tpu.memory_space<vmem>>
          %dma_wait3A_87 = arith.constant 0 : i32
          %dma_wait3A_88 = arith.constant 0 : i32
          %dma_wait3A_89 = tpu.memref_slice %arg4[%dma_wait3A_87, %dma_wait3A_88] : memref<10000x128xf32, #tpu.memory_space<hbm>> -> memref<10000x128xf32, #tpu.memory_space<hbm>>
          tpu.wait_indirect_dma semaphore(%arg15 : memref<!tpu.dma_semaphore, #tpu.memory_space<semaphore_mem>>) src(%dma_wait3A_89 : memref<10000x128xf32, #tpu.memory_space<hbm>>) dst(%arg12 : memref<128x128xf32, #tpu.memory_space<vmem>>)
          "tpu.region"() ({
            %run_scoped3A = tpu.sem_alloc : memref<!tpu.dma_semaphore, #tpu.memory_space<semaphore_mem>>
            %dma_start3A_90 = arith.constant 0 : i32
            %dma_start3A_91 = tpu.memref_slice %arg10[%add3A_66, %dma_start3A_90] : memref<16x128xi32, #tpu.memory_space<vmem>> -> memref<1x128xi32, #tpu.memory_space<vmem>>
            %dma_start3A_92 = tpu.memref_squeeze %dma_start3A_91 : memref<1x128xi32, #tpu.memory_space<vmem>> -> memref<128xi32, #tpu.memory_space<vmem>>
            %dma_start3A_93 = arith.constant 0 : i32
            %dma_start3A_94 = arith.constant 0 : i32
            %dma_start3A_95 = tpu.memref_slice %arg13[%dma_start3A_93, %dma_start3A_94] : memref<10240x128xf32, #tpu.memory_space<vmem_shared>> -> memref<10240x128xf32, #tpu.memory_space<vmem_shared>>
            tpu.enqueue_indirect_dma source(%arg12 : memref<128x128xf32, #tpu.memory_space<vmem>>) target(%dma_start3A_95 : memref<10240x128xf32, #tpu.memory_space<vmem_shared>>) offsets(%dma_start3A_92 : memref<128xi32, #tpu.memory_space<vmem>>) semaphore(%run_scoped3A : memref<!tpu.dma_semaphore, #tpu.memory_space<semaphore_mem>>) {add = true}
            %dma_wait3A_96 = arith.constant 0 : i32
            %dma_wait3A_97 = tpu.memref_slice %arg10[%add3A_66, %dma_wait3A_96] : memref<16x128xi32, #tpu.memory_space<vmem>> -> memref<1x128xi32, #tpu.memory_space<vmem>>
            %dma_wait3A_98 = tpu.memref_squeeze %dma_wait3A_97 : memref<1x128xi32, #tpu.memory_space<vmem>> -> memref<128xi32, #tpu.memory_space<vmem>>
            %dma_wait3A_99 = arith.constant 0 : i32
            %dma_wait3A_100 = arith.constant 0 : i32
            %dma_wait3A_101 = tpu.memref_slice %arg13[%dma_wait3A_99, %dma_wait3A_100] : memref<10240x128xf32, #tpu.memory_space<vmem_shared>> -> memref<10240x128xf32, #tpu.memory_space<vmem_shared>>
            tpu.wait_indirect_dma semaphore(%run_scoped3A : memref<!tpu.dma_semaphore, #tpu.memory_space<semaphore_mem>>) src(%arg12 : memref<128x128xf32, #tpu.memory_space<vmem>>) dst(%dma_wait3A_101 : memref<10240x128xf32, #tpu.memory_space<vmem_shared>>)
            tpu.yield
          }) : () -> ()
        }
        %scan3A_61 = arith.constant 8 : i32
      }
      %scan3A_22 = arith.constant 10 : i32
      %barrier3A_23 = arith.constant 0 : index
      tpu.barrier barrier_id(%barrier3A_23)
      %add3A_24 = arith.constant 0 : i32
      %add3A_25 = arith.addi %mul3A_7, %add3A_24 : i32
      %add3A_26 = arith.constant 0 : i32
      %add3A_27 = arith.addi %mul3A_7, %add3A_26 : i32
      "tpu.region"() ({
        %run_scoped3A = tpu.sem_alloc : memref<!tpu.dma_semaphore, #tpu.memory_space<semaphore_mem>>
        %dma_start3A = arith.constant 0 : i32
        %dma_start3A_44 = tpu.memref_slice %arg7[%add3A_27, %dma_start3A] : memref<10240x128xf32, #tpu.memory_space<hbm>> -> memref<128x128xf32, #tpu.memory_space<hbm>>
        %dma_start3A_45 = arith.constant 0 : i32
        %dma_start3A_46 = tpu.memref_slice %arg13[%add3A_25, %dma_start3A_45] : memref<10240x128xf32, #tpu.memory_space<vmem_shared>> -> memref<128x128xf32, #tpu.memory_space<vmem_shared>>
        tpu.enqueue_dma source(%dma_start3A_46 : memref<128x128xf32, #tpu.memory_space<vmem_shared>>) target(%dma_start3A_44 : memref<128x128xf32, #tpu.memory_space<hbm>>) target_semaphore(%run_scoped3A : memref<!tpu.dma_semaphore, #tpu.memory_space<semaphore_mem>>)
        %dma_wait3A = arith.constant 0 : i32
        %dma_wait3A_47 = tpu.memref_slice %arg7[%add3A_27, %dma_wait3A] : memref<10240x128xf32, #tpu.memory_space<hbm>> -> memref<128x128xf32, #tpu.memory_space<hbm>>
        %dma_wait3A_48 = arith.constant 0 : i32
        %dma_wait3A_49 = tpu.memref_slice %arg13[%add3A_25, %dma_wait3A_48] : memref<10240x128xf32, #tpu.memory_space<vmem_shared>> -> memref<128x128xf32, #tpu.memory_space<vmem_shared>>
        tpu.wait_dma2 semaphore(%run_scoped3A : memref<!tpu.dma_semaphore, #tpu.memory_space<semaphore_mem>>) src(%dma_wait3A_49 : memref<128x128xf32, #tpu.memory_space<vmem_shared>>) dst(%dma_wait3A_47 : memref<128x128xf32, #tpu.memory_space<hbm>>)
        tpu.yield
      }) : () -> ()
      %add3A_28 = arith.constant 128 : i32
      %add3A_29 = arith.addi %mul3A_7, %add3A_28 : i32
      %add3A_30 = arith.constant 128 : i32
      %add3A_31 = arith.addi %mul3A_7, %add3A_30 : i32
      "tpu.region"() ({
        %run_scoped3A = tpu.sem_alloc : memref<!tpu.dma_semaphore, #tpu.memory_space<semaphore_mem>>
        %dma_start3A = arith.constant 0 : i32
        %dma_start3A_44 = tpu.memref_slice %arg7[%add3A_31, %dma_start3A] : memref<10240x128xf32, #tpu.memory_space<hbm>> -> memref<128x128xf32, #tpu.memory_space<hbm>>
        %dma_start3A_45 = arith.constant 0 : i32
        %dma_start3A_46 = tpu.memref_slice %arg13[%add3A_29, %dma_start3A_45] : memref<10240x128xf32, #tpu.memory_space<vmem_shared>> -> memref<128x128xf32, #tpu.memory_space<vmem_shared>>
        tpu.enqueue_dma source(%dma_start3A_46 : memref<128x128xf32, #tpu.memory_space<vmem_shared>>) target(%dma_start3A_44 : memref<128x128xf32, #tpu.memory_space<hbm>>) target_semaphore(%run_scoped3A : memref<!tpu.dma_semaphore, #tpu.memory_space<semaphore_mem>>)
        %dma_wait3A = arith.constant 0 : i32
        %dma_wait3A_47 = tpu.memref_slice %arg7[%add3A_31, %dma_wait3A] : memref<10240x128xf32, #tpu.memory_space<hbm>> -> memref<128x128xf32, #tpu.memory_space<hbm>>
        %dma_wait3A_48 = arith.constant 0 : i32
        %dma_wait3A_49 = tpu.memref_slice %arg13[%add3A_29, %dma_wait3A_48] : memref<10240x128xf32, #tpu.memory_space<vmem_shared>> -> memref<128x128xf32, #tpu.memory_space<vmem_shared>>
        tpu.wait_dma2 semaphore(%run_scoped3A : memref<!tpu.dma_semaphore, #tpu.memory_space<semaphore_mem>>) src(%dma_wait3A_49 : memref<128x128xf32, #tpu.memory_space<vmem_shared>>) dst(%dma_wait3A_47 : memref<128x128xf32, #tpu.memory_space<hbm>>)
        tpu.yield
      }) : () -> ()
      %add3A_32 = arith.constant 256 : i32
      %add3A_33 = arith.addi %mul3A_7, %add3A_32 : i32
      %add3A_34 = arith.constant 256 : i32
      %add3A_35 = arith.addi %mul3A_7, %add3A_34 : i32
      "tpu.region"() ({
        %run_scoped3A = tpu.sem_alloc : memref<!tpu.dma_semaphore, #tpu.memory_space<semaphore_mem>>
        %dma_start3A = arith.constant 0 : i32
        %dma_start3A_44 = tpu.memref_slice %arg7[%add3A_35, %dma_start3A] : memref<10240x128xf32, #tpu.memory_space<hbm>> -> memref<128x128xf32, #tpu.memory_space<hbm>>
        %dma_start3A_45 = arith.constant 0 : i32
        %dma_start3A_46 = tpu.memref_slice %arg13[%add3A_33, %dma_start3A_45] : memref<10240x128xf32, #tpu.memory_space<vmem_shared>> -> memref<128x128xf32, #tpu.memory_space<vmem_shared>>
        tpu.enqueue_dma source(%dma_start3A_46 : memref<128x128xf32, #tpu.memory_space<vmem_shared>>) target(%dma_start3A_44 : memref<128x128xf32, #tpu.memory_space<hbm>>) target_semaphore(%run_scoped3A : memref<!tpu.dma_semaphore, #tpu.memory_space<semaphore_mem>>)
        %dma_wait3A = arith.constant 0 : i32
        %dma_wait3A_47 = tpu.memref_slice %arg7[%add3A_35, %dma_wait3A] : memref<10240x128xf32, #tpu.memory_space<hbm>> -> memref<128x128xf32, #tpu.memory_space<hbm>>
        %dma_wait3A_48 = arith.constant 0 : i32
        %dma_wait3A_49 = tpu.memref_slice %arg13[%add3A_33, %dma_wait3A_48] : memref<10240x128xf32, #tpu.memory_space<vmem_shared>> -> memref<128x128xf32, #tpu.memory_space<vmem_shared>>
        tpu.wait_dma2 semaphore(%run_scoped3A : memref<!tpu.dma_semaphore, #tpu.memory_space<semaphore_mem>>) src(%dma_wait3A_49 : memref<128x128xf32, #tpu.memory_space<vmem_shared>>) dst(%dma_wait3A_47 : memref<128x128xf32, #tpu.memory_space<hbm>>)
        tpu.yield
      }) : () -> ()
      %add3A_36 = arith.constant 384 : i32
      %add3A_37 = arith.addi %mul3A_7, %add3A_36 : i32
      %add3A_38 = arith.constant 384 : i32
      %add3A_39 = arith.addi %mul3A_7, %add3A_38 : i32
      "tpu.region"() ({
        %run_scoped3A = tpu.sem_alloc : memref<!tpu.dma_semaphore, #tpu.memory_space<semaphore_mem>>
        %dma_start3A = arith.constant 0 : i32
        %dma_start3A_44 = tpu.memref_slice %arg7[%add3A_39, %dma_start3A] : memref<10240x128xf32, #tpu.memory_space<hbm>> -> memref<128x128xf32, #tpu.memory_space<hbm>>
        %dma_start3A_45 = arith.constant 0 : i32
        %dma_start3A_46 = tpu.memref_slice %arg13[%add3A_37, %dma_start3A_45] : memref<10240x128xf32, #tpu.memory_space<vmem_shared>> -> memref<128x128xf32, #tpu.memory_space<vmem_shared>>
        tpu.enqueue_dma source(%dma_start3A_46 : memref<128x128xf32, #tpu.memory_space<vmem_shared>>) target(%dma_start3A_44 : memref<128x128xf32, #tpu.memory_space<hbm>>) target_semaphore(%run_scoped3A : memref<!tpu.dma_semaphore, #tpu.memory_space<semaphore_mem>>)
        %dma_wait3A = arith.constant 0 : i32
        %dma_wait3A_47 = tpu.memref_slice %arg7[%add3A_39, %dma_wait3A] : memref<10240x128xf32, #tpu.memory_space<hbm>> -> memref<128x128xf32, #tpu.memory_space<hbm>>
        %dma_wait3A_48 = arith.constant 0 : i32
        %dma_wait3A_49 = tpu.memref_slice %arg13[%add3A_37, %dma_wait3A_48] : memref<10240x128xf32, #tpu.memory_space<vmem_shared>> -> memref<128x128xf32, #tpu.memory_space<vmem_shared>>
        tpu.wait_dma2 semaphore(%run_scoped3A : memref<!tpu.dma_semaphore, #tpu.memory_space<semaphore_mem>>) src(%dma_wait3A_49 : memref<128x128xf32, #tpu.memory_space<vmem_shared>>) dst(%dma_wait3A_47 : memref<128x128xf32, #tpu.memory_space<hbm>>)
        tpu.yield
      }) : () -> ()
      %add3A_40 = arith.constant 512 : i32
      %add3A_41 = arith.addi %mul3A_7, %add3A_40 : i32
      %add3A_42 = arith.constant 512 : i32
      %add3A_43 = arith.addi %mul3A_7, %add3A_42 : i32
      "tpu.region"() ({
        %run_scoped3A = tpu.sem_alloc : memref<!tpu.dma_semaphore, #tpu.memory_space<semaphore_mem>>
        %dma_start3A = arith.constant 0 : i32
        %dma_start3A_44 = tpu.memref_slice %arg7[%add3A_43, %dma_start3A] : memref<10240x128xf32, #tpu.memory_space<hbm>> -> memref<128x128xf32, #tpu.memory_space<hbm>>
        %dma_start3A_45 = arith.constant 0 : i32
        %dma_start3A_46 = tpu.memref_slice %arg13[%add3A_41, %dma_start3A_45] : memref<10240x128xf32, #tpu.memory_space<vmem_shared>> -> memref<128x128xf32, #tpu.memory_space<vmem_shared>>
        tpu.enqueue_dma source(%dma_start3A_46 : memref<128x128xf32, #tpu.memory_space<vmem_shared>>) target(%dma_start3A_44 : memref<128x128xf32, #tpu.memory_space<hbm>>) target_semaphore(%run_scoped3A : memref<!tpu.dma_semaphore, #tpu.memory_space<semaphore_mem>>)
        %dma_wait3A = arith.constant 0 : i32
        %dma_wait3A_47 = tpu.memref_slice %arg7[%add3A_43, %dma_wait3A] : memref<10240x128xf32, #tpu.memory_space<hbm>> -> memref<128x128xf32, #tpu.memory_space<hbm>>
        %dma_wait3A_48 = arith.constant 0 : i32
        %dma_wait3A_49 = tpu.memref_slice %arg13[%add3A_41, %dma_wait3A_48] : memref<10240x128xf32, #tpu.memory_space<vmem_shared>> -> memref<128x128xf32, #tpu.memory_space<vmem_shared>>
        tpu.wait_dma2 semaphore(%run_scoped3A : memref<!tpu.dma_semaphore, #tpu.memory_space<semaphore_mem>>) src(%dma_wait3A_49 : memref<128x128xf32, #tpu.memory_space<vmem_shared>>) dst(%dma_wait3A_47 : memref<128x128xf32, #tpu.memory_space<hbm>>)
        tpu.yield
      }) : () -> ()
    } else {
    }
    %eq3A_2 = arith.constant 1 : i32
    %eq3A_3 = arith.cmpi eq, %arg0, %eq3A_2 : i32
    %convert_element_type3A_4 = arith.extui %eq3A_3 : i1 to i32
    %cond3A_5 = arith.constant 0 : i32
    %cond3A_6 = arith.cmpi ne, %convert_element_type3A_4, %cond3A_5 : i32
    scf.if %cond3A_6 {
      %mul3A = arith.constant 640 : i32
      %mul3A_7 = arith.muli %arg1, %mul3A : i32
      %mul3A_8 = arith.constant 160 : i32
      %mul3A_9 = arith.muli %arg1, %mul3A_8 : i32
      %add3A = arith.constant 0 : i32
      %add3A_10 = arith.addi %mul3A_7, %add3A : i32
      "tpu.region"() ({
        %run_scoped3A = tpu.sem_alloc : memref<!tpu.dma_semaphore, #tpu.memory_space<semaphore_mem>>
        %dma_start3A = arith.constant 0 : i32
        %dma_start3A_44 = tpu.memref_slice %arg13[%add3A_10, %dma_start3A] : memref<10240x128xf32, #tpu.memory_space<vmem_shared>> -> memref<128x128xf32, #tpu.memory_space<vmem_shared>>
        tpu.enqueue_dma source(%arg6 : memref<128x128xf32, #tpu.memory_space<hbm>>) target(%dma_start3A_44 : memref<128x128xf32, #tpu.memory_space<vmem_shared>>) target_semaphore(%run_scoped3A : memref<!tpu.dma_semaphore, #tpu.memory_space<semaphore_mem>>)
        %dma_wait3A = arith.constant 0 : i32
        %dma_wait3A_45 = tpu.memref_slice %arg13[%add3A_10, %dma_wait3A] : memref<10240x128xf32, #tpu.memory_space<vmem_shared>> -> memref<128x128xf32, #tpu.memory_space<vmem_shared>>
        tpu.wait_dma2 semaphore(%run_scoped3A : memref<!tpu.dma_semaphore, #tpu.memory_space<semaphore_mem>>) src(%arg6 : memref<128x128xf32, #tpu.memory_space<hbm>>) dst(%dma_wait3A_45 : memref<128x128xf32, #tpu.memory_space<vmem_shared>>)
        tpu.yield
      }) : () -> ()
      %add3A_11 = arith.constant 128 : i32
      %add3A_12 = arith.addi %mul3A_7, %add3A_11 : i32
      "tpu.region"() ({
        %run_scoped3A = tpu.sem_alloc : memref<!tpu.dma_semaphore, #tpu.memory_space<semaphore_mem>>
        %dma_start3A = arith.constant 0 : i32
        %dma_start3A_44 = tpu.memref_slice %arg13[%add3A_12, %dma_start3A] : memref<10240x128xf32, #tpu.memory_space<vmem_shared>> -> memref<128x128xf32, #tpu.memory_space<vmem_shared>>
        tpu.enqueue_dma source(%arg6 : memref<128x128xf32, #tpu.memory_space<hbm>>) target(%dma_start3A_44 : memref<128x128xf32, #tpu.memory_space<vmem_shared>>) target_semaphore(%run_scoped3A : memref<!tpu.dma_semaphore, #tpu.memory_space<semaphore_mem>>)
        %dma_wait3A = arith.constant 0 : i32
        %dma_wait3A_45 = tpu.memref_slice %arg13[%add3A_12, %dma_wait3A] : memref<10240x128xf32, #tpu.memory_space<vmem_shared>> -> memref<128x128xf32, #tpu.memory_space<vmem_shared>>
        tpu.wait_dma2 semaphore(%run_scoped3A : memref<!tpu.dma_semaphore, #tpu.memory_space<semaphore_mem>>) src(%arg6 : memref<128x128xf32, #tpu.memory_space<hbm>>) dst(%dma_wait3A_45 : memref<128x128xf32, #tpu.memory_space<vmem_shared>>)
        tpu.yield
      }) : () -> ()
      %add3A_13 = arith.constant 256 : i32
      %add3A_14 = arith.addi %mul3A_7, %add3A_13 : i32
      "tpu.region"() ({
        %run_scoped3A = tpu.sem_alloc : memref<!tpu.dma_semaphore, #tpu.memory_space<semaphore_mem>>
        %dma_start3A = arith.constant 0 : i32
        %dma_start3A_44 = tpu.memref_slice %arg13[%add3A_14, %dma_start3A] : memref<10240x128xf32, #tpu.memory_space<vmem_shared>> -> memref<128x128xf32, #tpu.memory_space<vmem_shared>>
        tpu.enqueue_dma source(%arg6 : memref<128x128xf32, #tpu.memory_space<hbm>>) target(%dma_start3A_44 : memref<128x128xf32, #tpu.memory_space<vmem_shared>>) target_semaphore(%run_scoped3A : memref<!tpu.dma_semaphore, #tpu.memory_space<semaphore_mem>>)
        %dma_wait3A = arith.constant 0 : i32
        %dma_wait3A_45 = tpu.memref_slice %arg13[%add3A_14, %dma_wait3A] : memref<10240x128xf32, #tpu.memory_space<vmem_shared>> -> memref<128x128xf32, #tpu.memory_space<vmem_shared>>
        tpu.wait_dma2 semaphore(%run_scoped3A : memref<!tpu.dma_semaphore, #tpu.memory_space<semaphore_mem>>) src(%arg6 : memref<128x128xf32, #tpu.memory_space<hbm>>) dst(%dma_wait3A_45 : memref<128x128xf32, #tpu.memory_space<vmem_shared>>)
        tpu.yield
      }) : () -> ()
      %add3A_15 = arith.constant 384 : i32
      %add3A_16 = arith.addi %mul3A_7, %add3A_15 : i32
      "tpu.region"() ({
        %run_scoped3A = tpu.sem_alloc : memref<!tpu.dma_semaphore, #tpu.memory_space<semaphore_mem>>
        %dma_start3A = arith.constant 0 : i32
        %dma_start3A_44 = tpu.memref_slice %arg13[%add3A_16, %dma_start3A] : memref<10240x128xf32, #tpu.memory_space<vmem_shared>> -> memref<128x128xf32, #tpu.memory_space<vmem_shared>>
        tpu.enqueue_dma source(%arg6 : memref<128x128xf32, #tpu.memory_space<hbm>>) target(%dma_start3A_44 : memref<128x128xf32, #tpu.memory_space<vmem_shared>>) target_semaphore(%run_scoped3A : memref<!tpu.dma_semaphore, #tpu.memory_space<semaphore_mem>>)
        %dma_wait3A = arith.constant 0 : i32
        %dma_wait3A_45 = tpu.memref_slice %arg13[%add3A_16, %dma_wait3A] : memref<10240x128xf32, #tpu.memory_space<vmem_shared>> -> memref<128x128xf32, #tpu.memory_space<vmem_shared>>
        tpu.wait_dma2 semaphore(%run_scoped3A : memref<!tpu.dma_semaphore, #tpu.memory_space<semaphore_mem>>) src(%arg6 : memref<128x128xf32, #tpu.memory_space<hbm>>) dst(%dma_wait3A_45 : memref<128x128xf32, #tpu.memory_space<vmem_shared>>)
        tpu.yield
      }) : () -> ()
      %add3A_17 = arith.constant 512 : i32
      %add3A_18 = arith.addi %mul3A_7, %add3A_17 : i32
      "tpu.region"() ({
        %run_scoped3A = tpu.sem_alloc : memref<!tpu.dma_semaphore, #tpu.memory_space<semaphore_mem>>
        %dma_start3A = arith.constant 0 : i32
        %dma_start3A_44 = tpu.memref_slice %arg13[%add3A_18, %dma_start3A] : memref<10240x128xf32, #tpu.memory_space<vmem_shared>> -> memref<128x128xf32, #tpu.memory_space<vmem_shared>>
        tpu.enqueue_dma source(%arg6 : memref<128x128xf32, #tpu.memory_space<hbm>>) target(%dma_start3A_44 : memref<128x128xf32, #tpu.memory_space<vmem_shared>>) target_semaphore(%run_scoped3A : memref<!tpu.dma_semaphore, #tpu.memory_space<semaphore_mem>>)
        %dma_wait3A = arith.constant 0 : i32
        %dma_wait3A_45 = tpu.memref_slice %arg13[%add3A_18, %dma_wait3A] : memref<10240x128xf32, #tpu.memory_space<vmem_shared>> -> memref<128x128xf32, #tpu.memory_space<vmem_shared>>
        tpu.wait_dma2 semaphore(%run_scoped3A : memref<!tpu.dma_semaphore, #tpu.memory_space<semaphore_mem>>) src(%arg6 : memref<128x128xf32, #tpu.memory_space<hbm>>) dst(%dma_wait3A_45 : memref<128x128xf32, #tpu.memory_space<vmem_shared>>)
        tpu.yield
      }) : () -> ()
      %barrier3A = arith.constant 0 : index
      tpu.barrier barrier_id(%barrier3A)
      %scan3A = arith.constant 0 : i32
      %scan3A_19 = arith.constant 10 : i32
      %scan3A_20 = arith.addi %scan3A, %scan3A_19 : i32
      %scan3A_21 = arith.constant 1 : i32
      scf.for %scan3A_44 = %scan3A to %scan3A_20 step %scan3A_21  : i32 {
        %mul3A_45 = arith.constant 16 : i32
        %mul3A_46 = arith.muli %scan3A_44, %mul3A_45 : i32
        %add3A_47 = arith.addi %mul3A_9, %mul3A_46 : i32
        "tpu.region"() ({
          %run_scoped3A = tpu.sem_alloc : memref<!tpu.dma_semaphore, #tpu.memory_space<semaphore_mem>>
          %dma_start3A_62 = arith.constant 0 : i32
          %dma_start3A_63 = tpu.memref_slice %arg2[%add3A_47, %dma_start3A_62] : memref<2560x128xi32, #tpu.memory_space<hbm>> -> memref<16x128xi32, #tpu.memory_space<hbm>>
          %dma_start3A_64 = arith.constant 0 : i32
          %dma_start3A_65 = tpu.memref_slice %arg2[%add3A_47, %dma_start3A_64] : memref<2560x128xi32, #tpu.memory_space<hbm>> -> memref<16x128xi32, #tpu.memory_space<hbm>>
          tpu.enqueue_dma source(%dma_start3A_65 : memref<16x128xi32, #tpu.memory_space<hbm>>) target(%arg9 : memref<16x128xi32, #tpu.memory_space<vmem>>) target_semaphore(%run_scoped3A : memref<!tpu.dma_semaphore, #tpu.memory_space<semaphore_mem>>)
          %dma_wait3A = arith.constant 0 : i32
          %dma_wait3A_66 = tpu.memref_slice %arg2[%add3A_47, %dma_wait3A] : memref<2560x128xi32, #tpu.memory_space<hbm>> -> memref<16x128xi32, #tpu.memory_space<hbm>>
          %dma_wait3A_67 = arith.constant 0 : i32
          %dma_wait3A_68 = tpu.memref_slice %arg2[%add3A_47, %dma_wait3A_67] : memref<2560x128xi32, #tpu.memory_space<hbm>> -> memref<16x128xi32, #tpu.memory_space<hbm>>
          tpu.wait_dma2 semaphore(%run_scoped3A : memref<!tpu.dma_semaphore, #tpu.memory_space<semaphore_mem>>) src(%dma_wait3A_68 : memref<16x128xi32, #tpu.memory_space<hbm>>) dst(%arg9 : memref<16x128xi32, #tpu.memory_space<vmem>>)
          tpu.yield
        }) : () -> ()
        %mul3A_48 = arith.constant 16 : i32
        %mul3A_49 = arith.muli %scan3A_44, %mul3A_48 : i32
        %add3A_50 = arith.addi %mul3A_9, %mul3A_49 : i32
        "tpu.region"() ({
          %run_scoped3A = tpu.sem_alloc : memref<!tpu.dma_semaphore, #tpu.memory_space<semaphore_mem>>
          %dma_start3A_62 = arith.constant 0 : i32
          %dma_start3A_63 = tpu.memref_slice %arg3[%add3A_50, %dma_start3A_62] : memref<2560x128xi32, #tpu.memory_space<hbm>> -> memref<16x128xi32, #tpu.memory_space<hbm>>
          %dma_start3A_64 = arith.constant 0 : i32
          %dma_start3A_65 = tpu.memref_slice %arg3[%add3A_50, %dma_start3A_64] : memref<2560x128xi32, #tpu.memory_space<hbm>> -> memref<16x128xi32, #tpu.memory_space<hbm>>
          tpu.enqueue_dma source(%dma_start3A_65 : memref<16x128xi32, #tpu.memory_space<hbm>>) target(%arg10 : memref<16x128xi32, #tpu.memory_space<vmem>>) target_semaphore(%run_scoped3A : memref<!tpu.dma_semaphore, #tpu.memory_space<semaphore_mem>>)
          %dma_wait3A = arith.constant 0 : i32
          %dma_wait3A_66 = tpu.memref_slice %arg3[%add3A_50, %dma_wait3A] : memref<2560x128xi32, #tpu.memory_space<hbm>> -> memref<16x128xi32, #tpu.memory_space<hbm>>
          %dma_wait3A_67 = arith.constant 0 : i32
          %dma_wait3A_68 = tpu.memref_slice %arg3[%add3A_50, %dma_wait3A_67] : memref<2560x128xi32, #tpu.memory_space<hbm>> -> memref<16x128xi32, #tpu.memory_space<hbm>>
          tpu.wait_dma2 semaphore(%run_scoped3A : memref<!tpu.dma_semaphore, #tpu.memory_space<semaphore_mem>>) src(%dma_wait3A_68 : memref<16x128xi32, #tpu.memory_space<hbm>>) dst(%arg10 : memref<16x128xi32, #tpu.memory_space<vmem>>)
          tpu.yield
        }) : () -> ()
        %dma_start3A = arith.constant 0 : i32
        %dma_start3A_51 = arith.constant 0 : i32
        %dma_start3A_52 = tpu.memref_slice %arg9[%dma_start3A, %dma_start3A_51] : memref<16x128xi32, #tpu.memory_space<vmem>> -> memref<1x128xi32, #tpu.memory_space<vmem>>
        %dma_start3A_53 = tpu.memref_squeeze %dma_start3A_52 : memref<1x128xi32, #tpu.memory_space<vmem>> -> memref<128xi32, #tpu.memory_space<vmem>>
        %dma_start3A_54 = arith.constant 0 : i32
        %dma_start3A_55 = arith.constant 0 : i32
        %dma_start3A_56 = tpu.memref_slice %arg5[%dma_start3A_54, %dma_start3A_55] : memref<10000x128xf32, #tpu.memory_space<hbm>> -> memref<10000x128xf32, #tpu.memory_space<hbm>>
        tpu.enqueue_indirect_dma source(%dma_start3A_56 : memref<10000x128xf32, #tpu.memory_space<hbm>>) target(%arg11 : memref<128x128xf32, #tpu.memory_space<vmem>>) offsets(%dma_start3A_53 : memref<128xi32, #tpu.memory_space<vmem>>) semaphore(%arg14 : memref<!tpu.dma_semaphore, #tpu.memory_space<semaphore_mem>>)
        %scan3A_57 = arith.constant 0 : i32
        %scan3A_58 = arith.constant 8 : i32
        %scan3A_59 = arith.addi %scan3A_57, %scan3A_58 : i32
        %scan3A_60 = arith.constant 1 : i32
        scf.for %scan3A_62 = %scan3A_57 to %scan3A_59 step %scan3A_60  : i32 {
          %mul3A_63 = arith.constant 2 : i32
          %mul3A_64 = arith.muli %mul3A_63, %scan3A_62 : i32
          %add3A_65 = arith.constant 1 : i32
          %add3A_66 = arith.addi %mul3A_64, %add3A_65 : i32
          %dma_start3A_67 = arith.constant 0 : i32
          %dma_start3A_68 = tpu.memref_slice %arg9[%add3A_66, %dma_start3A_67] : memref<16x128xi32, #tpu.memory_space<vmem>> -> memref<1x128xi32, #tpu.memory_space<vmem>>
          %dma_start3A_69 = tpu.memref_squeeze %dma_start3A_68 : memref<1x128xi32, #tpu.memory_space<vmem>> -> memref<128xi32, #tpu.memory_space<vmem>>
          %dma_start3A_70 = arith.constant 0 : i32
          %dma_start3A_71 = arith.constant 0 : i32
          %dma_start3A_72 = tpu.memref_slice %arg5[%dma_start3A_70, %dma_start3A_71] : memref<10000x128xf32, #tpu.memory_space<hbm>> -> memref<10000x128xf32, #tpu.memory_space<hbm>>
          tpu.enqueue_indirect_dma source(%dma_start3A_72 : memref<10000x128xf32, #tpu.memory_space<hbm>>) target(%arg12 : memref<128x128xf32, #tpu.memory_space<vmem>>) offsets(%dma_start3A_69 : memref<128xi32, #tpu.memory_space<vmem>>) semaphore(%arg15 : memref<!tpu.dma_semaphore, #tpu.memory_space<semaphore_mem>>)
          %dma_wait3A = arith.constant 0 : i32
          %dma_wait3A_73 = tpu.memref_slice %arg9[%mul3A_64, %dma_wait3A] : memref<16x128xi32, #tpu.memory_space<vmem>> -> memref<1x128xi32, #tpu.memory_space<vmem>>
          %dma_wait3A_74 = tpu.memref_squeeze %dma_wait3A_73 : memref<1x128xi32, #tpu.memory_space<vmem>> -> memref<128xi32, #tpu.memory_space<vmem>>
          %dma_wait3A_75 = arith.constant 0 : i32
          %dma_wait3A_76 = arith.constant 0 : i32
          %dma_wait3A_77 = tpu.memref_slice %arg5[%dma_wait3A_75, %dma_wait3A_76] : memref<10000x128xf32, #tpu.memory_space<hbm>> -> memref<10000x128xf32, #tpu.memory_space<hbm>>
          tpu.wait_indirect_dma semaphore(%arg14 : memref<!tpu.dma_semaphore, #tpu.memory_space<semaphore_mem>>) src(%dma_wait3A_77 : memref<10000x128xf32, #tpu.memory_space<hbm>>) dst(%arg11 : memref<128x128xf32, #tpu.memory_space<vmem>>)
          "tpu.region"() ({
            %run_scoped3A = tpu.sem_alloc : memref<!tpu.dma_semaphore, #tpu.memory_space<semaphore_mem>>
            %dma_start3A_90 = arith.constant 0 : i32
            %dma_start3A_91 = tpu.memref_slice %arg10[%mul3A_64, %dma_start3A_90] : memref<16x128xi32, #tpu.memory_space<vmem>> -> memref<1x128xi32, #tpu.memory_space<vmem>>
            %dma_start3A_92 = tpu.memref_squeeze %dma_start3A_91 : memref<1x128xi32, #tpu.memory_space<vmem>> -> memref<128xi32, #tpu.memory_space<vmem>>
            %dma_start3A_93 = arith.constant 0 : i32
            %dma_start3A_94 = arith.constant 0 : i32
            %dma_start3A_95 = tpu.memref_slice %arg13[%dma_start3A_93, %dma_start3A_94] : memref<10240x128xf32, #tpu.memory_space<vmem_shared>> -> memref<10240x128xf32, #tpu.memory_space<vmem_shared>>
            tpu.enqueue_indirect_dma source(%arg11 : memref<128x128xf32, #tpu.memory_space<vmem>>) target(%dma_start3A_95 : memref<10240x128xf32, #tpu.memory_space<vmem_shared>>) offsets(%dma_start3A_92 : memref<128xi32, #tpu.memory_space<vmem>>) semaphore(%run_scoped3A : memref<!tpu.dma_semaphore, #tpu.memory_space<semaphore_mem>>) {add = true}
            %dma_wait3A_96 = arith.constant 0 : i32
            %dma_wait3A_97 = tpu.memref_slice %arg10[%mul3A_64, %dma_wait3A_96] : memref<16x128xi32, #tpu.memory_space<vmem>> -> memref<1x128xi32, #tpu.memory_space<vmem>>
            %dma_wait3A_98 = tpu.memref_squeeze %dma_wait3A_97 : memref<1x128xi32, #tpu.memory_space<vmem>> -> memref<128xi32, #tpu.memory_space<vmem>>
            %dma_wait3A_99 = arith.constant 0 : i32
            %dma_wait3A_100 = arith.constant 0 : i32
            %dma_wait3A_101 = tpu.memref_slice %arg13[%dma_wait3A_99, %dma_wait3A_100] : memref<10240x128xf32, #tpu.memory_space<vmem_shared>> -> memref<10240x128xf32, #tpu.memory_space<vmem_shared>>
            tpu.wait_indirect_dma semaphore(%run_scoped3A : memref<!tpu.dma_semaphore, #tpu.memory_space<semaphore_mem>>) src(%arg11 : memref<128x128xf32, #tpu.memory_space<vmem>>) dst(%dma_wait3A_101 : memref<10240x128xf32, #tpu.memory_space<vmem_shared>>)
            tpu.yield
          }) : () -> ()
          %add3A_78 = arith.constant 2 : i32
          %add3A_79 = arith.addi %mul3A_64, %add3A_78 : i32
          %lt3A = arith.constant 16 : i32
          %lt3A_80 = arith.cmpi slt, %add3A_79, %lt3A : i32
          %convert_element_type3A_81 = arith.extui %lt3A_80 : i1 to i32
          %cond3A_82 = arith.constant 0 : i32
          %cond3A_83 = arith.cmpi ne, %convert_element_type3A_81, %cond3A_82 : i32
          scf.if %cond3A_83 {
            %add3A_90 = arith.constant 2 : i32
            %add3A_91 = arith.addi %mul3A_64, %add3A_90 : i32
            %dma_start3A_92 = arith.constant 0 : i32
            %dma_start3A_93 = tpu.memref_slice %arg9[%add3A_91, %dma_start3A_92] : memref<16x128xi32, #tpu.memory_space<vmem>> -> memref<1x128xi32, #tpu.memory_space<vmem>>
            %dma_start3A_94 = tpu.memref_squeeze %dma_start3A_93 : memref<1x128xi32, #tpu.memory_space<vmem>> -> memref<128xi32, #tpu.memory_space<vmem>>
            %dma_start3A_95 = arith.constant 0 : i32
            %dma_start3A_96 = arith.constant 0 : i32
            %dma_start3A_97 = tpu.memref_slice %arg5[%dma_start3A_95, %dma_start3A_96] : memref<10000x128xf32, #tpu.memory_space<hbm>> -> memref<10000x128xf32, #tpu.memory_space<hbm>>
            tpu.enqueue_indirect_dma source(%dma_start3A_97 : memref<10000x128xf32, #tpu.memory_space<hbm>>) target(%arg11 : memref<128x128xf32, #tpu.memory_space<vmem>>) offsets(%dma_start3A_94 : memref<128xi32, #tpu.memory_space<vmem>>) semaphore(%arg14 : memref<!tpu.dma_semaphore, #tpu.memory_space<semaphore_mem>>)
          } else {
          }
          %dma_wait3A_84 = arith.constant 0 : i32
          %dma_wait3A_85 = tpu.memref_slice %arg9[%add3A_66, %dma_wait3A_84] : memref<16x128xi32, #tpu.memory_space<vmem>> -> memref<1x128xi32, #tpu.memory_space<vmem>>
          %dma_wait3A_86 = tpu.memref_squeeze %dma_wait3A_85 : memref<1x128xi32, #tpu.memory_space<vmem>> -> memref<128xi32, #tpu.memory_space<vmem>>
          %dma_wait3A_87 = arith.constant 0 : i32
          %dma_wait3A_88 = arith.constant 0 : i32
          %dma_wait3A_89 = tpu.memref_slice %arg5[%dma_wait3A_87, %dma_wait3A_88] : memref<10000x128xf32, #tpu.memory_space<hbm>> -> memref<10000x128xf32, #tpu.memory_space<hbm>>
          tpu.wait_indirect_dma semaphore(%arg15 : memref<!tpu.dma_semaphore, #tpu.memory_space<semaphore_mem>>) src(%dma_wait3A_89 : memref<10000x128xf32, #tpu.memory_space<hbm>>) dst(%arg12 : memref<128x128xf32, #tpu.memory_space<vmem>>)
          "tpu.region"() ({
            %run_scoped3A = tpu.sem_alloc : memref<!tpu.dma_semaphore, #tpu.memory_space<semaphore_mem>>
            %dma_start3A_90 = arith.constant 0 : i32
            %dma_start3A_91 = tpu.memref_slice %arg10[%add3A_66, %dma_start3A_90] : memref<16x128xi32, #tpu.memory_space<vmem>> -> memref<1x128xi32, #tpu.memory_space<vmem>>
            %dma_start3A_92 = tpu.memref_squeeze %dma_start3A_91 : memref<1x128xi32, #tpu.memory_space<vmem>> -> memref<128xi32, #tpu.memory_space<vmem>>
            %dma_start3A_93 = arith.constant 0 : i32
            %dma_start3A_94 = arith.constant 0 : i32
            %dma_start3A_95 = tpu.memref_slice %arg13[%dma_start3A_93, %dma_start3A_94] : memref<10240x128xf32, #tpu.memory_space<vmem_shared>> -> memref<10240x128xf32, #tpu.memory_space<vmem_shared>>
            tpu.enqueue_indirect_dma source(%arg12 : memref<128x128xf32, #tpu.memory_space<vmem>>) target(%dma_start3A_95 : memref<10240x128xf32, #tpu.memory_space<vmem_shared>>) offsets(%dma_start3A_92 : memref<128xi32, #tpu.memory_space<vmem>>) semaphore(%run_scoped3A : memref<!tpu.dma_semaphore, #tpu.memory_space<semaphore_mem>>) {add = true}
            %dma_wait3A_96 = arith.constant 0 : i32
            %dma_wait3A_97 = tpu.memref_slice %arg10[%add3A_66, %dma_wait3A_96] : memref<16x128xi32, #tpu.memory_space<vmem>> -> memref<1x128xi32, #tpu.memory_space<vmem>>
            %dma_wait3A_98 = tpu.memref_squeeze %dma_wait3A_97 : memref<1x128xi32, #tpu.memory_space<vmem>> -> memref<128xi32, #tpu.memory_space<vmem>>
            %dma_wait3A_99 = arith.constant 0 : i32
            %dma_wait3A_100 = arith.constant 0 : i32
            %dma_wait3A_101 = tpu.memref_slice %arg13[%dma_wait3A_99, %dma_wait3A_100] : memref<10240x128xf32, #tpu.memory_space<vmem_shared>> -> memref<10240x128xf32, #tpu.memory_space<vmem_shared>>
            tpu.wait_indirect_dma semaphore(%run_scoped3A : memref<!tpu.dma_semaphore, #tpu.memory_space<semaphore_mem>>) src(%arg12 : memref<128x128xf32, #tpu.memory_space<vmem>>) dst(%dma_wait3A_101 : memref<10240x128xf32, #tpu.memory_space<vmem_shared>>)
            tpu.yield
          }) : () -> ()
        }
        %scan3A_61 = arith.constant 8 : i32
      }
      %scan3A_22 = arith.constant 10 : i32
      %barrier3A_23 = arith.constant 0 : index
      tpu.barrier barrier_id(%barrier3A_23)
      %add3A_24 = arith.constant 0 : i32
      %add3A_25 = arith.addi %mul3A_7, %add3A_24 : i32
      %add3A_26 = arith.constant 0 : i32
      %add3A_27 = arith.addi %mul3A_7, %add3A_26 : i32
      "tpu.region"() ({
        %run_scoped3A = tpu.sem_alloc : memref<!tpu.dma_semaphore, #tpu.memory_space<semaphore_mem>>
        %dma_start3A = arith.constant 0 : i32
        %dma_start3A_44 = tpu.memref_slice %arg8[%add3A_27, %dma_start3A] : memref<10240x128xf32, #tpu.memory_space<hbm>> -> memref<128x128xf32, #tpu.memory_space<hbm>>
        %dma_start3A_45 = arith.constant 0 : i32
        %dma_start3A_46 = tpu.memref_slice %arg13[%add3A_25, %dma_start3A_45] : memref<10240x128xf32, #tpu.memory_space<vmem_shared>> -> memref<128x128xf32, #tpu.memory_space<vmem_shared>>
        tpu.enqueue_dma source(%dma_start3A_46 : memref<128x128xf32, #tpu.memory_space<vmem_shared>>) target(%dma_start3A_44 : memref<128x128xf32, #tpu.memory_space<hbm>>) target_semaphore(%run_scoped3A : memref<!tpu.dma_semaphore, #tpu.memory_space<semaphore_mem>>)
        %dma_wait3A = arith.constant 0 : i32
        %dma_wait3A_47 = tpu.memref_slice %arg8[%add3A_27, %dma_wait3A] : memref<10240x128xf32, #tpu.memory_space<hbm>> -> memref<128x128xf32, #tpu.memory_space<hbm>>
        %dma_wait3A_48 = arith.constant 0 : i32
        %dma_wait3A_49 = tpu.memref_slice %arg13[%add3A_25, %dma_wait3A_48] : memref<10240x128xf32, #tpu.memory_space<vmem_shared>> -> memref<128x128xf32, #tpu.memory_space<vmem_shared>>
        tpu.wait_dma2 semaphore(%run_scoped3A : memref<!tpu.dma_semaphore, #tpu.memory_space<semaphore_mem>>) src(%dma_wait3A_49 : memref<128x128xf32, #tpu.memory_space<vmem_shared>>) dst(%dma_wait3A_47 : memref<128x128xf32, #tpu.memory_space<hbm>>)
        tpu.yield
      }) : () -> ()
      %add3A_28 = arith.constant 128 : i32
      %add3A_29 = arith.addi %mul3A_7, %add3A_28 : i32
      %add3A_30 = arith.constant 128 : i32
      %add3A_31 = arith.addi %mul3A_7, %add3A_30 : i32
      "tpu.region"() ({
        %run_scoped3A = tpu.sem_alloc : memref<!tpu.dma_semaphore, #tpu.memory_space<semaphore_mem>>
        %dma_start3A = arith.constant 0 : i32
        %dma_start3A_44 = tpu.memref_slice %arg8[%add3A_31, %dma_start3A] : memref<10240x128xf32, #tpu.memory_space<hbm>> -> memref<128x128xf32, #tpu.memory_space<hbm>>
        %dma_start3A_45 = arith.constant 0 : i32
        %dma_start3A_46 = tpu.memref_slice %arg13[%add3A_29, %dma_start3A_45] : memref<10240x128xf32, #tpu.memory_space<vmem_shared>> -> memref<128x128xf32, #tpu.memory_space<vmem_shared>>
        tpu.enqueue_dma source(%dma_start3A_46 : memref<128x128xf32, #tpu.memory_space<vmem_shared>>) target(%dma_start3A_44 : memref<128x128xf32, #tpu.memory_space<hbm>>) target_semaphore(%run_scoped3A : memref<!tpu.dma_semaphore, #tpu.memory_space<semaphore_mem>>)
        %dma_wait3A = arith.constant 0 : i32
        %dma_wait3A_47 = tpu.memref_slice %arg8[%add3A_31, %dma_wait3A] : memref<10240x128xf32, #tpu.memory_space<hbm>> -> memref<128x128xf32, #tpu.memory_space<hbm>>
        %dma_wait3A_48 = arith.constant 0 : i32
        %dma_wait3A_49 = tpu.memref_slice %arg13[%add3A_29, %dma_wait3A_48] : memref<10240x128xf32, #tpu.memory_space<vmem_shared>> -> memref<128x128xf32, #tpu.memory_space<vmem_shared>>
        tpu.wait_dma2 semaphore(%run_scoped3A : memref<!tpu.dma_semaphore, #tpu.memory_space<semaphore_mem>>) src(%dma_wait3A_49 : memref<128x128xf32, #tpu.memory_space<vmem_shared>>) dst(%dma_wait3A_47 : memref<128x128xf32, #tpu.memory_space<hbm>>)
        tpu.yield
      }) : () -> ()
      %add3A_32 = arith.constant 256 : i32
      %add3A_33 = arith.addi %mul3A_7, %add3A_32 : i32
      %add3A_34 = arith.constant 256 : i32
      %add3A_35 = arith.addi %mul3A_7, %add3A_34 : i32
      "tpu.region"() ({
        %run_scoped3A = tpu.sem_alloc : memref<!tpu.dma_semaphore, #tpu.memory_space<semaphore_mem>>
        %dma_start3A = arith.constant 0 : i32
        %dma_start3A_44 = tpu.memref_slice %arg8[%add3A_35, %dma_start3A] : memref<10240x128xf32, #tpu.memory_space<hbm>> -> memref<128x128xf32, #tpu.memory_space<hbm>>
        %dma_start3A_45 = arith.constant 0 : i32
        %dma_start3A_46 = tpu.memref_slice %arg13[%add3A_33, %dma_start3A_45] : memref<10240x128xf32, #tpu.memory_space<vmem_shared>> -> memref<128x128xf32, #tpu.memory_space<vmem_shared>>
        tpu.enqueue_dma source(%dma_start3A_46 : memref<128x128xf32, #tpu.memory_space<vmem_shared>>) target(%dma_start3A_44 : memref<128x128xf32, #tpu.memory_space<hbm>>) target_semaphore(%run_scoped3A : memref<!tpu.dma_semaphore, #tpu.memory_space<semaphore_mem>>)
        %dma_wait3A = arith.constant 0 : i32
        %dma_wait3A_47 = tpu.memref_slice %arg8[%add3A_35, %dma_wait3A] : memref<10240x128xf32, #tpu.memory_space<hbm>> -> memref<128x128xf32, #tpu.memory_space<hbm>>
        %dma_wait3A_48 = arith.constant 0 : i32
        %dma_wait3A_49 = tpu.memref_slice %arg13[%add3A_33, %dma_wait3A_48] : memref<10240x128xf32, #tpu.memory_space<vmem_shared>> -> memref<128x128xf32, #tpu.memory_space<vmem_shared>>
        tpu.wait_dma2 semaphore(%run_scoped3A : memref<!tpu.dma_semaphore, #tpu.memory_space<semaphore_mem>>) src(%dma_wait3A_49 : memref<128x128xf32, #tpu.memory_space<vmem_shared>>) dst(%dma_wait3A_47 : memref<128x128xf32, #tpu.memory_space<hbm>>)
        tpu.yield
      }) : () -> ()
      %add3A_36 = arith.constant 384 : i32
      %add3A_37 = arith.addi %mul3A_7, %add3A_36 : i32
      %add3A_38 = arith.constant 384 : i32
      %add3A_39 = arith.addi %mul3A_7, %add3A_38 : i32
      "tpu.region"() ({
        %run_scoped3A = tpu.sem_alloc : memref<!tpu.dma_semaphore, #tpu.memory_space<semaphore_mem>>
        %dma_start3A = arith.constant 0 : i32
        %dma_start3A_44 = tpu.memref_slice %arg8[%add3A_39, %dma_start3A] : memref<10240x128xf32, #tpu.memory_space<hbm>> -> memref<128x128xf32, #tpu.memory_space<hbm>>
        %dma_start3A_45 = arith.constant 0 : i32
        %dma_start3A_46 = tpu.memref_slice %arg13[%add3A_37, %dma_start3A_45] : memref<10240x128xf32, #tpu.memory_space<vmem_shared>> -> memref<128x128xf32, #tpu.memory_space<vmem_shared>>
        tpu.enqueue_dma source(%dma_start3A_46 : memref<128x128xf32, #tpu.memory_space<vmem_shared>>) target(%dma_start3A_44 : memref<128x128xf32, #tpu.memory_space<hbm>>) target_semaphore(%run_scoped3A : memref<!tpu.dma_semaphore, #tpu.memory_space<semaphore_mem>>)
        %dma_wait3A = arith.constant 0 : i32
        %dma_wait3A_47 = tpu.memref_slice %arg8[%add3A_39, %dma_wait3A] : memref<10240x128xf32, #tpu.memory_space<hbm>> -> memref<128x128xf32, #tpu.memory_space<hbm>>
        %dma_wait3A_48 = arith.constant 0 : i32
        %dma_wait3A_49 = tpu.memref_slice %arg13[%add3A_37, %dma_wait3A_48] : memref<10240x128xf32, #tpu.memory_space<vmem_shared>> -> memref<128x128xf32, #tpu.memory_space<vmem_shared>>
        tpu.wait_dma2 semaphore(%run_scoped3A : memref<!tpu.dma_semaphore, #tpu.memory_space<semaphore_mem>>) src(%dma_wait3A_49 : memref<128x128xf32, #tpu.memory_space<vmem_shared>>) dst(%dma_wait3A_47 : memref<128x128xf32, #tpu.memory_space<hbm>>)
        tpu.yield
      }) : () -> ()
      %add3A_40 = arith.constant 512 : i32
      %add3A_41 = arith.addi %mul3A_7, %add3A_40 : i32
      %add3A_42 = arith.constant 512 : i32
      %add3A_43 = arith.addi %mul3A_7, %add3A_42 : i32
      "tpu.region"() ({
        %run_scoped3A = tpu.sem_alloc : memref<!tpu.dma_semaphore, #tpu.memory_space<semaphore_mem>>
        %dma_start3A = arith.constant 0 : i32
        %dma_start3A_44 = tpu.memref_slice %arg8[%add3A_43, %dma_start3A] : memref<10240x128xf32, #tpu.memory_space<hbm>> -> memref<128x128xf32, #tpu.memory_space<hbm>>
        %dma_start3A_45 = arith.constant 0 : i32
        %dma_start3A_46 = tpu.memref_slice %arg13[%add3A_41, %dma_start3A_45] : memref<10240x128xf32, #tpu.memory_space<vmem_shared>> -> memref<128x128xf32, #tpu.memory_space<vmem_shared>>
        tpu.enqueue_dma source(%dma_start3A_46 : memref<128x128xf32, #tpu.memory_space<vmem_shared>>) target(%dma_start3A_44 : memref<128x128xf32, #tpu.memory_space<hbm>>) target_semaphore(%run_scoped3A : memref<!tpu.dma_semaphore, #tpu.memory_space<semaphore_mem>>)
        %dma_wait3A = arith.constant 0 : i32
        %dma_wait3A_47 = tpu.memref_slice %arg8[%add3A_43, %dma_wait3A] : memref<10240x128xf32, #tpu.memory_space<hbm>> -> memref<128x128xf32, #tpu.memory_space<hbm>>
        %dma_wait3A_48 = arith.constant 0 : i32
        %dma_wait3A_49 = tpu.memref_slice %arg13[%add3A_41, %dma_wait3A_48] : memref<10240x128xf32, #tpu.memory_space<vmem_shared>> -> memref<128x128xf32, #tpu.memory_space<vmem_shared>>
        tpu.wait_dma2 semaphore(%run_scoped3A : memref<!tpu.dma_semaphore, #tpu.memory_space<semaphore_mem>>) src(%dma_wait3A_49 : memref<128x128xf32, #tpu.memory_space<vmem_shared>>) dst(%dma_wait3A_47 : memref<128x128xf32, #tpu.memory_space<hbm>>)
        tpu.yield
      }) : () -> ()
    } else {
    }
    return
  }
}

#map = affine_map<(d0, d1) -> (0, 0)>
module attributes {stable_mosaic.version = 14 : i64} {
  func.func @_sc_edge_pass(%arg0: i32, %arg1: i32, %arg2: memref<2560x128xi32, #tpu.memory_space<hbm>>, %arg3: memref<2560x128xi32, #tpu.memory_space<hbm>>, %arg4: memref<10000x128xf32, #tpu.memory_space<hbm>>, %arg5: memref<10000x128xf32, #tpu.memory_space<hbm>>, %arg6: memref<128x128xf32, #tpu.memory_space<hbm>>, %arg7: memref<10240x128xf32, #tpu.memory_space<hbm>>, %arg8: memref<10240x128xf32, #tpu.memory_space<hbm>>, %arg9: memref<16x128xi32, #tpu.memory_space<vmem>>, %arg10: memref<16x128xi32, #tpu.memory_space<vmem>>, %arg11: memref<128x128xf32, #tpu.memory_space<vmem>>, %arg12: memref<128x128xf32, #tpu.memory_space<vmem>>, %arg13: memref<10240x128xf32, #tpu.memory_space<vmem_shared>>, %arg14: memref<!tpu.dma_semaphore, #tpu.memory_space<semaphore_mem>>, %arg15: memref<!tpu.dma_semaphore, #tpu.memory_space<semaphore_mem>>) attributes {dimension_semantics = [#tpu.dimension_semantics<core_parallel>, #tpu.dimension_semantics<subcore_parallel>], iteration_bounds = array<i64: 2, 16>, scalar_prefetch = 0 : i64, scratch_operands = 7 : i64, tpu.core_type = #tpu.core_type<sc_vector_subcore>, window_params = [{transform_indices = #map}, {transform_indices = #map}, {transform_indices = #map}, {transform_indices = #map}, {transform_indices = #map}, {transform_indices = #map}, {transform_indices = #map}]} {
    %eq3A = arith.constant 0 : i32
    %eq3A_0 = arith.cmpi eq, %arg0, %eq3A : i32
    %convert_element_type3A = arith.extui %eq3A_0 : i1 to i32
    %cond3A = arith.constant 0 : i32
    %cond3A_1 = arith.cmpi ne, %convert_element_type3A, %cond3A : i32
    scf.if %cond3A_1 {
      %mul3A = arith.constant 640 : i32
      %mul3A_7 = arith.muli %arg1, %mul3A : i32
      %mul3A_8 = arith.constant 160 : i32
      %mul3A_9 = arith.muli %arg1, %mul3A_8 : i32
      %add3A = arith.constant 0 : i32
      %add3A_10 = arith.addi %mul3A_7, %add3A : i32
      "tpu.region"() ({
        %run_scoped3A = tpu.sem_alloc : memref<!tpu.dma_semaphore, #tpu.memory_space<semaphore_mem>>
        %dma_start3A = arith.constant 0 : i32
        %dma_start3A_44 = tpu.memref_slice %arg13[%add3A_10, %dma_start3A] : memref<10240x128xf32, #tpu.memory_space<vmem_shared>> -> memref<128x128xf32, #tpu.memory_space<vmem_shared>>
        tpu.enqueue_dma source(%arg6 : memref<128x128xf32, #tpu.memory_space<hbm>>) target(%dma_start3A_44 : memref<128x128xf32, #tpu.memory_space<vmem_shared>>) target_semaphore(%run_scoped3A : memref<!tpu.dma_semaphore, #tpu.memory_space<semaphore_mem>>)
        %dma_wait3A = arith.constant 0 : i32
        %dma_wait3A_45 = tpu.memref_slice %arg13[%add3A_10, %dma_wait3A] : memref<10240x128xf32, #tpu.memory_space<vmem_shared>> -> memref<128x128xf32, #tpu.memory_space<vmem_shared>>
        tpu.wait_dma2 semaphore(%run_scoped3A : memref<!tpu.dma_semaphore, #tpu.memory_space<semaphore_mem>>) src(%arg6 : memref<128x128xf32, #tpu.memory_space<hbm>>) dst(%dma_wait3A_45 : memref<128x128xf32, #tpu.memory_space<vmem_shared>>)
        tpu.yield
      }) : () -> ()
      %add3A_11 = arith.constant 128 : i32
      %add3A_12 = arith.addi %mul3A_7, %add3A_11 : i32
      "tpu.region"() ({
        %run_scoped3A = tpu.sem_alloc : memref<!tpu.dma_semaphore, #tpu.memory_space<semaphore_mem>>
        %dma_start3A = arith.constant 0 : i32
        %dma_start3A_44 = tpu.memref_slice %arg13[%add3A_12, %dma_start3A] : memref<10240x128xf32, #tpu.memory_space<vmem_shared>> -> memref<128x128xf32, #tpu.memory_space<vmem_shared>>
        tpu.enqueue_dma source(%arg6 : memref<128x128xf32, #tpu.memory_space<hbm>>) target(%dma_start3A_44 : memref<128x128xf32, #tpu.memory_space<vmem_shared>>) target_semaphore(%run_scoped3A : memref<!tpu.dma_semaphore, #tpu.memory_space<semaphore_mem>>)
        %dma_wait3A = arith.constant 0 : i32
        %dma_wait3A_45 = tpu.memref_slice %arg13[%add3A_12, %dma_wait3A] : memref<10240x128xf32, #tpu.memory_space<vmem_shared>> -> memref<128x128xf32, #tpu.memory_space<vmem_shared>>
        tpu.wait_dma2 semaphore(%run_scoped3A : memref<!tpu.dma_semaphore, #tpu.memory_space<semaphore_mem>>) src(%arg6 : memref<128x128xf32, #tpu.memory_space<hbm>>) dst(%dma_wait3A_45 : memref<128x128xf32, #tpu.memory_space<vmem_shared>>)
        tpu.yield
      }) : () -> ()
      %add3A_13 = arith.constant 256 : i32
      %add3A_14 = arith.addi %mul3A_7, %add3A_13 : i32
      "tpu.region"() ({
        %run_scoped3A = tpu.sem_alloc : memref<!tpu.dma_semaphore, #tpu.memory_space<semaphore_mem>>
        %dma_start3A = arith.constant 0 : i32
        %dma_start3A_44 = tpu.memref_slice %arg13[%add3A_14, %dma_start3A] : memref<10240x128xf32, #tpu.memory_space<vmem_shared>> -> memref<128x128xf32, #tpu.memory_space<vmem_shared>>
        tpu.enqueue_dma source(%arg6 : memref<128x128xf32, #tpu.memory_space<hbm>>) target(%dma_start3A_44 : memref<128x128xf32, #tpu.memory_space<vmem_shared>>) target_semaphore(%run_scoped3A : memref<!tpu.dma_semaphore, #tpu.memory_space<semaphore_mem>>)
        %dma_wait3A = arith.constant 0 : i32
        %dma_wait3A_45 = tpu.memref_slice %arg13[%add3A_14, %dma_wait3A] : memref<10240x128xf32, #tpu.memory_space<vmem_shared>> -> memref<128x128xf32, #tpu.memory_space<vmem_shared>>
        tpu.wait_dma2 semaphore(%run_scoped3A : memref<!tpu.dma_semaphore, #tpu.memory_space<semaphore_mem>>) src(%arg6 : memref<128x128xf32, #tpu.memory_space<hbm>>) dst(%dma_wait3A_45 : memref<128x128xf32, #tpu.memory_space<vmem_shared>>)
        tpu.yield
      }) : () -> ()
      %add3A_15 = arith.constant 384 : i32
      %add3A_16 = arith.addi %mul3A_7, %add3A_15 : i32
      "tpu.region"() ({
        %run_scoped3A = tpu.sem_alloc : memref<!tpu.dma_semaphore, #tpu.memory_space<semaphore_mem>>
        %dma_start3A = arith.constant 0 : i32
        %dma_start3A_44 = tpu.memref_slice %arg13[%add3A_16, %dma_start3A] : memref<10240x128xf32, #tpu.memory_space<vmem_shared>> -> memref<128x128xf32, #tpu.memory_space<vmem_shared>>
        tpu.enqueue_dma source(%arg6 : memref<128x128xf32, #tpu.memory_space<hbm>>) target(%dma_start3A_44 : memref<128x128xf32, #tpu.memory_space<vmem_shared>>) target_semaphore(%run_scoped3A : memref<!tpu.dma_semaphore, #tpu.memory_space<semaphore_mem>>)
        %dma_wait3A = arith.constant 0 : i32
        %dma_wait3A_45 = tpu.memref_slice %arg13[%add3A_16, %dma_wait3A] : memref<10240x128xf32, #tpu.memory_space<vmem_shared>> -> memref<128x128xf32, #tpu.memory_space<vmem_shared>>
        tpu.wait_dma2 semaphore(%run_scoped3A : memref<!tpu.dma_semaphore, #tpu.memory_space<semaphore_mem>>) src(%arg6 : memref<128x128xf32, #tpu.memory_space<hbm>>) dst(%dma_wait3A_45 : memref<128x128xf32, #tpu.memory_space<vmem_shared>>)
        tpu.yield
      }) : () -> ()
      %add3A_17 = arith.constant 512 : i32
      %add3A_18 = arith.addi %mul3A_7, %add3A_17 : i32
      "tpu.region"() ({
        %run_scoped3A = tpu.sem_alloc : memref<!tpu.dma_semaphore, #tpu.memory_space<semaphore_mem>>
        %dma_start3A = arith.constant 0 : i32
        %dma_start3A_44 = tpu.memref_slice %arg13[%add3A_18, %dma_start3A] : memref<10240x128xf32, #tpu.memory_space<vmem_shared>> -> memref<128x128xf32, #tpu.memory_space<vmem_shared>>
        tpu.enqueue_dma source(%arg6 : memref<128x128xf32, #tpu.memory_space<hbm>>) target(%dma_start3A_44 : memref<128x128xf32, #tpu.memory_space<vmem_shared>>) target_semaphore(%run_scoped3A : memref<!tpu.dma_semaphore, #tpu.memory_space<semaphore_mem>>)
        %dma_wait3A = arith.constant 0 : i32
        %dma_wait3A_45 = tpu.memref_slice %arg13[%add3A_18, %dma_wait3A] : memref<10240x128xf32, #tpu.memory_space<vmem_shared>> -> memref<128x128xf32, #tpu.memory_space<vmem_shared>>
        tpu.wait_dma2 semaphore(%run_scoped3A : memref<!tpu.dma_semaphore, #tpu.memory_space<semaphore_mem>>) src(%arg6 : memref<128x128xf32, #tpu.memory_space<hbm>>) dst(%dma_wait3A_45 : memref<128x128xf32, #tpu.memory_space<vmem_shared>>)
        tpu.yield
      }) : () -> ()
      %barrier3A = arith.constant 0 : index
      tpu.barrier barrier_id(%barrier3A)
      %scan3A = arith.constant 0 : i32
      %scan3A_19 = arith.constant 10 : i32
      %scan3A_20 = arith.addi %scan3A, %scan3A_19 : i32
      %scan3A_21 = arith.constant 1 : i32
      scf.for %scan3A_44 = %scan3A to %scan3A_20 step %scan3A_21  : i32 {
        %mul3A_45 = arith.constant 16 : i32
        %mul3A_46 = arith.muli %scan3A_44, %mul3A_45 : i32
        %add3A_47 = arith.addi %mul3A_9, %mul3A_46 : i32
        "tpu.region"() ({
          %run_scoped3A = tpu.sem_alloc : memref<!tpu.dma_semaphore, #tpu.memory_space<semaphore_mem>>
          %dma_start3A_62 = arith.constant 0 : i32
          %dma_start3A_63 = tpu.memref_slice %arg2[%add3A_47, %dma_start3A_62] : memref<2560x128xi32, #tpu.memory_space<hbm>> -> memref<16x128xi32, #tpu.memory_space<hbm>>
          %dma_start3A_64 = arith.constant 0 : i32
          %dma_start3A_65 = tpu.memref_slice %arg2[%add3A_47, %dma_start3A_64] : memref<2560x128xi32, #tpu.memory_space<hbm>> -> memref<16x128xi32, #tpu.memory_space<hbm>>
          tpu.enqueue_dma source(%dma_start3A_65 : memref<16x128xi32, #tpu.memory_space<hbm>>) target(%arg9 : memref<16x128xi32, #tpu.memory_space<vmem>>) target_semaphore(%run_scoped3A : memref<!tpu.dma_semaphore, #tpu.memory_space<semaphore_mem>>)
          %dma_wait3A = arith.constant 0 : i32
          %dma_wait3A_66 = tpu.memref_slice %arg2[%add3A_47, %dma_wait3A] : memref<2560x128xi32, #tpu.memory_space<hbm>> -> memref<16x128xi32, #tpu.memory_space<hbm>>
          %dma_wait3A_67 = arith.constant 0 : i32
          %dma_wait3A_68 = tpu.memref_slice %arg2[%add3A_47, %dma_wait3A_67] : memref<2560x128xi32, #tpu.memory_space<hbm>> -> memref<16x128xi32, #tpu.memory_space<hbm>>
          tpu.wait_dma2 semaphore(%run_scoped3A : memref<!tpu.dma_semaphore, #tpu.memory_space<semaphore_mem>>) src(%dma_wait3A_68 : memref<16x128xi32, #tpu.memory_space<hbm>>) dst(%arg9 : memref<16x128xi32, #tpu.memory_space<vmem>>)
          tpu.yield
        }) : () -> ()
        %mul3A_48 = arith.constant 16 : i32
        %mul3A_49 = arith.muli %scan3A_44, %mul3A_48 : i32
        %add3A_50 = arith.addi %mul3A_9, %mul3A_49 : i32
        "tpu.region"() ({
          %run_scoped3A = tpu.sem_alloc : memref<!tpu.dma_semaphore, #tpu.memory_space<semaphore_mem>>
          %dma_start3A_62 = arith.constant 0 : i32
          %dma_start3A_63 = tpu.memref_slice %arg3[%add3A_50, %dma_start3A_62] : memref<2560x128xi32, #tpu.memory_space<hbm>> -> memref<16x128xi32, #tpu.memory_space<hbm>>
          %dma_start3A_64 = arith.constant 0 : i32
          %dma_start3A_65 = tpu.memref_slice %arg3[%add3A_50, %dma_start3A_64] : memref<2560x128xi32, #tpu.memory_space<hbm>> -> memref<16x128xi32, #tpu.memory_space<hbm>>
          tpu.enqueue_dma source(%dma_start3A_65 : memref<16x128xi32, #tpu.memory_space<hbm>>) target(%arg10 : memref<16x128xi32, #tpu.memory_space<vmem>>) target_semaphore(%run_scoped3A : memref<!tpu.dma_semaphore, #tpu.memory_space<semaphore_mem>>)
          %dma_wait3A = arith.constant 0 : i32
          %dma_wait3A_66 = tpu.memref_slice %arg3[%add3A_50, %dma_wait3A] : memref<2560x128xi32, #tpu.memory_space<hbm>> -> memref<16x128xi32, #tpu.memory_space<hbm>>
          %dma_wait3A_67 = arith.constant 0 : i32
          %dma_wait3A_68 = tpu.memref_slice %arg3[%add3A_50, %dma_wait3A_67] : memref<2560x128xi32, #tpu.memory_space<hbm>> -> memref<16x128xi32, #tpu.memory_space<hbm>>
          tpu.wait_dma2 semaphore(%run_scoped3A : memref<!tpu.dma_semaphore, #tpu.memory_space<semaphore_mem>>) src(%dma_wait3A_68 : memref<16x128xi32, #tpu.memory_space<hbm>>) dst(%arg10 : memref<16x128xi32, #tpu.memory_space<vmem>>)
          tpu.yield
        }) : () -> ()
        %dma_start3A = arith.constant 0 : i32
        %dma_start3A_51 = arith.constant 0 : i32
        %dma_start3A_52 = tpu.memref_slice %arg9[%dma_start3A, %dma_start3A_51] : memref<16x128xi32, #tpu.memory_space<vmem>> -> memref<1x128xi32, #tpu.memory_space<vmem>>
        %dma_start3A_53 = tpu.memref_squeeze %dma_start3A_52 : memref<1x128xi32, #tpu.memory_space<vmem>> -> memref<128xi32, #tpu.memory_space<vmem>>
        %dma_start3A_54 = arith.constant 0 : i32
        %dma_start3A_55 = arith.constant 0 : i32
        %dma_start3A_56 = tpu.memref_slice %arg4[%dma_start3A_54, %dma_start3A_55] : memref<10000x128xf32, #tpu.memory_space<hbm>> -> memref<10000x128xf32, #tpu.memory_space<hbm>>
        tpu.enqueue_indirect_dma source(%dma_start3A_56 : memref<10000x128xf32, #tpu.memory_space<hbm>>) target(%arg11 : memref<128x128xf32, #tpu.memory_space<vmem>>) offsets(%dma_start3A_53 : memref<128xi32, #tpu.memory_space<vmem>>) semaphore(%arg14 : memref<!tpu.dma_semaphore, #tpu.memory_space<semaphore_mem>>)
        %scan3A_57 = arith.constant 0 : i32
        %scan3A_58 = arith.constant 8 : i32
        %scan3A_59 = arith.addi %scan3A_57, %scan3A_58 : i32
        %scan3A_60 = arith.constant 1 : i32
        scf.for %scan3A_62 = %scan3A_57 to %scan3A_59 step %scan3A_60  : i32 {
          %mul3A_63 = arith.constant 2 : i32
          %mul3A_64 = arith.muli %mul3A_63, %scan3A_62 : i32
          %add3A_65 = arith.constant 1 : i32
          %add3A_66 = arith.addi %mul3A_64, %add3A_65 : i32
          %dma_start3A_67 = arith.constant 0 : i32
          %dma_start3A_68 = tpu.memref_slice %arg9[%add3A_66, %dma_start3A_67] : memref<16x128xi32, #tpu.memory_space<vmem>> -> memref<1x128xi32, #tpu.memory_space<vmem>>
          %dma_start3A_69 = tpu.memref_squeeze %dma_start3A_68 : memref<1x128xi32, #tpu.memory_space<vmem>> -> memref<128xi32, #tpu.memory_space<vmem>>
          %dma_start3A_70 = arith.constant 0 : i32
          %dma_start3A_71 = arith.constant 0 : i32
          %dma_start3A_72 = tpu.memref_slice %arg4[%dma_start3A_70, %dma_start3A_71] : memref<10000x128xf32, #tpu.memory_space<hbm>> -> memref<10000x128xf32, #tpu.memory_space<hbm>>
          tpu.enqueue_indirect_dma source(%dma_start3A_72 : memref<10000x128xf32, #tpu.memory_space<hbm>>) target(%arg12 : memref<128x128xf32, #tpu.memory_space<vmem>>) offsets(%dma_start3A_69 : memref<128xi32, #tpu.memory_space<vmem>>) semaphore(%arg15 : memref<!tpu.dma_semaphore, #tpu.memory_space<semaphore_mem>>)
          %dma_wait3A = arith.constant 0 : i32
          %dma_wait3A_73 = tpu.memref_slice %arg9[%mul3A_64, %dma_wait3A] : memref<16x128xi32, #tpu.memory_space<vmem>> -> memref<1x128xi32, #tpu.memory_space<vmem>>
          %dma_wait3A_74 = tpu.memref_squeeze %dma_wait3A_73 : memref<1x128xi32, #tpu.memory_space<vmem>> -> memref<128xi32, #tpu.memory_space<vmem>>
          %dma_wait3A_75 = arith.constant 0 : i32
          %dma_wait3A_76 = arith.constant 0 : i32
          %dma_wait3A_77 = tpu.memref_slice %arg4[%dma_wait3A_75, %dma_wait3A_76] : memref<10000x128xf32, #tpu.memory_space<hbm>> -> memref<10000x128xf32, #tpu.memory_space<hbm>>
          tpu.wait_indirect_dma semaphore(%arg14 : memref<!tpu.dma_semaphore, #tpu.memory_space<semaphore_mem>>) src(%dma_wait3A_77 : memref<10000x128xf32, #tpu.memory_space<hbm>>) dst(%arg11 : memref<128x128xf32, #tpu.memory_space<vmem>>)
          "tpu.region"() ({
            %run_scoped3A = tpu.sem_alloc : memref<!tpu.dma_semaphore, #tpu.memory_space<semaphore_mem>>
            %dma_start3A_90 = arith.constant 0 : i32
            %dma_start3A_91 = tpu.memref_slice %arg10[%mul3A_64, %dma_start3A_90] : memref<16x128xi32, #tpu.memory_space<vmem>> -> memref<1x128xi32, #tpu.memory_space<vmem>>
            %dma_start3A_92 = tpu.memref_squeeze %dma_start3A_91 : memref<1x128xi32, #tpu.memory_space<vmem>> -> memref<128xi32, #tpu.memory_space<vmem>>
            %dma_start3A_93 = arith.constant 0 : i32
            %dma_start3A_94 = arith.constant 0 : i32
            %dma_start3A_95 = tpu.memref_slice %arg13[%dma_start3A_93, %dma_start3A_94] : memref<10240x128xf32, #tpu.memory_space<vmem_shared>> -> memref<10240x128xf32, #tpu.memory_space<vmem_shared>>
            tpu.enqueue_indirect_dma source(%arg11 : memref<128x128xf32, #tpu.memory_space<vmem>>) target(%dma_start3A_95 : memref<10240x128xf32, #tpu.memory_space<vmem_shared>>) offsets(%dma_start3A_92 : memref<128xi32, #tpu.memory_space<vmem>>) semaphore(%run_scoped3A : memref<!tpu.dma_semaphore, #tpu.memory_space<semaphore_mem>>) {add = true}
            %dma_wait3A_96 = arith.constant 0 : i32
            %dma_wait3A_97 = tpu.memref_slice %arg10[%mul3A_64, %dma_wait3A_96] : memref<16x128xi32, #tpu.memory_space<vmem>> -> memref<1x128xi32, #tpu.memory_space<vmem>>
            %dma_wait3A_98 = tpu.memref_squeeze %dma_wait3A_97 : memref<1x128xi32, #tpu.memory_space<vmem>> -> memref<128xi32, #tpu.memory_space<vmem>>
            %dma_wait3A_99 = arith.constant 0 : i32
            %dma_wait3A_100 = arith.constant 0 : i32
            %dma_wait3A_101 = tpu.memref_slice %arg13[%dma_wait3A_99, %dma_wait3A_100] : memref<10240x128xf32, #tpu.memory_space<vmem_shared>> -> memref<10240x128xf32, #tpu.memory_space<vmem_shared>>
            tpu.wait_indirect_dma semaphore(%run_scoped3A : memref<!tpu.dma_semaphore, #tpu.memory_space<semaphore_mem>>) src(%arg11 : memref<128x128xf32, #tpu.memory_space<vmem>>) dst(%dma_wait3A_101 : memref<10240x128xf32, #tpu.memory_space<vmem_shared>>)
            tpu.yield
          }) : () -> ()
          %add3A_78 = arith.constant 2 : i32
          %add3A_79 = arith.addi %mul3A_64, %add3A_78 : i32
          %lt3A = arith.constant 16 : i32
          %lt3A_80 = arith.cmpi slt, %add3A_79, %lt3A : i32
          %convert_element_type3A_81 = arith.extui %lt3A_80 : i1 to i32
          %cond3A_82 = arith.constant 0 : i32
          %cond3A_83 = arith.cmpi ne, %convert_element_type3A_81, %cond3A_82 : i32
          scf.if %cond3A_83 {
            %add3A_90 = arith.constant 2 : i32
            %add3A_91 = arith.addi %mul3A_64, %add3A_90 : i32
            %dma_start3A_92 = arith.constant 0 : i32
            %dma_start3A_93 = tpu.memref_slice %arg9[%add3A_91, %dma_start3A_92] : memref<16x128xi32, #tpu.memory_space<vmem>> -> memref<1x128xi32, #tpu.memory_space<vmem>>
            %dma_start3A_94 = tpu.memref_squeeze %dma_start3A_93 : memref<1x128xi32, #tpu.memory_space<vmem>> -> memref<128xi32, #tpu.memory_space<vmem>>
            %dma_start3A_95 = arith.constant 0 : i32
            %dma_start3A_96 = arith.constant 0 : i32
            %dma_start3A_97 = tpu.memref_slice %arg4[%dma_start3A_95, %dma_start3A_96] : memref<10000x128xf32, #tpu.memory_space<hbm>> -> memref<10000x128xf32, #tpu.memory_space<hbm>>
            tpu.enqueue_indirect_dma source(%dma_start3A_97 : memref<10000x128xf32, #tpu.memory_space<hbm>>) target(%arg11 : memref<128x128xf32, #tpu.memory_space<vmem>>) offsets(%dma_start3A_94 : memref<128xi32, #tpu.memory_space<vmem>>) semaphore(%arg14 : memref<!tpu.dma_semaphore, #tpu.memory_space<semaphore_mem>>)
          } else {
          }
          %dma_wait3A_84 = arith.constant 0 : i32
          %dma_wait3A_85 = tpu.memref_slice %arg9[%add3A_66, %dma_wait3A_84] : memref<16x128xi32, #tpu.memory_space<vmem>> -> memref<1x128xi32, #tpu.memory_space<vmem>>
          %dma_wait3A_86 = tpu.memref_squeeze %dma_wait3A_85 : memref<1x128xi32, #tpu.memory_space<vmem>> -> memref<128xi32, #tpu.memory_space<vmem>>
          %dma_wait3A_87 = arith.constant 0 : i32
          %dma_wait3A_88 = arith.constant 0 : i32
          %dma_wait3A_89 = tpu.memref_slice %arg4[%dma_wait3A_87, %dma_wait3A_88] : memref<10000x128xf32, #tpu.memory_space<hbm>> -> memref<10000x128xf32, #tpu.memory_space<hbm>>
          tpu.wait_indirect_dma semaphore(%arg15 : memref<!tpu.dma_semaphore, #tpu.memory_space<semaphore_mem>>) src(%dma_wait3A_89 : memref<10000x128xf32, #tpu.memory_space<hbm>>) dst(%arg12 : memref<128x128xf32, #tpu.memory_space<vmem>>)
          "tpu.region"() ({
            %run_scoped3A = tpu.sem_alloc : memref<!tpu.dma_semaphore, #tpu.memory_space<semaphore_mem>>
            %dma_start3A_90 = arith.constant 0 : i32
            %dma_start3A_91 = tpu.memref_slice %arg10[%add3A_66, %dma_start3A_90] : memref<16x128xi32, #tpu.memory_space<vmem>> -> memref<1x128xi32, #tpu.memory_space<vmem>>
            %dma_start3A_92 = tpu.memref_squeeze %dma_start3A_91 : memref<1x128xi32, #tpu.memory_space<vmem>> -> memref<128xi32, #tpu.memory_space<vmem>>
            %dma_start3A_93 = arith.constant 0 : i32
            %dma_start3A_94 = arith.constant 0 : i32
            %dma_start3A_95 = tpu.memref_slice %arg13[%dma_start3A_93, %dma_start3A_94] : memref<10240x128xf32, #tpu.memory_space<vmem_shared>> -> memref<10240x128xf32, #tpu.memory_space<vmem_shared>>
            tpu.enqueue_indirect_dma source(%arg12 : memref<128x128xf32, #tpu.memory_space<vmem>>) target(%dma_start3A_95 : memref<10240x128xf32, #tpu.memory_space<vmem_shared>>) offsets(%dma_start3A_92 : memref<128xi32, #tpu.memory_space<vmem>>) semaphore(%run_scoped3A : memref<!tpu.dma_semaphore, #tpu.memory_space<semaphore_mem>>) {add = true}
            %dma_wait3A_96 = arith.constant 0 : i32
            %dma_wait3A_97 = tpu.memref_slice %arg10[%add3A_66, %dma_wait3A_96] : memref<16x128xi32, #tpu.memory_space<vmem>> -> memref<1x128xi32, #tpu.memory_space<vmem>>
            %dma_wait3A_98 = tpu.memref_squeeze %dma_wait3A_97 : memref<1x128xi32, #tpu.memory_space<vmem>> -> memref<128xi32, #tpu.memory_space<vmem>>
            %dma_wait3A_99 = arith.constant 0 : i32
            %dma_wait3A_100 = arith.constant 0 : i32
            %dma_wait3A_101 = tpu.memref_slice %arg13[%dma_wait3A_99, %dma_wait3A_100] : memref<10240x128xf32, #tpu.memory_space<vmem_shared>> -> memref<10240x128xf32, #tpu.memory_space<vmem_shared>>
            tpu.wait_indirect_dma semaphore(%run_scoped3A : memref<!tpu.dma_semaphore, #tpu.memory_space<semaphore_mem>>) src(%arg12 : memref<128x128xf32, #tpu.memory_space<vmem>>) dst(%dma_wait3A_101 : memref<10240x128xf32, #tpu.memory_space<vmem_shared>>)
            tpu.yield
          }) : () -> ()
        }
        %scan3A_61 = arith.constant 8 : i32
      }
      %scan3A_22 = arith.constant 10 : i32
      %barrier3A_23 = arith.constant 0 : index
      tpu.barrier barrier_id(%barrier3A_23)
      %add3A_24 = arith.constant 0 : i32
      %add3A_25 = arith.addi %mul3A_7, %add3A_24 : i32
      %add3A_26 = arith.constant 0 : i32
      %add3A_27 = arith.addi %mul3A_7, %add3A_26 : i32
      "tpu.region"() ({
        %run_scoped3A = tpu.sem_alloc : memref<!tpu.dma_semaphore, #tpu.memory_space<semaphore_mem>>
        %dma_start3A = arith.constant 0 : i32
        %dma_start3A_44 = tpu.memref_slice %arg7[%add3A_27, %dma_start3A] : memref<10240x128xf32, #tpu.memory_space<hbm>> -> memref<128x128xf32, #tpu.memory_space<hbm>>
        %dma_start3A_45 = arith.constant 0 : i32
        %dma_start3A_46 = tpu.memref_slice %arg13[%add3A_25, %dma_start3A_45] : memref<10240x128xf32, #tpu.memory_space<vmem_shared>> -> memref<128x128xf32, #tpu.memory_space<vmem_shared>>
        tpu.enqueue_dma source(%dma_start3A_46 : memref<128x128xf32, #tpu.memory_space<vmem_shared>>) target(%dma_start3A_44 : memref<128x128xf32, #tpu.memory_space<hbm>>) target_semaphore(%run_scoped3A : memref<!tpu.dma_semaphore, #tpu.memory_space<semaphore_mem>>)
        %dma_wait3A = arith.constant 0 : i32
        %dma_wait3A_47 = tpu.memref_slice %arg7[%add3A_27, %dma_wait3A] : memref<10240x128xf32, #tpu.memory_space<hbm>> -> memref<128x128xf32, #tpu.memory_space<hbm>>
        %dma_wait3A_48 = arith.constant 0 : i32
        %dma_wait3A_49 = tpu.memref_slice %arg13[%add3A_25, %dma_wait3A_48] : memref<10240x128xf32, #tpu.memory_space<vmem_shared>> -> memref<128x128xf32, #tpu.memory_space<vmem_shared>>
        tpu.wait_dma2 semaphore(%run_scoped3A : memref<!tpu.dma_semaphore, #tpu.memory_space<semaphore_mem>>) src(%dma_wait3A_49 : memref<128x128xf32, #tpu.memory_space<vmem_shared>>) dst(%dma_wait3A_47 : memref<128x128xf32, #tpu.memory_space<hbm>>)
        tpu.yield
      }) : () -> ()
      %add3A_28 = arith.constant 128 : i32
      %add3A_29 = arith.addi %mul3A_7, %add3A_28 : i32
      %add3A_30 = arith.constant 128 : i32
      %add3A_31 = arith.addi %mul3A_7, %add3A_30 : i32
      "tpu.region"() ({
        %run_scoped3A = tpu.sem_alloc : memref<!tpu.dma_semaphore, #tpu.memory_space<semaphore_mem>>
        %dma_start3A = arith.constant 0 : i32
        %dma_start3A_44 = tpu.memref_slice %arg7[%add3A_31, %dma_start3A] : memref<10240x128xf32, #tpu.memory_space<hbm>> -> memref<128x128xf32, #tpu.memory_space<hbm>>
        %dma_start3A_45 = arith.constant 0 : i32
        %dma_start3A_46 = tpu.memref_slice %arg13[%add3A_29, %dma_start3A_45] : memref<10240x128xf32, #tpu.memory_space<vmem_shared>> -> memref<128x128xf32, #tpu.memory_space<vmem_shared>>
        tpu.enqueue_dma source(%dma_start3A_46 : memref<128x128xf32, #tpu.memory_space<vmem_shared>>) target(%dma_start3A_44 : memref<128x128xf32, #tpu.memory_space<hbm>>) target_semaphore(%run_scoped3A : memref<!tpu.dma_semaphore, #tpu.memory_space<semaphore_mem>>)
        %dma_wait3A = arith.constant 0 : i32
        %dma_wait3A_47 = tpu.memref_slice %arg7[%add3A_31, %dma_wait3A] : memref<10240x128xf32, #tpu.memory_space<hbm>> -> memref<128x128xf32, #tpu.memory_space<hbm>>
        %dma_wait3A_48 = arith.constant 0 : i32
        %dma_wait3A_49 = tpu.memref_slice %arg13[%add3A_29, %dma_wait3A_48] : memref<10240x128xf32, #tpu.memory_space<vmem_shared>> -> memref<128x128xf32, #tpu.memory_space<vmem_shared>>
        tpu.wait_dma2 semaphore(%run_scoped3A : memref<!tpu.dma_semaphore, #tpu.memory_space<semaphore_mem>>) src(%dma_wait3A_49 : memref<128x128xf32, #tpu.memory_space<vmem_shared>>) dst(%dma_wait3A_47 : memref<128x128xf32, #tpu.memory_space<hbm>>)
        tpu.yield
      }) : () -> ()
      %add3A_32 = arith.constant 256 : i32
      %add3A_33 = arith.addi %mul3A_7, %add3A_32 : i32
      %add3A_34 = arith.constant 256 : i32
      %add3A_35 = arith.addi %mul3A_7, %add3A_34 : i32
      "tpu.region"() ({
        %run_scoped3A = tpu.sem_alloc : memref<!tpu.dma_semaphore, #tpu.memory_space<semaphore_mem>>
        %dma_start3A = arith.constant 0 : i32
        %dma_start3A_44 = tpu.memref_slice %arg7[%add3A_35, %dma_start3A] : memref<10240x128xf32, #tpu.memory_space<hbm>> -> memref<128x128xf32, #tpu.memory_space<hbm>>
        %dma_start3A_45 = arith.constant 0 : i32
        %dma_start3A_46 = tpu.memref_slice %arg13[%add3A_33, %dma_start3A_45] : memref<10240x128xf32, #tpu.memory_space<vmem_shared>> -> memref<128x128xf32, #tpu.memory_space<vmem_shared>>
        tpu.enqueue_dma source(%dma_start3A_46 : memref<128x128xf32, #tpu.memory_space<vmem_shared>>) target(%dma_start3A_44 : memref<128x128xf32, #tpu.memory_space<hbm>>) target_semaphore(%run_scoped3A : memref<!tpu.dma_semaphore, #tpu.memory_space<semaphore_mem>>)
        %dma_wait3A = arith.constant 0 : i32
        %dma_wait3A_47 = tpu.memref_slice %arg7[%add3A_35, %dma_wait3A] : memref<10240x128xf32, #tpu.memory_space<hbm>> -> memref<128x128xf32, #tpu.memory_space<hbm>>
        %dma_wait3A_48 = arith.constant 0 : i32
        %dma_wait3A_49 = tpu.memref_slice %arg13[%add3A_33, %dma_wait3A_48] : memref<10240x128xf32, #tpu.memory_space<vmem_shared>> -> memref<128x128xf32, #tpu.memory_space<vmem_shared>>
        tpu.wait_dma2 semaphore(%run_scoped3A : memref<!tpu.dma_semaphore, #tpu.memory_space<semaphore_mem>>) src(%dma_wait3A_49 : memref<128x128xf32, #tpu.memory_space<vmem_shared>>) dst(%dma_wait3A_47 : memref<128x128xf32, #tpu.memory_space<hbm>>)
        tpu.yield
      }) : () -> ()
      %add3A_36 = arith.constant 384 : i32
      %add3A_37 = arith.addi %mul3A_7, %add3A_36 : i32
      %add3A_38 = arith.constant 384 : i32
      %add3A_39 = arith.addi %mul3A_7, %add3A_38 : i32
      "tpu.region"() ({
        %run_scoped3A = tpu.sem_alloc : memref<!tpu.dma_semaphore, #tpu.memory_space<semaphore_mem>>
        %dma_start3A = arith.constant 0 : i32
        %dma_start3A_44 = tpu.memref_slice %arg7[%add3A_39, %dma_start3A] : memref<10240x128xf32, #tpu.memory_space<hbm>> -> memref<128x128xf32, #tpu.memory_space<hbm>>
        %dma_start3A_45 = arith.constant 0 : i32
        %dma_start3A_46 = tpu.memref_slice %arg13[%add3A_37, %dma_start3A_45] : memref<10240x128xf32, #tpu.memory_space<vmem_shared>> -> memref<128x128xf32, #tpu.memory_space<vmem_shared>>
        tpu.enqueue_dma source(%dma_start3A_46 : memref<128x128xf32, #tpu.memory_space<vmem_shared>>) target(%dma_start3A_44 : memref<128x128xf32, #tpu.memory_space<hbm>>) target_semaphore(%run_scoped3A : memref<!tpu.dma_semaphore, #tpu.memory_space<semaphore_mem>>)
        %dma_wait3A = arith.constant 0 : i32
        %dma_wait3A_47 = tpu.memref_slice %arg7[%add3A_39, %dma_wait3A] : memref<10240x128xf32, #tpu.memory_space<hbm>> -> memref<128x128xf32, #tpu.memory_space<hbm>>
        %dma_wait3A_48 = arith.constant 0 : i32
        %dma_wait3A_49 = tpu.memref_slice %arg13[%add3A_37, %dma_wait3A_48] : memref<10240x128xf32, #tpu.memory_space<vmem_shared>> -> memref<128x128xf32, #tpu.memory_space<vmem_shared>>
        tpu.wait_dma2 semaphore(%run_scoped3A : memref<!tpu.dma_semaphore, #tpu.memory_space<semaphore_mem>>) src(%dma_wait3A_49 : memref<128x128xf32, #tpu.memory_space<vmem_shared>>) dst(%dma_wait3A_47 : memref<128x128xf32, #tpu.memory_space<hbm>>)
        tpu.yield
      }) : () -> ()
      %add3A_40 = arith.constant 512 : i32
      %add3A_41 = arith.addi %mul3A_7, %add3A_40 : i32
      %add3A_42 = arith.constant 512 : i32
      %add3A_43 = arith.addi %mul3A_7, %add3A_42 : i32
      "tpu.region"() ({
        %run_scoped3A = tpu.sem_alloc : memref<!tpu.dma_semaphore, #tpu.memory_space<semaphore_mem>>
        %dma_start3A = arith.constant 0 : i32
        %dma_start3A_44 = tpu.memref_slice %arg7[%add3A_43, %dma_start3A] : memref<10240x128xf32, #tpu.memory_space<hbm>> -> memref<128x128xf32, #tpu.memory_space<hbm>>
        %dma_start3A_45 = arith.constant 0 : i32
        %dma_start3A_46 = tpu.memref_slice %arg13[%add3A_41, %dma_start3A_45] : memref<10240x128xf32, #tpu.memory_space<vmem_shared>> -> memref<128x128xf32, #tpu.memory_space<vmem_shared>>
        tpu.enqueue_dma source(%dma_start3A_46 : memref<128x128xf32, #tpu.memory_space<vmem_shared>>) target(%dma_start3A_44 : memref<128x128xf32, #tpu.memory_space<hbm>>) target_semaphore(%run_scoped3A : memref<!tpu.dma_semaphore, #tpu.memory_space<semaphore_mem>>)
        %dma_wait3A = arith.constant 0 : i32
        %dma_wait3A_47 = tpu.memref_slice %arg7[%add3A_43, %dma_wait3A] : memref<10240x128xf32, #tpu.memory_space<hbm>> -> memref<128x128xf32, #tpu.memory_space<hbm>>
        %dma_wait3A_48 = arith.constant 0 : i32
        %dma_wait3A_49 = tpu.memref_slice %arg13[%add3A_41, %dma_wait3A_48] : memref<10240x128xf32, #tpu.memory_space<vmem_shared>> -> memref<128x128xf32, #tpu.memory_space<vmem_shared>>
        tpu.wait_dma2 semaphore(%run_scoped3A : memref<!tpu.dma_semaphore, #tpu.memory_space<semaphore_mem>>) src(%dma_wait3A_49 : memref<128x128xf32, #tpu.memory_space<vmem_shared>>) dst(%dma_wait3A_47 : memref<128x128xf32, #tpu.memory_space<hbm>>)
        tpu.yield
      }) : () -> ()
    } else {
    }
    %eq3A_2 = arith.constant 1 : i32
    %eq3A_3 = arith.cmpi eq, %arg0, %eq3A_2 : i32
    %convert_element_type3A_4 = arith.extui %eq3A_3 : i1 to i32
    %cond3A_5 = arith.constant 0 : i32
    %cond3A_6 = arith.cmpi ne, %convert_element_type3A_4, %cond3A_5 : i32
    scf.if %cond3A_6 {
      %mul3A = arith.constant 640 : i32
      %mul3A_7 = arith.muli %arg1, %mul3A : i32
      %mul3A_8 = arith.constant 160 : i32
      %mul3A_9 = arith.muli %arg1, %mul3A_8 : i32
      %add3A = arith.constant 0 : i32
      %add3A_10 = arith.addi %mul3A_7, %add3A : i32
      "tpu.region"() ({
        %run_scoped3A = tpu.sem_alloc : memref<!tpu.dma_semaphore, #tpu.memory_space<semaphore_mem>>
        %dma_start3A = arith.constant 0 : i32
        %dma_start3A_44 = tpu.memref_slice %arg13[%add3A_10, %dma_start3A] : memref<10240x128xf32, #tpu.memory_space<vmem_shared>> -> memref<128x128xf32, #tpu.memory_space<vmem_shared>>
        tpu.enqueue_dma source(%arg6 : memref<128x128xf32, #tpu.memory_space<hbm>>) target(%dma_start3A_44 : memref<128x128xf32, #tpu.memory_space<vmem_shared>>) target_semaphore(%run_scoped3A : memref<!tpu.dma_semaphore, #tpu.memory_space<semaphore_mem>>)
        %dma_wait3A = arith.constant 0 : i32
        %dma_wait3A_45 = tpu.memref_slice %arg13[%add3A_10, %dma_wait3A] : memref<10240x128xf32, #tpu.memory_space<vmem_shared>> -> memref<128x128xf32, #tpu.memory_space<vmem_shared>>
        tpu.wait_dma2 semaphore(%run_scoped3A : memref<!tpu.dma_semaphore, #tpu.memory_space<semaphore_mem>>) src(%arg6 : memref<128x128xf32, #tpu.memory_space<hbm>>) dst(%dma_wait3A_45 : memref<128x128xf32, #tpu.memory_space<vmem_shared>>)
        tpu.yield
      }) : () -> ()
      %add3A_11 = arith.constant 128 : i32
      %add3A_12 = arith.addi %mul3A_7, %add3A_11 : i32
      "tpu.region"() ({
        %run_scoped3A = tpu.sem_alloc : memref<!tpu.dma_semaphore, #tpu.memory_space<semaphore_mem>>
        %dma_start3A = arith.constant 0 : i32
        %dma_start3A_44 = tpu.memref_slice %arg13[%add3A_12, %dma_start3A] : memref<10240x128xf32, #tpu.memory_space<vmem_shared>> -> memref<128x128xf32, #tpu.memory_space<vmem_shared>>
        tpu.enqueue_dma source(%arg6 : memref<128x128xf32, #tpu.memory_space<hbm>>) target(%dma_start3A_44 : memref<128x128xf32, #tpu.memory_space<vmem_shared>>) target_semaphore(%run_scoped3A : memref<!tpu.dma_semaphore, #tpu.memory_space<semaphore_mem>>)
        %dma_wait3A = arith.constant 0 : i32
        %dma_wait3A_45 = tpu.memref_slice %arg13[%add3A_12, %dma_wait3A] : memref<10240x128xf32, #tpu.memory_space<vmem_shared>> -> memref<128x128xf32, #tpu.memory_space<vmem_shared>>
        tpu.wait_dma2 semaphore(%run_scoped3A : memref<!tpu.dma_semaphore, #tpu.memory_space<semaphore_mem>>) src(%arg6 : memref<128x128xf32, #tpu.memory_space<hbm>>) dst(%dma_wait3A_45 : memref<128x128xf32, #tpu.memory_space<vmem_shared>>)
        tpu.yield
      }) : () -> ()
      %add3A_13 = arith.constant 256 : i32
      %add3A_14 = arith.addi %mul3A_7, %add3A_13 : i32
      "tpu.region"() ({
        %run_scoped3A = tpu.sem_alloc : memref<!tpu.dma_semaphore, #tpu.memory_space<semaphore_mem>>
        %dma_start3A = arith.constant 0 : i32
        %dma_start3A_44 = tpu.memref_slice %arg13[%add3A_14, %dma_start3A] : memref<10240x128xf32, #tpu.memory_space<vmem_shared>> -> memref<128x128xf32, #tpu.memory_space<vmem_shared>>
        tpu.enqueue_dma source(%arg6 : memref<128x128xf32, #tpu.memory_space<hbm>>) target(%dma_start3A_44 : memref<128x128xf32, #tpu.memory_space<vmem_shared>>) target_semaphore(%run_scoped3A : memref<!tpu.dma_semaphore, #tpu.memory_space<semaphore_mem>>)
        %dma_wait3A = arith.constant 0 : i32
        %dma_wait3A_45 = tpu.memref_slice %arg13[%add3A_14, %dma_wait3A] : memref<10240x128xf32, #tpu.memory_space<vmem_shared>> -> memref<128x128xf32, #tpu.memory_space<vmem_shared>>
        tpu.wait_dma2 semaphore(%run_scoped3A : memref<!tpu.dma_semaphore, #tpu.memory_space<semaphore_mem>>) src(%arg6 : memref<128x128xf32, #tpu.memory_space<hbm>>) dst(%dma_wait3A_45 : memref<128x128xf32, #tpu.memory_space<vmem_shared>>)
        tpu.yield
      }) : () -> ()
      %add3A_15 = arith.constant 384 : i32
      %add3A_16 = arith.addi %mul3A_7, %add3A_15 : i32
      "tpu.region"() ({
        %run_scoped3A = tpu.sem_alloc : memref<!tpu.dma_semaphore, #tpu.memory_space<semaphore_mem>>
        %dma_start3A = arith.constant 0 : i32
        %dma_start3A_44 = tpu.memref_slice %arg13[%add3A_16, %dma_start3A] : memref<10240x128xf32, #tpu.memory_space<vmem_shared>> -> memref<128x128xf32, #tpu.memory_space<vmem_shared>>
        tpu.enqueue_dma source(%arg6 : memref<128x128xf32, #tpu.memory_space<hbm>>) target(%dma_start3A_44 : memref<128x128xf32, #tpu.memory_space<vmem_shared>>) target_semaphore(%run_scoped3A : memref<!tpu.dma_semaphore, #tpu.memory_space<semaphore_mem>>)
        %dma_wait3A = arith.constant 0 : i32
        %dma_wait3A_45 = tpu.memref_slice %arg13[%add3A_16, %dma_wait3A] : memref<10240x128xf32, #tpu.memory_space<vmem_shared>> -> memref<128x128xf32, #tpu.memory_space<vmem_shared>>
        tpu.wait_dma2 semaphore(%run_scoped3A : memref<!tpu.dma_semaphore, #tpu.memory_space<semaphore_mem>>) src(%arg6 : memref<128x128xf32, #tpu.memory_space<hbm>>) dst(%dma_wait3A_45 : memref<128x128xf32, #tpu.memory_space<vmem_shared>>)
        tpu.yield
      }) : () -> ()
      %add3A_17 = arith.constant 512 : i32
      %add3A_18 = arith.addi %mul3A_7, %add3A_17 : i32
      "tpu.region"() ({
        %run_scoped3A = tpu.sem_alloc : memref<!tpu.dma_semaphore, #tpu.memory_space<semaphore_mem>>
        %dma_start3A = arith.constant 0 : i32
        %dma_start3A_44 = tpu.memref_slice %arg13[%add3A_18, %dma_start3A] : memref<10240x128xf32, #tpu.memory_space<vmem_shared>> -> memref<128x128xf32, #tpu.memory_space<vmem_shared>>
        tpu.enqueue_dma source(%arg6 : memref<128x128xf32, #tpu.memory_space<hbm>>) target(%dma_start3A_44 : memref<128x128xf32, #tpu.memory_space<vmem_shared>>) target_semaphore(%run_scoped3A : memref<!tpu.dma_semaphore, #tpu.memory_space<semaphore_mem>>)
        %dma_wait3A = arith.constant 0 : i32
        %dma_wait3A_45 = tpu.memref_slice %arg13[%add3A_18, %dma_wait3A] : memref<10240x128xf32, #tpu.memory_space<vmem_shared>> -> memref<128x128xf32, #tpu.memory_space<vmem_shared>>
        tpu.wait_dma2 semaphore(%run_scoped3A : memref<!tpu.dma_semaphore, #tpu.memory_space<semaphore_mem>>) src(%arg6 : memref<128x128xf32, #tpu.memory_space<hbm>>) dst(%dma_wait3A_45 : memref<128x128xf32, #tpu.memory_space<vmem_shared>>)
        tpu.yield
      }) : () -> ()
      %barrier3A = arith.constant 0 : index
      tpu.barrier barrier_id(%barrier3A)
      %scan3A = arith.constant 0 : i32
      %scan3A_19 = arith.constant 10 : i32
      %scan3A_20 = arith.addi %scan3A, %scan3A_19 : i32
      %scan3A_21 = arith.constant 1 : i32
      scf.for %scan3A_44 = %scan3A to %scan3A_20 step %scan3A_21  : i32 {
        %mul3A_45 = arith.constant 16 : i32
        %mul3A_46 = arith.muli %scan3A_44, %mul3A_45 : i32
        %add3A_47 = arith.addi %mul3A_9, %mul3A_46 : i32
        "tpu.region"() ({
          %run_scoped3A = tpu.sem_alloc : memref<!tpu.dma_semaphore, #tpu.memory_space<semaphore_mem>>
          %dma_start3A_62 = arith.constant 0 : i32
          %dma_start3A_63 = tpu.memref_slice %arg2[%add3A_47, %dma_start3A_62] : memref<2560x128xi32, #tpu.memory_space<hbm>> -> memref<16x128xi32, #tpu.memory_space<hbm>>
          %dma_start3A_64 = arith.constant 0 : i32
          %dma_start3A_65 = tpu.memref_slice %arg2[%add3A_47, %dma_start3A_64] : memref<2560x128xi32, #tpu.memory_space<hbm>> -> memref<16x128xi32, #tpu.memory_space<hbm>>
          tpu.enqueue_dma source(%dma_start3A_65 : memref<16x128xi32, #tpu.memory_space<hbm>>) target(%arg9 : memref<16x128xi32, #tpu.memory_space<vmem>>) target_semaphore(%run_scoped3A : memref<!tpu.dma_semaphore, #tpu.memory_space<semaphore_mem>>)
          %dma_wait3A = arith.constant 0 : i32
          %dma_wait3A_66 = tpu.memref_slice %arg2[%add3A_47, %dma_wait3A] : memref<2560x128xi32, #tpu.memory_space<hbm>> -> memref<16x128xi32, #tpu.memory_space<hbm>>
          %dma_wait3A_67 = arith.constant 0 : i32
          %dma_wait3A_68 = tpu.memref_slice %arg2[%add3A_47, %dma_wait3A_67] : memref<2560x128xi32, #tpu.memory_space<hbm>> -> memref<16x128xi32, #tpu.memory_space<hbm>>
          tpu.wait_dma2 semaphore(%run_scoped3A : memref<!tpu.dma_semaphore, #tpu.memory_space<semaphore_mem>>) src(%dma_wait3A_68 : memref<16x128xi32, #tpu.memory_space<hbm>>) dst(%arg9 : memref<16x128xi32, #tpu.memory_space<vmem>>)
          tpu.yield
        }) : () -> ()
        %mul3A_48 = arith.constant 16 : i32
        %mul3A_49 = arith.muli %scan3A_44, %mul3A_48 : i32
        %add3A_50 = arith.addi %mul3A_9, %mul3A_49 : i32
        "tpu.region"() ({
          %run_scoped3A = tpu.sem_alloc : memref<!tpu.dma_semaphore, #tpu.memory_space<semaphore_mem>>
          %dma_start3A_62 = arith.constant 0 : i32
          %dma_start3A_63 = tpu.memref_slice %arg3[%add3A_50, %dma_start3A_62] : memref<2560x128xi32, #tpu.memory_space<hbm>> -> memref<16x128xi32, #tpu.memory_space<hbm>>
          %dma_start3A_64 = arith.constant 0 : i32
          %dma_start3A_65 = tpu.memref_slice %arg3[%add3A_50, %dma_start3A_64] : memref<2560x128xi32, #tpu.memory_space<hbm>> -> memref<16x128xi32, #tpu.memory_space<hbm>>
          tpu.enqueue_dma source(%dma_start3A_65 : memref<16x128xi32, #tpu.memory_space<hbm>>) target(%arg10 : memref<16x128xi32, #tpu.memory_space<vmem>>) target_semaphore(%run_scoped3A : memref<!tpu.dma_semaphore, #tpu.memory_space<semaphore_mem>>)
          %dma_wait3A = arith.constant 0 : i32
          %dma_wait3A_66 = tpu.memref_slice %arg3[%add3A_50, %dma_wait3A] : memref<2560x128xi32, #tpu.memory_space<hbm>> -> memref<16x128xi32, #tpu.memory_space<hbm>>
          %dma_wait3A_67 = arith.constant 0 : i32
          %dma_wait3A_68 = tpu.memref_slice %arg3[%add3A_50, %dma_wait3A_67] : memref<2560x128xi32, #tpu.memory_space<hbm>> -> memref<16x128xi32, #tpu.memory_space<hbm>>
          tpu.wait_dma2 semaphore(%run_scoped3A : memref<!tpu.dma_semaphore, #tpu.memory_space<semaphore_mem>>) src(%dma_wait3A_68 : memref<16x128xi32, #tpu.memory_space<hbm>>) dst(%arg10 : memref<16x128xi32, #tpu.memory_space<vmem>>)
          tpu.yield
        }) : () -> ()
        %dma_start3A = arith.constant 0 : i32
        %dma_start3A_51 = arith.constant 0 : i32
        %dma_start3A_52 = tpu.memref_slice %arg9[%dma_start3A, %dma_start3A_51] : memref<16x128xi32, #tpu.memory_space<vmem>> -> memref<1x128xi32, #tpu.memory_space<vmem>>
        %dma_start3A_53 = tpu.memref_squeeze %dma_start3A_52 : memref<1x128xi32, #tpu.memory_space<vmem>> -> memref<128xi32, #tpu.memory_space<vmem>>
        %dma_start3A_54 = arith.constant 0 : i32
        %dma_start3A_55 = arith.constant 0 : i32
        %dma_start3A_56 = tpu.memref_slice %arg5[%dma_start3A_54, %dma_start3A_55] : memref<10000x128xf32, #tpu.memory_space<hbm>> -> memref<10000x128xf32, #tpu.memory_space<hbm>>
        tpu.enqueue_indirect_dma source(%dma_start3A_56 : memref<10000x128xf32, #tpu.memory_space<hbm>>) target(%arg11 : memref<128x128xf32, #tpu.memory_space<vmem>>) offsets(%dma_start3A_53 : memref<128xi32, #tpu.memory_space<vmem>>) semaphore(%arg14 : memref<!tpu.dma_semaphore, #tpu.memory_space<semaphore_mem>>)
        %scan3A_57 = arith.constant 0 : i32
        %scan3A_58 = arith.constant 8 : i32
        %scan3A_59 = arith.addi %scan3A_57, %scan3A_58 : i32
        %scan3A_60 = arith.constant 1 : i32
        scf.for %scan3A_62 = %scan3A_57 to %scan3A_59 step %scan3A_60  : i32 {
          %mul3A_63 = arith.constant 2 : i32
          %mul3A_64 = arith.muli %mul3A_63, %scan3A_62 : i32
          %add3A_65 = arith.constant 1 : i32
          %add3A_66 = arith.addi %mul3A_64, %add3A_65 : i32
          %dma_start3A_67 = arith.constant 0 : i32
          %dma_start3A_68 = tpu.memref_slice %arg9[%add3A_66, %dma_start3A_67] : memref<16x128xi32, #tpu.memory_space<vmem>> -> memref<1x128xi32, #tpu.memory_space<vmem>>
          %dma_start3A_69 = tpu.memref_squeeze %dma_start3A_68 : memref<1x128xi32, #tpu.memory_space<vmem>> -> memref<128xi32, #tpu.memory_space<vmem>>
          %dma_start3A_70 = arith.constant 0 : i32
          %dma_start3A_71 = arith.constant 0 : i32
          %dma_start3A_72 = tpu.memref_slice %arg5[%dma_start3A_70, %dma_start3A_71] : memref<10000x128xf32, #tpu.memory_space<hbm>> -> memref<10000x128xf32, #tpu.memory_space<hbm>>
          tpu.enqueue_indirect_dma source(%dma_start3A_72 : memref<10000x128xf32, #tpu.memory_space<hbm>>) target(%arg12 : memref<128x128xf32, #tpu.memory_space<vmem>>) offsets(%dma_start3A_69 : memref<128xi32, #tpu.memory_space<vmem>>) semaphore(%arg15 : memref<!tpu.dma_semaphore, #tpu.memory_space<semaphore_mem>>)
          %dma_wait3A = arith.constant 0 : i32
          %dma_wait3A_73 = tpu.memref_slice %arg9[%mul3A_64, %dma_wait3A] : memref<16x128xi32, #tpu.memory_space<vmem>> -> memref<1x128xi32, #tpu.memory_space<vmem>>
          %dma_wait3A_74 = tpu.memref_squeeze %dma_wait3A_73 : memref<1x128xi32, #tpu.memory_space<vmem>> -> memref<128xi32, #tpu.memory_space<vmem>>
          %dma_wait3A_75 = arith.constant 0 : i32
          %dma_wait3A_76 = arith.constant 0 : i32
          %dma_wait3A_77 = tpu.memref_slice %arg5[%dma_wait3A_75, %dma_wait3A_76] : memref<10000x128xf32, #tpu.memory_space<hbm>> -> memref<10000x128xf32, #tpu.memory_space<hbm>>
          tpu.wait_indirect_dma semaphore(%arg14 : memref<!tpu.dma_semaphore, #tpu.memory_space<semaphore_mem>>) src(%dma_wait3A_77 : memref<10000x128xf32, #tpu.memory_space<hbm>>) dst(%arg11 : memref<128x128xf32, #tpu.memory_space<vmem>>)
          "tpu.region"() ({
            %run_scoped3A = tpu.sem_alloc : memref<!tpu.dma_semaphore, #tpu.memory_space<semaphore_mem>>
            %dma_start3A_90 = arith.constant 0 : i32
            %dma_start3A_91 = tpu.memref_slice %arg10[%mul3A_64, %dma_start3A_90] : memref<16x128xi32, #tpu.memory_space<vmem>> -> memref<1x128xi32, #tpu.memory_space<vmem>>
            %dma_start3A_92 = tpu.memref_squeeze %dma_start3A_91 : memref<1x128xi32, #tpu.memory_space<vmem>> -> memref<128xi32, #tpu.memory_space<vmem>>
            %dma_start3A_93 = arith.constant 0 : i32
            %dma_start3A_94 = arith.constant 0 : i32
            %dma_start3A_95 = tpu.memref_slice %arg13[%dma_start3A_93, %dma_start3A_94] : memref<10240x128xf32, #tpu.memory_space<vmem_shared>> -> memref<10240x128xf32, #tpu.memory_space<vmem_shared>>
            tpu.enqueue_indirect_dma source(%arg11 : memref<128x128xf32, #tpu.memory_space<vmem>>) target(%dma_start3A_95 : memref<10240x128xf32, #tpu.memory_space<vmem_shared>>) offsets(%dma_start3A_92 : memref<128xi32, #tpu.memory_space<vmem>>) semaphore(%run_scoped3A : memref<!tpu.dma_semaphore, #tpu.memory_space<semaphore_mem>>) {add = true}
            %dma_wait3A_96 = arith.constant 0 : i32
            %dma_wait3A_97 = tpu.memref_slice %arg10[%mul3A_64, %dma_wait3A_96] : memref<16x128xi32, #tpu.memory_space<vmem>> -> memref<1x128xi32, #tpu.memory_space<vmem>>
            %dma_wait3A_98 = tpu.memref_squeeze %dma_wait3A_97 : memref<1x128xi32, #tpu.memory_space<vmem>> -> memref<128xi32, #tpu.memory_space<vmem>>
            %dma_wait3A_99 = arith.constant 0 : i32
            %dma_wait3A_100 = arith.constant 0 : i32
            %dma_wait3A_101 = tpu.memref_slice %arg13[%dma_wait3A_99, %dma_wait3A_100] : memref<10240x128xf32, #tpu.memory_space<vmem_shared>> -> memref<10240x128xf32, #tpu.memory_space<vmem_shared>>
            tpu.wait_indirect_dma semaphore(%run_scoped3A : memref<!tpu.dma_semaphore, #tpu.memory_space<semaphore_mem>>) src(%arg11 : memref<128x128xf32, #tpu.memory_space<vmem>>) dst(%dma_wait3A_101 : memref<10240x128xf32, #tpu.memory_space<vmem_shared>>)
            tpu.yield
          }) : () -> ()
          %add3A_78 = arith.constant 2 : i32
          %add3A_79 = arith.addi %mul3A_64, %add3A_78 : i32
          %lt3A = arith.constant 16 : i32
          %lt3A_80 = arith.cmpi slt, %add3A_79, %lt3A : i32
          %convert_element_type3A_81 = arith.extui %lt3A_80 : i1 to i32
          %cond3A_82 = arith.constant 0 : i32
          %cond3A_83 = arith.cmpi ne, %convert_element_type3A_81, %cond3A_82 : i32
          scf.if %cond3A_83 {
            %add3A_90 = arith.constant 2 : i32
            %add3A_91 = arith.addi %mul3A_64, %add3A_90 : i32
            %dma_start3A_92 = arith.constant 0 : i32
            %dma_start3A_93 = tpu.memref_slice %arg9[%add3A_91, %dma_start3A_92] : memref<16x128xi32, #tpu.memory_space<vmem>> -> memref<1x128xi32, #tpu.memory_space<vmem>>
            %dma_start3A_94 = tpu.memref_squeeze %dma_start3A_93 : memref<1x128xi32, #tpu.memory_space<vmem>> -> memref<128xi32, #tpu.memory_space<vmem>>
            %dma_start3A_95 = arith.constant 0 : i32
            %dma_start3A_96 = arith.constant 0 : i32
            %dma_start3A_97 = tpu.memref_slice %arg5[%dma_start3A_95, %dma_start3A_96] : memref<10000x128xf32, #tpu.memory_space<hbm>> -> memref<10000x128xf32, #tpu.memory_space<hbm>>
            tpu.enqueue_indirect_dma source(%dma_start3A_97 : memref<10000x128xf32, #tpu.memory_space<hbm>>) target(%arg11 : memref<128x128xf32, #tpu.memory_space<vmem>>) offsets(%dma_start3A_94 : memref<128xi32, #tpu.memory_space<vmem>>) semaphore(%arg14 : memref<!tpu.dma_semaphore, #tpu.memory_space<semaphore_mem>>)
          } else {
          }
          %dma_wait3A_84 = arith.constant 0 : i32
          %dma_wait3A_85 = tpu.memref_slice %arg9[%add3A_66, %dma_wait3A_84] : memref<16x128xi32, #tpu.memory_space<vmem>> -> memref<1x128xi32, #tpu.memory_space<vmem>>
          %dma_wait3A_86 = tpu.memref_squeeze %dma_wait3A_85 : memref<1x128xi32, #tpu.memory_space<vmem>> -> memref<128xi32, #tpu.memory_space<vmem>>
          %dma_wait3A_87 = arith.constant 0 : i32
          %dma_wait3A_88 = arith.constant 0 : i32
          %dma_wait3A_89 = tpu.memref_slice %arg5[%dma_wait3A_87, %dma_wait3A_88] : memref<10000x128xf32, #tpu.memory_space<hbm>> -> memref<10000x128xf32, #tpu.memory_space<hbm>>
          tpu.wait_indirect_dma semaphore(%arg15 : memref<!tpu.dma_semaphore, #tpu.memory_space<semaphore_mem>>) src(%dma_wait3A_89 : memref<10000x128xf32, #tpu.memory_space<hbm>>) dst(%arg12 : memref<128x128xf32, #tpu.memory_space<vmem>>)
          "tpu.region"() ({
            %run_scoped3A = tpu.sem_alloc : memref<!tpu.dma_semaphore, #tpu.memory_space<semaphore_mem>>
            %dma_start3A_90 = arith.constant 0 : i32
            %dma_start3A_91 = tpu.memref_slice %arg10[%add3A_66, %dma_start3A_90] : memref<16x128xi32, #tpu.memory_space<vmem>> -> memref<1x128xi32, #tpu.memory_space<vmem>>
            %dma_start3A_92 = tpu.memref_squeeze %dma_start3A_91 : memref<1x128xi32, #tpu.memory_space<vmem>> -> memref<128xi32, #tpu.memory_space<vmem>>
            %dma_start3A_93 = arith.constant 0 : i32
            %dma_start3A_94 = arith.constant 0 : i32
            %dma_start3A_95 = tpu.memref_slice %arg13[%dma_start3A_93, %dma_start3A_94] : memref<10240x128xf32, #tpu.memory_space<vmem_shared>> -> memref<10240x128xf32, #tpu.memory_space<vmem_shared>>
            tpu.enqueue_indirect_dma source(%arg12 : memref<128x128xf32, #tpu.memory_space<vmem>>) target(%dma_start3A_95 : memref<10240x128xf32, #tpu.memory_space<vmem_shared>>) offsets(%dma_start3A_92 : memref<128xi32, #tpu.memory_space<vmem>>) semaphore(%run_scoped3A : memref<!tpu.dma_semaphore, #tpu.memory_space<semaphore_mem>>) {add = true}
            %dma_wait3A_96 = arith.constant 0 : i32
            %dma_wait3A_97 = tpu.memref_slice %arg10[%add3A_66, %dma_wait3A_96] : memref<16x128xi32, #tpu.memory_space<vmem>> -> memref<1x128xi32, #tpu.memory_space<vmem>>
            %dma_wait3A_98 = tpu.memref_squeeze %dma_wait3A_97 : memref<1x128xi32, #tpu.memory_space<vmem>> -> memref<128xi32, #tpu.memory_space<vmem>>
            %dma_wait3A_99 = arith.constant 0 : i32
            %dma_wait3A_100 = arith.constant 0 : i32
            %dma_wait3A_101 = tpu.memref_slice %arg13[%dma_wait3A_99, %dma_wait3A_100] : memref<10240x128xf32, #tpu.memory_space<vmem_shared>> -> memref<10240x128xf32, #tpu.memory_space<vmem_shared>>
            tpu.wait_indirect_dma semaphore(%run_scoped3A : memref<!tpu.dma_semaphore, #tpu.memory_space<semaphore_mem>>) src(%arg12 : memref<128x128xf32, #tpu.memory_space<vmem>>) dst(%dma_wait3A_101 : memref<10240x128xf32, #tpu.memory_space<vmem_shared>>)
            tpu.yield
          }) : () -> ()
        }
        %scan3A_61 = arith.constant 8 : i32
      }
      %scan3A_22 = arith.constant 10 : i32
      %barrier3A_23 = arith.constant 0 : index
      tpu.barrier barrier_id(%barrier3A_23)
      %add3A_24 = arith.constant 0 : i32
      %add3A_25 = arith.addi %mul3A_7, %add3A_24 : i32
      %add3A_26 = arith.constant 0 : i32
      %add3A_27 = arith.addi %mul3A_7, %add3A_26 : i32
      "tpu.region"() ({
        %run_scoped3A = tpu.sem_alloc : memref<!tpu.dma_semaphore, #tpu.memory_space<semaphore_mem>>
        %dma_start3A = arith.constant 0 : i32
        %dma_start3A_44 = tpu.memref_slice %arg8[%add3A_27, %dma_start3A] : memref<10240x128xf32, #tpu.memory_space<hbm>> -> memref<128x128xf32, #tpu.memory_space<hbm>>
        %dma_start3A_45 = arith.constant 0 : i32
        %dma_start3A_46 = tpu.memref_slice %arg13[%add3A_25, %dma_start3A_45] : memref<10240x128xf32, #tpu.memory_space<vmem_shared>> -> memref<128x128xf32, #tpu.memory_space<vmem_shared>>
        tpu.enqueue_dma source(%dma_start3A_46 : memref<128x128xf32, #tpu.memory_space<vmem_shared>>) target(%dma_start3A_44 : memref<128x128xf32, #tpu.memory_space<hbm>>) target_semaphore(%run_scoped3A : memref<!tpu.dma_semaphore, #tpu.memory_space<semaphore_mem>>)
        %dma_wait3A = arith.constant 0 : i32
        %dma_wait3A_47 = tpu.memref_slice %arg8[%add3A_27, %dma_wait3A] : memref<10240x128xf32, #tpu.memory_space<hbm>> -> memref<128x128xf32, #tpu.memory_space<hbm>>
        %dma_wait3A_48 = arith.constant 0 : i32
        %dma_wait3A_49 = tpu.memref_slice %arg13[%add3A_25, %dma_wait3A_48] : memref<10240x128xf32, #tpu.memory_space<vmem_shared>> -> memref<128x128xf32, #tpu.memory_space<vmem_shared>>
        tpu.wait_dma2 semaphore(%run_scoped3A : memref<!tpu.dma_semaphore, #tpu.memory_space<semaphore_mem>>) src(%dma_wait3A_49 : memref<128x128xf32, #tpu.memory_space<vmem_shared>>) dst(%dma_wait3A_47 : memref<128x128xf32, #tpu.memory_space<hbm>>)
        tpu.yield
      }) : () -> ()
      %add3A_28 = arith.constant 128 : i32
      %add3A_29 = arith.addi %mul3A_7, %add3A_28 : i32
      %add3A_30 = arith.constant 128 : i32
      %add3A_31 = arith.addi %mul3A_7, %add3A_30 : i32
      "tpu.region"() ({
        %run_scoped3A = tpu.sem_alloc : memref<!tpu.dma_semaphore, #tpu.memory_space<semaphore_mem>>
        %dma_start3A = arith.constant 0 : i32
        %dma_start3A_44 = tpu.memref_slice %arg8[%add3A_31, %dma_start3A] : memref<10240x128xf32, #tpu.memory_space<hbm>> -> memref<128x128xf32, #tpu.memory_space<hbm>>
        %dma_start3A_45 = arith.constant 0 : i32
        %dma_start3A_46 = tpu.memref_slice %arg13[%add3A_29, %dma_start3A_45] : memref<10240x128xf32, #tpu.memory_space<vmem_shared>> -> memref<128x128xf32, #tpu.memory_space<vmem_shared>>
        tpu.enqueue_dma source(%dma_start3A_46 : memref<128x128xf32, #tpu.memory_space<vmem_shared>>) target(%dma_start3A_44 : memref<128x128xf32, #tpu.memory_space<hbm>>) target_semaphore(%run_scoped3A : memref<!tpu.dma_semaphore, #tpu.memory_space<semaphore_mem>>)
        %dma_wait3A = arith.constant 0 : i32
        %dma_wait3A_47 = tpu.memref_slice %arg8[%add3A_31, %dma_wait3A] : memref<10240x128xf32, #tpu.memory_space<hbm>> -> memref<128x128xf32, #tpu.memory_space<hbm>>
        %dma_wait3A_48 = arith.constant 0 : i32
        %dma_wait3A_49 = tpu.memref_slice %arg13[%add3A_29, %dma_wait3A_48] : memref<10240x128xf32, #tpu.memory_space<vmem_shared>> -> memref<128x128xf32, #tpu.memory_space<vmem_shared>>
        tpu.wait_dma2 semaphore(%run_scoped3A : memref<!tpu.dma_semaphore, #tpu.memory_space<semaphore_mem>>) src(%dma_wait3A_49 : memref<128x128xf32, #tpu.memory_space<vmem_shared>>) dst(%dma_wait3A_47 : memref<128x128xf32, #tpu.memory_space<hbm>>)
        tpu.yield
      }) : () -> ()
      %add3A_32 = arith.constant 256 : i32
      %add3A_33 = arith.addi %mul3A_7, %add3A_32 : i32
      %add3A_34 = arith.constant 256 : i32
      %add3A_35 = arith.addi %mul3A_7, %add3A_34 : i32
      "tpu.region"() ({
        %run_scoped3A = tpu.sem_alloc : memref<!tpu.dma_semaphore, #tpu.memory_space<semaphore_mem>>
        %dma_start3A = arith.constant 0 : i32
        %dma_start3A_44 = tpu.memref_slice %arg8[%add3A_35, %dma_start3A] : memref<10240x128xf32, #tpu.memory_space<hbm>> -> memref<128x128xf32, #tpu.memory_space<hbm>>
        %dma_start3A_45 = arith.constant 0 : i32
        %dma_start3A_46 = tpu.memref_slice %arg13[%add3A_33, %dma_start3A_45] : memref<10240x128xf32, #tpu.memory_space<vmem_shared>> -> memref<128x128xf32, #tpu.memory_space<vmem_shared>>
        tpu.enqueue_dma source(%dma_start3A_46 : memref<128x128xf32, #tpu.memory_space<vmem_shared>>) target(%dma_start3A_44 : memref<128x128xf32, #tpu.memory_space<hbm>>) target_semaphore(%run_scoped3A : memref<!tpu.dma_semaphore, #tpu.memory_space<semaphore_mem>>)
        %dma_wait3A = arith.constant 0 : i32
        %dma_wait3A_47 = tpu.memref_slice %arg8[%add3A_35, %dma_wait3A] : memref<10240x128xf32, #tpu.memory_space<hbm>> -> memref<128x128xf32, #tpu.memory_space<hbm>>
        %dma_wait3A_48 = arith.constant 0 : i32
        %dma_wait3A_49 = tpu.memref_slice %arg13[%add3A_33, %dma_wait3A_48] : memref<10240x128xf32, #tpu.memory_space<vmem_shared>> -> memref<128x128xf32, #tpu.memory_space<vmem_shared>>
        tpu.wait_dma2 semaphore(%run_scoped3A : memref<!tpu.dma_semaphore, #tpu.memory_space<semaphore_mem>>) src(%dma_wait3A_49 : memref<128x128xf32, #tpu.memory_space<vmem_shared>>) dst(%dma_wait3A_47 : memref<128x128xf32, #tpu.memory_space<hbm>>)
        tpu.yield
      }) : () -> ()
      %add3A_36 = arith.constant 384 : i32
      %add3A_37 = arith.addi %mul3A_7, %add3A_36 : i32
      %add3A_38 = arith.constant 384 : i32
      %add3A_39 = arith.addi %mul3A_7, %add3A_38 : i32
      "tpu.region"() ({
        %run_scoped3A = tpu.sem_alloc : memref<!tpu.dma_semaphore, #tpu.memory_space<semaphore_mem>>
        %dma_start3A = arith.constant 0 : i32
        %dma_start3A_44 = tpu.memref_slice %arg8[%add3A_39, %dma_start3A] : memref<10240x128xf32, #tpu.memory_space<hbm>> -> memref<128x128xf32, #tpu.memory_space<hbm>>
        %dma_start3A_45 = arith.constant 0 : i32
        %dma_start3A_46 = tpu.memref_slice %arg13[%add3A_37, %dma_start3A_45] : memref<10240x128xf32, #tpu.memory_space<vmem_shared>> -> memref<128x128xf32, #tpu.memory_space<vmem_shared>>
        tpu.enqueue_dma source(%dma_start3A_46 : memref<128x128xf32, #tpu.memory_space<vmem_shared>>) target(%dma_start3A_44 : memref<128x128xf32, #tpu.memory_space<hbm>>) target_semaphore(%run_scoped3A : memref<!tpu.dma_semaphore, #tpu.memory_space<semaphore_mem>>)
        %dma_wait3A = arith.constant 0 : i32
        %dma_wait3A_47 = tpu.memref_slice %arg8[%add3A_39, %dma_wait3A] : memref<10240x128xf32, #tpu.memory_space<hbm>> -> memref<128x128xf32, #tpu.memory_space<hbm>>
        %dma_wait3A_48 = arith.constant 0 : i32
        %dma_wait3A_49 = tpu.memref_slice %arg13[%add3A_37, %dma_wait3A_48] : memref<10240x128xf32, #tpu.memory_space<vmem_shared>> -> memref<128x128xf32, #tpu.memory_space<vmem_shared>>
        tpu.wait_dma2 semaphore(%run_scoped3A : memref<!tpu.dma_semaphore, #tpu.memory_space<semaphore_mem>>) src(%dma_wait3A_49 : memref<128x128xf32, #tpu.memory_space<vmem_shared>>) dst(%dma_wait3A_47 : memref<128x128xf32, #tpu.memory_space<hbm>>)
        tpu.yield
      }) : () -> ()
      %add3A_40 = arith.constant 512 : i32
      %add3A_41 = arith.addi %mul3A_7, %add3A_40 : i32
      %add3A_42 = arith.constant 512 : i32
      %add3A_43 = arith.addi %mul3A_7, %add3A_42 : i32
      "tpu.region"() ({
        %run_scoped3A = tpu.sem_alloc : memref<!tpu.dma_semaphore, #tpu.memory_space<semaphore_mem>>
        %dma_start3A = arith.constant 0 : i32
        %dma_start3A_44 = tpu.memref_slice %arg8[%add3A_43, %dma_start3A] : memref<10240x128xf32, #tpu.memory_space<hbm>> -> memref<128x128xf32, #tpu.memory_space<hbm>>
        %dma_start3A_45 = arith.constant 0 : i32
        %dma_start3A_46 = tpu.memref_slice %arg13[%add3A_41, %dma_start3A_45] : memref<10240x128xf32, #tpu.memory_space<vmem_shared>> -> memref<128x128xf32, #tpu.memory_space<vmem_shared>>
        tpu.enqueue_dma source(%dma_start3A_46 : memref<128x128xf32, #tpu.memory_space<vmem_shared>>) target(%dma_start3A_44 : memref<128x128xf32, #tpu.memory_space<hbm>>) target_semaphore(%run_scoped3A : memref<!tpu.dma_semaphore, #tpu.memory_space<semaphore_mem>>)
        %dma_wait3A = arith.constant 0 : i32
        %dma_wait3A_47 = tpu.memref_slice %arg8[%add3A_43, %dma_wait3A] : memref<10240x128xf32, #tpu.memory_space<hbm>> -> memref<128x128xf32, #tpu.memory_space<hbm>>
        %dma_wait3A_48 = arith.constant 0 : i32
        %dma_wait3A_49 = tpu.memref_slice %arg13[%add3A_41, %dma_wait3A_48] : memref<10240x128xf32, #tpu.memory_space<vmem_shared>> -> memref<128x128xf32, #tpu.memory_space<vmem_shared>>
        tpu.wait_dma2 semaphore(%run_scoped3A : memref<!tpu.dma_semaphore, #tpu.memory_space<semaphore_mem>>) src(%dma_wait3A_49 : memref<128x128xf32, #tpu.memory_space<vmem_shared>>) dst(%dma_wait3A_47 : memref<128x128xf32, #tpu.memory_space<hbm>>)
        tpu.yield
      }) : () -> ()
    } else {
    }
    return
  }
}

module attributes {stable_mosaic.version = 14 : i64} {
  func.func @_tc_matmul_body(%arg0: i32, %arg1: memref<1000x128xf32, #tpu.memory_space<vmem>>, %arg2: memref<128x128xf32, #tpu.memory_space<vmem>>, %arg3: memref<1000x128xf32, #tpu.memory_space<vmem>>) attributes {dimension_semantics = [#tpu.dimension_semantics<arbitrary>], iteration_bounds = array<i64: 10>, scalar_prefetch = 0 : i64, scratch_operands = 0 : i64, tpu.core_type = #tpu.core_type<tc>, window_params = [{transform_indices = @transform_0, window_bounds = array<i64: 1000, 128>}, {pipeline_mode = #tpu.pipeline_mode<synchronous>, transform_indices = @transform_1, window_bounds = array<i64: 128, 128>}, {transform_indices = @transform_2, window_bounds = array<i64: 1000, 128>}]} {
    %get3A = arith.constant 0 : index
    %get3A_0 = arith.constant 0 : index
    %get3A_1 = vector.load %arg1[%get3A, %get3A_0] : memref<1000x128xf32, #tpu.memory_space<vmem>>, vector<1000x128xf32>
    %get3A_2 = arith.constant 0 : index
    %get3A_3 = arith.constant 0 : index
    %get3A_4 = vector.load %arg2[%get3A_2, %get3A_3] : memref<128x128xf32, #tpu.memory_space<vmem>>, vector<128x128xf32>
    %dot_general3A = arith.constant dense<0.000000e+00> : vector<1000x128xf32>
    %dot_general3A_5 = tpu.matmul %get3A_1, %get3A_4, %dot_general3A {dimension_numbers = #tpu.dot_dimension_numbers<[1], [0], [0], [1], [0, 0, 1, 1], [], []>, transpose_lhs_hint = false} : vector<1000x128xf32>, vector<128x128xf32>, vector<1000x128xf32> -> vector<1000x128xf32>
    %swap3A = arith.constant 0 : index
    %swap3A_6 = arith.constant 0 : index
    %swap3A_7 = vector.load %arg3[%swap3A, %swap3A_6] : memref<1000x128xf32, #tpu.memory_space<vmem>>, vector<1000x128xf32>
    tpu.vector_store %arg3[%swap3A, %swap3A_6], %dot_general3A_5 {strides = array<i32>} : memref<1000x128xf32, #tpu.memory_space<vmem>>, vector<1000x128xf32>,
    return
  }
  func.func @transform_0(%arg0: i32) -> (i32, i32) {
    %c0_i32 = arith.constant 0 : i32
    %c0_i32_0 = arith.constant 0 : i32
    return %arg0, %c0_i32 : i32, i32
  }
  func.func @transform_1(%arg0: i32) -> (i32, i32) {
    %c0_i32 = arith.constant 0 : i32
    %c0_i32_0 = arith.constant 0 : i32
    %c0_i32_1 = arith.constant 0 : i32
    return %c0_i32, %c0_i32_0 : i32, i32
  }
  func.func @transform_2(%arg0: i32) -> (i32, i32) {
    %c0_i32 = arith.constant 0 : i32
    %c0_i32_0 = arith.constant 0 : i32
    return %arg0, %c0_i32 : i32, i32
  }
}

module attributes {stable_mosaic.version = 14 : i64} {
  func.func @_tc_scale_body(%arg0: i32, %arg1: memref<1000x128xf32, #tpu.memory_space<vmem>>, %arg2: memref<1000x128xf32, #tpu.memory_space<vmem>>, %arg3: memref<1000x128xf32, #tpu.memory_space<vmem>>, %arg4: memref<1000x128xf32, #tpu.memory_space<vmem>>, %arg5: memref<1000x128xf32, #tpu.memory_space<vmem>>, %arg6: memref<1000x128xf32, #tpu.memory_space<vmem>>) attributes {dimension_semantics = [#tpu.dimension_semantics<arbitrary>], iteration_bounds = array<i64: 10>, scalar_prefetch = 0 : i64, scratch_operands = 0 : i64, tpu.core_type = #tpu.core_type<tc>, window_params = [{transform_indices = @transform_0, window_bounds = array<i64: 1000, 128>}, {transform_indices = @transform_1, window_bounds = array<i64: 1000, 128>}, {transform_indices = @transform_2, window_bounds = array<i64: 1000, 128>}, {transform_indices = @transform_3, window_bounds = array<i64: 1000, 128>}, {transform_indices = @transform_4, window_bounds = array<i64: 1000, 128>}, {transform_indices = @transform_5, window_bounds = array<i64: 1000, 128>}]} {
    %get3A = arith.constant 0 : index
    %get3A_0 = arith.constant 0 : index
    %get3A_1 = vector.load %arg3[%get3A, %get3A_0] : memref<1000x128xf32, #tpu.memory_space<vmem>>, vector<1000x128xf32>
    %get3A_2 = arith.constant 0 : index
    %get3A_3 = arith.constant 0 : index
    %get3A_4 = vector.load %arg4[%get3A_2, %get3A_3] : memref<1000x128xf32, #tpu.memory_space<vmem>>, vector<1000x128xf32>
    %slice3A = vector.extract_strided_slice %get3A_1 {offsets = [0, 0], sizes = [1000, 1], strides = [1, 1]} : vector<1000x128xf32> to vector<1000x1xf32>
    %slice3A_5 = vector.extract_strided_slice %get3A_4 {offsets = [0, 0], sizes = [1000, 1], strides = [1, 1]} : vector<1000x128xf32> to vector<1000x1xf32>
    %add3A = arith.addf %slice3A, %slice3A_5 : vector<1000x1xf32>
    %add3A_6 = arith.constant 1.000000e+00 : f32
    %add3A_7 = vector.broadcast %add3A_6 : f32 to vector<1000x1xf32>
    %add3A_8 = arith.addf %add3A, %add3A_7 : vector<1000x1xf32>
    %rsqrt3A = math.rsqrt %add3A_8 : vector<1000x1xf32>
    %get3A_9 = arith.constant 0 : index
    %get3A_10 = arith.constant 0 : index
    %get3A_11 = vector.load %arg1[%get3A_9, %get3A_10] : memref<1000x128xf32, #tpu.memory_space<vmem>>, vector<1000x128xf32>
    %mul3A = vector.broadcast %rsqrt3A : vector<1000x1xf32> to vector<1000x128xf32>
    %mul3A_12 = arith.mulf %get3A_11, %mul3A : vector<1000x128xf32>
    %swap3A = arith.constant 0 : index
    %swap3A_13 = arith.constant 0 : index
    %swap3A_14 = vector.load %arg5[%swap3A, %swap3A_13] : memref<1000x128xf32, #tpu.memory_space<vmem>>, vector<1000x128xf32>
    tpu.vector_store %arg5[%swap3A, %swap3A_13], %mul3A_12 {strides = array<i32>} : memref<1000x128xf32, #tpu.memory_space<vmem>>, vector<1000x128xf32>,
    %get3A_15 = arith.constant 0 : index
    %get3A_16 = arith.constant 0 : index
    %get3A_17 = vector.load %arg2[%get3A_15, %get3A_16] : memref<1000x128xf32, #tpu.memory_space<vmem>>, vector<1000x128xf32>
    %mul3A_18 = vector.broadcast %rsqrt3A : vector<1000x1xf32> to vector<1000x128xf32>
    %mul3A_19 = arith.mulf %get3A_17, %mul3A_18 : vector<1000x128xf32>
    %swap3A_20 = arith.constant 0 : index
    %swap3A_21 = arith.constant 0 : index
    %swap3A_22 = vector.load %arg6[%swap3A_20, %swap3A_21] : memref<1000x128xf32, #tpu.memory_space<vmem>>, vector<1000x128xf32>
    tpu.vector_store %arg6[%swap3A_20, %swap3A_21], %mul3A_19 {strides = array<i32>} : memref<1000x128xf32, #tpu.memory_space<vmem>>, vector<1000x128xf32>,
    return
  }
  func.func @transform_0(%arg0: i32) -> (i32, i32) {
    %c0_i32 = arith.constant 0 : i32
    %c0_i32_0 = arith.constant 0 : i32
    return %arg0, %c0_i32 : i32, i32
  }
  func.func @transform_1(%arg0: i32) -> (i32, i32) {
    %c0_i32 = arith.constant 0 : i32
    %c0_i32_0 = arith.constant 0 : i32
    return %arg0, %c0_i32 : i32, i32
  }
  func.func @transform_2(%arg0: i32) -> (i32, i32) {
    %c0_i32 = arith.constant 0 : i32
    %c0_i32_0 = arith.constant 0 : i32
    return %arg0, %c0_i32 : i32, i32
  }
  func.func @transform_3(%arg0: i32) -> (i32, i32) {
    %c0_i32 = arith.constant 0 : i32
    %c0_i32_0 = arith.constant 0 : i32
    return %arg0, %c0_i32 : i32, i32
  }
  func.func @transform_4(%arg0: i32) -> (i32, i32) {
    %c0_i32 = arith.constant 0 : i32
    %c0_i32_0 = arith.constant 0 : i32
    return %arg0, %c0_i32 : i32, i32
  }
  func.func @transform_5(%arg0: i32) -> (i32, i32) {
    %c0_i32 = arith.constant 0 : i32
    %c0_i32_0 = arith.constant 0 : i32
    return %arg0, %c0_i32 : i32, i32
  }
}

module attributes {stable_mosaic.version = 14 : i64} {
  func.func @_tc_layer_body(%arg0: i32, %arg1: memref<1000x128xf32, #tpu.memory_space<vmem>>, %arg2: memref<1000x128xf32, #tpu.memory_space<vmem>>, %arg3: memref<1000x128xf32, #tpu.memory_space<vmem>>, %arg4: memref<1000x128xf32, #tpu.memory_space<vmem>>, %arg5: memref<1000x128xf32, #tpu.memory_space<vmem>>, %arg6: memref<1000x128xf32, #tpu.memory_space<vmem>>, %arg7: memref<1x128xf32, #tpu.memory_space<vmem>>, %arg8: memref<128x128xf32, #tpu.memory_space<vmem>>, %arg9: memref<1000x128xf32, #tpu.memory_space<vmem>>, %arg10: memref<1000x128xf32, #tpu.memory_space<vmem>>) attributes {dimension_semantics = [#tpu.dimension_semantics<arbitrary>], iteration_bounds = array<i64: 10>, scalar_prefetch = 0 : i64, scratch_operands = 0 : i64, tpu.core_type = #tpu.core_type<tc>, window_params = [{transform_indices = @transform_0, window_bounds = array<i64: 1000, 128>}, {transform_indices = @transform_1, window_bounds = array<i64: 1000, 128>}, {transform_indices = @transform_2, window_bounds = array<i64: 1000, 128>}, {transform_indices = @transform_3, window_bounds = array<i64: 1000, 128>}, {transform_indices = @transform_4, window_bounds = array<i64: 1000, 128>}, {transform_indices = @transform_5, window_bounds = array<i64: 1000, 128>}, {pipeline_mode = #tpu.pipeline_mode<synchronous>, transform_indices = @transform_6, window_bounds = array<i64: 1, 128>}, {pipeline_mode = #tpu.pipeline_mode<synchronous>, transform_indices = @transform_7, window_bounds = array<i64: 128, 128>}, {transform_indices = @transform_8, window_bounds = array<i64: 1000, 128>}, {transform_indices = @transform_9, window_bounds = array<i64: 1000, 128>}]} {
    %get3A = arith.constant 0 : index
    %get3A_0 = arith.constant 0 : index
    %get3A_1 = vector.load %arg5[%get3A, %get3A_0] : memref<1000x128xf32, #tpu.memory_space<vmem>>, vector<1000x128xf32>
    %get3A_2 = arith.constant 0 : index
    %get3A_3 = arith.constant 0 : index
    %get3A_4 = vector.load %arg6[%get3A_2, %get3A_3] : memref<1000x128xf32, #tpu.memory_space<vmem>>, vector<1000x128xf32>
    %slice3A = vector.extract_strided_slice %get3A_1 {offsets = [0, 0], sizes = [1000, 1], strides = [1, 1]} : vector<1000x128xf32> to vector<1000x1xf32>
    %slice3A_5 = vector.extract_strided_slice %get3A_4 {offsets = [0, 0], sizes = [1000, 1], strides = [1, 1]} : vector<1000x128xf32> to vector<1000x1xf32>
    %add3A = arith.addf %slice3A, %slice3A_5 : vector<1000x1xf32>
    %add3A_6 = arith.constant 1.000000e+00 : f32
    %add3A_7 = vector.broadcast %add3A_6 : f32 to vector<1000x1xf32>
    %add3A_8 = arith.addf %add3A, %add3A_7 : vector<1000x1xf32>
    %rsqrt3A = math.rsqrt %add3A_8 : vector<1000x1xf32>
    %get3A_9 = arith.constant 0 : index
    %get3A_10 = arith.constant 0 : index
    %get3A_11 = vector.load %arg1[%get3A_9, %get3A_10] : memref<1000x128xf32, #tpu.memory_space<vmem>>, vector<1000x128xf32>
    %get3A_12 = arith.constant 0 : index
    %get3A_13 = arith.constant 0 : index
    %get3A_14 = vector.load %arg3[%get3A_12, %get3A_13] : memref<1000x128xf32, #tpu.memory_space<vmem>>, vector<1000x128xf32>
    %add3A_15 = arith.addf %get3A_11, %get3A_14 : vector<1000x128xf32>
    %mul3A = vector.broadcast %rsqrt3A : vector<1000x1xf32> to vector<1000x128xf32>
    %mul3A_16 = arith.mulf %mul3A, %add3A_15 : vector<1000x128xf32>
    %get3A_17 = arith.constant 0 : index
    %get3A_18 = arith.constant 0 : index
    %get3A_19 = vector.load %arg7[%get3A_17, %get3A_18] : memref<1x128xf32, #tpu.memory_space<vmem>>, vector<1x128xf32>
    %add3A_20 = vector.broadcast %get3A_19 : vector<1x128xf32> to vector<1000x128xf32>
    %add3A_21 = arith.addf %mul3A_16, %add3A_20 : vector<1000x128xf32>
    %max3A = arith.constant 0.000000e+00 : f32
    %max3A_22 = vector.broadcast %max3A : f32 to vector<1000x128xf32>
    %max3A_23 = arith.maximumf %add3A_21, %max3A_22 : vector<1000x128xf32>
    %get3A_24 = arith.constant 0 : index
    %get3A_25 = arith.constant 0 : index
    %get3A_26 = vector.load %arg2[%get3A_24, %get3A_25] : memref<1000x128xf32, #tpu.memory_space<vmem>>, vector<1000x128xf32>
    %get3A_27 = arith.constant 0 : index
    %get3A_28 = arith.constant 0 : index
    %get3A_29 = vector.load %arg4[%get3A_27, %get3A_28] : memref<1000x128xf32, #tpu.memory_space<vmem>>, vector<1000x128xf32>
    %add3A_30 = arith.addf %get3A_26, %get3A_29 : vector<1000x128xf32>
    %mul3A_31 = vector.broadcast %rsqrt3A : vector<1000x1xf32> to vector<1000x128xf32>
    %mul3A_32 = arith.mulf %mul3A_31, %add3A_30 : vector<1000x128xf32>
    %get3A_33 = arith.constant 0 : index
    %get3A_34 = arith.constant 0 : index
    %get3A_35 = vector.load %arg7[%get3A_33, %get3A_34] : memref<1x128xf32, #tpu.memory_space<vmem>>, vector<1x128xf32>
    %add3A_36 = vector.broadcast %get3A_35 : vector<1x128xf32> to vector<1000x128xf32>
    %add3A_37 = arith.addf %mul3A_32, %add3A_36 : vector<1000x128xf32>
    %max3A_38 = arith.constant 0.000000e+00 : f32
    %max3A_39 = vector.broadcast %max3A_38 : f32 to vector<1000x128xf32>
    %max3A_40 = arith.maximumf %add3A_37, %max3A_39 : vector<1000x128xf32>
    %get3A_41 = arith.constant 0 : index
    %get3A_42 = arith.constant 0 : index
    %get3A_43 = vector.load %arg8[%get3A_41, %get3A_42] : memref<128x128xf32, #tpu.memory_space<vmem>>, vector<128x128xf32>
    %dot_general3A = arith.constant dense<0.000000e+00> : vector<1000x128xf32>
    %dot_general3A_44 = tpu.matmul %max3A_23, %get3A_43, %dot_general3A {dimension_numbers = #tpu.dot_dimension_numbers<[1], [0], [0], [1], [0, 0, 1, 1], [], []>, transpose_lhs_hint = false} : vector<1000x128xf32>, vector<128x128xf32>, vector<1000x128xf32> -> vector<1000x128xf32>
    %mul3A_45 = vector.broadcast %rsqrt3A : vector<1000x1xf32> to vector<1000x128xf32>
    %mul3A_46 = arith.mulf %mul3A_45, %dot_general3A_44 : vector<1000x128xf32>
    %swap3A = arith.constant 0 : index
    %swap3A_47 = arith.constant 0 : index
    %swap3A_48 = vector.load %arg9[%swap3A, %swap3A_47] : memref<1000x128xf32, #tpu.memory_space<vmem>>, vector<1000x128xf32>
    tpu.vector_store %arg9[%swap3A, %swap3A_47], %mul3A_46 {strides = array<i32>} : memref<1000x128xf32, #tpu.memory_space<vmem>>, vector<1000x128xf32>,
    %get3A_49 = arith.constant 0 : index
    %get3A_50 = arith.constant 0 : index
    %get3A_51 = vector.load %arg8[%get3A_49, %get3A_50] : memref<128x128xf32, #tpu.memory_space<vmem>>, vector<128x128xf32>
    %dot_general3A_52 = arith.constant dense<0.000000e+00> : vector<1000x128xf32>
    %dot_general3A_53 = tpu.matmul %max3A_40, %get3A_51, %dot_general3A_52 {dimension_numbers = #tpu.dot_dimension_numbers<[1], [0], [0], [1], [0, 0, 1, 1], [], []>, transpose_lhs_hint = false} : vector<1000x128xf32>, vector<128x128xf32>, vector<1000x128xf32> -> vector<1000x128xf32>
    %mul3A_54 = vector.broadcast %rsqrt3A : vector<1000x1xf32> to vector<1000x128xf32>
    %mul3A_55 = arith.mulf %mul3A_54, %dot_general3A_53 : vector<1000x128xf32>
    %swap3A_56 = arith.constant 0 : index
    %swap3A_57 = arith.constant 0 : index
    %swap3A_58 = vector.load %arg10[%swap3A_56, %swap3A_57] : memref<1000x128xf32, #tpu.memory_space<vmem>>, vector<1000x128xf32>
    tpu.vector_store %arg10[%swap3A_56, %swap3A_57], %mul3A_55 {strides = array<i32>} : memref<1000x128xf32, #tpu.memory_space<vmem>>, vector<1000x128xf32>,
    return
  }
  func.func @transform_0(%arg0: i32) -> (i32, i32) {
    %c0_i32 = arith.constant 0 : i32
    %c0_i32_0 = arith.constant 0 : i32
    return %arg0, %c0_i32 : i32, i32
  }
  func.func @transform_1(%arg0: i32) -> (i32, i32) {
    %c0_i32 = arith.constant 0 : i32
    %c0_i32_0 = arith.constant 0 : i32
    return %arg0, %c0_i32 : i32, i32
  }
  func.func @transform_2(%arg0: i32) -> (i32, i32) {
    %c0_i32 = arith.constant 0 : i32
    %c0_i32_0 = arith.constant 0 : i32
    return %arg0, %c0_i32 : i32, i32
  }
  func.func @transform_3(%arg0: i32) -> (i32, i32) {
    %c0_i32 = arith.constant 0 : i32
    %c0_i32_0 = arith.constant 0 : i32
    return %arg0, %c0_i32 : i32, i32
  }
  func.func @transform_4(%arg0: i32) -> (i32, i32) {
    %c0_i32 = arith.constant 0 : i32
    %c0_i32_0 = arith.constant 0 : i32
    return %arg0, %c0_i32 : i32, i32
  }
  func.func @transform_5(%arg0: i32) -> (i32, i32) {
    %c0_i32 = arith.constant 0 : i32
    %c0_i32_0 = arith.constant 0 : i32
    return %arg0, %c0_i32 : i32, i32
  }
  func.func @transform_6(%arg0: i32) -> (i32, i32) {
    %c0_i32 = arith.constant 0 : i32
    %c0_i32_0 = arith.constant 0 : i32
    %c0_i32_1 = arith.constant 0 : i32
    return %c0_i32, %c0_i32_0 : i32, i32
  }
  func.func @transform_7(%arg0: i32) -> (i32, i32) {
    %c0_i32 = arith.constant 0 : i32
    %c0_i32_0 = arith.constant 0 : i32
    %c0_i32_1 = arith.constant 0 : i32
    return %c0_i32, %c0_i32_0 : i32, i32
  }
  func.func @transform_8(%arg0: i32) -> (i32, i32) {
    %c0_i32 = arith.constant 0 : i32
    %c0_i32_0 = arith.constant 0 : i32
    return %arg0, %c0_i32 : i32, i32
  }
  func.func @transform_9(%arg0: i32) -> (i32, i32) {
    %c0_i32 = arith.constant 0 : i32
    %c0_i32_0 = arith.constant 0 : i32
    return %arg0, %c0_i32 : i32, i32
  }
}

module attributes {stable_mosaic.version = 14 : i64} {
  func.func @_tc_final_h_body(%arg0: i32, %arg1: memref<1000x128xf32, #tpu.memory_space<vmem>>, %arg2: memref<1000x128xf32, #tpu.memory_space<vmem>>, %arg3: memref<1000x128xf32, #tpu.memory_space<vmem>>, %arg4: memref<1000x128xf32, #tpu.memory_space<vmem>>, %arg5: memref<1000x128xf32, #tpu.memory_space<vmem>>, %arg6: memref<1000x128xf32, #tpu.memory_space<vmem>>, %arg7: memref<1x128xf32, #tpu.memory_space<vmem>>, %arg8: memref<1000x128xf32, #tpu.memory_space<vmem>>, %arg9: memref<1000x128xf32, #tpu.memory_space<vmem>>, %arg10: memref<1x128xf32, #tpu.memory_space<vmem>>) attributes {dimension_semantics = [#tpu.dimension_semantics<arbitrary>], iteration_bounds = array<i64: 10>, scalar_prefetch = 0 : i64, scratch_operands = 0 : i64, tpu.core_type = #tpu.core_type<tc>, window_params = [{transform_indices = @transform_0, window_bounds = array<i64: 1000, 128>}, {transform_indices = @transform_1, window_bounds = array<i64: 1000, 128>}, {transform_indices = @transform_2, window_bounds = array<i64: 1000, 128>}, {transform_indices = @transform_3, window_bounds = array<i64: 1000, 128>}, {transform_indices = @transform_4, window_bounds = array<i64: 1000, 128>}, {transform_indices = @transform_5, window_bounds = array<i64: 1000, 128>}, {pipeline_mode = #tpu.pipeline_mode<synchronous>, transform_indices = @transform_6, window_bounds = array<i64: 1, 128>}, {transform_indices = @transform_7, window_bounds = array<i64: 1000, 128>}, {transform_indices = @transform_8, window_bounds = array<i64: 1000, 128>}, {pipeline_mode = #tpu.pipeline_mode<synchronous>, transform_indices = @transform_9, window_bounds = array<i64: 1, 128>}]} {
    %get3A = arith.constant 0 : index
    %get3A_0 = arith.constant 0 : index
    %get3A_1 = vector.load %arg5[%get3A, %get3A_0] : memref<1000x128xf32, #tpu.memory_space<vmem>>, vector<1000x128xf32>
    %get3A_2 = arith.constant 0 : index
    %get3A_3 = arith.constant 0 : index
    %get3A_4 = vector.load %arg6[%get3A_2, %get3A_3] : memref<1000x128xf32, #tpu.memory_space<vmem>>, vector<1000x128xf32>
    %slice3A = vector.extract_strided_slice %get3A_1 {offsets = [0, 0], sizes = [1000, 1], strides = [1, 1]} : vector<1000x128xf32> to vector<1000x1xf32>
    %slice3A_5 = vector.extract_strided_slice %get3A_4 {offsets = [0, 0], sizes = [1000, 1], strides = [1, 1]} : vector<1000x128xf32> to vector<1000x1xf32>
    %add3A = arith.addf %slice3A, %slice3A_5 : vector<1000x1xf32>
    %add3A_6 = arith.constant 1.000000e+00 : f32
    %add3A_7 = vector.broadcast %add3A_6 : f32 to vector<1000x1xf32>
    %add3A_8 = arith.addf %add3A, %add3A_7 : vector<1000x1xf32>
    %rsqrt3A = math.rsqrt %add3A_8 : vector<1000x1xf32>
    %get3A_9 = arith.constant 0 : index
    %get3A_10 = arith.constant 0 : index
    %get3A_11 = vector.load %arg1[%get3A_9, %get3A_10] : memref<1000x128xf32, #tpu.memory_space<vmem>>, vector<1000x128xf32>
    %get3A_12 = arith.constant 0 : index
    %get3A_13 = arith.constant 0 : index
    %get3A_14 = vector.load %arg3[%get3A_12, %get3A_13] : memref<1000x128xf32, #tpu.memory_space<vmem>>, vector<1000x128xf32>
    %add3A_15 = arith.addf %get3A_11, %get3A_14 : vector<1000x128xf32>
    %mul3A = vector.broadcast %rsqrt3A : vector<1000x1xf32> to vector<1000x128xf32>
    %mul3A_16 = arith.mulf %mul3A, %add3A_15 : vector<1000x128xf32>
    %get3A_17 = arith.constant 0 : index
    %get3A_18 = arith.constant 0 : index
    %get3A_19 = vector.load %arg7[%get3A_17, %get3A_18] : memref<1x128xf32, #tpu.memory_space<vmem>>, vector<1x128xf32>
    %add3A_20 = vector.broadcast %get3A_19 : vector<1x128xf32> to vector<1000x128xf32>
    %add3A_21 = arith.addf %mul3A_16, %add3A_20 : vector<1000x128xf32>
    %get3A_22 = arith.constant 0 : index
    %get3A_23 = arith.constant 0 : index
    %get3A_24 = vector.load %arg2[%get3A_22, %get3A_23] : memref<1000x128xf32, #tpu.memory_space<vmem>>, vector<1000x128xf32>
    %get3A_25 = arith.constant 0 : index
    %get3A_26 = arith.constant 0 : index
    %get3A_27 = vector.load %arg4[%get3A_25, %get3A_26] : memref<1000x128xf32, #tpu.memory_space<vmem>>, vector<1000x128xf32>
    %add3A_28 = arith.addf %get3A_24, %get3A_27 : vector<1000x128xf32>
    %mul3A_29 = vector.broadcast %rsqrt3A : vector<1000x1xf32> to vector<1000x128xf32>
    %mul3A_30 = arith.mulf %mul3A_29, %add3A_28 : vector<1000x128xf32>
    %get3A_31 = arith.constant 0 : index
    %get3A_32 = arith.constant 0 : index
    %get3A_33 = vector.load %arg7[%get3A_31, %get3A_32] : memref<1x128xf32, #tpu.memory_space<vmem>>, vector<1x128xf32>
    %add3A_34 = vector.broadcast %get3A_33 : vector<1x128xf32> to vector<1000x128xf32>
    %add3A_35 = arith.addf %mul3A_30, %add3A_34 : vector<1000x128xf32>
    %swap3A = arith.constant 0 : index
    %swap3A_36 = arith.constant 0 : index
    %swap3A_37 = vector.load %arg8[%swap3A, %swap3A_36] : memref<1000x128xf32, #tpu.memory_space<vmem>>, vector<1000x128xf32>
    tpu.vector_store %arg8[%swap3A, %swap3A_36], %add3A_21 {strides = array<i32>} : memref<1000x128xf32, #tpu.memory_space<vmem>>, vector<1000x128xf32>,
    %swap3A_38 = arith.constant 0 : index
    %swap3A_39 = arith.constant 0 : index
    %swap3A_40 = vector.load %arg9[%swap3A_38, %swap3A_39] : memref<1000x128xf32, #tpu.memory_space<vmem>>, vector<1000x128xf32>
    tpu.vector_store %arg9[%swap3A_38, %swap3A_39], %add3A_35 {strides = array<i32>} : memref<1000x128xf32, #tpu.memory_space<vmem>>, vector<1000x128xf32>,
    %eq3A = arith.constant 0 : i32
    %eq3A_41 = arith.cmpi eq, %arg0, %eq3A : i32
    %convert_element_type3A = arith.extui %eq3A_41 : i1 to i32
    %cond3A = arith.constant 0 : i32
    %cond3A_42 = arith.cmpi ne, %convert_element_type3A, %cond3A : i32
    scf.if %cond3A_42 {
      %broadcast_in_dim3A_51 = arith.constant 0.000000e+00 : f32
      %broadcast_in_dim3A_52 = vector.broadcast %broadcast_in_dim3A_51 : f32 to vector<1x128xf32>
      %swap3A_53 = arith.constant 0 : index
      %swap3A_54 = arith.constant 0 : index
      %swap3A_55 = vector.load %arg10[%swap3A_53, %swap3A_54] : memref<1x128xf32, #tpu.memory_space<vmem>>, vector<1x128xf32>
      tpu.vector_store %arg10[%swap3A_53, %swap3A_54], %broadcast_in_dim3A_52 {strides = array<i32>} : memref<1x128xf32, #tpu.memory_space<vmem>>, vector<1x128xf32>,
    } else {
    }
    %get3A_43 = arith.constant 0 : index
    %get3A_44 = arith.constant 0 : index
    %get3A_45 = vector.load %arg10[%get3A_43, %get3A_44] : memref<1x128xf32, #tpu.memory_space<vmem>>, vector<1x128xf32>
    %reduce_sum3A = arith.constant dense<0.000000e+00> : vector<128xf32>
    %reduce_sum3A_46 = vector.multi_reduction <add>, %add3A_21, %reduce_sum3A [0] : vector<1000x128xf32> to vector<128xf32>
    %broadcast_in_dim3A = vector.shape_cast %reduce_sum3A_46 : vector<128xf32> to vector<1x128xf32>
    %add3A_47 = arith.addf %get3A_45, %broadcast_in_dim3A : vector<1x128xf32>
    %swap3A_48 = arith.constant 0 : index
    %swap3A_49 = arith.constant 0 : index
    %swap3A_50 = vector.load %arg10[%swap3A_48, %swap3A_49] : memref<1x128xf32, #tpu.memory_space<vmem>>, vector<1x128xf32>
    tpu.vector_store %arg10[%swap3A_48, %swap3A_49], %add3A_47 {strides = array<i32>} : memref<1x128xf32, #tpu.memory_space<vmem>>, vector<1x128xf32>,
    return
  }
  func.func @transform_0(%arg0: i32) -> (i32, i32) {
    %c0_i32 = arith.constant 0 : i32
    %c0_i32_0 = arith.constant 0 : i32
    return %arg0, %c0_i32 : i32, i32
  }
  func.func @transform_1(%arg0: i32) -> (i32, i32) {
    %c0_i32 = arith.constant 0 : i32
    %c0_i32_0 = arith.constant 0 : i32
    return %arg0, %c0_i32 : i32, i32
  }
  func.func @transform_2(%arg0: i32) -> (i32, i32) {
    %c0_i32 = arith.constant 0 : i32
    %c0_i32_0 = arith.constant 0 : i32
    return %arg0, %c0_i32 : i32, i32
  }
  func.func @transform_3(%arg0: i32) -> (i32, i32) {
    %c0_i32 = arith.constant 0 : i32
    %c0_i32_0 = arith.constant 0 : i32
    return %arg0, %c0_i32 : i32, i32
  }
  func.func @transform_4(%arg0: i32) -> (i32, i32) {
    %c0_i32 = arith.constant 0 : i32
    %c0_i32_0 = arith.constant 0 : i32
    return %arg0, %c0_i32 : i32, i32
  }
  func.func @transform_5(%arg0: i32) -> (i32, i32) {
    %c0_i32 = arith.constant 0 : i32
    %c0_i32_0 = arith.constant 0 : i32
    return %arg0, %c0_i32 : i32, i32
  }
  func.func @transform_6(%arg0: i32) -> (i32, i32) {
    %c0_i32 = arith.constant 0 : i32
    %c0_i32_0 = arith.constant 0 : i32
    %c0_i32_1 = arith.constant 0 : i32
    return %c0_i32, %c0_i32_0 : i32, i32
  }
  func.func @transform_7(%arg0: i32) -> (i32, i32) {
    %c0_i32 = arith.constant 0 : i32
    %c0_i32_0 = arith.constant 0 : i32
    return %arg0, %c0_i32 : i32, i32
  }
  func.func @transform_8(%arg0: i32) -> (i32, i32) {
    %c0_i32 = arith.constant 0 : i32
    %c0_i32_0 = arith.constant 0 : i32
    return %arg0, %c0_i32 : i32, i32
  }
  func.func @transform_9(%arg0: i32) -> (i32, i32) {
    %c0_i32 = arith.constant 0 : i32
    %c0_i32_0 = arith.constant 0 : i32
    %c0_i32_1 = arith.constant 0 : i32
    return %c0_i32, %c0_i32_0 : i32, i32
  }
}

module attributes {stable_mosaic.version = 14 : i64} {
  func.func @_tc_score_body(%arg0: i32, %arg1: memref<1000x128xf32, #tpu.memory_space<vmem>>, %arg2: memref<1000x128xf32, #tpu.memory_space<vmem>>, %arg3: memref<128x128xf32, #tpu.memory_space<vmem>>, %arg4: memref<1x128xf32, #tpu.memory_space<vmem>>, %arg5: memref<1x1xf32, #tpu.memory_space<vmem>>, %arg6: memref<1000x1xf32, #tpu.memory_space<vmem>>, %arg7: memref<1000x1xf32, #tpu.memory_space<vmem>>) attributes {dimension_semantics = [#tpu.dimension_semantics<arbitrary>], iteration_bounds = array<i64: 10>, scalar_prefetch = 0 : i64, scratch_operands = 0 : i64, tpu.core_type = #tpu.core_type<tc>, window_params = [{transform_indices = @transform_0, window_bounds = array<i64: 1000, 128>}, {transform_indices = @transform_1, window_bounds = array<i64: 1000, 128>}, {pipeline_mode = #tpu.pipeline_mode<synchronous>, transform_indices = @transform_2, window_bounds = array<i64: 128, 128>}, {pipeline_mode = #tpu.pipeline_mode<synchronous>, transform_indices = @transform_3, window_bounds = array<i64: 1, 128>}, {pipeline_mode = #tpu.pipeline_mode<synchronous>, transform_indices = @transform_4, window_bounds = array<i64: 1, 1>}, {transform_indices = @transform_5, window_bounds = array<i64: 1000, 1>}, {transform_indices = @transform_6, window_bounds = array<i64: 1000, 1>}]} {
    %get3A = arith.constant 0 : index
    %get3A_0 = arith.constant 0 : index
    %get3A_1 = vector.load %arg4[%get3A, %get3A_0] : memref<1x128xf32, #tpu.memory_space<vmem>>, vector<1x128xf32>
    %div3A = arith.constant 1.000000e+04 : f32
    %div3A_2 = vector.broadcast %div3A : f32 to vector<1x128xf32>
    %div3A_3 = arith.divf %get3A_1, %div3A_2 : vector<1x128xf32>
    %logistic3A = arith.negf %div3A_3 : vector<1x128xf32>
    %logistic3A_4 = math.exp %logistic3A : vector<1x128xf32>
    %logistic3A_5 = arith.constant 1.000000e+00 : f32
    %logistic3A_6 = vector.broadcast %logistic3A_5 : f32 to vector<1x128xf32>
    %logistic3A_7 = arith.addf %logistic3A_6, %logistic3A_4 : vector<1x128xf32>
    %logistic3A_8 = arith.divf %logistic3A_6, %logistic3A_7 : vector<1x128xf32>
    %get3A_9 = arith.constant 0 : index
    %get3A_10 = arith.constant 0 : index
    %get3A_11 = vector.load %arg1[%get3A_9, %get3A_10] : memref<1000x128xf32, #tpu.memory_space<vmem>>, vector<1000x128xf32>
    %get3A_12 = arith.constant 0 : index
    %get3A_13 = arith.constant 0 : index
    %get3A_14 = vector.load %arg3[%get3A_12, %get3A_13] : memref<128x128xf32, #tpu.memory_space<vmem>>, vector<128x128xf32>
    %dot_general3A = arith.constant dense<0.000000e+00> : vector<1000x128xf32>
    %dot_general3A_15 = tpu.matmul %get3A_11, %get3A_14, %dot_general3A {dimension_numbers = #tpu.dot_dimension_numbers<[1], [0], [0], [1], [0, 0, 1, 1], [], []>, transpose_lhs_hint = false} : vector<1000x128xf32>, vector<128x128xf32>, vector<1000x128xf32> -> vector<1000x128xf32>
    %get3A_16 = arith.constant 0 : index
    %get3A_17 = arith.constant 0 : index
    %get3A_18 = vector.load %arg2[%get3A_16, %get3A_17] : memref<1000x128xf32, #tpu.memory_space<vmem>>, vector<1000x128xf32>
    %get3A_19 = arith.constant 0 : index
    %get3A_20 = arith.constant 0 : index
    %get3A_21 = vector.load %arg3[%get3A_19, %get3A_20] : memref<128x128xf32, #tpu.memory_space<vmem>>, vector<128x128xf32>
    %dot_general3A_22 = arith.constant dense<0.000000e+00> : vector<1000x128xf32>
    %dot_general3A_23 = tpu.matmul %get3A_18, %get3A_21, %dot_general3A_22 {dimension_numbers = #tpu.dot_dimension_numbers<[1], [0], [0], [1], [0, 0, 1, 1], [], []>, transpose_lhs_hint = false} : vector<1000x128xf32>, vector<128x128xf32>, vector<1000x128xf32> -> vector<1000x128xf32>
    %mul3A = vector.broadcast %logistic3A_8 : vector<1x128xf32> to vector<1000x128xf32>
    %mul3A_24 = arith.mulf %dot_general3A_15, %mul3A : vector<1000x128xf32>
    %reduce_sum3A = arith.constant dense<0.000000e+00> : vector<1000xf32>
    %reduce_sum3A_25 = vector.multi_reduction <add>, %mul3A_24, %reduce_sum3A [1] : vector<1000x128xf32> to vector<1000xf32>
    %broadcast_in_dim3A = vector.shape_cast %reduce_sum3A_25 : vector<1000xf32> to vector<1000x1xf32>
    %get3A_26 = arith.constant 0 : index
    %get3A_27 = arith.constant 0 : index
    %get3A_28 = vector.load %arg5[%get3A_26, %get3A_27] : memref<1x1xf32, #tpu.memory_space<vmem>>, vector<1x1xf32>
    %add3A = vector.broadcast %get3A_28 : vector<1x1xf32> to vector<1000x1xf32>
    %add3A_29 = arith.addf %broadcast_in_dim3A, %add3A : vector<1000x1xf32>
    %swap3A = arith.constant 0 : index
    %swap3A_30 = arith.constant 0 : index
    %swap3A_31 = vector.load %arg6[%swap3A, %swap3A_30] : memref<1000x1xf32, #tpu.memory_space<vmem>>, vector<1000x1xf32>
    tpu.vector_store %arg6[%swap3A, %swap3A_30], %add3A_29 {strides = array<i32>} : memref<1000x1xf32, #tpu.memory_space<vmem>>, vector<1000x1xf32>,
    %mul3A_32 = vector.broadcast %logistic3A_8 : vector<1x128xf32> to vector<1000x128xf32>
    %mul3A_33 = arith.mulf %dot_general3A_23, %mul3A_32 : vector<1000x128xf32>
    %reduce_sum3A_34 = arith.constant dense<0.000000e+00> : vector<1000xf32>
    %reduce_sum3A_35 = vector.multi_reduction <add>, %mul3A_33, %reduce_sum3A_34 [1] : vector<1000x128xf32> to vector<1000xf32>
    %broadcast_in_dim3A_36 = vector.shape_cast %reduce_sum3A_35 : vector<1000xf32> to vector<1000x1xf32>
    %get3A_37 = arith.constant 0 : index
    %get3A_38 = arith.constant 0 : index
    %get3A_39 = vector.load %arg5[%get3A_37, %get3A_38] : memref<1x1xf32, #tpu.memory_space<vmem>>, vector<1x1xf32>
    %add3A_40 = vector.broadcast %get3A_39 : vector<1x1xf32> to vector<1000x1xf32>
    %add3A_41 = arith.addf %broadcast_in_dim3A_36, %add3A_40 : vector<1000x1xf32>
    %swap3A_42 = arith.constant 0 : index
    %swap3A_43 = arith.constant 0 : index
    %swap3A_44 = vector.load %arg7[%swap3A_42, %swap3A_43] : memref<1000x1xf32, #tpu.memory_space<vmem>>, vector<1000x1xf32>
    tpu.vector_store %arg7[%swap3A_42, %swap3A_43], %add3A_41 {strides = array<i32>} : memref<1000x1xf32, #tpu.memory_space<vmem>>, vector<1000x1xf32>,
    return
  }
  func.func @transform_0(%arg0: i32) -> (i32, i32) {
    %c0_i32 = arith.constant 0 : i32
    %c0_i32_0 = arith.constant 0 : i32
    return %arg0, %c0_i32 : i32, i32
  }
  func.func @transform_1(%arg0: i32) -> (i32, i32) {
    %c0_i32 = arith.constant 0 : i32
    %c0_i32_0 = arith.constant 0 : i32
    return %arg0, %c0_i32 : i32, i32
  }
  func.func @transform_2(%arg0: i32) -> (i32, i32) {
    %c0_i32 = arith.constant 0 : i32
    %c0_i32_0 = arith.constant 0 : i32
    %c0_i32_1 = arith.constant 0 : i32
    return %c0_i32, %c0_i32_0 : i32, i32
  }
  func.func @transform_3(%arg0: i32) -> (i32, i32) {
    %c0_i32 = arith.constant 0 : i32
    %c0_i32_0 = arith.constant 0 : i32
    %c0_i32_1 = arith.constant 0 : i32
    return %c0_i32, %c0_i32_0 : i32, i32
  }
  func.func @transform_4(%arg0: i32) -> (i32, i32) {
    %c0_i32 = arith.constant 0 : i32
    %c0_i32_0 = arith.constant 0 : i32
    %c0_i32_1 = arith.constant 0 : i32
    return %c0_i32, %c0_i32_0 : i32, i32
  }
  func.func @transform_5(%arg0: i32) -> (i32, i32) {
    %c0_i32 = arith.constant 0 : i32
    %c0_i32_0 = arith.constant 0 : i32
    return %arg0, %c0_i32 : i32, i32
  }
  func.func @transform_6(%arg0: i32) -> (i32, i32) {
    %c0_i32 = arith.constant 0 : i32
    %c0_i32_0 = arith.constant 0 : i32
    return %arg0, %c0_i32 : i32, i32
  }
}

</mosaic_0001>

<sc_bundles>
// kernel: kernel.10.cloned.1.call-start
scs
__scs_entry_jumppad:
0x0: {  	(pc) =	sbr.rel $0x88, $3  }
0x1: {  	(tag) =	ssettag $0x0;
	lr =	simm.s32 $0x1  }
0x2: {  	[smem:$0x3F98] =	sst lr;
	_ =	strace $0xD0000000  }
0x3: {  	_ = 	snop  }
0x4: {  	_ = 	snop  }
0x5: {  	_ = 	snop  }
0x6: {  	_ = 	snop  }
0x7: {  	_ = 	snop  }
__scs_overlays_trampoline_lowered:
0x8: {  	[smem:$0x3FA7] =	sst s0  }
0x9: {  	[smem:$0x3FA8] =	sst s1  }
0xa: {  	[smem:$0x3FA9] =	sst s2  }
0xb: {  	[smem:$0x3FAA] =	sst s3  }
0xc: {  	[smem:$0x3FAB] =	sst s4  }
0xd: {  	[smem:$0x3FAC] =	sst s5  }
0xe: {  	[smem:$0x3FAD] =	sst s6  }
0xf: {  	[smem:$0x3FAE] =	sst s7  }
0x10: {  	[smem:$0x3FAF] =	sst s8  }
0x11: {  	[smem:$0x3FB0] =	sst s9;
	s0 =	simm.s32 @!p0 $0x0  }
0x12: {  	s1 =	sld [smem:$0x3F96];
	s0 =	simm.s32 @p0 $0x1  }
0x13: {  	[smem:$0x3FB1] =	sst s0;
	s0 =	simm.s32 @!p1 $0x0  }
0x14: {  	s2 =	sld [smem:$0x3F95];
	s0 =	simm.s32 @p1 $0x1  }
0x15: {  	[smem:$0x3FB2] =	sst s0;
	s0 =	simm.s32 @!p2 $0x0  }
0x16: {  	s3 =	sld [smem:$0x3FDB];
	s0 =	simm.s32 @p2 $0x1  }
0x17: {  	s4 =	simm.s32 $0x1BF5;
	[smem:$0x3FB4] =	sst s0  }
0x18: {  	s0 =	sld [smem:$0x3F97];
	_ =	swait.ge [sflag:s4], $0x0  }
0x19: {  	s7 =	sld [smem:$0x3F98]  }
0x1a: {  	s8 =	sadd.s32 $0xFFFFE003, lr  }
0x1b: {  	s9 =	sadd.s32 $0xFFFFFEF7, lr;
	s5 =	simm.s32 $0xFFFFFFFF;
	p2 =	slt.u32 s8, $0xFFFFF086  }
0x1c: {  	p1 =	slt.u32 s9, $0xF7A;
	s5 =	simm.s32 @!p2 $0x0  }
0x1d: {  	s5 =	simm.s32 @p1 $0x1;
	p0 =	seq.s32 s7, s2  }
0x1e: {  	s7 =	smul.u32 @!p0 $0xF7A, s2;
	p2 =	seq.s32 @!p0 s5, $0x0  }
0x1f: {  	s9 =	smul.u32 $0xF7A, s1;
	s8 =	simm.s32 @!p0 $0x1BF5;
	p2 =	por !p2, p0  }
0x20: {  	[sflag:s8] =	ssyncset.s32 @!p0 $0xFFFFF086;
	s6 =	sadd.s32 @!p0 s3, s7;
	s7 =	simm.s32 @!p0 $0x108  }
0x21: {  	s3 =	sadd.s32 s3, s9;
	s6 =	sadd.s32 @!p0 $0x88, s6;
	s7 =	simm.s32 @p2 $0x1082  }
0x22: {  	[simem:s7], [sflag:s8] =	dma.local @!p0 [hbm:s6], $0xF7A  }
0x23: {  	s9 =	sor.u32 $0xD0000000, s2;
	s6 =	simm.s32 $0x108;
	_ =	swait.ge @!p0 [sflag:s8], $0x0  }
0x24: {  	s3 =	sadd.s32 $0x88, s3;
	s6 =	simm.s32 @!p1 $0x1082;
	[sflag:s4] =	ssyncset.s32 $0xFFFFF086  }
0x25: {  	[simem:s6], [sflag:s4] =	dma.local [hbm:s3], $0xF7A  }
0x26: {  	[smem:$0x3F98] =	sst s1;
	(tag) =	ssettag s2;
	_ =	strace s9  }
0x27: {  	s1 =	sld [smem:$0x3FA8]  }
0x28: {  	s2 =	sld [smem:$0x3FA9]  }
0x29: {  	s4 =	sld [smem:$0x3FAB]  }
0x2a: {  	p0 =	seq.s32 s5, $0x0;
	s5 =	sld [smem:$0x3FAC]  }
0x2b: {  	s6 =	sld [smem:$0x3FAD]  }
0x2c: {  	s7 =	sld [smem:$0x3FAE]  }
0x2d: {  	s3 =	simm.s32 $0x108;
	s8 =	sld [smem:$0x3FAF]  }
0x2e: {  	s3 =	simm.s32 @!p0 $0x1082;
	s9 =	sld [smem:$0x3FB0]  }
0x2f: {  	lr =	sadd.s32 s0, s3;
	s0 =	sld [smem:$0x3FA7]  }
0x30: {  	s3 =	sld [smem:$0x3FAA]  }
0x31: {  	[smem:$0x3FB3] =	sst s10  }
0x32: {  	s10 =	sld [smem:$0x3FB1];
	_ =	sdelay $0x3  }
0x33: {  	p0 =	seq.s32 s10, $0x1;
	s10 =	sld [smem:$0x3FB3];
	_ =	sdelay $0x3  }
0x34: {  	[smem:$0x3FB3] =	sst s10  }
0x35: {  	s10 =	sld [smem:$0x3FB2];
	_ =	sdelay $0x3  }
0x36: {  	p1 =	seq.s32 s10, $0x1;
	s10 =	sld [smem:$0x3FB3];
	_ =	sdelay $0x3  }
0x37: {  	[smem:$0x3FB3] =	sst s10  }
0x38: {  	s10 =	sld [smem:$0x3FB4]  }
0x39: {  	_ = 	snop;
	(pc) =	sbr.ind lr, $3  }
0x3a: {  	_ = 	snop  }
0x3b: {  	_ = 	snop  }
0x3c: {  	p2 =	seq.s32 s10, $0x1;
	s10 =	sld [smem:$0x3FB3]  }
0x3d: {  	_ =	shalt  }
0x3e: {  	_ =	shalt  }
0x3f: {  	_ =	shalt  }
0x40: {  	_ =	shalt  }
0x41: {  	_ =	shalt  }
0x42: {  	_ =	shalt  }
0x43: {  	_ =	shalt  }
0x44: {  	_ =	shalt  }
0x45: {  	_ =	shalt  }
0x46: {  	_ =	shalt  }
0x47: {  	_ =	shalt  }
0x48: {  	_ =	shalt  }
0x49: {  	_ =	shalt  }
0x4a: {  	_ =	shalt  }
0x4b: {  	_ =	shalt  }
0x4c: {  	_ =	shalt  }
0x4d: {  	_ =	shalt  }
0x4e: {  	_ =	shalt  }
0x4f: {  	_ =	shalt  }
0x50: {  	_ =	shalt  }
0x51: {  	_ =	shalt  }
0x52: {  	_ =	shalt  }
0x53: {  	_ =	shalt  }
0x54: {  	_ =	shalt  }
0x55: {  	_ =	shalt  }
0x56: {  	_ =	shalt  }
0x57: {  	_ =	shalt  }
0x58: {  	_ =	shalt  }
0x59: {  	_ =	shalt  }
0x5a: {  	_ =	shalt  }
0x5b: {  	_ =	shalt  }
0x5c: {  	_ =	shalt  }
0x5d: {  	_ =	shalt  }
0x5e: {  	_ =	shalt  }
0x5f: {  	_ =	shalt  }
0x60: {  	_ =	shalt  }
0x61: {  	_ =	shalt  }
0x62: {  	_ =	shalt  }
0x63: {  	_ =	shalt  }
0x64: {  	_ =	shalt  }
0x65: {  	_ =	shalt  }
0x66: {  	_ =	shalt  }
0x67: {  	_ =	shalt  }
0x68: {  	_ =	shalt  }
0x69: {  	_ =	shalt  }
0x6a: {  	_ =	shalt  }
0x6b: {  	_ =	shalt  }
0x6c: {  	_ =	shalt  }
0x6d: {  	_ =	shalt  }
0x6e: {  	_ =	shalt  }
0x6f: {  	_ =	shalt  }
0x70: {  	_ =	shalt  }
0x71: {  	_ =	shalt  }
0x72: {  	_ =	shalt  }
0x73: {  	_ =	shalt  }
0x74: {  	_ =	shalt  }
0x75: {  	_ =	shalt  }
0x76: {  	_ =	shalt  }
0x77: {  	_ =	shalt  }
0x78: {  	_ =	shalt  }
0x79: {  	_ =	shalt  }
0x7a: {  	_ =	shalt  }
0x7b: {  	_ =	shalt  }
0x7c: {  	_ =	shalt  }
0x7d: {  	_ =	shalt  }
0x7e: {  	_ =	shalt  }
0x7f: {  	_ =	shalt  }
0x80: {  	_ =	shalt  }
0x81: {  	_ =	shalt  }
0x82: {  	_ =	shalt  }
0x83: {  	_ =	shalt  }
0x84: {  	_ =	shalt  }
0x85: {  	_ =	shalt  }
0x86: {  	_ =	shalt  }
0x87: {  	_ =	shalt  }
.Lfunc_end0:
.L_simem_size_0:
called_computation_lowered:
.L_overlay_start_0:
0x88: {  	s2 =	sld [smem:$0x3FD9]  }
0x89: {  	s3 =	sld [smem:$0x3FFE];
	_ =	sdelay $0x1  }
0x8a: {  	s1 =	srdreg.scid  }
0x8b: {  	s0 =	sand.u32 $0x1, s1  }
0x8c: {  	s16 =	sshll.u32 s0, $0xA;
	s2 =	sadd.s32 s3, s2  }
0x8d: {  	s2 =	sadd.s32 s2, s16  }
0x8e: {  	[smem:$0x3FBF] =	sst s2  }
0x8f: {  	_ = 	snop  }
0x90: {  	(tm) =	ssettm $0x1  }
0x91: {  	s17 =	sld [smem:$0x3FFB];
	_ =	sdelay $0x3  }
0x92: {  	_ =	strace s17  }
0x93: {  	s2 =	sld [smem:$0x3FFC];
	_ =	sdelay $0x3  }
0x94: {  	_ =	strace s2  }
0x95: {  	s2 =	sld [smem:$0x3FFD];
	_ =	sdelay $0x3  }
0x96: {  	_ =	strace s2  }
0x97: {  	_ =	strace $0x8FFFFFFF  }
0x98: {  	s18 =	sld [smem:$0x3FDB];
	_ =	sdelay $0x1  }
0x99: {  	s19 =	simm.s32 $_scs_section_size  }
0x9a: {  	s4 =	simm.s32 $_size__tile_overlayer_lowered;
	s5 =	simm.s32 $_tile_overlayer_lowered  }
0x9b: {  	s22 =	simm.s32 $0x1BFF;
	s21 =	sshll.u32 s5, $0x1;
	s2 =	sadd.s32 s19, s18  }
0x9c: {  	s6 =	simm.s32 $0x0;
	s20 =	sshll.u32 s4, $0x1;
	s4 =	sadd.s32 s21, s2  }
0x9d: {  	[timem:s6], [sflag:s22] =	dma.local [hbm:s4], s20  }
0x9e: {  	_ =	swait.ge [sflag:s22], s20  }
0x9f: {  	s3 =	ssub.s32 $0x0, s20;
	[sflag:s22] =	ssyncset.done $0x0  }
0xa0: {  	[sflag:s22] =	ssyncadd.s32 s3;
	_ =	sdelay $0x1  }
0xa1: {  	s23 =	simm.s32 $0x1B8B  }
0xa2: {  	_ =	swait.ge [sflag:s23], $0x1  }
0xa3: {  	[sflag:s23] =	ssyncset.done $0x0  }
0xa4: {  	s25 =	simm.s32 $0x1B8E;
	s24 =	sld [smem:$0x3FFE];
	[sflag:s23] =	ssyncadd.s32 $0xFFFFFFFF  }
0xa5: {  	s26 =	simm.s32 $execute0_lowered;
	[smem:$0x3FD2] =	sst s25  }
0xa6: {  	s4 =	sshll.u32 s26, $0x1;
	_ =	strace $0x80000046;
	[dreg:$0x1] =	wrdreg $0xFFFFFFFF  }
0xa7: {  	s28 =	simm.s32 $_size_execute0_lowered;
	s2 =	sadd.s32 s2, s4;
	[dreg:$0x0] =	wrdreg $0x0  }
0xa8: {  	s4 =	sshll.u32 s28, $0x1;
	[dreg:$0x2] =	wrdreg s2  }
0xa9: {  	[dreg:$0x3] =	wrdreg s4  }
0xaa: {  	[dreg:$0x4] =	wrdreg $0xC0  }
0xab: {  	_ =	task [dreg:s6], $0x5FFFF  }
0xac: {  	[dreg:$0x1] =	wrdreg $0xFFFFFFFF  }
0xad: {  	[dreg:$0x0] =	wrdreg $0x60  }
0xae: {  	[dreg:$0x2] =	wrdreg s24  }
0xaf: {  	[dreg:$0x3] =	wrdreg $0xA8800  }
0xb0: {  	[dreg:$0x4] =	wrdreg $0x9  }
0xb1: {  	_ =	task.clear_ibuf [dreg:s6], $0x5FFFF;
	_ =	strace $0x90000046  }
0xb2: {  	s29 =	simm.s32 $0x9;
	_ =	strace $0x80000048  }
0xb3: {  	_ =	swait.ge [sflag:s29], $0x1  }
0xb4: {  	[sflag:s29] =	ssyncadd.s32 $0xFFFFFFFF  }
0xb5: {  	_ =	strace $0x90000048  }
0xb6: {  	_ =	sfence  }
0xb7: {  	s30 =	sld [smem:$0x0];
	_ =	sdelay $0x2  }
0xb8: {  	s31 =	sshll.u32 s1, $0xD;
	s1 =	sshrl.u32 s1, $0x2  }
0xb9: {  	s3 =	sand.u32 $0x4000, s31;
	s1 =	sadd.s32 s1, s30  }
0xba: {  	s0 =	sor.u32 s3, s0;
	s1 =	sshll.u32 s1, $0x11  }
0xbb: {  	s0 =	sor.u32 s1, s0  }
0xbc: {  	s0 =	sadd.s32 $0x8F2B, s0  }
0xbd: {  	[sflag:s0] =	ssyncadd.remote.s32 $0x1  }
0xbe: {  	_ =	sfence.sel $0xFFFF  }
0xbf: {  	[dreg:$0x0] =	wrdreg $0xFFFFFFFF;
	(pc) =	sbr.abs _section_cstart, $3  }
0xc0: {  	[dreg:$0x1] =	wrdreg $0xFFFFFFFF  }
0xc1: {  	_ =	task.clear_ibuf [dreg:s6], $0x2FFFF;
	_ =	strace $0x9FFFFFFF  }
0xc2: {  	(tm) =	ssettm $0x7FFFFFFF  }
0xc3: {  	_ =	shalt  }
tec
execute0_lowered:
.L_overlay_start_1:
0x0: {  	(tag) =	ssettag $0x1  }
0x1: {  	s0 =	srdreg.scid;
	s2 =	rddreg [dreg:$0x0]  }
0x2: {  	s1 =	simm.s32 $0x0;
	s28 =	stileid.u32;
	s0 =	sand.u32 $0x1, s0  }
0x3: {  	[smem:$0x7FF] =	sst s1;
	s4 =	sadd.s32 $0x3FA00, s2;
	s6 =	sadd.s32 $0x41000, s2  }
0x4: {  	s8 =	smul.u32 $0x280, s28;
	s9 =	sadd.s32 $0x69000, s2;
	s5 =	ssub.s32 $0x2, s0  }
0x5: {  	s3 =	sshll.u32 s0, $0x4;
	p0 =	seq.s32 s0, $0x1;
	s7 =	sshrl.u32 s5, $0x1  }
0x6: {  	s10 =	sadd.s32 $0x80, s8;
	s11 =	sadd.s32 $0x100, s8;
	s12 =	sadd.s32 $0x180, s8  }
0x7: {  	s13 =	sadd.s32 $0x200, s8;
	s8 =	sshrl.u32 s8, $0x3;
	s5 =	ssub.s32 s5, s7  }
0x8: {  	s7 =	smul.u32 $0x2800, s28;
	s0 =	sshll.u32 s10, $0x4;
	s8 =	sadd.s32 s4, s8  }
0x9: {  	s14 =	sshll.u32 s11, $0x4;
	s16 =	sadd.s32 s6, s0;
	[dreg:$0x8] =	wrdreg s8  }
0xa: {  	s15 =	sshll.u32 s12, $0x4;
	s24 =	sadd.s32 s6, s14;
	[dreg:$0x4] =	wrdreg s16  }
0xb: {  	s19 =	sshrl.u32 s12, $0x3;
	s25 =	sadd.s32 s6, s15;
	[dreg:$0x5] =	wrdreg s24  }
0xc: {  	s3 =	sor.u32 s28, s3;
	s21 =	sadd.s32 s4, s19;
	[dreg:$0x6] =	wrdreg s25  }
0xd: {  	s17 =	sshll.u32 s13, $0x4;
	s23 =	sadd.s32 s6, s7;
	[dreg:$0xb] =	wrdreg s21  }
0xe: {  	s26 =	sshrl.u32 s10, $0x3;
	s6 =	sadd.s32 s6, s17;
	[dreg:$0x3] =	wrdreg s23  }
0xf: {  	s3 =	smul.u32 $0x500, s3;
	s16 =	sadd.s32 s4, s26;
	[dreg:$0x7] =	wrdreg s6  }
0x10: {  	s18 =	sshrl.u32 s11, $0x3;
	s22 =	sadd.s32 s9, s7;
	[dreg:$0x9] =	wrdreg s16  }
0x11: {  	s20 =	sshrl.u32 s13, $0x3;
	s24 =	sadd.s32 s9, s14;
	[dreg:$0xd] =	wrdreg s22  }
0x12: {  	s10 =	sshll.u32 s10, $0x7;
	s25 =	sadd.s32 s9, s15;
	[dreg:$0xf] =	wrdreg s24  }
0x13: {  	s8 =	smul.u32 $0x50000, s28;
	s26 =	sadd.s32 s9, s17;
	[dreg:$0x10] =	wrdreg s25  }
0x14: {  	s3 =	sadd.s32 s3, s2;
	s6 =	sadd.s32 s4, s18;
	[dreg:$0x11] =	wrdreg s26  }
0x15: {  	s4 =	sadd.s32 s4, s20;
	s23 =	sadd.s32 s9, s0;
	s20 =	rddreg [dreg:$0x1]  }
0x16: {  	s24 =	sadd.s32 $0x18800, s2;
	s25 =	sadd.s32 $0x40800, s2;
	[dreg:$0xa] =	wrdreg s6  }
0x17: {  	s26 =	sadd.s32 $0x40000, s2;
	s9 =	sshll.u32 s28, $0x6;
	[dreg:$0xc] =	wrdreg s4  }
0x18: {  	s16 =	sshll.u32 s13, $0x7;
	[dreg:$0xe] =	wrdreg s23;
	s6 =	sadd.s32 $0x91000, s2  }
0x19: {  	s29 =	sor.u32 $0x1C02, s9;
	s30 =	sadd.s32 s10, s20;
	s2 =	sadd.s32 $0x4800, s3  }
0x1a: {  	s3 =	smax.u32 s5, $0x1;
	s4 =	simm.s32 $0x2;
	s5 =	simm.s32 $0x6880  }
0x1b: {  	s9 =	simm.s32 $0x0;
	s18 =	sadd.s32 s6, s7;
	s19 =	sadd.s32 s6, s0  }
.Ltmp0:
0x1c: {  	s21 =	sadd.s32 s6, s14;
	s22 =	sadd.s32 s6, s15;
	(pc) =	sbr.rel .LBB2_1-.Ltmp0, $4  }
0x1d: {  	s23 =	sadd.s32 s6, s17;
	_ =	strace $0x80000047;
	s0 =	sshrl.u32 s8, $0x2  }
0x1e: {  	s14 =	sshll.u32 s11, $0x7;
	s15 =	sshll.u32 s12, $0x7;
	s6 =	simm.s32 $0x80  }
0x1f: {  	s7 =	simm.s32 $0x2880;
	s8 =	simm.s32 $0x1;
	s28 =	sadd.s32 s0, s20  }
0x20: {  	s31 =	sadd.s32 s14, s20;
	s17 =	sadd.s32 s15, s20;
	s0 =	sadd.s32 s16, s20  }
.LBB2_5:
0x21: {  	s15 =	rddreg [dreg:$0xd]  }
0x22: {  	[hbm:s15], [sflag:s29] =	dma.local [spmem:s14], $0x800  }
0x23: {  	_ =	swait.ge [sflag:s4], $0x800  }
0x24: {  	[sflag:s4] =	ssyncset.done $0x0  }
0x25: {  	s16 =	rddreg [dreg:$0xe];
	[sflag:s4] =	ssyncadd.s32 $0xFFFFF800  }
0x26: {  	[hbm:s16], [sflag:s29] =	dma.local [spmem:s13], $0x800  }
0x27: {  	_ =	swait.ge [sflag:s4], $0x800  }
0x28: {  	[sflag:s4] =	ssyncset.done $0x0  }
0x29: {  	s14 =	rddreg [dreg:$0xf];
	[sflag:s4] =	ssyncadd.s32 $0xFFFFF800  }
0x2a: {  	[hbm:s14], [sflag:s29] =	dma.local [spmem:s12], $0x800  }
0x2b: {  	_ =	swait.ge [sflag:s4], $0x800  }
0x2c: {  	[sflag:s4] =	ssyncset.done $0x0  }
0x2d: {  	s15 =	rddreg [dreg:$0x10];
	[sflag:s4] =	ssyncadd.s32 $0xFFFFF800  }
0x2e: {  	[hbm:s15], [sflag:s29] =	dma.local [spmem:s11], $0x800  }
0x2f: {  	_ =	swait.ge [sflag:s4], $0x800  }
0x30: {  	[sflag:s4] =	ssyncset.done $0x0  }
0x31: {  	s16 =	rddreg [dreg:$0x11];
	[sflag:s4] =	ssyncadd.s32 $0xFFFFF800  }
0x32: {  	[hbm:s16], [sflag:s29] =	dma.local [spmem:s10], $0x800  }
0x33: {  	_ =	swait.ge [sflag:s4], $0x800  }
0x34: {  	[sflag:s4] =	ssyncset.done $0x0  }
0x35: {  	s12 =	rddreg [dreg:$0x8];
	[sflag:s4] =	ssyncadd.s32 $0xFFFFF800  }
0x36: {  	[tilespmem:s1], [sflag:$0x2] =	stream.linear.gather [hbm4b:s12+s1], $0x80, $0x38;
	[tilespmem:$0x1E880] =	vst v63  }
0x37: {  	_ =	swait.ge [sflag:s4], $0x80  }
0x38: {  	[sflag:s4] =	ssyncset.done $0x0  }
0x39: {  	[sflag:s4] =	ssyncadd.s32 $0xFFFFFF80  }
0x3a: {  	[tilespmem:s7], [sflag:$0x1] =	stream.indirect.gather [hbm4b:s24+s6], $0x80, s1, s6, $0xb8;
	[tilespmem:$0x1E880] =	vst v63  }
0x3b: {  	_ =	swait.ge [sflag:s8], $0x4000  }
0x3c: {  	[sflag:s8] =	ssyncset.done $0x0  }
0x3d: {  	[sflag:s8] =	ssyncadd.s32 $0xFFFFC000  }
0x3e: {  	[hbm4b:s18+s1] =	stream.linear.scatter [tilespmem:s7], [sflag:$0x2], $0x4000, $0x38;
	[tilespmem:$0x1E880] =	vst v63  }
0x3f: {  	_ =	swait.ge [sflag:s4], $0x4000  }
0x40: {  	[sflag:s4] =	ssyncset.done $0x0  }
0x41: {  	s13 =	rddreg [dreg:$0x9];
	[sflag:s4] =	ssyncadd.s32 $0xFFFFC000  }
0x42: {  	[tilespmem:s1], [sflag:$0x2] =	stream.linear.gather [hbm4b:s13+s1], $0x80, $0x38;
	[tilespmem:$0x1E880] =	vst v63  }
0x43: {  	_ =	swait.ge [sflag:s4], $0x80  }
0x44: {  	[sflag:s4] =	ssyncset.done $0x0  }
0x45: {  	[sflag:s4] =	ssyncadd.s32 $0xFFFFFF80  }
0x46: {  	[tilespmem:s7], [sflag:$0x1] =	stream.indirect.gather [hbm4b:s24+s6], $0x80, s1, s6, $0xb8;
	[tilespmem:$0x1E880] =	vst v63  }
0x47: {  	_ =	swait.ge [sflag:s8], $0x4000  }
0x48: {  	[sflag:s8] =	ssyncset.done $0x0  }
0x49: {  	[sflag:s8] =	ssyncadd.s32 $0xFFFFC000  }
0x4a: {  	[hbm4b:s19+s1] =	stream.linear.scatter [tilespmem:s7], [sflag:$0x2], $0x4000, $0x38;
	[tilespmem:$0x1E880] =	vst v63  }
0x4b: {  	_ =	swait.ge [sflag:s4], $0x4000  }
0x4c: {  	[sflag:s4] =	ssyncset.done $0x0  }
0x4d: {  	s14 =	rddreg [dreg:$0xa];
	[sflag:s4] =	ssyncadd.s32 $0xFFFFC000  }
0x4e: {  	[tilespmem:s1], [sflag:$0x2] =	stream.linear.gather [hbm4b:s14+s1], $0x80, $0x38;
	[tilespmem:$0x1E880] =	vst v63  }
0x4f: {  	_ =	swait.ge [sflag:s4], $0x80  }
0x50: {  	[sflag:s4] =	ssyncset.done $0x0  }
0x51: {  	[sflag:s4] =	ssyncadd.s32 $0xFFFFFF80  }
0x52: {  	[tilespmem:s7], [sflag:$0x1] =	stream.indirect.gather [hbm4b:s24+s6], $0x80, s1, s6, $0xb8;
	[tilespmem:$0x1E880] =	vst v63  }
0x53: {  	_ =	swait.ge [sflag:s8], $0x4000  }
0x54: {  	[sflag:s8] =	ssyncset.done $0x0  }
0x55: {  	[sflag:s8] =	ssyncadd.s32 $0xFFFFC000  }
0x56: {  	[hbm4b:s21+s1] =	stream.linear.scatter [tilespmem:s7], [sflag:$0x2], $0x4000, $0x38;
	[tilespmem:$0x1E880] =	vst v63  }
0x57: {  	_ =	swait.ge [sflag:s4], $0x4000  }
0x58: {  	[sflag:s4] =	ssyncset.done $0x0  }
0x59: {  	s15 =	rddreg [dreg:$0xb];
	[sflag:s4] =	ssyncadd.s32 $0xFFFFC000  }
0x5a: {  	[tilespmem:s1], [sflag:$0x2] =	stream.linear.gather [hbm4b:s15+s1], $0x80, $0x38;
	[tilespmem:$0x1E880] =	vst v63  }
0x5b: {  	_ =	swait.ge [sflag:s4], $0x80  }
0x5c: {  	[sflag:s4] =	ssyncset.done $0x0  }
0x5d: {  	[sflag:s4] =	ssyncadd.s32 $0xFFFFFF80  }
0x5e: {  	[tilespmem:s7], [sflag:$0x1] =	stream.indirect.gather [hbm4b:s24+s6], $0x80, s1, s6, $0xb8;
	[tilespmem:$0x1E880] =	vst v63  }
0x5f: {  	_ =	swait.ge [sflag:s8], $0x4000  }
0x60: {  	[sflag:s8] =	ssyncset.done $0x0  }
0x61: {  	[sflag:s8] =	ssyncadd.s32 $0xFFFFC000  }
0x62: {  	[hbm4b:s22+s1] =	stream.linear.scatter [tilespmem:s7], [sflag:$0x2], $0x4000, $0x38;
	[tilespmem:$0x1E880] =	vst v63  }
0x63: {  	_ =	swait.ge [sflag:s4], $0x4000  }
0x64: {  	[sflag:s4] =	ssyncset.done $0x0  }
0x65: {  	s16 =	rddreg [dreg:$0xc];
	[sflag:s4] =	ssyncadd.s32 $0xFFFFC000  }
0x66: {  	[tilespmem:s1], [sflag:$0x2] =	stream.linear.gather [hbm4b:s16+s1], $0x80, $0x38;
	[tilespmem:$0x1E880] =	vst v63  }
0x67: {  	_ =	swait.ge [sflag:s4], $0x80  }
0x68: {  	[sflag:s4] =	ssyncset.done $0x0  }
0x69: {  	[sflag:s4] =	ssyncadd.s32 $0xFFFFFF80  }
0x6a: {  	[tilespmem:s7], [sflag:$0x1] =	stream.indirect.gather [hbm4b:s24+s6], $0x80, s1, s6, $0xb8;
	[tilespmem:$0x1E880] =	vst v63  }
0x6b: {  	_ =	swait.ge [sflag:s8], $0x4000  }
0x6c: {  	[sflag:s8] =	ssyncset.done $0x0  }
0x6d: {  	[sflag:s8] =	ssyncadd.s32 $0xFFFFC000  }
0x6e: {  	[hbm4b:s23+s1] =	stream.linear.scatter [tilespmem:s7], [sflag:$0x2], $0x4000, $0x38;
	[tilespmem:$0x1E880] =	vst v63  }
0x6f: {  	_ =	swait.ge [sflag:s4], $0x4000  }
0x70: {  	[sflag:s4] =	ssyncset.done $0x0  }
0x71: {  	[sflag:s4] =	ssyncadd.s32 $0xFFFFC000  }
.LBB2_6:
0x72: {  	s9 =	sadd.s32 $0x1, s9  }
0x73: {  	p1 =	sne.s32 s9, s3  }
.Ltmp1:
0x74: {  	_ = 	snop;
	(pc) =	sbr.rel @!p1 .LBB2_7-.Ltmp1, $1  }
0x75: {  	_ =	sdelay $0x3  }
.LBB2_1:
0x76: {  	s14 =	sshrl.u32 s28, $0x3  }
0x77: {  	[spmem:s14], [sflag:s29] =	dma.local [hbm:s26], $0x800  }
0x78: {  	_ =	swait.ge [sflag:s4], $0x800  }
0x79: {  	[sflag:s4] =	ssyncset.done $0x0  }
0x7a: {  	s13 =	sshrl.u32 s30, $0x3;
	[sflag:s4] =	ssyncadd.s32 $0xFFFFF800  }
0x7b: {  	[spmem:s13], [sflag:s29] =	dma.local [hbm:s26], $0x800  }
0x7c: {  	_ =	swait.ge [sflag:s4], $0x800  }
0x7d: {  	[sflag:s4] =	ssyncset.done $0x0  }
0x7e: {  	s12 =	sshrl.u32 s31, $0x3;
	[sflag:s4] =	ssyncadd.s32 $0xFFFFF800  }
0x7f: {  	[spmem:s12], [sflag:s29] =	dma.local [hbm:s26], $0x800  }
0x80: {  	_ =	swait.ge [sflag:s4], $0x800  }
0x81: {  	[sflag:s4] =	ssyncset.done $0x0  }
0x82: {  	s11 =	sshrl.u32 s17, $0x3;
	[sflag:s4] =	ssyncadd.s32 $0xFFFFF800  }
0x83: {  	[spmem:s11], [sflag:s29] =	dma.local [hbm:s26], $0x800  }
0x84: {  	_ =	swait.ge [sflag:s4], $0x800  }
0x85: {  	[sflag:s4] =	ssyncset.done $0x0  }
0x86: {  	s10 =	sshrl.u32 s0, $0x3;
	[sflag:s4] =	ssyncadd.s32 $0xFFFFF800  }
0x87: {  	[spmem:s10], [sflag:s29] =	dma.local [hbm:s26], $0x800  }
0x88: {  	_ =	swait.ge [sflag:s4], $0x800  }
0x89: {  	[sflag:s4] =	ssyncset.done $0x0  }
0x8a: {  	[sflag:s4] =	ssyncadd.s32 $0xFFFFF800  }
0x8b: {  	[tilespmem:s5], [sflag:$0x2] =	stream.linear.gather [hbm4b:s25+s1], $0x4000, $0x38;
	[tilespmem:$0x1E880] =	vst v63  }
0x8c: {  	_ =	swait.ge [sflag:s4], $0x4000  }
0x8d: {  	[sflag:s4] =	ssyncset.done $0x0  }
0x8e: {  	[sflag:s4] =	ssyncadd.s32 $0xFFFFC000  }
0x8f: {  	[tilespmem:s6], [sflag:$0x2] =	stream.linear.gather [hbm4b:s2+s1], $0x2800, $0x38;
	[tilespmem:$0x1E880] =	vst v63  }
0x90: {  	_ =	swait.ge [sflag:s4], $0x2800  }
0x91: {  	[sflag:s4] =	ssyncset.done $0x0  }
0x92: {  	[sflag:s4] =	ssyncadd.s32 $0xFFFFD800  }
0x93: {  	s15 =	simm.s32 $0x80;
	[bflag:$0x0] =	sbarrier.arrive $0xFFFF  }
0x94: {  	[spmem:s20] =	stream.indirect.scatter.add.f32 [tilespmem:s5], [sflag:$0x2], $0x80, s15, s6, $0xb8;
	[tilespmem:$0x1E880] =	vst v63  }
0x95: {  	s15 =	simm.s32 $0x200;
	_ =	swait.ge [sflag:s4], $0x4000  }
.LBB2_2:
0x96: {  	s16 =	sshra.s32 s15, $0x2;
	[sflag:s4] =	ssyncset.done $0x0;
	p1 =	sne.s32 s15, $0x9E00  }
.Ltmp2:
0x97: {  	s16 =	sadd.s32 $0x80, s16;
	[sflag:s4] =	ssyncadd.s32 $0xFFFFC000;
	(pc) =	sbr.rel @p1 .LBB2_2-.Ltmp2, $3  }
0x98: {  	[spmem:s20] =	stream.indirect.scatter.add.f32 [tilespmem:s5], [sflag:$0x2], $0x80, s16, s6, $0xb8;
	[tilespmem:$0x1E880] =	vst v63  }
0x99: {  	s15 =	sadd.s32 $0x200, s15;
	_ =	sdelay $0x1  }
0x9a: {  	_ =	swait.ge [sflag:s4], $0x4000  }
.Ltmp3:
0x9b: {  	(pc) =	sbr.rel @p0 .LBB2_5-.Ltmp3, $3  }
0x9c: {  	[sflag:s4] =	ssyncset.done $0x0  }
0x9d: {  	[sflag:s4] =	ssyncadd.s32 $0xFFFFC000  }
0x9e: {  	[bflag:$0x0] =	sbarrier.arrive $0xFFFF;
	_ =	sdelay $0x1  }
0x9f: {  	s15 =	rddreg [dreg:$0x3]  }
0xa0: {  	[hbm:s15], [sflag:s29] =	dma.local [spmem:s14], $0x800  }
0xa1: {  	_ =	swait.ge [sflag:s4], $0x800  }
0xa2: {  	[sflag:s4] =	ssyncset.done $0x0  }
0xa3: {  	s16 =	rddreg [dreg:$0x4];
	[sflag:s4] =	ssyncadd.s32 $0xFFFFF800  }
0xa4: {  	[hbm:s16], [sflag:s29] =	dma.local [spmem:s13], $0x800  }
0xa5: {  	_ =	swait.ge [sflag:s4], $0x800  }
0xa6: {  	[sflag:s4] =	ssyncset.done $0x0  }
0xa7: {  	s14 =	rddreg [dreg:$0x5];
	[sflag:s4] =	ssyncadd.s32 $0xFFFFF800  }
0xa8: {  	[hbm:s14], [sflag:s29] =	dma.local [spmem:s12], $0x800  }
0xa9: {  	_ =	swait.ge [sflag:s4], $0x800  }
0xaa: {  	[sflag:s4] =	ssyncset.done $0x0  }
0xab: {  	s15 =	rddreg [dreg:$0x6];
	[sflag:s4] =	ssyncadd.s32 $0xFFFFF800  }
0xac: {  	[hbm:s15], [sflag:s29] =	dma.local [spmem:s11], $0x800  }
0xad: {  	_ =	swait.ge [sflag:s4], $0x800  }
0xae: {  	[sflag:s4] =	ssyncset.done $0x0  }
.Ltmp4:
0xaf: {  	s16 =	rddreg [dreg:$0x7];
	[sflag:s4] =	ssyncadd.s32 $0xFFFFF800;
	(pc) =	sbr.rel .LBB2_6-.Ltmp4, $4  }
0xb0: {  	[hbm:s16], [sflag:s29] =	dma.local [spmem:s10], $0x800  }
0xb1: {  	_ =	swait.ge [sflag:s4], $0x800  }
0xb2: {  	[sflag:s4] =	ssyncset.done $0x0  }
0xb3: {  	[sflag:s4] =	ssyncadd.s32 $0xFFFFF800  }
.LBB2_7:
0xb4: {  	_ =	sfence.sel $0x180000  }
0xb5: {  	[bflag:$0x0] =	sbarrier.arrive $0xFFFF  }
0xb6: {  	_ =	strace $0x90000047  }
0xb7: {  	s0 =	stileid.u32;
	[bflag:$0x2] =	sbarrier.arrive $0xFFFF  }
0xb8: {  	p0 =	sne.s32 s0, $0x0;
	s0 =	rddreg [dreg:$0x2]  }
0xb9: {  	s0 =	sadd.s32 @!p0 $0x100000, s0  }
0xba: {  	[sflag:s0] =	ssyncadd.tile.s32 @!p0 $0x1;
	_ =	shalt  }
.Lfunc_end2:
_tile_overlayer_lowered:
.L_overlay_start_2:
0xbb: {  	(tag) =	ssettag $0x2  }
0xbc: {  	s0 =	rddreg [dreg:$0x0];
	s2 =	stileid.u32  }
0xbd: {  	s1 =	rddreg [dreg:$0x1];
	p0 =	sne.s32 s2, $0x0  }
0xbe: {  	s3 =	rddreg [dreg:$0x2];
	[bflag:$0x3] =	sbarrier.arrive $0xFFFF;
	s2 =	simm.s32 @!p0 $0x1C02  }
0xbf: {  	[timem:s3], [sflag:s2] =	dma.local @!p0 [hbm:s0], s1  }
0xc0: {  	s0 =	simm.s32 @!p0 $0x2  }
0xc1: {  	_ =	swait.ge @!p0 [sflag:s0], s1  }
0xc2: {  	s1 =	ssub.s32 @!p0 $0x0, s1;
	[sflag:s0] =	ssyncset.done @!p0 $0x0  }
0xc3: {  	[sflag:s0] =	ssyncadd.s32 @!p0 s1  }
0xc4: {  	[bflag:$0x3] =	sbarrier.arrive $0xFFFF  }
0xc5: {  	_ =	shalt  }

// kernel: kernel.13.cloned.1.call-start
scs
__scs_entry_jumppad:
0x0: {  	(pc) =	sbr.rel $0x88, $3  }
0x1: {  	(tag) =	ssettag $0x0;
	lr =	simm.s32 $0x1  }
0x2: {  	[smem:$0x3F98] =	sst lr;
	_ =	strace $0xD0000000  }
0x3: {  	_ = 	snop  }
0x4: {  	_ = 	snop  }
0x5: {  	_ = 	snop  }
0x6: {  	_ = 	snop  }
0x7: {  	_ = 	snop  }
__scs_overlays_trampoline_lowered:
0x8: {  	[smem:$0x3FA7] =	sst s0  }
0x9: {  	[smem:$0x3FA8] =	sst s1  }
0xa: {  	[smem:$0x3FA9] =	sst s2  }
0xb: {  	[smem:$0x3FAA] =	sst s3  }
0xc: {  	[smem:$0x3FAB] =	sst s4  }
0xd: {  	[smem:$0x3FAC] =	sst s5  }
0xe: {  	[smem:$0x3FAD] =	sst s6  }
0xf: {  	[smem:$0x3FAE] =	sst s7  }
0x10: {  	[smem:$0x3FAF] =	sst s8  }
0x11: {  	[smem:$0x3FB0] =	sst s9;
	s0 =	simm.s32 @!p0 $0x0  }
0x12: {  	s1 =	sld [smem:$0x3F96];
	s0 =	simm.s32 @p0 $0x1  }
0x13: {  	[smem:$0x3FB1] =	sst s0;
	s0 =	simm.s32 @!p1 $0x0  }
0x14: {  	s2 =	sld [smem:$0x3F95];
	s0 =	simm.s32 @p1 $0x1  }
0x15: {  	[smem:$0x3FB2] =	sst s0;
	s0 =	simm.s32 @!p2 $0x0  }
0x16: {  	s3 =	sld [smem:$0x3FDB];
	s0 =	simm.s32 @p2 $0x1  }
0x17: {  	s4 =	simm.s32 $0x1BF5;
	[smem:$0x3FB4] =	sst s0  }
0x18: {  	s0 =	sld [smem:$0x3F97];
	_ =	swait.ge [sflag:s4], $0x0  }
0x19: {  	s7 =	sld [smem:$0x3F98]  }
0x1a: {  	s8 =	sadd.s32 $0xFFFFE003, lr  }
0x1b: {  	s9 =	sadd.s32 $0xFFFFFEF7, lr;
	s5 =	simm.s32 $0xFFFFFFFF;
	p2 =	slt.u32 s8, $0xFFFFF086  }
0x1c: {  	p1 =	slt.u32 s9, $0xF7A;
	s5 =	simm.s32 @!p2 $0x0  }
0x1d: {  	s5 =	simm.s32 @p1 $0x1;
	p0 =	seq.s32 s7, s2  }
0x1e: {  	s7 =	smul.u32 @!p0 $0xF7A, s2;
	p2 =	seq.s32 @!p0 s5, $0x0  }
0x1f: {  	s9 =	smul.u32 $0xF7A, s1;
	s8 =	simm.s32 @!p0 $0x1BF5;
	p2 =	por !p2, p0  }
0x20: {  	[sflag:s8] =	ssyncset.s32 @!p0 $0xFFFFF086;
	s6 =	sadd.s32 @!p0 s3, s7;
	s7 =	simm.s32 @!p0 $0x108  }
0x21: {  	s3 =	sadd.s32 s3, s9;
	s6 =	sadd.s32 @!p0 $0x88, s6;
	s7 =	simm.s32 @p2 $0x1082  }
0x22: {  	[simem:s7], [sflag:s8] =	dma.local @!p0 [hbm:s6], $0xF7A  }
0x23: {  	s9 =	sor.u32 $0xD0000000, s2;
	s6 =	simm.s32 $0x108;
	_ =	swait.ge @!p0 [sflag:s8], $0x0  }
0x24: {  	s3 =	sadd.s32 $0x88, s3;
	s6 =	simm.s32 @!p1 $0x1082;
	[sflag:s4] =	ssyncset.s32 $0xFFFFF086  }
0x25: {  	[simem:s6], [sflag:s4] =	dma.local [hbm:s3], $0xF7A  }
0x26: {  	[smem:$0x3F98] =	sst s1;
	(tag) =	ssettag s2;
	_ =	strace s9  }
0x27: {  	s1 =	sld [smem:$0x3FA8]  }
0x28: {  	s2 =	sld [smem:$0x3FA9]  }
0x29: {  	s4 =	sld [smem:$0x3FAB]  }
0x2a: {  	p0 =	seq.s32 s5, $0x0;
	s5 =	sld [smem:$0x3FAC]  }
0x2b: {  	s6 =	sld [smem:$0x3FAD]  }
0x2c: {  	s7 =	sld [smem:$0x3FAE]  }
0x2d: {  	s3 =	simm.s32 $0x108;
	s8 =	sld [smem:$0x3FAF]  }
0x2e: {  	s3 =	simm.s32 @!p0 $0x1082;
	s9 =	sld [smem:$0x3FB0]  }
0x2f: {  	lr =	sadd.s32 s0, s3;
	s0 =	sld [smem:$0x3FA7]  }
0x30: {  	s3 =	sld [smem:$0x3FAA]  }
0x31: {  	[smem:$0x3FB3] =	sst s10  }
0x32: {  	s10 =	sld [smem:$0x3FB1];
	_ =	sdelay $0x3  }
0x33: {  	p0 =	seq.s32 s10, $0x1;
	s10 =	sld [smem:$0x3FB3];
	_ =	sdelay $0x3  }
0x34: {  	[smem:$0x3FB3] =	sst s10  }
0x35: {  	s10 =	sld [smem:$0x3FB2];
	_ =	sdelay $0x3  }
0x36: {  	p1 =	seq.s32 s10, $0x1;
	s10 =	sld [smem:$0x3FB3];
	_ =	sdelay $0x3  }
0x37: {  	[smem:$0x3FB3] =	sst s10  }
0x38: {  	s10 =	sld [smem:$0x3FB4]  }
0x39: {  	_ = 	snop;
	(pc) =	sbr.ind lr, $3  }
0x3a: {  	_ = 	snop  }
0x3b: {  	_ = 	snop  }
0x3c: {  	p2 =	seq.s32 s10, $0x1;
	s10 =	sld [smem:$0x3FB3]  }
0x3d: {  	_ =	shalt  }
0x3e: {  	_ =	shalt  }
0x3f: {  	_ =	shalt  }
0x40: {  	_ =	shalt  }
0x41: {  	_ =	shalt  }
0x42: {  	_ =	shalt  }
0x43: {  	_ =	shalt  }
0x44: {  	_ =	shalt  }
0x45: {  	_ =	shalt  }
0x46: {  	_ =	shalt  }
0x47: {  	_ =	shalt  }
0x48: {  	_ =	shalt  }
0x49: {  	_ =	shalt  }
0x4a: {  	_ =	shalt  }
0x4b: {  	_ =	shalt  }
0x4c: {  	_ =	shalt  }
0x4d: {  	_ =	shalt  }
0x4e: {  	_ =	shalt  }
0x4f: {  	_ =	shalt  }
0x50: {  	_ =	shalt  }
0x51: {  	_ =	shalt  }
0x52: {  	_ =	shalt  }
0x53: {  	_ =	shalt  }
0x54: {  	_ =	shalt  }
0x55: {  	_ =	shalt  }
0x56: {  	_ =	shalt  }
0x57: {  	_ =	shalt  }
0x58: {  	_ =	shalt  }
0x59: {  	_ =	shalt  }
0x5a: {  	_ =	shalt  }
0x5b: {  	_ =	shalt  }
0x5c: {  	_ =	shalt  }
0x5d: {  	_ =	shalt  }
0x5e: {  	_ =	shalt  }
0x5f: {  	_ =	shalt  }
0x60: {  	_ =	shalt  }
0x61: {  	_ =	shalt  }
0x62: {  	_ =	shalt  }
0x63: {  	_ =	shalt  }
0x64: {  	_ =	shalt  }
0x65: {  	_ =	shalt  }
0x66: {  	_ =	shalt  }
0x67: {  	_ =	shalt  }
0x68: {  	_ =	shalt  }
0x69: {  	_ =	shalt  }
0x6a: {  	_ =	shalt  }
0x6b: {  	_ =	shalt  }
0x6c: {  	_ =	shalt  }
0x6d: {  	_ =	shalt  }
0x6e: {  	_ =	shalt  }
0x6f: {  	_ =	shalt  }
0x70: {  	_ =	shalt  }
0x71: {  	_ =	shalt  }
0x72: {  	_ =	shalt  }
0x73: {  	_ =	shalt  }
0x74: {  	_ =	shalt  }
0x75: {  	_ =	shalt  }
0x76: {  	_ =	shalt  }
0x77: {  	_ =	shalt  }
0x78: {  	_ =	shalt  }
0x79: {  	_ =	shalt  }
0x7a: {  	_ =	shalt  }
0x7b: {  	_ =	shalt  }
0x7c: {  	_ =	shalt  }
0x7d: {  	_ =	shalt  }
0x7e: {  	_ =	shalt  }
0x7f: {  	_ =	shalt  }
0x80: {  	_ =	shalt  }
0x81: {  	_ =	shalt  }
0x82: {  	_ =	shalt  }
0x83: {  	_ =	shalt  }
0x84: {  	_ =	shalt  }
0x85: {  	_ =	shalt  }
0x86: {  	_ =	shalt  }
0x87: {  	_ =	shalt  }
.Lfunc_end0:
.L_simem_size_0:
called_computation.1_lowered:
.L_overlay_start_0:
0x88: {  	s2 =	sld [smem:$0x3FD9]  }
0x89: {  	s3 =	sld [smem:$0x3FFE];
	_ =	sdelay $0x1  }
0x8a: {  	s1 =	srdreg.scid  }
0x8b: {  	s0 =	sand.u32 $0x1, s1  }
0x8c: {  	s16 =	sshll.u32 s0, $0xA;
	s2 =	sadd.s32 s3, s2  }
0x8d: {  	s2 =	sadd.s32 s2, s16  }
0x8e: {  	[smem:$0x3FBF] =	sst s2  }
0x8f: {  	_ = 	snop  }
0x90: {  	(tm) =	ssettm $0x1  }
0x91: {  	s17 =	sld [smem:$0x3FFB];
	_ =	sdelay $0x3  }
0x92: {  	_ =	strace s17  }
0x93: {  	s2 =	sld [smem:$0x3FFC];
	_ =	sdelay $0x3  }
0x94: {  	_ =	strace s2  }
0x95: {  	s2 =	sld [smem:$0x3FFD];
	_ =	sdelay $0x3  }
0x96: {  	_ =	strace s2  }
0x97: {  	_ =	strace $0x8FFFFFFF  }
0x98: {  	s18 =	sld [smem:$0x3FDB];
	_ =	sdelay $0x1  }
0x99: {  	s19 =	simm.s32 $_scs_section_size  }
0x9a: {  	s4 =	simm.s32 $_size__tile_overlayer_lowered;
	s5 =	simm.s32 $_tile_overlayer_lowered  }
0x9b: {  	s22 =	simm.s32 $0x1BFF;
	s21 =	sshll.u32 s5, $0x1;
	s2 =	sadd.s32 s19, s18  }
0x9c: {  	s6 =	simm.s32 $0x0;
	s20 =	sshll.u32 s4, $0x1;
	s4 =	sadd.s32 s21, s2  }
0x9d: {  	[timem:s6], [sflag:s22] =	dma.local [hbm:s4], s20  }
0x9e: {  	_ =	swait.ge [sflag:s22], s20  }
0x9f: {  	s3 =	ssub.s32 $0x0, s20;
	[sflag:s22] =	ssyncset.done $0x0  }
0xa0: {  	[sflag:s22] =	ssyncadd.s32 s3;
	_ =	sdelay $0x1  }
0xa1: {  	s23 =	simm.s32 $0x1B8B  }
0xa2: {  	_ =	swait.ge [sflag:s23], $0x1  }
0xa3: {  	[sflag:s23] =	ssyncset.done $0x0  }
0xa4: {  	s25 =	simm.s32 $0x1B8E;
	s24 =	sld [smem:$0x3FFE];
	[sflag:s23] =	ssyncadd.s32 $0xFFFFFFFF  }
0xa5: {  	s26 =	simm.s32 $execute0_lowered;
	[smem:$0x3FD2] =	sst s25  }
0xa6: {  	s4 =	sshll.u32 s26, $0x1;
	_ =	strace $0x80000049;
	[dreg:$0x1] =	wrdreg $0xFFFFFFFF  }
0xa7: {  	s28 =	simm.s32 $_size_execute0_lowered;
	s2 =	sadd.s32 s2, s4;
	[dreg:$0x0] =	wrdreg $0x0  }
0xa8: {  	s4 =	sshll.u32 s28, $0x1;
	[dreg:$0x2] =	wrdreg s2  }
0xa9: {  	[dreg:$0x3] =	wrdreg s4  }
0xaa: {  	[dreg:$0x4] =	wrdreg $0xC0  }
0xab: {  	_ =	task [dreg:s6], $0x5FFFF  }
0xac: {  	[dreg:$0x1] =	wrdreg $0xFFFFFFFF  }
0xad: {  	[dreg:$0x0] =	wrdreg $0x60  }
0xae: {  	[dreg:$0x2] =	wrdreg s24  }
0xaf: {  	[dreg:$0x3] =	wrdreg $0x90000  }
0xb0: {  	[dreg:$0x4] =	wrdreg $0x9  }
0xb1: {  	_ =	task.clear_ibuf [dreg:s6], $0x5FFFF;
	_ =	strace $0x90000049  }
0xb2: {  	s29 =	simm.s32 $0x9;
	_ =	strace $0x8000004B  }
0xb3: {  	_ =	swait.ge [sflag:s29], $0x1  }
0xb4: {  	[sflag:s29] =	ssyncadd.s32 $0xFFFFFFFF  }
0xb5: {  	_ =	strace $0x9000004B  }
0xb6: {  	_ =	sfence  }
0xb7: {  	s30 =	sld [smem:$0x0];
	_ =	sdelay $0x2  }
0xb8: {  	s31 =	sshll.u32 s1, $0xD;
	s1 =	sshrl.u32 s1, $0x2  }
0xb9: {  	s3 =	sand.u32 $0x4000, s31;
	s1 =	sadd.s32 s1, s30  }
0xba: {  	s0 =	sor.u32 s3, s0;
	s1 =	sshll.u32 s1, $0x11  }
0xbb: {  	s0 =	sor.u32 s1, s0  }
0xbc: {  	s0 =	sadd.s32 $0x8F2B, s0  }
0xbd: {  	[sflag:s0] =	ssyncadd.remote.s32 $0x1  }
0xbe: {  	_ =	sfence.sel $0xFFFF  }
0xbf: {  	[dreg:$0x0] =	wrdreg $0xFFFFFFFF;
	(pc) =	sbr.abs _section_cstart, $3  }
0xc0: {  	[dreg:$0x1] =	wrdreg $0xFFFFFFFF  }
0xc1: {  	_ =	task.clear_ibuf [dreg:s6], $0x2FFFF;
	_ =	strace $0x9FFFFFFF  }
0xc2: {  	(tm) =	ssettm $0x7FFFFFFF  }
0xc3: {  	_ =	shalt  }
tec
execute0_lowered:
.L_overlay_start_1:
0x0: {  	(tag) =	ssettag $0x1  }
0x1: {  	s0 =	rddreg [dreg:$0x0]  }
0x2: {  	s2 =	rddreg [dreg:$0x1]  }
0x3: {  	s3 =	simm.s32 $0x0;
	s12 =	stileid.u32;
	s6 =	srdreg.scid  }
0x4: {  	s28 =	simm.s32 $0x5000;
	s29 =	simm.s32 $0x1;
	s31 =	simm.s32 $0x2  }
0x5: {  	[smem:$0x7FF] =	sst s3;
	s1 =	smul.u32 $0xA00, s12;
	s4 =	sadd.s32 $0x18800, s0  }
0x6: {  	s5 =	sadd.s32 $0x67A00, s0;
	s6 =	sand.u32 $0x1, s6;
	s7 =	smul.u32 $0x280, s12  }
0x7: {  	s8 =	sadd.s32 $0x40000, s0;
	s9 =	smul.u32 $0x50000, s12;
	s10 =	sadd.s32 $0x8EC00, s0  }
0x8: {  	s25 =	smul.u32 $0x2800, s12;
	_ =	strace $0x8000004A;
	[dreg:$0x3] =	wrdreg s8  }
0x9: {  	s30 =	sshll.u32 s12, $0x6;
	s14 =	ssub.s32 $0x2, s6;
	[dreg:$0x4] =	wrdreg s10  }
0xa: {  	p0 =	seq.s32 s6, $0x1;
	s1 =	sadd.s32 s1, s0;
	s0 =	sadd.s32 $0xE0200, s0  }
0xb: {  	s15 =	sshrl.u32 s14, $0x1;
	s16 =	sshrl.u32 s9, $0x2;
	s17 =	sadd.s32 $0x80, s7  }
0xc: {  	s20 =	sadd.s32 $0x100, s7;
	s21 =	sadd.s32 $0x180, s7;
	[dreg:$0xb] =	wrdreg s25  }
0xd: {  	s7 =	sadd.s32 $0x200, s7;
	s25 =	simm.s32 $0x80;
	[dreg:$0x5] =	wrdreg s0  }
0xe: {  	s0 =	ssub.s32 s14, s15;
	s18 =	sadd.s32 s16, s2;
	s19 =	sshll.u32 s17, $0x7  }
0xf: {  	s22 =	sshll.u32 s20, $0x7;
	s9 =	sshll.u32 s17, $0x4;
	[dreg:$0x6] =	wrdreg s18  }
0x10: {  	s11 =	sshll.u32 s21, $0x7;
	s26 =	sshll.u32 s21, $0x4;
	[dreg:$0xc] =	wrdreg s9  }
0x11: {  	s24 =	sshll.u32 s7, $0x7;
	s7 =	sshll.u32 s7, $0x4;
	[dreg:$0xe] =	wrdreg s26  }
0x12: {  	s17 =	sor.u32 $0x1C03, s30;
	s21 =	sadd.s32 $0x4800, s1;
	[dreg:$0xf] =	wrdreg s7  }
0x13: {  	s6 =	sadd.s32 s19, s2;
	s10 =	sadd.s32 s22, s2;
	[dreg:$0x11] =	wrdreg s17  }
0x14: {  	s23 =	sadd.s32 s11, s2;
	s0 =	smax.u32 s0, $0x1;
	[dreg:$0x7] =	wrdreg s6  }
.Ltmp0:
0x15: {  	s22 =	sadd.s32 $0xE800, s1;
	[dreg:$0x8] =	wrdreg s10;
	(pc) =	sbr.rel .LBB2_1-.Ltmp0, $4  }
0x16: {  	s26 =	simm.s32 $0x1000;
	s18 =	simm.s32 $0x100;
	[dreg:$0x9] =	wrdreg s23  }
0x17: {  	s19 =	simm.s32 $0x880;
	s10 =	sadd.s32 s24, s2;
	[dreg:$0x10] =	wrdreg s0  }
0x18: {  	s6 =	sshll.u32 s20, $0x4;
	s23 =	simm.s32 $0x3;
	[dreg:$0xa] =	wrdreg s10  }
0x19: {  	s24 =	simm.s32 $0x800;
	s0 =	simm.s32 $0x0;
	[dreg:$0xd] =	wrdreg s6  }
.LBB2_7:
0x1a: {  	s16 =	sadd.s32 s15, s22;
	[sflag:s23] =	ssyncadd.s32 $0xFFFFC000  }
0x1b: {  	[tilespmem:s3], [sflag:$0x3] =	stream.linear.gather [hbm4b:s16+s3], $0x800, $0x38;
	[tilespmem:$0x1D000] =	vst v63  }
0x1c: {  	_ =	swait.ge [sflag:s23], $0x800  }
0x1d: {  	[sflag:s23] =	ssyncset.done $0x0  }
0x1e: {  	s17 =	sadd.s32 s15, s21;
	[sflag:s23] =	ssyncadd.s32 $0xFFFFF800  }
0x1f: {  	[tilespmem:s24], [sflag:$0x3] =	stream.linear.gather [hbm4b:s17+s3], $0x800, $0x38;
	[tilespmem:$0x1D000] =	vst v63  }
0x20: {  	_ =	swait.ge [sflag:s23], $0x800  }
0x21: {  	[sflag:s23] =	ssyncset.done $0x0  }
0x22: {  	[sflag:s23] =	ssyncadd.s32 $0xFFFFF800  }
0x23: {  	[tilespmem:s26], [sflag:$0x1] =	stream.indirect.gather [hbm4b:s5+s25], $0x80, s3, s25, $0xb8;
	[tilespmem:$0x1D000] =	vst v63  }
0x24: {  	_ = 	snop  }
0x25: {  	[tilespmem:s28], [sflag:$0x2] =	stream.indirect.gather [hbm4b:s5+s25], $0x80, s25, s25, $0xb8;
	[tilespmem:$0x1D000] =	vst v63  }
0x26: {  	_ =	swait.ge [sflag:s29], $0x4000  }
0x27: {  	[sflag:s29] =	ssyncset.done $0x0  }
0x28: {  	[sflag:s29] =	ssyncadd.s32 $0xFFFFC000  }
0x29: {  	[spmem:s2] =	stream.indirect.scatter.add.f32 [tilespmem:s26], [sflag:$0x3], $0x80, s24, s25, $0xb8;
	[tilespmem:$0x1D000] =	vst v63  }
0x2a: {  	_ =	swait.ge [sflag:s23], $0x4000  }
0x2b: {  	[sflag:s23] =	ssyncset.done $0x0  }
0x2c: {  	[sflag:s23] =	ssyncadd.s32 $0xFFFFC000  }
0x2d: {  	[tilespmem:s26], [sflag:$0x1] =	stream.indirect.gather [hbm4b:s5+s25], $0x80, s18, s25, $0xb8;
	[tilespmem:$0x1D000] =	vst v63  }
0x2e: {  	_ =	swait.ge [sflag:s31], $0x4000  }
0x2f: {  	[sflag:s31] =	ssyncset.done $0x0  }
0x30: {  	[sflag:s31] =	ssyncadd.s32 $0xFFFFC000  }
0x31: {  	[spmem:s2] =	stream.indirect.scatter.add.f32 [tilespmem:s28], [sflag:$0x3], $0x80, s19, s25, $0xb8;
	[tilespmem:$0x1D000] =	vst v63  }
0x32: {  	_ =	swait.ge [sflag:s23], $0x4000  }
0x33: {  	[sflag:s23] =	ssyncset.done $0x0  }
0x34: {  	[sflag:s23] =	ssyncadd.s32 $0xFFFFC000  }
0x35: {  	[tilespmem:s28], [sflag:$0x2] =	stream.indirect.gather [hbm4b:s5+s25], $0x80, s6, s25, $0xb8;
	[tilespmem:$0x1D000] =	vst v63  }
0x36: {  	_ =	swait.ge [sflag:s29], $0x4000  }
0x37: {  	[sflag:s29] =	ssyncset.done $0x0  }
0x38: {  	[sflag:s29] =	ssyncadd.s32 $0xFFFFC000  }
0x39: {  	[spmem:s2] =	stream.indirect.scatter.add.f32 [tilespmem:s26], [sflag:$0x3], $0x80, s20, s25, $0xb8;
	[tilespmem:$0x1D000] =	vst v63  }
0x3a: {  	_ =	swait.ge [sflag:s23], $0x4000  }
0x3b: {  	[sflag:s23] =	ssyncset.done $0x0  }
0x3c: {  	[sflag:s23] =	ssyncadd.s32 $0xFFFFC000  }
0x3d: {  	[tilespmem:s26], [sflag:$0x1] =	stream.indirect.gather [hbm4b:s5+s25], $0x80, s30, s25, $0xb8;
	[tilespmem:$0x1D000] =	vst v63  }
0x3e: {  	_ =	swait.ge [sflag:s31], $0x4000  }
0x3f: {  	[sflag:s31] =	ssyncset.done $0x0  }
0x40: {  	[sflag:s31] =	ssyncadd.s32 $0xFFFFC000  }
0x41: {  	[spmem:s2] =	stream.indirect.scatter.add.f32 [tilespmem:s28], [sflag:$0x3], $0x80, s0, s25, $0xb8;
	[tilespmem:$0x1D000] =	vst v63  }
0x42: {  	_ =	swait.ge [sflag:s23], $0x4000  }
0x43: {  	[sflag:s23] =	ssyncset.done $0x0  }
0x44: {  	[sflag:s23] =	ssyncadd.s32 $0xFFFFC000  }
0x45: {  	[tilespmem:s28], [sflag:$0x2] =	stream.indirect.gather [hbm4b:s5+s25], $0x80, s1, s25, $0xb8;
	[tilespmem:$0x1D000] =	vst v63  }
0x46: {  	_ =	swait.ge [sflag:s29], $0x4000  }
0x47: {  	[sflag:s29] =	ssyncset.done $0x0  }
0x48: {  	[sflag:s29] =	ssyncadd.s32 $0xFFFFC000  }
0x49: {  	[spmem:s2] =	stream.indirect.scatter.add.f32 [tilespmem:s26], [sflag:$0x3], $0x80, s7, s25, $0xb8;
	[tilespmem:$0x1D000] =	vst v63  }
0x4a: {  	_ =	swait.ge [sflag:s23], $0x4000  }
0x4b: {  	[sflag:s23] =	ssyncset.done $0x0  }
0x4c: {  	[sflag:s23] =	ssyncadd.s32 $0xFFFFC000  }
0x4d: {  	[tilespmem:s26], [sflag:$0x1] =	stream.indirect.gather [hbm4b:s5+s25], $0x80, s8, s25, $0xb8;
	[tilespmem:$0x1D000] =	vst v63  }
0x4e: {  	_ =	swait.ge [sflag:s31], $0x4000  }
0x4f: {  	[sflag:s31] =	ssyncset.done $0x0  }
0x50: {  	[sflag:s31] =	ssyncadd.s32 $0xFFFFC000  }
0x51: {  	[spmem:s2] =	stream.indirect.scatter.add.f32 [tilespmem:s28], [sflag:$0x3], $0x80, s9, s25, $0xb8;
	[tilespmem:$0x1D000] =	vst v63  }
0x52: {  	_ =	swait.ge [sflag:s23], $0x4000  }
0x53: {  	[sflag:s23] =	ssyncset.done $0x0  }
0x54: {  	[sflag:s23] =	ssyncadd.s32 $0xFFFFC000  }
0x55: {  	[tilespmem:s28], [sflag:$0x2] =	stream.indirect.gather [hbm4b:s5+s25], $0x80, s10, s25, $0xb8;
	[tilespmem:$0x1D000] =	vst v63  }
0x56: {  	_ =	swait.ge [sflag:s29], $0x4000  }
0x57: {  	[sflag:s29] =	ssyncset.done $0x0  }
0x58: {  	[sflag:s29] =	ssyncadd.s32 $0xFFFFC000  }
0x59: {  	[spmem:s2] =	stream.indirect.scatter.add.f32 [tilespmem:s26], [sflag:$0x3], $0x80, s11, s25, $0xb8;
	[tilespmem:$0x1D000] =	vst v63  }
0x5a: {  	_ =	swait.ge [sflag:s23], $0x4000  }
0x5b: {  	[sflag:s23] =	ssyncset.done $0x0  }
0x5c: {  	[sflag:s23] =	ssyncadd.s32 $0xFFFFC000  }
0x5d: {  	[tilespmem:s26], [sflag:$0x1] =	stream.indirect.gather [hbm4b:s5+s25], $0x80, s12, s25, $0xb8;
	[tilespmem:$0x1D000] =	vst v63  }
0x5e: {  	_ =	swait.ge [sflag:s31], $0x4000  }
0x5f: {  	[sflag:s31] =	ssyncset.done $0x0  }
0x60: {  	[sflag:s31] =	ssyncadd.s32 $0xFFFFC000  }
0x61: {  	[spmem:s2] =	stream.indirect.scatter.add.f32 [tilespmem:s28], [sflag:$0x3], $0x80, s13, s25, $0xb8;
	[tilespmem:$0x1D000] =	vst v63  }
0x62: {  	_ =	swait.ge [sflag:s23], $0x4000  }
0x63: {  	[sflag:s23] =	ssyncset.done $0x0  }
0x64: {  	[sflag:s23] =	ssyncadd.s32 $0xFFFFC000  }
0x65: {  	[tilespmem:s28], [sflag:$0x2] =	stream.indirect.gather [hbm4b:s5+s25], $0x80, s14, s25, $0xb8;
	[tilespmem:$0x1D000] =	vst v63  }
0x66: {  	_ =	swait.ge [sflag:s29], $0x4000  }
0x67: {  	[sflag:s29] =	ssyncset.done $0x0  }
0x68: {  	s6 =	simm.s32 $0xC00;
	[sflag:s29] =	ssyncadd.s32 $0xFFFFC000  }
0x69: {  	[spmem:s2] =	stream.indirect.scatter.add.f32 [tilespmem:s26], [sflag:$0x3], $0x80, s6, s25, $0xb8;
	[tilespmem:$0x1D000] =	vst v63  }
0x6a: {  	_ =	swait.ge [sflag:s23], $0x4000  }
0x6b: {  	[sflag:s23] =	ssyncset.done $0x0  }
0x6c: {  	s7 =	simm.s32 $0x500;
	[sflag:s23] =	ssyncadd.s32 $0xFFFFC000  }
0x6d: {  	[tilespmem:s26], [sflag:$0x1] =	stream.indirect.gather [hbm4b:s5+s25], $0x80, s7, s25, $0xb8;
	[tilespmem:$0x1D000] =	vst v63  }
0x6e: {  	_ =	swait.ge [sflag:s31], $0x4000  }
0x6f: {  	[sflag:s31] =	ssyncset.done $0x0  }
0x70: {  	s8 =	simm.s32 $0xC80;
	[sflag:s31] =	ssyncadd.s32 $0xFFFFC000  }
0x71: {  	[spmem:s2] =	stream.indirect.scatter.add.f32 [tilespmem:s28], [sflag:$0x3], $0x80, s8, s25, $0xb8;
	[tilespmem:$0x1D000] =	vst v63  }
0x72: {  	_ =	swait.ge [sflag:s23], $0x4000  }
0x73: {  	[sflag:s23] =	ssyncset.done $0x0  }
0x74: {  	s9 =	simm.s32 $0x580;
	[sflag:s23] =	ssyncadd.s32 $0xFFFFC000  }
0x75: {  	[tilespmem:s28], [sflag:$0x2] =	stream.indirect.gather [hbm4b:s5+s25], $0x80, s9, s25, $0xb8;
	[tilespmem:$0x1D000] =	vst v63  }
0x76: {  	_ =	swait.ge [sflag:s29], $0x4000  }
0x77: {  	[sflag:s29] =	ssyncset.done $0x0  }
0x78: {  	s10 =	simm.s32 $0xD00;
	[sflag:s29] =	ssyncadd.s32 $0xFFFFC000  }
0x79: {  	[spmem:s2] =	stream.indirect.scatter.add.f32 [tilespmem:s26], [sflag:$0x3], $0x80, s10, s25, $0xb8;
	[tilespmem:$0x1D000] =	vst v63  }
0x7a: {  	_ =	swait.ge [sflag:s23], $0x4000  }
0x7b: {  	[sflag:s23] =	ssyncset.done $0x0  }
0x7c: {  	s11 =	simm.s32 $0x600;
	[sflag:s23] =	ssyncadd.s32 $0xFFFFC000  }
0x7d: {  	[tilespmem:s26], [sflag:$0x1] =	stream.indirect.gather [hbm4b:s5+s25], $0x80, s11, s25, $0xb8;
	[tilespmem:$0x1D000] =	vst v63  }
0x7e: {  	_ =	swait.ge [sflag:s31], $0x4000  }
0x7f: {  	[sflag:s31] =	ssyncset.done $0x0  }
0x80: {  	s12 =	simm.s32 $0xD80;
	[sflag:s31] =	ssyncadd.s32 $0xFFFFC000  }
0x81: {  	[spmem:s2] =	stream.indirect.scatter.add.f32 [tilespmem:s28], [sflag:$0x3], $0x80, s12, s25, $0xb8;
	[tilespmem:$0x1D000] =	vst v63  }
0x82: {  	_ =	swait.ge [sflag:s23], $0x4000  }
0x83: {  	[sflag:s23] =	ssyncset.done $0x0  }
0x84: {  	s13 =	simm.s32 $0x680;
	[sflag:s23] =	ssyncadd.s32 $0xFFFFC000  }
0x85: {  	[tilespmem:s28], [sflag:$0x2] =	stream.indirect.gather [hbm4b:s5+s25], $0x80, s13, s25, $0xb8;
	[tilespmem:$0x1D000] =	vst v63  }
0x86: {  	_ =	swait.ge [sflag:s29], $0x4000  }
0x87: {  	[sflag:s29] =	ssyncset.done $0x0  }
0x88: {  	s14 =	simm.s32 $0xE00;
	[sflag:s29] =	ssyncadd.s32 $0xFFFFC000  }
0x89: {  	[spmem:s2] =	stream.indirect.scatter.add.f32 [tilespmem:s26], [sflag:$0x3], $0x80, s14, s25, $0xb8;
	[tilespmem:$0x1D000] =	vst v63  }
0x8a: {  	_ =	swait.ge [sflag:s23], $0x4000  }
0x8b: {  	[sflag:s23] =	ssyncset.done $0x0  }
0x8c: {  	s15 =	simm.s32 $0x700;
	[sflag:s23] =	ssyncadd.s32 $0xFFFFC000  }
0x8d: {  	[tilespmem:s26], [sflag:$0x1] =	stream.indirect.gather [hbm4b:s5+s25], $0x80, s15, s25, $0xb8;
	[tilespmem:$0x1D000] =	vst v63  }
0x8e: {  	_ =	swait.ge [sflag:s31], $0x4000  }
0x8f: {  	[sflag:s31] =	ssyncset.done $0x0  }
0x90: {  	s16 =	simm.s32 $0xE80;
	[sflag:s31] =	ssyncadd.s32 $0xFFFFC000  }
0x91: {  	[spmem:s2] =	stream.indirect.scatter.add.f32 [tilespmem:s28], [sflag:$0x3], $0x80, s16, s25, $0xb8;
	[tilespmem:$0x1D000] =	vst v63  }
0x92: {  	_ =	swait.ge [sflag:s23], $0x4000  }
0x93: {  	[sflag:s23] =	ssyncset.done $0x0  }
0x94: {  	s17 =	simm.s32 $0x780;
	[sflag:s23] =	ssyncadd.s32 $0xFFFFC000  }
0x95: {  	[tilespmem:s28], [sflag:$0x2] =	stream.indirect.gather [hbm4b:s5+s25], $0x80, s17, s25, $0xb8;
	[tilespmem:$0x1D000] =	vst v63  }
0x96: {  	_ =	swait.ge [sflag:s29], $0x4000  }
0x97: {  	[sflag:s29] =	ssyncset.done $0x0  }
0x98: {  	s20 =	simm.s32 $0xF00;
	[sflag:s29] =	ssyncadd.s32 $0xFFFFC000  }
0x99: {  	[spmem:s2] =	stream.indirect.scatter.add.f32 [tilespmem:s26], [sflag:$0x3], $0x80, s20, s25, $0xb8;
	[tilespmem:$0x1D000] =	vst v63  }
0x9a: {  	_ =	swait.ge [sflag:s23], $0x4000  }
0x9b: {  	[sflag:s23] =	ssyncset.done $0x0  }
0x9c: {  	[sflag:s23] =	ssyncadd.s32 $0xFFFFC000  }
0x9d: {  	_ =	swait.ge [sflag:s31], $0x4000  }
0x9e: {  	[sflag:s31] =	ssyncset.done $0x0  }
0x9f: {  	s30 =	simm.s32 $0xF80;
	[sflag:s31] =	ssyncadd.s32 $0xFFFFC000  }
0xa0: {  	[spmem:s2] =	stream.indirect.scatter.add.f32 [tilespmem:s28], [sflag:$0x3], $0x80, s30, s25, $0xb8;
	[tilespmem:$0x1D000] =	vst v63  }
0xa1: {  	_ =	swait.ge [sflag:s23], $0x4000  }
0xa2: {  	[sflag:s23] =	ssyncset.done $0x0;
	s15 =	rddreg [dreg:$0x5]  }
0xa3: {  	s0 =	rddreg [dreg:$0x12];
	[sflag:s23] =	ssyncadd.s32 $0xFFFFC000  }
.LBB2_8:
0xa4: {  	s16 =	rddreg [dreg:$0xb];
	[bflag:$0x0] =	sbarrier.arrive $0xFFFF  }
0xa5: {  	s17 =	rddreg [dreg:$0x11]  }
0xa6: {  	s16 =	sadd.s32 s15, s16;
	s1 =	rddreg [dreg:$0x13]  }
0xa7: {  	[hbm:s16], [sflag:s17] =	dma.local [spmem:s1], $0x800  }
0xa8: {  	_ =	swait.ge [sflag:s23], $0x800  }
0xa9: {  	[sflag:s23] =	ssyncset.done $0x0;
	s8 =	rddreg [dreg:$0xc]  }
0xaa: {  	s9 =	rddreg [dreg:$0x14];
	s16 =	sadd.s32 s15, s8;
	[sflag:s23] =	ssyncadd.s32 $0xFFFFF800  }
0xab: {  	[hbm:s16], [sflag:s17] =	dma.local [spmem:s9], $0x800  }
0xac: {  	_ =	swait.ge [sflag:s23], $0x800  }
0xad: {  	[sflag:s23] =	ssyncset.done $0x0;
	s10 =	rddreg [dreg:$0xd]  }
0xae: {  	s11 =	rddreg [dreg:$0x15];
	s16 =	sadd.s32 s15, s10;
	[sflag:s23] =	ssyncadd.s32 $0xFFFFF800  }
0xaf: {  	[hbm:s16], [sflag:s17] =	dma.local [spmem:s11], $0x800  }
0xb0: {  	_ =	swait.ge [sflag:s23], $0x800  }
0xb1: {  	[sflag:s23] =	ssyncset.done $0x0;
	s12 =	rddreg [dreg:$0xe]  }
0xb2: {  	s13 =	rddreg [dreg:$0x16];
	s16 =	sadd.s32 s15, s12;
	[sflag:s23] =	ssyncadd.s32 $0xFFFFF800  }
0xb3: {  	[hbm:s16], [sflag:s17] =	dma.local [spmem:s13], $0x800  }
0xb4: {  	_ =	swait.ge [sflag:s23], $0x800  }
0xb5: {  	[sflag:s23] =	ssyncset.done $0x0;
	s14 =	rddreg [dreg:$0xf]  }
0xb6: {  	s20 =	rddreg [dreg:$0x17];
	s16 =	sadd.s32 s15, s14;
	[sflag:s23] =	ssyncadd.s32 $0xFFFFF800  }
0xb7: {  	[hbm:s16], [sflag:s17] =	dma.local [spmem:s20], $0x800  }
0xb8: {  	_ =	swait.ge [sflag:s23], $0x800  }
0xb9: {  	s0 =	sadd.s32 $0x1, s0;
	s30 =	rddreg [dreg:$0x10]  }
0xba: {  	p1 =	sne.s32 s0, s30  }
.Ltmp1:
0xbb: {  	_ = 	snop;
	(pc) =	sbr.rel @!p1 .LBB2_9-.Ltmp1, $3  }
0xbc: {  	_ =	sdelay $0x1  }
0xbd: {  	[sflag:s23] =	ssyncset.done $0x0  }
0xbe: {  	[sflag:s23] =	ssyncadd.s32 $0xFFFFF800  }
.LBB2_1:
0xbf: {  	[dreg:$0x12] =	wrdreg s0  }
0xc0: {  	s15 =	rddreg [dreg:$0x6]  }
0xc1: {  	s10 =	rddreg [dreg:$0x3];
	s9 =	sshrl.u32 s15, $0x3  }
0xc2: {  	[dreg:$0x13] =	wrdreg s9  }
0xc3: {  	[spmem:s9], [sflag:s17] =	dma.local [hbm:s10], $0x800  }
0xc4: {  	_ =	swait.ge [sflag:s23], $0x800  }
0xc5: {  	s16 =	rddreg [dreg:$0x7]  }
0xc6: {  	[sflag:s23] =	ssyncset.done $0x0;
	s11 =	sshrl.u32 s16, $0x3  }
0xc7: {  	[sflag:s23] =	ssyncadd.s32 $0xFFFFF800;
	[dreg:$0x14] =	wrdreg s11  }
0xc8: {  	[spmem:s11], [sflag:s17] =	dma.local [hbm:s10], $0x800  }
0xc9: {  	_ =	swait.ge [sflag:s23], $0x800  }
0xca: {  	s12 =	rddreg [dreg:$0x8]  }
0xcb: {  	[sflag:s23] =	ssyncset.done $0x0;
	s13 =	sshrl.u32 s12, $0x3  }
0xcc: {  	[sflag:s23] =	ssyncadd.s32 $0xFFFFF800;
	[dreg:$0x15] =	wrdreg s13  }
0xcd: {  	[spmem:s13], [sflag:s17] =	dma.local [hbm:s10], $0x800  }
0xce: {  	_ =	swait.ge [sflag:s23], $0x800  }
0xcf: {  	s14 =	rddreg [dreg:$0x9]  }
0xd0: {  	[sflag:s23] =	ssyncset.done $0x0;
	s16 =	sshrl.u32 s14, $0x3  }
0xd1: {  	[sflag:s23] =	ssyncadd.s32 $0xFFFFF800;
	[dreg:$0x16] =	wrdreg s16  }
0xd2: {  	[spmem:s16], [sflag:s17] =	dma.local [hbm:s10], $0x800  }
0xd3: {  	_ =	swait.ge [sflag:s23], $0x800  }
0xd4: {  	s20 =	rddreg [dreg:$0xa]  }
0xd5: {  	[sflag:s23] =	ssyncset.done $0x0;
	s30 =	sshrl.u32 s20, $0x3  }
0xd6: {  	[sflag:s23] =	ssyncadd.s32 $0xFFFFF800;
	[dreg:$0x17] =	wrdreg s30  }
0xd7: {  	[spmem:s30], [sflag:s17] =	dma.local [hbm:s10], $0x800  }
.Ltmp2:
0xd8: {  	_ =	swait.ge [sflag:s23], $0x800;
	(pc) =	sbr.rel @!p0 .LBB2_2-.Ltmp2, $4  }
0xd9: {  	[sflag:s23] =	ssyncset.done $0x0  }
0xda: {  	[sflag:s23] =	ssyncadd.s32 $0xFFFFF800  }
0xdb: {  	[bflag:$0x0] =	sbarrier.arrive $0xFFFF  }
0xdc: {  	s15 =	sadd.s32 $0x0, s22  }
0xdd: {  	[tilespmem:s3], [sflag:$0x3] =	stream.linear.gather [hbm4b:s15+s3], $0x800, $0x38;
	[tilespmem:$0x1D000] =	vst v63  }
0xde: {  	_ =	swait.ge [sflag:s23], $0x800  }
0xdf: {  	[sflag:s23] =	ssyncset.done $0x0  }
0xe0: {  	s17 =	sadd.s32 $0x0, s21;
	[sflag:s23] =	ssyncadd.s32 $0xFFFFF800  }
0xe1: {  	[tilespmem:s24], [sflag:$0x3] =	stream.linear.gather [hbm4b:s17+s3], $0x800, $0x38;
	[tilespmem:$0x1D000] =	vst v63  }
0xe2: {  	_ =	swait.ge [sflag:s23], $0x800  }
0xe3: {  	[sflag:s23] =	ssyncset.done $0x0  }
0xe4: {  	[sflag:s23] =	ssyncadd.s32 $0xFFFFF800  }
0xe5: {  	[tilespmem:s26], [sflag:$0x1] =	stream.indirect.gather [hbm4b:s5+s25], $0x80, s3, s25, $0xb8;
	[tilespmem:$0x1D000] =	vst v63  }
0xe6: {  	_ = 	snop  }
0xe7: {  	[tilespmem:s28], [sflag:$0x2] =	stream.indirect.gather [hbm4b:s5+s25], $0x80, s25, s25, $0xb8;
	[tilespmem:$0x1D000] =	vst v63  }
0xe8: {  	_ =	swait.ge [sflag:s29], $0x4000  }
0xe9: {  	[sflag:s29] =	ssyncset.done $0x0  }
0xea: {  	[sflag:s29] =	ssyncadd.s32 $0xFFFFC000  }
0xeb: {  	[spmem:s2] =	stream.indirect.scatter.add.f32 [tilespmem:s26], [sflag:$0x3], $0x80, s24, s25, $0xb8;
	[tilespmem:$0x1D000] =	vst v63  }
0xec: {  	_ =	swait.ge [sflag:s23], $0x4000  }
0xed: {  	[sflag:s23] =	ssyncset.done $0x0  }
0xee: {  	[sflag:s23] =	ssyncadd.s32 $0xFFFFC000  }
0xef: {  	[tilespmem:s26], [sflag:$0x1] =	stream.indirect.gather [hbm4b:s5+s25], $0x80, s18, s25, $0xb8;
	[tilespmem:$0x1D000] =	vst v63  }
0xf0: {  	_ =	swait.ge [sflag:s31], $0x4000  }
0xf1: {  	[sflag:s31] =	ssyncset.done $0x0  }
0xf2: {  	[sflag:s31] =	ssyncadd.s32 $0xFFFFC000  }
0xf3: {  	[spmem:s2] =	stream.indirect.scatter.add.f32 [tilespmem:s28], [sflag:$0x3], $0x80, s19, s25, $0xb8;
	[tilespmem:$0x1D000] =	vst v63  }
0xf4: {  	_ =	swait.ge [sflag:s23], $0x4000  }
0xf5: {  	[sflag:s23] =	ssyncset.done $0x0  }
0xf6: {  	s6 =	simm.s32 $0x180;
	[sflag:s23] =	ssyncadd.s32 $0xFFFFC000  }
0xf7: {  	[tilespmem:s28], [sflag:$0x2] =	stream.indirect.gather [hbm4b:s5+s25], $0x80, s6, s25, $0xb8;
	[tilespmem:$0x1D000] =	vst v63  }
0xf8: {  	_ =	swait.ge [sflag:s29], $0x4000  }
0xf9: {  	[sflag:s29] =	ssyncset.done $0x0  }
0xfa: {  	s20 =	simm.s32 $0x900;
	[sflag:s29] =	ssyncadd.s32 $0xFFFFC000  }
0xfb: {  	[spmem:s2] =	stream.indirect.scatter.add.f32 [tilespmem:s26], [sflag:$0x3], $0x80, s20, s25, $0xb8;
	[tilespmem:$0x1D000] =	vst v63  }
0xfc: {  	_ =	swait.ge [sflag:s23], $0x4000  }
0xfd: {  	[sflag:s23] =	ssyncset.done $0x0  }
0xfe: {  	s30 =	simm.s32 $0x200;
	[sflag:s23] =	ssyncadd.s32 $0xFFFFC000  }
0xff: {  	[tilespmem:s26], [sflag:$0x1] =	stream.indirect.gather [hbm4b:s5+s25], $0x80, s30, s25, $0xb8;
	[tilespmem:$0x1D000] =	vst v63  }
0x100: {  	_ =	swait.ge [sflag:s31], $0x4000  }
0x101: {  	[sflag:s31] =	ssyncset.done $0x0  }
0x102: {  	s0 =	simm.s32 $0x980;
	[sflag:s31] =	ssyncadd.s32 $0xFFFFC000  }
0x103: {  	[spmem:s2] =	stream.indirect.scatter.add.f32 [tilespmem:s28], [sflag:$0x3], $0x80, s0, s25, $0xb8;
	[tilespmem:$0x1D000] =	vst v63  }
0x104: {  	_ =	swait.ge [sflag:s23], $0x4000  }
0x105: {  	[sflag:s23] =	ssyncset.done $0x0  }
0x106: {  	s1 =	simm.s32 $0x280;
	[sflag:s23] =	ssyncadd.s32 $0xFFFFC000  }
0x107: {  	[tilespmem:s28], [sflag:$0x2] =	stream.indirect.gather [hbm4b:s5+s25], $0x80, s1, s25, $0xb8;
	[tilespmem:$0x1D000] =	vst v63  }
0x108: {  	_ =	swait.ge [sflag:s29], $0x4000  }
0x109: {  	[sflag:s29] =	ssyncset.done $0x0  }
0x10a: {  	s7 =	simm.s32 $0xA00;
	[sflag:s29] =	ssyncadd.s32 $0xFFFFC000  }
0x10b: {  	[spmem:s2] =	stream.indirect.scatter.add.f32 [tilespmem:s26], [sflag:$0x3], $0x80, s7, s25, $0xb8;
	[tilespmem:$0x1D000] =	vst v63  }
0x10c: {  	_ =	swait.ge [sflag:s23], $0x4000  }
0x10d: {  	[sflag:s23] =	ssyncset.done $0x0  }
0x10e: {  	s8 =	simm.s32 $0x300;
	[sflag:s23] =	ssyncadd.s32 $0xFFFFC000  }
0x10f: {  	[tilespmem:s26], [sflag:$0x1] =	stream.indirect.gather [hbm4b:s5+s25], $0x80, s8, s25, $0xb8;
	[tilespmem:$0x1D000] =	vst v63  }
0x110: {  	_ =	swait.ge [sflag:s31], $0x4000  }
0x111: {  	[sflag:s31] =	ssyncset.done $0x0  }
0x112: {  	s9 =	simm.s32 $0xA80;
	[sflag:s31] =	ssyncadd.s32 $0xFFFFC000  }
0x113: {  	[spmem:s2] =	stream.indirect.scatter.add.f32 [tilespmem:s28], [sflag:$0x3], $0x80, s9, s25, $0xb8;
	[tilespmem:$0x1D000] =	vst v63  }
0x114: {  	_ =	swait.ge [sflag:s23], $0x4000  }
0x115: {  	[sflag:s23] =	ssyncset.done $0x0  }
0x116: {  	s10 =	simm.s32 $0x380;
	[sflag:s23] =	ssyncadd.s32 $0xFFFFC000  }
0x117: {  	[tilespmem:s28], [sflag:$0x2] =	stream.indirect.gather [hbm4b:s5+s25], $0x80, s10, s25, $0xb8;
	[tilespmem:$0x1D000] =	vst v63  }
0x118: {  	_ =	swait.ge [sflag:s29], $0x4000  }
0x119: {  	[sflag:s29] =	ssyncset.done $0x0  }
0x11a: {  	s11 =	simm.s32 $0xB00;
	[sflag:s29] =	ssyncadd.s32 $0xFFFFC000  }
0x11b: {  	[spmem:s2] =	stream.indirect.scatter.add.f32 [tilespmem:s26], [sflag:$0x3], $0x80, s11, s25, $0xb8;
	[tilespmem:$0x1D000] =	vst v63  }
0x11c: {  	_ =	swait.ge [sflag:s23], $0x4000  }
0x11d: {  	[sflag:s23] =	ssyncset.done $0x0  }
0x11e: {  	s12 =	simm.s32 $0x400;
	[sflag:s23] =	ssyncadd.s32 $0xFFFFC000  }
0x11f: {  	[tilespmem:s26], [sflag:$0x1] =	stream.indirect.gather [hbm4b:s5+s25], $0x80, s12, s25, $0xb8;
	[tilespmem:$0x1D000] =	vst v63  }
0x120: {  	_ =	swait.ge [sflag:s31], $0x4000  }
0x121: {  	[sflag:s31] =	ssyncset.done $0x0  }
0x122: {  	s13 =	simm.s32 $0xB80;
	[sflag:s31] =	ssyncadd.s32 $0xFFFFC000  }
0x123: {  	[spmem:s2] =	stream.indirect.scatter.add.f32 [tilespmem:s28], [sflag:$0x3], $0x80, s13, s25, $0xb8;
	[tilespmem:$0x1D000] =	vst v63  }
0x124: {  	_ =	swait.ge [sflag:s23], $0x4000  }
0x125: {  	[sflag:s23] =	ssyncset.done $0x0  }
0x126: {  	s14 =	simm.s32 $0x480;
	[sflag:s23] =	ssyncadd.s32 $0xFFFFC000  }
0x127: {  	[tilespmem:s28], [sflag:$0x2] =	stream.indirect.gather [hbm4b:s5+s25], $0x80, s14, s25, $0xb8;
	[tilespmem:$0x1D000] =	vst v63  }
0x128: {  	_ =	swait.ge [sflag:s29], $0x4000  }
0x129: {  	[sflag:s29] =	ssyncset.done $0x0  }
0x12a: {  	s18 =	simm.s32 $0xC00;
	[sflag:s29] =	ssyncadd.s32 $0xFFFFC000  }
0x12b: {  	[spmem:s2] =	stream.indirect.scatter.add.f32 [tilespmem:s26], [sflag:$0x3], $0x80, s18, s25, $0xb8;
	[tilespmem:$0x1D000] =	vst v63  }
0x12c: {  	_ =	swait.ge [sflag:s23], $0x4000  }
0x12d: {  	[sflag:s23] =	ssyncset.done $0x0  }
0x12e: {  	s19 =	simm.s32 $0x500;
	[sflag:s23] =	ssyncadd.s32 $0xFFFFC000  }
0x12f: {  	[tilespmem:s26], [sflag:$0x1] =	stream.indirect.gather [hbm4b:s5+s25], $0x80, s19, s25, $0xb8;
	[tilespmem:$0x1D000] =	vst v63  }
0x130: {  	_ =	swait.ge [sflag:s31], $0x4000  }
0x131: {  	[sflag:s31] =	ssyncset.done $0x0  }
0x132: {  	s16 =	simm.s32 $0xC80;
	[sflag:s31] =	ssyncadd.s32 $0xFFFFC000  }
0x133: {  	[spmem:s2] =	stream.indirect.scatter.add.f32 [tilespmem:s28], [sflag:$0x3], $0x80, s16, s25, $0xb8;
	[tilespmem:$0x1D000] =	vst v63  }
0x134: {  	_ =	swait.ge [sflag:s23], $0x4000  }
0x135: {  	[sflag:s23] =	ssyncset.done $0x0  }
0x136: {  	s17 =	simm.s32 $0x580;
	[sflag:s23] =	ssyncadd.s32 $0xFFFFC000  }
0x137: {  	[tilespmem:s28], [sflag:$0x2] =	stream.indirect.gather [hbm4b:s5+s25], $0x80, s17, s25, $0xb8;
	[tilespmem:$0x1D000] =	vst v63  }
0x138: {  	_ =	swait.ge [sflag:s29], $0x4000  }
0x139: {  	[sflag:s29] =	ssyncset.done $0x0  }
0x13a: {  	s18 =	simm.s32 $0xD00;
	[sflag:s29] =	ssyncadd.s32 $0xFFFFC000  }
0x13b: {  	[spmem:s2] =	stream.indirect.scatter.add.f32 [tilespmem:s26], [sflag:$0x3], $0x80, s18, s25, $0xb8;
	[tilespmem:$0x1D000] =	vst v63  }
0x13c: {  	_ =	swait.ge [sflag:s23], $0x4000  }
0x13d: {  	[sflag:s23] =	ssyncset.done $0x0  }
0x13e: {  	s19 =	simm.s32 $0x600;
	[sflag:s23] =	ssyncadd.s32 $0xFFFFC000  }
0x13f: {  	[tilespmem:s26], [sflag:$0x1] =	stream.indirect.gather [hbm4b:s5+s25], $0x80, s19, s25, $0xb8;
	[tilespmem:$0x1D000] =	vst v63  }
0x140: {  	_ =	swait.ge [sflag:s31], $0x4000  }
0x141: {  	[sflag:s31] =	ssyncset.done $0x0  }
0x142: {  	s16 =	simm.s32 $0xD80;
	[sflag:s31] =	ssyncadd.s32 $0xFFFFC000  }
0x143: {  	[spmem:s2] =	stream.indirect.scatter.add.f32 [tilespmem:s28], [sflag:$0x3], $0x80, s16, s25, $0xb8;
	[tilespmem:$0x1D000] =	vst v63  }
0x144: {  	_ =	swait.ge [sflag:s23], $0x4000  }
0x145: {  	[sflag:s23] =	ssyncset.done $0x0  }
0x146: {  	s17 =	simm.s32 $0x680;
	[sflag:s23] =	ssyncadd.s32 $0xFFFFC000  }
0x147: {  	[tilespmem:s28], [sflag:$0x2] =	stream.indirect.gather [hbm4b:s5+s25], $0x80, s17, s25, $0xb8;
	[tilespmem:$0x1D000] =	vst v63  }
0x148: {  	_ =	swait.ge [sflag:s29], $0x4000  }
0x149: {  	[sflag:s29] =	ssyncset.done $0x0  }
0x14a: {  	s18 =	simm.s32 $0xE00;
	[sflag:s29] =	ssyncadd.s32 $0xFFFFC000  }
0x14b: {  	[spmem:s2] =	stream.indirect.scatter.add.f32 [tilespmem:s26], [sflag:$0x3], $0x80, s18, s25, $0xb8;
	[tilespmem:$0x1D000] =	vst v63  }
0x14c: {  	_ =	swait.ge [sflag:s23], $0x4000  }
0x14d: {  	[sflag:s23] =	ssyncset.done $0x0  }
0x14e: {  	s19 =	simm.s32 $0x700;
	[sflag:s23] =	ssyncadd.s32 $0xFFFFC000  }
0x14f: {  	[tilespmem:s26], [sflag:$0x1] =	stream.indirect.gather [hbm4b:s5+s25], $0x80, s19, s25, $0xb8;
	[tilespmem:$0x1D000] =	vst v63  }
0x150: {  	_ =	swait.ge [sflag:s31], $0x4000  }
0x151: {  	[sflag:s31] =	ssyncset.done $0x0  }
0x152: {  	s16 =	simm.s32 $0xE80;
	[sflag:s31] =	ssyncadd.s32 $0xFFFFC000  }
0x153: {  	[spmem:s2] =	stream.indirect.scatter.add.f32 [tilespmem:s28], [sflag:$0x3], $0x80, s16, s25, $0xb8;
	[tilespmem:$0x1D000] =	vst v63  }
0x154: {  	_ =	swait.ge [sflag:s23], $0x4000  }
0x155: {  	[sflag:s23] =	ssyncset.done $0x0  }
0x156: {  	s17 =	simm.s32 $0x780;
	[sflag:s23] =	ssyncadd.s32 $0xFFFFC000  }
0x157: {  	[tilespmem:s28], [sflag:$0x2] =	stream.indirect.gather [hbm4b:s5+s25], $0x80, s17, s25, $0xb8;
	[tilespmem:$0x1D000] =	vst v63  }
0x158: {  	_ =	swait.ge [sflag:s29], $0x4000  }
0x159: {  	[sflag:s29] =	ssyncset.done $0x0  }
0x15a: {  	s18 =	simm.s32 $0xF00;
	[sflag:s29] =	ssyncadd.s32 $0xFFFFC000  }
0x15b: {  	[spmem:s2] =	stream.indirect.scatter.add.f32 [tilespmem:s26], [sflag:$0x3], $0x80, s18, s25, $0xb8;
	[tilespmem:$0x1D000] =	vst v63  }
0x15c: {  	_ =	swait.ge [sflag:s23], $0x4000  }
0x15d: {  	[sflag:s23] =	ssyncset.done $0x0  }
0x15e: {  	[sflag:s23] =	ssyncadd.s32 $0xFFFFC000  }
0x15f: {  	_ =	swait.ge [sflag:s31], $0x4000  }
0x160: {  	[sflag:s31] =	ssyncset.done $0x0  }
0x161: {  	s19 =	simm.s32 $0xF80;
	[sflag:s31] =	ssyncadd.s32 $0xFFFFC000  }
0x162: {  	[spmem:s2] =	stream.indirect.scatter.add.f32 [tilespmem:s28], [sflag:$0x3], $0x80, s19, s25, $0xb8;
	[tilespmem:$0x1D000] =	vst v63  }
0x163: {  	_ =	swait.ge [sflag:s23], $0x4000  }
0x164: {  	s15 =	simm.s32 $0x100;
	s17 =	simm.s32 $0x200;
	[sflag:s23] =	ssyncset.done $0x0  }
.LBB2_6:
0x165: {  	s18 =	sadd.s32 s15, s22  }
0x166: {  	[sflag:s23] =	ssyncadd.s32 $0xFFFFC000;
	s19 =	smov.u32 s17;
	s16 =	sadd.s32 $0x100, s17  }
0x167: {  	[tilespmem:s3], [sflag:$0x3] =	stream.linear.gather [hbm4b:s18+s3], $0x800, $0x38;
	[tilespmem:$0x1D000] =	vst v63  }
0x168: {  	s18 =	simm.s32 $0x100  }
0x169: {  	p1 =	sne.s32 s17, $0x900;
	_ =	swait.ge [sflag:s23], $0x800  }
0x16a: {  	s17 =	sadd.s32 s15, s21;
	[sflag:s23] =	ssyncset.done $0x0  }
0x16b: {  	s15 =	smov.u32 s19;
	s19 =	simm.s32 $0x880;
	[sflag:s23] =	ssyncadd.s32 $0xFFFFF800  }
0x16c: {  	[tilespmem:s24], [sflag:$0x3] =	stream.linear.gather [hbm4b:s17+s3], $0x800, $0x38;
	[tilespmem:$0x1D000] =	vst v63  }
0x16d: {  	_ =	swait.ge [sflag:s23], $0x800  }
0x16e: {  	[sflag:s23] =	ssyncset.done $0x0  }
0x16f: {  	[sflag:s23] =	ssyncadd.s32 $0xFFFFF800  }
0x170: {  	[tilespmem:s26], [sflag:$0x1] =	stream.indirect.gather [hbm4b:s5+s25], $0x80, s3, s25, $0xb8;
	[tilespmem:$0x1D000] =	vst v63  }
0x171: {  	_ = 	snop  }
0x172: {  	[tilespmem:s28], [sflag:$0x2] =	stream.indirect.gather [hbm4b:s5+s25], $0x80, s25, s25, $0xb8;
	[tilespmem:$0x1D000] =	vst v63  }
0x173: {  	_ =	swait.ge [sflag:s29], $0x4000  }
0x174: {  	[sflag:s29] =	ssyncset.done $0x0  }
0x175: {  	[sflag:s29] =	ssyncadd.s32 $0xFFFFC000  }
0x176: {  	[spmem:s2] =	stream.indirect.scatter.add.f32 [tilespmem:s26], [sflag:$0x3], $0x80, s24, s25, $0xb8;
	[tilespmem:$0x1D000] =	vst v63  }
0x177: {  	_ =	swait.ge [sflag:s23], $0x4000  }
0x178: {  	[sflag:s23] =	ssyncset.done $0x0  }
0x179: {  	[sflag:s23] =	ssyncadd.s32 $0xFFFFC000  }
0x17a: {  	[tilespmem:s26], [sflag:$0x1] =	stream.indirect.gather [hbm4b:s5+s25], $0x80, s18, s25, $0xb8;
	[tilespmem:$0x1D000] =	vst v63  }
0x17b: {  	_ =	swait.ge [sflag:s31], $0x4000  }
0x17c: {  	[sflag:s31] =	ssyncset.done $0x0  }
0x17d: {  	[sflag:s31] =	ssyncadd.s32 $0xFFFFC000  }
0x17e: {  	[spmem:s2] =	stream.indirect.scatter.add.f32 [tilespmem:s28], [sflag:$0x3], $0x80, s19, s25, $0xb8;
	[tilespmem:$0x1D000] =	vst v63  }
0x17f: {  	_ =	swait.ge [sflag:s23], $0x4000  }
0x180: {  	[sflag:s23] =	ssyncset.done $0x0  }
0x181: {  	[sflag:s23] =	ssyncadd.s32 $0xFFFFC000  }
0x182: {  	[tilespmem:s28], [sflag:$0x2] =	stream.indirect.gather [hbm4b:s5+s25], $0x80, s6, s25, $0xb8;
	[tilespmem:$0x1D000] =	vst v63  }
0x183: {  	_ =	swait.ge [sflag:s29], $0x4000  }
0x184: {  	[sflag:s29] =	ssyncset.done $0x0  }
0x185: {  	[sflag:s29] =	ssyncadd.s32 $0xFFFFC000  }
0x186: {  	[spmem:s2] =	stream.indirect.scatter.add.f32 [tilespmem:s26], [sflag:$0x3], $0x80, s20, s25, $0xb8;
	[tilespmem:$0x1D000] =	vst v63  }
0x187: {  	_ =	swait.ge [sflag:s23], $0x4000  }
0x188: {  	[sflag:s23] =	ssyncset.done $0x0  }
0x189: {  	[sflag:s23] =	ssyncadd.s32 $0xFFFFC000  }
0x18a: {  	[tilespmem:s26], [sflag:$0x1] =	stream.indirect.gather [hbm4b:s5+s25], $0x80, s30, s25, $0xb8;
	[tilespmem:$0x1D000] =	vst v63  }
0x18b: {  	_ =	swait.ge [sflag:s31], $0x4000  }
0x18c: {  	[sflag:s31] =	ssyncset.done $0x0  }
0x18d: {  	[sflag:s31] =	ssyncadd.s32 $0xFFFFC000  }
0x18e: {  	[spmem:s2] =	stream.indirect.scatter.add.f32 [tilespmem:s28], [sflag:$0x3], $0x80, s0, s25, $0xb8;
	[tilespmem:$0x1D000] =	vst v63  }
0x18f: {  	_ =	swait.ge [sflag:s23], $0x4000  }
0x190: {  	[sflag:s23] =	ssyncset.done $0x0  }
0x191: {  	[sflag:s23] =	ssyncadd.s32 $0xFFFFC000  }
0x192: {  	[tilespmem:s28], [sflag:$0x2] =	stream.indirect.gather [hbm4b:s5+s25], $0x80, s1, s25, $0xb8;
	[tilespmem:$0x1D000] =	vst v63  }
0x193: {  	_ =	swait.ge [sflag:s29], $0x4000  }
0x194: {  	[sflag:s29] =	ssyncset.done $0x0  }
0x195: {  	[sflag:s29] =	ssyncadd.s32 $0xFFFFC000  }
0x196: {  	[spmem:s2] =	stream.indirect.scatter.add.f32 [tilespmem:s26], [sflag:$0x3], $0x80, s7, s25, $0xb8;
	[tilespmem:$0x1D000] =	vst v63  }
0x197: {  	_ =	swait.ge [sflag:s23], $0x4000  }
0x198: {  	[sflag:s23] =	ssyncset.done $0x0  }
0x199: {  	[sflag:s23] =	ssyncadd.s32 $0xFFFFC000  }
0x19a: {  	[tilespmem:s26], [sflag:$0x1] =	stream.indirect.gather [hbm4b:s5+s25], $0x80, s8, s25, $0xb8;
	[tilespmem:$0x1D000] =	vst v63  }
0x19b: {  	_ =	swait.ge [sflag:s31], $0x4000  }
0x19c: {  	[sflag:s31] =	ssyncset.done $0x0  }
0x19d: {  	[sflag:s31] =	ssyncadd.s32 $0xFFFFC000  }
0x19e: {  	[spmem:s2] =	stream.indirect.scatter.add.f32 [tilespmem:s28], [sflag:$0x3], $0x80, s9, s25, $0xb8;
	[tilespmem:$0x1D000] =	vst v63  }
0x19f: {  	_ =	swait.ge [sflag:s23], $0x4000  }
0x1a0: {  	[sflag:s23] =	ssyncset.done $0x0  }
0x1a1: {  	[sflag:s23] =	ssyncadd.s32 $0xFFFFC000  }
0x1a2: {  	[tilespmem:s28], [sflag:$0x2] =	stream.indirect.gather [hbm4b:s5+s25], $0x80, s10, s25, $0xb8;
	[tilespmem:$0x1D000] =	vst v63  }
0x1a3: {  	_ =	swait.ge [sflag:s29], $0x4000  }
0x1a4: {  	[sflag:s29] =	ssyncset.done $0x0  }
0x1a5: {  	[sflag:s29] =	ssyncadd.s32 $0xFFFFC000  }
0x1a6: {  	[spmem:s2] =	stream.indirect.scatter.add.f32 [tilespmem:s26], [sflag:$0x3], $0x80, s11, s25, $0xb8;
	[tilespmem:$0x1D000] =	vst v63  }
0x1a7: {  	_ =	swait.ge [sflag:s23], $0x4000  }
0x1a8: {  	[sflag:s23] =	ssyncset.done $0x0  }
0x1a9: {  	[sflag:s23] =	ssyncadd.s32 $0xFFFFC000  }
0x1aa: {  	[tilespmem:s26], [sflag:$0x1] =	stream.indirect.gather [hbm4b:s5+s25], $0x80, s12, s25, $0xb8;
	[tilespmem:$0x1D000] =	vst v63  }
0x1ab: {  	_ =	swait.ge [sflag:s31], $0x4000  }
0x1ac: {  	[sflag:s31] =	ssyncset.done $0x0  }
0x1ad: {  	[sflag:s31] =	ssyncadd.s32 $0xFFFFC000  }
0x1ae: {  	[spmem:s2] =	stream.indirect.scatter.add.f32 [tilespmem:s28], [sflag:$0x3], $0x80, s13, s25, $0xb8;
	[tilespmem:$0x1D000] =	vst v63  }
0x1af: {  	_ =	swait.ge [sflag:s23], $0x4000  }
0x1b0: {  	[sflag:s23] =	ssyncset.done $0x0  }
0x1b1: {  	[sflag:s23] =	ssyncadd.s32 $0xFFFFC000  }
0x1b2: {  	[tilespmem:s28], [sflag:$0x2] =	stream.indirect.gather [hbm4b:s5+s25], $0x80, s14, s25, $0xb8;
	[tilespmem:$0x1D000] =	vst v63  }
0x1b3: {  	_ =	swait.ge [sflag:s29], $0x4000  }
0x1b4: {  	[sflag:s29] =	ssyncset.done $0x0  }
0x1b5: {  	s17 =	simm.s32 $0xC00;
	[sflag:s29] =	ssyncadd.s32 $0xFFFFC000  }
0x1b6: {  	[spmem:s2] =	stream.indirect.scatter.add.f32 [tilespmem:s26], [sflag:$0x3], $0x80, s17, s25, $0xb8;
	[tilespmem:$0x1D000] =	vst v63  }
0x1b7: {  	_ =	swait.ge [sflag:s23], $0x4000  }
0x1b8: {  	[sflag:s23] =	ssyncset.done $0x0  }
0x1b9: {  	s17 =	simm.s32 $0x500;
	[sflag:s23] =	ssyncadd.s32 $0xFFFFC000  }
0x1ba: {  	[tilespmem:s26], [sflag:$0x1] =	stream.indirect.gather [hbm4b:s5+s25], $0x80, s17, s25, $0xb8;
	[tilespmem:$0x1D000] =	vst v63  }
0x1bb: {  	_ =	swait.ge [sflag:s31], $0x4000  }
0x1bc: {  	[sflag:s31] =	ssyncset.done $0x0  }
0x1bd: {  	s17 =	simm.s32 $0xC80;
	[sflag:s31] =	ssyncadd.s32 $0xFFFFC000  }
0x1be: {  	[spmem:s2] =	stream.indirect.scatter.add.f32 [tilespmem:s28], [sflag:$0x3], $0x80, s17, s25, $0xb8;
	[tilespmem:$0x1D000] =	vst v63  }
0x1bf: {  	_ =	swait.ge [sflag:s23], $0x4000  }
0x1c0: {  	[sflag:s23] =	ssyncset.done $0x0  }
0x1c1: {  	s17 =	simm.s32 $0x580;
	[sflag:s23] =	ssyncadd.s32 $0xFFFFC000  }
0x1c2: {  	[tilespmem:s28], [sflag:$0x2] =	stream.indirect.gather [hbm4b:s5+s25], $0x80, s17, s25, $0xb8;
	[tilespmem:$0x1D000] =	vst v63  }
0x1c3: {  	_ =	swait.ge [sflag:s29], $0x4000  }
0x1c4: {  	[sflag:s29] =	ssyncset.done $0x0  }
0x1c5: {  	s17 =	simm.s32 $0xD00;
	[sflag:s29] =	ssyncadd.s32 $0xFFFFC000  }
0x1c6: {  	[spmem:s2] =	stream.indirect.scatter.add.f32 [tilespmem:s26], [sflag:$0x3], $0x80, s17, s25, $0xb8;
	[tilespmem:$0x1D000] =	vst v63  }
0x1c7: {  	_ =	swait.ge [sflag:s23], $0x4000  }
0x1c8: {  	[sflag:s23] =	ssyncset.done $0x0  }
0x1c9: {  	s17 =	simm.s32 $0x600;
	[sflag:s23] =	ssyncadd.s32 $0xFFFFC000  }
0x1ca: {  	[tilespmem:s26], [sflag:$0x1] =	stream.indirect.gather [hbm4b:s5+s25], $0x80, s17, s25, $0xb8;
	[tilespmem:$0x1D000] =	vst v63  }
0x1cb: {  	_ =	swait.ge [sflag:s31], $0x4000  }
0x1cc: {  	[sflag:s31] =	ssyncset.done $0x0  }
0x1cd: {  	s17 =	simm.s32 $0xD80;
	[sflag:s31] =	ssyncadd.s32 $0xFFFFC000  }
0x1ce: {  	[spmem:s2] =	stream.indirect.scatter.add.f32 [tilespmem:s28], [sflag:$0x3], $0x80, s17, s25, $0xb8;
	[tilespmem:$0x1D000] =	vst v63  }
0x1cf: {  	_ =	swait.ge [sflag:s23], $0x4000  }
0x1d0: {  	[sflag:s23] =	ssyncset.done $0x0  }
0x1d1: {  	s17 =	simm.s32 $0x680;
	[sflag:s23] =	ssyncadd.s32 $0xFFFFC000  }
0x1d2: {  	[tilespmem:s28], [sflag:$0x2] =	stream.indirect.gather [hbm4b:s5+s25], $0x80, s17, s25, $0xb8;
	[tilespmem:$0x1D000] =	vst v63  }
0x1d3: {  	_ =	swait.ge [sflag:s29], $0x4000  }
0x1d4: {  	[sflag:s29] =	ssyncset.done $0x0  }
0x1d5: {  	s17 =	simm.s32 $0xE00;
	[sflag:s29] =	ssyncadd.s32 $0xFFFFC000  }
0x1d6: {  	[spmem:s2] =	stream.indirect.scatter.add.f32 [tilespmem:s26], [sflag:$0x3], $0x80, s17, s25, $0xb8;
	[tilespmem:$0x1D000] =	vst v63  }
0x1d7: {  	_ =	swait.ge [sflag:s23], $0x4000  }
0x1d8: {  	[sflag:s23] =	ssyncset.done $0x0  }
0x1d9: {  	s17 =	simm.s32 $0x700;
	[sflag:s23] =	ssyncadd.s32 $0xFFFFC000  }
0x1da: {  	[tilespmem:s26], [sflag:$0x1] =	stream.indirect.gather [hbm4b:s5+s25], $0x80, s17, s25, $0xb8;
	[tilespmem:$0x1D000] =	vst v63  }
0x1db: {  	_ =	swait.ge [sflag:s31], $0x4000  }
0x1dc: {  	[sflag:s31] =	ssyncset.done $0x0  }
0x1dd: {  	s17 =	simm.s32 $0xE80;
	[sflag:s31] =	ssyncadd.s32 $0xFFFFC000  }
0x1de: {  	[spmem:s2] =	stream.indirect.scatter.add.f32 [tilespmem:s28], [sflag:$0x3], $0x80, s17, s25, $0xb8;
	[tilespmem:$0x1D000] =	vst v63  }
0x1df: {  	_ =	swait.ge [sflag:s23], $0x4000  }
0x1e0: {  	[sflag:s23] =	ssyncset.done $0x0  }
0x1e1: {  	s17 =	simm.s32 $0x780;
	[sflag:s23] =	ssyncadd.s32 $0xFFFFC000  }
0x1e2: {  	[tilespmem:s28], [sflag:$0x2] =	stream.indirect.gather [hbm4b:s5+s25], $0x80, s17, s25, $0xb8;
	[tilespmem:$0x1D000] =	vst v63  }
0x1e3: {  	_ =	swait.ge [sflag:s29], $0x4000  }
0x1e4: {  	[sflag:s29] =	ssyncset.done $0x0  }
0x1e5: {  	s17 =	simm.s32 $0xF00;
	[sflag:s29] =	ssyncadd.s32 $0xFFFFC000  }
0x1e6: {  	[spmem:s2] =	stream.indirect.scatter.add.f32 [tilespmem:s26], [sflag:$0x3], $0x80, s17, s25, $0xb8;
	[tilespmem:$0x1D000] =	vst v63  }
0x1e7: {  	_ =	swait.ge [sflag:s23], $0x4000  }
0x1e8: {  	[sflag:s23] =	ssyncset.done $0x0  }
0x1e9: {  	[sflag:s23] =	ssyncadd.s32 $0xFFFFC000  }
0x1ea: {  	_ =	swait.ge [sflag:s31], $0x4000  }
.Ltmp3:
0x1eb: {  	[sflag:s31] =	ssyncset.done $0x0;
	(pc) =	sbr.rel @p1 .LBB2_6-.Ltmp3, $4  }
0x1ec: {  	s17 =	simm.s32 $0xF80;
	[sflag:s31] =	ssyncadd.s32 $0xFFFFC000  }
0x1ed: {  	[spmem:s2] =	stream.indirect.scatter.add.f32 [tilespmem:s28], [sflag:$0x3], $0x80, s17, s25, $0xb8;
	[tilespmem:$0x1D000] =	vst v63  }
0x1ee: {  	_ =	swait.ge [sflag:s23], $0x4000  }
0x1ef: {  	s17 =	smov.u32 s16;
	[sflag:s23] =	ssyncset.done $0x0  }
.Ltmp4:
0x1f0: {  	_ = 	snop;
	(pc) =	sbr.rel .LBB2_7-.Ltmp4, $1  }
0x1f1: {  	_ =	sdelay $0x3  }
.LBB2_2:
0x1f2: {  	[tilespmem:s3], [sflag:$0x3] =	stream.linear.gather [hbm4b:s15+s3], $0x800, $0x38;
	[tilespmem:$0x1D000] =	vst v63  }
0x1f3: {  	_ =	swait.ge [sflag:s23], $0x800  }
0x1f4: {  	[sflag:s23] =	ssyncset.done $0x0  }
0x1f5: {  	s17 =	sadd.s32 $0x0, s21;
	[sflag:s23] =	ssyncadd.s32 $0xFFFFF800  }
0x1f6: {  	[tilespmem:s24], [sflag:$0x3] =	stream.linear.gather [hbm4b:s17+s3], $0x800, $0x38;
	[tilespmem:$0x1D000] =	vst v63  }
0x1f7: {  	_ =	swait.ge [sflag:s23], $0x800  }
0x1f8: {  	[sflag:s23] =	ssyncset.done $0x0  }
0x1f9: {  	[sflag:s23] =	ssyncadd.s32 $0xFFFFF800  }
0x1fa: {  	[tilespmem:s26], [sflag:$0x1] =	stream.indirect.gather [hbm4b:s4+s25], $0x80, s3, s25, $0xb8;
	[tilespmem:$0x1D000] =	vst v63  }
0x1fb: {  	_ = 	snop  }
0x1fc: {  	[tilespmem:s28], [sflag:$0x2] =	stream.indirect.gather [hbm4b:s4+s25], $0x80, s25, s25, $0xb8;
	[tilespmem:$0x1D000] =	vst v63  }
0x1fd: {  	_ =	swait.ge [sflag:s29], $0x4000  }
0x1fe: {  	[sflag:s29] =	ssyncset.done $0x0  }
0x1ff: {  	[sflag:s29] =	ssyncadd.s32 $0xFFFFC000  }
0x200: {  	[spmem:s2] =	stream.indirect.scatter.add.f32 [tilespmem:s26], [sflag:$0x3], $0x80, s24, s25, $0xb8;
	[tilespmem:$0x1D000] =	vst v63  }
0x201: {  	_ =	swait.ge [sflag:s23], $0x4000  }
0x202: {  	[sflag:s23] =	ssyncset.done $0x0  }
0x203: {  	[sflag:s23] =	ssyncadd.s32 $0xFFFFC000  }
0x204: {  	[tilespmem:s26], [sflag:$0x1] =	stream.indirect.gather [hbm4b:s4+s25], $0x80, s18, s25, $0xb8;
	[tilespmem:$0x1D000] =	vst v63  }
0x205: {  	_ =	swait.ge [sflag:s31], $0x4000  }
0x206: {  	[sflag:s31] =	ssyncset.done $0x0  }
0x207: {  	[sflag:s31] =	ssyncadd.s32 $0xFFFFC000  }
0x208: {  	[spmem:s2] =	stream.indirect.scatter.add.f32 [tilespmem:s28], [sflag:$0x3], $0x80, s19, s25, $0xb8;
	[tilespmem:$0x1D000] =	vst v63  }
0x209: {  	_ =	swait.ge [sflag:s23], $0x4000  }
0x20a: {  	[sflag:s23] =	ssyncset.done $0x0  }
0x20b: {  	s6 =	simm.s32 $0x180;
	[sflag:s23] =	ssyncadd.s32 $0xFFFFC000  }
0x20c: {  	[tilespmem:s28], [sflag:$0x2] =	stream.indirect.gather [hbm4b:s4+s25], $0x80, s6, s25, $0xb8;
	[tilespmem:$0x1D000] =	vst v63  }
0x20d: {  	_ =	swait.ge [sflag:s29], $0x4000  }
0x20e: {  	[sflag:s29] =	ssyncset.done $0x0  }
0x20f: {  	s20 =	simm.s32 $0x900;
	[sflag:s29] =	ssyncadd.s32 $0xFFFFC000  }
0x210: {  	[spmem:s2] =	stream.indirect.scatter.add.f32 [tilespmem:s26], [sflag:$0x3], $0x80, s20, s25, $0xb8;
	[tilespmem:$0x1D000] =	vst v63  }
0x211: {  	_ =	swait.ge [sflag:s23], $0x4000  }
0x212: {  	[sflag:s23] =	ssyncset.done $0x0  }
0x213: {  	s30 =	simm.s32 $0x200;
	[sflag:s23] =	ssyncadd.s32 $0xFFFFC000  }
0x214: {  	[tilespmem:s26], [sflag:$0x1] =	stream.indirect.gather [hbm4b:s4+s25], $0x80, s30, s25, $0xb8;
	[tilespmem:$0x1D000] =	vst v63  }
0x215: {  	_ =	swait.ge [sflag:s31], $0x4000  }
0x216: {  	[sflag:s31] =	ssyncset.done $0x0  }
0x217: {  	s0 =	simm.s32 $0x980;
	[sflag:s31] =	ssyncadd.s32 $0xFFFFC000  }
0x218: {  	[spmem:s2] =	stream.indirect.scatter.add.f32 [tilespmem:s28], [sflag:$0x3], $0x80, s0, s25, $0xb8;
	[tilespmem:$0x1D000] =	vst v63  }
0x219: {  	_ =	swait.ge [sflag:s23], $0x4000  }
0x21a: {  	[sflag:s23] =	ssyncset.done $0x0  }
0x21b: {  	s1 =	simm.s32 $0x280;
	[sflag:s23] =	ssyncadd.s32 $0xFFFFC000  }
0x21c: {  	[tilespmem:s28], [sflag:$0x2] =	stream.indirect.gather [hbm4b:s4+s25], $0x80, s1, s25, $0xb8;
	[tilespmem:$0x1D000] =	vst v63  }
0x21d: {  	_ =	swait.ge [sflag:s29], $0x4000  }
0x21e: {  	[sflag:s29] =	ssyncset.done $0x0  }
0x21f: {  	s7 =	simm.s32 $0xA00;
	[sflag:s29] =	ssyncadd.s32 $0xFFFFC000  }
0x220: {  	[spmem:s2] =	stream.indirect.scatter.add.f32 [tilespmem:s26], [sflag:$0x3], $0x80, s7, s25, $0xb8;
	[tilespmem:$0x1D000] =	vst v63  }
0x221: {  	_ =	swait.ge [sflag:s23], $0x4000  }
0x222: {  	[sflag:s23] =	ssyncset.done $0x0  }
0x223: {  	s8 =	simm.s32 $0x300;
	[sflag:s23] =	ssyncadd.s32 $0xFFFFC000  }
0x224: {  	[tilespmem:s26], [sflag:$0x1] =	stream.indirect.gather [hbm4b:s4+s25], $0x80, s8, s25, $0xb8;
	[tilespmem:$0x1D000] =	vst v63  }
0x225: {  	_ =	swait.ge [sflag:s31], $0x4000  }
0x226: {  	[sflag:s31] =	ssyncset.done $0x0  }
0x227: {  	s9 =	simm.s32 $0xA80;
	[sflag:s31] =	ssyncadd.s32 $0xFFFFC000  }
0x228: {  	[spmem:s2] =	stream.indirect.scatter.add.f32 [tilespmem:s28], [sflag:$0x3], $0x80, s9, s25, $0xb8;
	[tilespmem:$0x1D000] =	vst v63  }
0x229: {  	_ =	swait.ge [sflag:s23], $0x4000  }
0x22a: {  	[sflag:s23] =	ssyncset.done $0x0  }
0x22b: {  	s10 =	simm.s32 $0x380;
	[sflag:s23] =	ssyncadd.s32 $0xFFFFC000  }
0x22c: {  	[tilespmem:s28], [sflag:$0x2] =	stream.indirect.gather [hbm4b:s4+s25], $0x80, s10, s25, $0xb8;
	[tilespmem:$0x1D000] =	vst v63  }
0x22d: {  	_ =	swait.ge [sflag:s29], $0x4000  }
0x22e: {  	[sflag:s29] =	ssyncset.done $0x0  }
0x22f: {  	s11 =	simm.s32 $0xB00;
	[sflag:s29] =	ssyncadd.s32 $0xFFFFC000  }
0x230: {  	[spmem:s2] =	stream.indirect.scatter.add.f32 [tilespmem:s26], [sflag:$0x3], $0x80, s11, s25, $0xb8;
	[tilespmem:$0x1D000] =	vst v63  }
0x231: {  	_ =	swait.ge [sflag:s23], $0x4000  }
0x232: {  	[sflag:s23] =	ssyncset.done $0x0  }
0x233: {  	s12 =	simm.s32 $0x400;
	[sflag:s23] =	ssyncadd.s32 $0xFFFFC000  }
0x234: {  	[tilespmem:s26], [sflag:$0x1] =	stream.indirect.gather [hbm4b:s4+s25], $0x80, s12, s25, $0xb8;
	[tilespmem:$0x1D000] =	vst v63  }
0x235: {  	_ =	swait.ge [sflag:s31], $0x4000  }
0x236: {  	[sflag:s31] =	ssyncset.done $0x0  }
0x237: {  	s13 =	simm.s32 $0xB80;
	[sflag:s31] =	ssyncadd.s32 $0xFFFFC000  }
0x238: {  	[spmem:s2] =	stream.indirect.scatter.add.f32 [tilespmem:s28], [sflag:$0x3], $0x80, s13, s25, $0xb8;
	[tilespmem:$0x1D000] =	vst v63  }
0x239: {  	_ =	swait.ge [sflag:s23], $0x4000  }
0x23a: {  	[sflag:s23] =	ssyncset.done $0x0  }
0x23b: {  	s14 =	simm.s32 $0x480;
	[sflag:s23] =	ssyncadd.s32 $0xFFFFC000  }
0x23c: {  	[tilespmem:s28], [sflag:$0x2] =	stream.indirect.gather [hbm4b:s4+s25], $0x80, s14, s25, $0xb8;
	[tilespmem:$0x1D000] =	vst v63  }
0x23d: {  	_ =	swait.ge [sflag:s29], $0x4000  }
0x23e: {  	[sflag:s29] =	ssyncset.done $0x0  }
0x23f: {  	s18 =	simm.s32 $0xC00;
	[sflag:s29] =	ssyncadd.s32 $0xFFFFC000  }
0x240: {  	[spmem:s2] =	stream.indirect.scatter.add.f32 [tilespmem:s26], [sflag:$0x3], $0x80, s18, s25, $0xb8;
	[tilespmem:$0x1D000] =	vst v63  }
0x241: {  	_ =	swait.ge [sflag:s23], $0x4000  }
0x242: {  	[sflag:s23] =	ssyncset.done $0x0  }
0x243: {  	s19 =	simm.s32 $0x500;
	[sflag:s23] =	ssyncadd.s32 $0xFFFFC000  }
0x244: {  	[tilespmem:s26], [sflag:$0x1] =	stream.indirect.gather [hbm4b:s4+s25], $0x80, s19, s25, $0xb8;
	[tilespmem:$0x1D000] =	vst v63  }
0x245: {  	_ =	swait.ge [sflag:s31], $0x4000  }
0x246: {  	[sflag:s31] =	ssyncset.done $0x0  }
0x247: {  	s16 =	simm.s32 $0xC80;
	[sflag:s31] =	ssyncadd.s32 $0xFFFFC000  }
0x248: {  	[spmem:s2] =	stream.indirect.scatter.add.f32 [tilespmem:s28], [sflag:$0x3], $0x80, s16, s25, $0xb8;
	[tilespmem:$0x1D000] =	vst v63  }
0x249: {  	_ =	swait.ge [sflag:s23], $0x4000  }
0x24a: {  	[sflag:s23] =	ssyncset.done $0x0  }
0x24b: {  	s17 =	simm.s32 $0x580;
	[sflag:s23] =	ssyncadd.s32 $0xFFFFC000  }
0x24c: {  	[tilespmem:s28], [sflag:$0x2] =	stream.indirect.gather [hbm4b:s4+s25], $0x80, s17, s25, $0xb8;
	[tilespmem:$0x1D000] =	vst v63  }
0x24d: {  	_ =	swait.ge [sflag:s29], $0x4000  }
0x24e: {  	[sflag:s29] =	ssyncset.done $0x0  }
0x24f: {  	s18 =	simm.s32 $0xD00;
	[sflag:s29] =	ssyncadd.s32 $0xFFFFC000  }
0x250: {  	[spmem:s2] =	stream.indirect.scatter.add.f32 [tilespmem:s26], [sflag:$0x3], $0x80, s18, s25, $0xb8;
	[tilespmem:$0x1D000] =	vst v63  }
0x251: {  	_ =	swait.ge [sflag:s23], $0x4000  }
0x252: {  	[sflag:s23] =	ssyncset.done $0x0  }
0x253: {  	s19 =	simm.s32 $0x600;
	[sflag:s23] =	ssyncadd.s32 $0xFFFFC000  }
0x254: {  	[tilespmem:s26], [sflag:$0x1] =	stream.indirect.gather [hbm4b:s4+s25], $0x80, s19, s25, $0xb8;
	[tilespmem:$0x1D000] =	vst v63  }
0x255: {  	_ =	swait.ge [sflag:s31], $0x4000  }
0x256: {  	[sflag:s31] =	ssyncset.done $0x0  }
0x257: {  	s16 =	simm.s32 $0xD80;
	[sflag:s31] =	ssyncadd.s32 $0xFFFFC000  }
0x258: {  	[spmem:s2] =	stream.indirect.scatter.add.f32 [tilespmem:s28], [sflag:$0x3], $0x80, s16, s25, $0xb8;
	[tilespmem:$0x1D000] =	vst v63  }
0x259: {  	_ =	swait.ge [sflag:s23], $0x4000  }
0x25a: {  	[sflag:s23] =	ssyncset.done $0x0  }
0x25b: {  	s17 =	simm.s32 $0x680;
	[sflag:s23] =	ssyncadd.s32 $0xFFFFC000  }
0x25c: {  	[tilespmem:s28], [sflag:$0x2] =	stream.indirect.gather [hbm4b:s4+s25], $0x80, s17, s25, $0xb8;
	[tilespmem:$0x1D000] =	vst v63  }
0x25d: {  	_ =	swait.ge [sflag:s29], $0x4000  }
0x25e: {  	[sflag:s29] =	ssyncset.done $0x0  }
0x25f: {  	s18 =	simm.s32 $0xE00;
	[sflag:s29] =	ssyncadd.s32 $0xFFFFC000  }
0x260: {  	[spmem:s2] =	stream.indirect.scatter.add.f32 [tilespmem:s26], [sflag:$0x3], $0x80, s18, s25, $0xb8;
	[tilespmem:$0x1D000] =	vst v63  }
0x261: {  	_ =	swait.ge [sflag:s23], $0x4000  }
0x262: {  	[sflag:s23] =	ssyncset.done $0x0  }
0x263: {  	s19 =	simm.s32 $0x700;
	[sflag:s23] =	ssyncadd.s32 $0xFFFFC000  }
0x264: {  	[tilespmem:s26], [sflag:$0x1] =	stream.indirect.gather [hbm4b:s4+s25], $0x80, s19, s25, $0xb8;
	[tilespmem:$0x1D000] =	vst v63  }
0x265: {  	_ =	swait.ge [sflag:s31], $0x4000  }
0x266: {  	[sflag:s31] =	ssyncset.done $0x0  }
0x267: {  	s16 =	simm.s32 $0xE80;
	[sflag:s31] =	ssyncadd.s32 $0xFFFFC000  }
0x268: {  	[spmem:s2] =	stream.indirect.scatter.add.f32 [tilespmem:s28], [sflag:$0x3], $0x80, s16, s25, $0xb8;
	[tilespmem:$0x1D000] =	vst v63  }
0x269: {  	_ =	swait.ge [sflag:s23], $0x4000  }
0x26a: {  	[sflag:s23] =	ssyncset.done $0x0  }
0x26b: {  	s17 =	simm.s32 $0x780;
	[sflag:s23] =	ssyncadd.s32 $0xFFFFC000  }
0x26c: {  	[tilespmem:s28], [sflag:$0x2] =	stream.indirect.gather [hbm4b:s4+s25], $0x80, s17, s25, $0xb8;
	[tilespmem:$0x1D000] =	vst v63  }
0x26d: {  	_ =	swait.ge [sflag:s29], $0x4000  }
0x26e: {  	[sflag:s29] =	ssyncset.done $0x0  }
0x26f: {  	s18 =	simm.s32 $0xF00;
	[sflag:s29] =	ssyncadd.s32 $0xFFFFC000  }
0x270: {  	[spmem:s2] =	stream.indirect.scatter.add.f32 [tilespmem:s26], [sflag:$0x3], $0x80, s18, s25, $0xb8;
	[tilespmem:$0x1D000] =	vst v63  }
0x271: {  	_ =	swait.ge [sflag:s23], $0x4000  }
0x272: {  	[sflag:s23] =	ssyncset.done $0x0  }
0x273: {  	[sflag:s23] =	ssyncadd.s32 $0xFFFFC000  }
0x274: {  	_ =	swait.ge [sflag:s31], $0x4000  }
0x275: {  	[sflag:s31] =	ssyncset.done $0x0  }
0x276: {  	s19 =	simm.s32 $0xF80;
	[sflag:s31] =	ssyncadd.s32 $0xFFFFC000  }
0x277: {  	[spmem:s2] =	stream.indirect.scatter.add.f32 [tilespmem:s28], [sflag:$0x3], $0x80, s19, s25, $0xb8;
	[tilespmem:$0x1D000] =	vst v63  }
0x278: {  	_ =	swait.ge [sflag:s23], $0x4000  }
0x279: {  	s15 =	simm.s32 $0x100;
	s16 =	simm.s32 $0x200;
	[sflag:s23] =	ssyncset.done $0x0  }
.LBB2_3:
0x27a: {  	s18 =	sadd.s32 s15, s22  }
0x27b: {  	[sflag:s23] =	ssyncadd.s32 $0xFFFFC000;
	s19 =	smov.u32 s16;
	s17 =	sadd.s32 $0x100, s16  }
0x27c: {  	[tilespmem:s3], [sflag:$0x3] =	stream.linear.gather [hbm4b:s18+s3], $0x800, $0x38;
	[tilespmem:$0x1D000] =	vst v63  }
0x27d: {  	s18 =	simm.s32 $0x100  }
0x27e: {  	p1 =	seq.s32 s16, $0x900;
	_ =	swait.ge [sflag:s23], $0x800  }
0x27f: {  	s16 =	sadd.s32 s15, s21;
	[sflag:s23] =	ssyncset.done $0x0  }
0x280: {  	s15 =	smov.u32 s19;
	s19 =	simm.s32 $0x880;
	[sflag:s23] =	ssyncadd.s32 $0xFFFFF800  }
0x281: {  	[tilespmem:s24], [sflag:$0x3] =	stream.linear.gather [hbm4b:s16+s3], $0x800, $0x38;
	[tilespmem:$0x1D000] =	vst v63  }
0x282: {  	_ =	swait.ge [sflag:s23], $0x800  }
0x283: {  	[sflag:s23] =	ssyncset.done $0x0  }
0x284: {  	[sflag:s23] =	ssyncadd.s32 $0xFFFFF800  }
0x285: {  	[tilespmem:s26], [sflag:$0x1] =	stream.indirect.gather [hbm4b:s4+s25], $0x80, s3, s25, $0xb8;
	[tilespmem:$0x1D000] =	vst v63  }
0x286: {  	_ = 	snop  }
0x287: {  	[tilespmem:s28], [sflag:$0x2] =	stream.indirect.gather [hbm4b:s4+s25], $0x80, s25, s25, $0xb8;
	[tilespmem:$0x1D000] =	vst v63  }
0x288: {  	_ =	swait.ge [sflag:s29], $0x4000  }
0x289: {  	[sflag:s29] =	ssyncset.done $0x0  }
0x28a: {  	[sflag:s29] =	ssyncadd.s32 $0xFFFFC000  }
0x28b: {  	[spmem:s2] =	stream.indirect.scatter.add.f32 [tilespmem:s26], [sflag:$0x3], $0x80, s24, s25, $0xb8;
	[tilespmem:$0x1D000] =	vst v63  }
0x28c: {  	_ =	swait.ge [sflag:s23], $0x4000  }
0x28d: {  	[sflag:s23] =	ssyncset.done $0x0  }
0x28e: {  	[sflag:s23] =	ssyncadd.s32 $0xFFFFC000  }
0x28f: {  	[tilespmem:s26], [sflag:$0x1] =	stream.indirect.gather [hbm4b:s4+s25], $0x80, s18, s25, $0xb8;
	[tilespmem:$0x1D000] =	vst v63  }
0x290: {  	_ =	swait.ge [sflag:s31], $0x4000  }
0x291: {  	[sflag:s31] =	ssyncset.done $0x0  }
0x292: {  	[sflag:s31] =	ssyncadd.s32 $0xFFFFC000  }
0x293: {  	[spmem:s2] =	stream.indirect.scatter.add.f32 [tilespmem:s28], [sflag:$0x3], $0x80, s19, s25, $0xb8;
	[tilespmem:$0x1D000] =	vst v63  }
0x294: {  	_ =	swait.ge [sflag:s23], $0x4000  }
0x295: {  	[sflag:s23] =	ssyncset.done $0x0  }
0x296: {  	[sflag:s23] =	ssyncadd.s32 $0xFFFFC000  }
0x297: {  	[tilespmem:s28], [sflag:$0x2] =	stream.indirect.gather [hbm4b:s4+s25], $0x80, s6, s25, $0xb8;
	[tilespmem:$0x1D000] =	vst v63  }
0x298: {  	_ =	swait.ge [sflag:s29], $0x4000  }
0x299: {  	[sflag:s29] =	ssyncset.done $0x0  }
0x29a: {  	[sflag:s29] =	ssyncadd.s32 $0xFFFFC000  }
0x29b: {  	[spmem:s2] =	stream.indirect.scatter.add.f32 [tilespmem:s26], [sflag:$0x3], $0x80, s20, s25, $0xb8;
	[tilespmem:$0x1D000] =	vst v63  }
0x29c: {  	_ =	swait.ge [sflag:s23], $0x4000  }
0x29d: {  	[sflag:s23] =	ssyncset.done $0x0  }
0x29e: {  	[sflag:s23] =	ssyncadd.s32 $0xFFFFC000  }
0x29f: {  	[tilespmem:s26], [sflag:$0x1] =	stream.indirect.gather [hbm4b:s4+s25], $0x80, s30, s25, $0xb8;
	[tilespmem:$0x1D000] =	vst v63  }
0x2a0: {  	_ =	swait.ge [sflag:s31], $0x4000  }
0x2a1: {  	[sflag:s31] =	ssyncset.done $0x0  }
0x2a2: {  	[sflag:s31] =	ssyncadd.s32 $0xFFFFC000  }
0x2a3: {  	[spmem:s2] =	stream.indirect.scatter.add.f32 [tilespmem:s28], [sflag:$0x3], $0x80, s0, s25, $0xb8;
	[tilespmem:$0x1D000] =	vst v63  }
0x2a4: {  	_ =	swait.ge [sflag:s23], $0x4000  }
0x2a5: {  	[sflag:s23] =	ssyncset.done $0x0  }
0x2a6: {  	[sflag:s23] =	ssyncadd.s32 $0xFFFFC000  }
0x2a7: {  	[tilespmem:s28], [sflag:$0x2] =	stream.indirect.gather [hbm4b:s4+s25], $0x80, s1, s25, $0xb8;
	[tilespmem:$0x1D000] =	vst v63  }
0x2a8: {  	_ =	swait.ge [sflag:s29], $0x4000  }
0x2a9: {  	[sflag:s29] =	ssyncset.done $0x0  }
0x2aa: {  	[sflag:s29] =	ssyncadd.s32 $0xFFFFC000  }
0x2ab: {  	[spmem:s2] =	stream.indirect.scatter.add.f32 [tilespmem:s26], [sflag:$0x3], $0x80, s7, s25, $0xb8;
	[tilespmem:$0x1D000] =	vst v63  }
0x2ac: {  	_ =	swait.ge [sflag:s23], $0x4000  }
0x2ad: {  	[sflag:s23] =	ssyncset.done $0x0  }
0x2ae: {  	[sflag:s23] =	ssyncadd.s32 $0xFFFFC000  }
0x2af: {  	[tilespmem:s26], [sflag:$0x1] =	stream.indirect.gather [hbm4b:s4+s25], $0x80, s8, s25, $0xb8;
	[tilespmem:$0x1D000] =	vst v63  }
0x2b0: {  	_ =	swait.ge [sflag:s31], $0x4000  }
0x2b1: {  	[sflag:s31] =	ssyncset.done $0x0  }
0x2b2: {  	[sflag:s31] =	ssyncadd.s32 $0xFFFFC000  }
0x2b3: {  	[spmem:s2] =	stream.indirect.scatter.add.f32 [tilespmem:s28], [sflag:$0x3], $0x80, s9, s25, $0xb8;
	[tilespmem:$0x1D000] =	vst v63  }
0x2b4: {  	_ =	swait.ge [sflag:s23], $0x4000  }
0x2b5: {  	[sflag:s23] =	ssyncset.done $0x0  }
0x2b6: {  	[sflag:s23] =	ssyncadd.s32 $0xFFFFC000  }
0x2b7: {  	[tilespmem:s28], [sflag:$0x2] =	stream.indirect.gather [hbm4b:s4+s25], $0x80, s10, s25, $0xb8;
	[tilespmem:$0x1D000] =	vst v63  }
0x2b8: {  	_ =	swait.ge [sflag:s29], $0x4000  }
0x2b9: {  	[sflag:s29] =	ssyncset.done $0x0  }
0x2ba: {  	[sflag:s29] =	ssyncadd.s32 $0xFFFFC000  }
0x2bb: {  	[spmem:s2] =	stream.indirect.scatter.add.f32 [tilespmem:s26], [sflag:$0x3], $0x80, s11, s25, $0xb8;
	[tilespmem:$0x1D000] =	vst v63  }
0x2bc: {  	_ =	swait.ge [sflag:s23], $0x4000  }
0x2bd: {  	[sflag:s23] =	ssyncset.done $0x0  }
0x2be: {  	[sflag:s23] =	ssyncadd.s32 $0xFFFFC000  }
0x2bf: {  	[tilespmem:s26], [sflag:$0x1] =	stream.indirect.gather [hbm4b:s4+s25], $0x80, s12, s25, $0xb8;
	[tilespmem:$0x1D000] =	vst v63  }
0x2c0: {  	_ =	swait.ge [sflag:s31], $0x4000  }
0x2c1: {  	[sflag:s31] =	ssyncset.done $0x0  }
0x2c2: {  	[sflag:s31] =	ssyncadd.s32 $0xFFFFC000  }
0x2c3: {  	[spmem:s2] =	stream.indirect.scatter.add.f32 [tilespmem:s28], [sflag:$0x3], $0x80, s13, s25, $0xb8;
	[tilespmem:$0x1D000] =	vst v63  }
0x2c4: {  	_ =	swait.ge [sflag:s23], $0x4000  }
0x2c5: {  	[sflag:s23] =	ssyncset.done $0x0  }
0x2c6: {  	[sflag:s23] =	ssyncadd.s32 $0xFFFFC000  }
0x2c7: {  	[tilespmem:s28], [sflag:$0x2] =	stream.indirect.gather [hbm4b:s4+s25], $0x80, s14, s25, $0xb8;
	[tilespmem:$0x1D000] =	vst v63  }
0x2c8: {  	_ =	swait.ge [sflag:s29], $0x4000  }
0x2c9: {  	[sflag:s29] =	ssyncset.done $0x0  }
0x2ca: {  	s16 =	simm.s32 $0xC00;
	[sflag:s29] =	ssyncadd.s32 $0xFFFFC000  }
0x2cb: {  	[spmem:s2] =	stream.indirect.scatter.add.f32 [tilespmem:s26], [sflag:$0x3], $0x80, s16, s25, $0xb8;
	[tilespmem:$0x1D000] =	vst v63  }
0x2cc: {  	_ =	swait.ge [sflag:s23], $0x4000  }
0x2cd: {  	[sflag:s23] =	ssyncset.done $0x0  }
0x2ce: {  	s16 =	simm.s32 $0x500;
	[sflag:s23] =	ssyncadd.s32 $0xFFFFC000  }
0x2cf: {  	[tilespmem:s26], [sflag:$0x1] =	stream.indirect.gather [hbm4b:s4+s25], $0x80, s16, s25, $0xb8;
	[tilespmem:$0x1D000] =	vst v63  }
0x2d0: {  	_ =	swait.ge [sflag:s31], $0x4000  }
0x2d1: {  	[sflag:s31] =	ssyncset.done $0x0  }
0x2d2: {  	s16 =	simm.s32 $0xC80;
	[sflag:s31] =	ssyncadd.s32 $0xFFFFC000  }
0x2d3: {  	[spmem:s2] =	stream.indirect.scatter.add.f32 [tilespmem:s28], [sflag:$0x3], $0x80, s16, s25, $0xb8;
	[tilespmem:$0x1D000] =	vst v63  }
0x2d4: {  	_ =	swait.ge [sflag:s23], $0x4000  }
0x2d5: {  	[sflag:s23] =	ssyncset.done $0x0  }
0x2d6: {  	s16 =	simm.s32 $0x580;
	[sflag:s23] =	ssyncadd.s32 $0xFFFFC000  }
0x2d7: {  	[tilespmem:s28], [sflag:$0x2] =	stream.indirect.gather [hbm4b:s4+s25], $0x80, s16, s25, $0xb8;
	[tilespmem:$0x1D000] =	vst v63  }
0x2d8: {  	_ =	swait.ge [sflag:s29], $0x4000  }
0x2d9: {  	[sflag:s29] =	ssyncset.done $0x0  }
0x2da: {  	s16 =	simm.s32 $0xD00;
	[sflag:s29] =	ssyncadd.s32 $0xFFFFC000  }
0x2db: {  	[spmem:s2] =	stream.indirect.scatter.add.f32 [tilespmem:s26], [sflag:$0x3], $0x80, s16, s25, $0xb8;
	[tilespmem:$0x1D000] =	vst v63  }
0x2dc: {  	_ =	swait.ge [sflag:s23], $0x4000  }
0x2dd: {  	[sflag:s23] =	ssyncset.done $0x0  }
0x2de: {  	s16 =	simm.s32 $0x600;
	[sflag:s23] =	ssyncadd.s32 $0xFFFFC000  }
0x2df: {  	[tilespmem:s26], [sflag:$0x1] =	stream.indirect.gather [hbm4b:s4+s25], $0x80, s16, s25, $0xb8;
	[tilespmem:$0x1D000] =	vst v63  }
0x2e0: {  	_ =	swait.ge [sflag:s31], $0x4000  }
0x2e1: {  	[sflag:s31] =	ssyncset.done $0x0  }
0x2e2: {  	s16 =	simm.s32 $0xD80;
	[sflag:s31] =	ssyncadd.s32 $0xFFFFC000  }
0x2e3: {  	[spmem:s2] =	stream.indirect.scatter.add.f32 [tilespmem:s28], [sflag:$0x3], $0x80, s16, s25, $0xb8;
	[tilespmem:$0x1D000] =	vst v63  }
0x2e4: {  	_ =	swait.ge [sflag:s23], $0x4000  }
0x2e5: {  	[sflag:s23] =	ssyncset.done $0x0  }
0x2e6: {  	s16 =	simm.s32 $0x680;
	[sflag:s23] =	ssyncadd.s32 $0xFFFFC000  }
0x2e7: {  	[tilespmem:s28], [sflag:$0x2] =	stream.indirect.gather [hbm4b:s4+s25], $0x80, s16, s25, $0xb8;
	[tilespmem:$0x1D000] =	vst v63  }
0x2e8: {  	_ =	swait.ge [sflag:s29], $0x4000  }
0x2e9: {  	[sflag:s29] =	ssyncset.done $0x0  }
0x2ea: {  	s16 =	simm.s32 $0xE00;
	[sflag:s29] =	ssyncadd.s32 $0xFFFFC000  }
0x2eb: {  	[spmem:s2] =	stream.indirect.scatter.add.f32 [tilespmem:s26], [sflag:$0x3], $0x80, s16, s25, $0xb8;
	[tilespmem:$0x1D000] =	vst v63  }
0x2ec: {  	_ =	swait.ge [sflag:s23], $0x4000  }
0x2ed: {  	[sflag:s23] =	ssyncset.done $0x0  }
0x2ee: {  	s16 =	simm.s32 $0x700;
	[sflag:s23] =	ssyncadd.s32 $0xFFFFC000  }
0x2ef: {  	[tilespmem:s26], [sflag:$0x1] =	stream.indirect.gather [hbm4b:s4+s25], $0x80, s16, s25, $0xb8;
	[tilespmem:$0x1D000] =	vst v63  }
0x2f0: {  	_ =	swait.ge [sflag:s31], $0x4000  }
0x2f1: {  	[sflag:s31] =	ssyncset.done $0x0  }
0x2f2: {  	s16 =	simm.s32 $0xE80;
	[sflag:s31] =	ssyncadd.s32 $0xFFFFC000  }
0x2f3: {  	[spmem:s2] =	stream.indirect.scatter.add.f32 [tilespmem:s28], [sflag:$0x3], $0x80, s16, s25, $0xb8;
	[tilespmem:$0x1D000] =	vst v63  }
0x2f4: {  	_ =	swait.ge [sflag:s23], $0x4000  }
0x2f5: {  	[sflag:s23] =	ssyncset.done $0x0  }
0x2f6: {  	s16 =	simm.s32 $0x780;
	[sflag:s23] =	ssyncadd.s32 $0xFFFFC000  }
0x2f7: {  	[tilespmem:s28], [sflag:$0x2] =	stream.indirect.gather [hbm4b:s4+s25], $0x80, s16, s25, $0xb8;
	[tilespmem:$0x1D000] =	vst v63  }
0x2f8: {  	_ =	swait.ge [sflag:s29], $0x4000  }
0x2f9: {  	[sflag:s29] =	ssyncset.done $0x0  }
0x2fa: {  	s16 =	simm.s32 $0xF00;
	[sflag:s29] =	ssyncadd.s32 $0xFFFFC000  }
0x2fb: {  	[spmem:s2] =	stream.indirect.scatter.add.f32 [tilespmem:s26], [sflag:$0x3], $0x80, s16, s25, $0xb8;
	[tilespmem:$0x1D000] =	vst v63  }
0x2fc: {  	_ =	swait.ge [sflag:s23], $0x4000  }
0x2fd: {  	[sflag:s23] =	ssyncset.done $0x0  }
0x2fe: {  	[sflag:s23] =	ssyncadd.s32 $0xFFFFC000  }
0x2ff: {  	_ =	swait.ge [sflag:s31], $0x4000  }
.Ltmp5:
0x300: {  	[sflag:s31] =	ssyncset.done $0x0;
	(pc) =	sbr.rel @!p1 .LBB2_3-.Ltmp5, $4  }
0x301: {  	s16 =	simm.s32 $0xF80;
	[sflag:s31] =	ssyncadd.s32 $0xFFFFC000  }
0x302: {  	[spmem:s2] =	stream.indirect.scatter.add.f32 [tilespmem:s28], [sflag:$0x3], $0x80, s16, s25, $0xb8;
	[tilespmem:$0x1D000] =	vst v63  }
0x303: {  	_ =	swait.ge [sflag:s23], $0x4000  }
0x304: {  	s16 =	smov.u32 s17;
	[sflag:s23] =	ssyncset.done $0x0  }
0x305: {  	s16 =	sadd.s32 s15, s22;
	[sflag:s23] =	ssyncadd.s32 $0xFFFFC000  }
0x306: {  	[tilespmem:s3], [sflag:$0x3] =	stream.linear.gather [hbm4b:s16+s3], $0x800, $0x38;
	[tilespmem:$0x1D000] =	vst v63  }
0x307: {  	_ =	swait.ge [sflag:s23], $0x800  }
0x308: {  	[sflag:s23] =	ssyncset.done $0x0  }
0x309: {  	s17 =	sadd.s32 s15, s21;
	[sflag:s23] =	ssyncadd.s32 $0xFFFFF800  }
0x30a: {  	[tilespmem:s24], [sflag:$0x3] =	stream.linear.gather [hbm4b:s17+s3], $0x800, $0x38;
	[tilespmem:$0x1D000] =	vst v63  }
0x30b: {  	_ =	swait.ge [sflag:s23], $0x800  }
0x30c: {  	[sflag:s23] =	ssyncset.done $0x0  }
0x30d: {  	[sflag:s23] =	ssyncadd.s32 $0xFFFFF800  }
0x30e: {  	[tilespmem:s26], [sflag:$0x1] =	stream.indirect.gather [hbm4b:s4+s25], $0x80, s3, s25, $0xb8;
	[tilespmem:$0x1D000] =	vst v63  }
0x30f: {  	_ = 	snop  }
0x310: {  	[tilespmem:s28], [sflag:$0x2] =	stream.indirect.gather [hbm4b:s4+s25], $0x80, s25, s25, $0xb8;
	[tilespmem:$0x1D000] =	vst v63  }
0x311: {  	_ =	swait.ge [sflag:s29], $0x4000  }
0x312: {  	[sflag:s29] =	ssyncset.done $0x0  }
0x313: {  	[sflag:s29] =	ssyncadd.s32 $0xFFFFC000  }
0x314: {  	[spmem:s2] =	stream.indirect.scatter.add.f32 [tilespmem:s26], [sflag:$0x3], $0x80, s24, s25, $0xb8;
	[tilespmem:$0x1D000] =	vst v63  }
0x315: {  	_ =	swait.ge [sflag:s23], $0x4000  }
0x316: {  	[sflag:s23] =	ssyncset.done $0x0  }
0x317: {  	[sflag:s23] =	ssyncadd.s32 $0xFFFFC000  }
0x318: {  	[tilespmem:s26], [sflag:$0x1] =	stream.indirect.gather [hbm4b:s4+s25], $0x80, s18, s25, $0xb8;
	[tilespmem:$0x1D000] =	vst v63  }
0x319: {  	_ =	swait.ge [sflag:s31], $0x4000  }
0x31a: {  	[sflag:s31] =	ssyncset.done $0x0  }
0x31b: {  	[sflag:s31] =	ssyncadd.s32 $0xFFFFC000  }
0x31c: {  	[spmem:s2] =	stream.indirect.scatter.add.f32 [tilespmem:s28], [sflag:$0x3], $0x80, s19, s25, $0xb8;
	[tilespmem:$0x1D000] =	vst v63  }
0x31d: {  	_ =	swait.ge [sflag:s23], $0x4000  }
0x31e: {  	[sflag:s23] =	ssyncset.done $0x0  }
0x31f: {  	[sflag:s23] =	ssyncadd.s32 $0xFFFFC000  }
0x320: {  	[tilespmem:s28], [sflag:$0x2] =	stream.indirect.gather [hbm4b:s4+s25], $0x80, s6, s25, $0xb8;
	[tilespmem:$0x1D000] =	vst v63  }
0x321: {  	_ =	swait.ge [sflag:s29], $0x4000  }
0x322: {  	[sflag:s29] =	ssyncset.done $0x0  }
0x323: {  	[sflag:s29] =	ssyncadd.s32 $0xFFFFC000  }
0x324: {  	[spmem:s2] =	stream.indirect.scatter.add.f32 [tilespmem:s26], [sflag:$0x3], $0x80, s20, s25, $0xb8;
	[tilespmem:$0x1D000] =	vst v63  }
0x325: {  	_ =	swait.ge [sflag:s23], $0x4000  }
0x326: {  	[sflag:s23] =	ssyncset.done $0x0  }
0x327: {  	[sflag:s23] =	ssyncadd.s32 $0xFFFFC000  }
0x328: {  	[tilespmem:s26], [sflag:$0x1] =	stream.indirect.gather [hbm4b:s4+s25], $0x80, s30, s25, $0xb8;
	[tilespmem:$0x1D000] =	vst v63  }
0x329: {  	_ =	swait.ge [sflag:s31], $0x4000  }
0x32a: {  	[sflag:s31] =	ssyncset.done $0x0  }
0x32b: {  	[sflag:s31] =	ssyncadd.s32 $0xFFFFC000  }
0x32c: {  	[spmem:s2] =	stream.indirect.scatter.add.f32 [tilespmem:s28], [sflag:$0x3], $0x80, s0, s25, $0xb8;
	[tilespmem:$0x1D000] =	vst v63  }
0x32d: {  	_ =	swait.ge [sflag:s23], $0x4000  }
0x32e: {  	[sflag:s23] =	ssyncset.done $0x0  }
0x32f: {  	[sflag:s23] =	ssyncadd.s32 $0xFFFFC000  }
0x330: {  	[tilespmem:s28], [sflag:$0x2] =	stream.indirect.gather [hbm4b:s4+s25], $0x80, s1, s25, $0xb8;
	[tilespmem:$0x1D000] =	vst v63  }
0x331: {  	_ =	swait.ge [sflag:s29], $0x4000  }
0x332: {  	[sflag:s29] =	ssyncset.done $0x0  }
0x333: {  	[sflag:s29] =	ssyncadd.s32 $0xFFFFC000  }
0x334: {  	[spmem:s2] =	stream.indirect.scatter.add.f32 [tilespmem:s26], [sflag:$0x3], $0x80, s7, s25, $0xb8;
	[tilespmem:$0x1D000] =	vst v63  }
0x335: {  	_ =	swait.ge [sflag:s23], $0x4000  }
0x336: {  	[sflag:s23] =	ssyncset.done $0x0  }
0x337: {  	[sflag:s23] =	ssyncadd.s32 $0xFFFFC000  }
0x338: {  	[tilespmem:s26], [sflag:$0x1] =	stream.indirect.gather [hbm4b:s4+s25], $0x80, s8, s25, $0xb8;
	[tilespmem:$0x1D000] =	vst v63  }
0x339: {  	_ =	swait.ge [sflag:s31], $0x4000  }
0x33a: {  	[sflag:s31] =	ssyncset.done $0x0  }
0x33b: {  	[sflag:s31] =	ssyncadd.s32 $0xFFFFC000  }
0x33c: {  	[spmem:s2] =	stream.indirect.scatter.add.f32 [tilespmem:s28], [sflag:$0x3], $0x80, s9, s25, $0xb8;
	[tilespmem:$0x1D000] =	vst v63  }
0x33d: {  	_ =	swait.ge [sflag:s23], $0x4000  }
0x33e: {  	[sflag:s23] =	ssyncset.done $0x0  }
0x33f: {  	[sflag:s23] =	ssyncadd.s32 $0xFFFFC000  }
0x340: {  	[tilespmem:s28], [sflag:$0x2] =	stream.indirect.gather [hbm4b:s4+s25], $0x80, s10, s25, $0xb8;
	[tilespmem:$0x1D000] =	vst v63  }
0x341: {  	_ =	swait.ge [sflag:s29], $0x4000  }
0x342: {  	[sflag:s29] =	ssyncset.done $0x0  }
0x343: {  	[sflag:s29] =	ssyncadd.s32 $0xFFFFC000  }
0x344: {  	[spmem:s2] =	stream.indirect.scatter.add.f32 [tilespmem:s26], [sflag:$0x3], $0x80, s11, s25, $0xb8;
	[tilespmem:$0x1D000] =	vst v63  }
0x345: {  	_ =	swait.ge [sflag:s23], $0x4000  }
0x346: {  	[sflag:s23] =	ssyncset.done $0x0  }
0x347: {  	[sflag:s23] =	ssyncadd.s32 $0xFFFFC000  }
0x348: {  	[tilespmem:s26], [sflag:$0x1] =	stream.indirect.gather [hbm4b:s4+s25], $0x80, s12, s25, $0xb8;
	[tilespmem:$0x1D000] =	vst v63  }
0x349: {  	_ =	swait.ge [sflag:s31], $0x4000  }
0x34a: {  	[sflag:s31] =	ssyncset.done $0x0  }
0x34b: {  	[sflag:s31] =	ssyncadd.s32 $0xFFFFC000  }
0x34c: {  	[spmem:s2] =	stream.indirect.scatter.add.f32 [tilespmem:s28], [sflag:$0x3], $0x80, s13, s25, $0xb8;
	[tilespmem:$0x1D000] =	vst v63  }
0x34d: {  	_ =	swait.ge [sflag:s23], $0x4000  }
0x34e: {  	[sflag:s23] =	ssyncset.done $0x0  }
0x34f: {  	[sflag:s23] =	ssyncadd.s32 $0xFFFFC000  }
0x350: {  	[tilespmem:s28], [sflag:$0x2] =	stream.indirect.gather [hbm4b:s4+s25], $0x80, s14, s25, $0xb8;
	[tilespmem:$0x1D000] =	vst v63  }
0x351: {  	_ =	swait.ge [sflag:s29], $0x4000  }
0x352: {  	[sflag:s29] =	ssyncset.done $0x0  }
0x353: {  	s6 =	simm.s32 $0xC00;
	[sflag:s29] =	ssyncadd.s32 $0xFFFFC000  }
0x354: {  	[spmem:s2] =	stream.indirect.scatter.add.f32 [tilespmem:s26], [sflag:$0x3], $0x80, s6, s25, $0xb8;
	[tilespmem:$0x1D000] =	vst v63  }
0x355: {  	_ =	swait.ge [sflag:s23], $0x4000  }
0x356: {  	[sflag:s23] =	ssyncset.done $0x0  }
0x357: {  	s7 =	simm.s32 $0x500;
	[sflag:s23] =	ssyncadd.s32 $0xFFFFC000  }
0x358: {  	[tilespmem:s26], [sflag:$0x1] =	stream.indirect.gather [hbm4b:s4+s25], $0x80, s7, s25, $0xb8;
	[tilespmem:$0x1D000] =	vst v63  }
0x359: {  	_ =	swait.ge [sflag:s31], $0x4000  }
0x35a: {  	[sflag:s31] =	ssyncset.done $0x0  }
0x35b: {  	s8 =	simm.s32 $0xC80;
	[sflag:s31] =	ssyncadd.s32 $0xFFFFC000  }
0x35c: {  	[spmem:s2] =	stream.indirect.scatter.add.f32 [tilespmem:s28], [sflag:$0x3], $0x80, s8, s25, $0xb8;
	[tilespmem:$0x1D000] =	vst v63  }
0x35d: {  	_ =	swait.ge [sflag:s23], $0x4000  }
0x35e: {  	[sflag:s23] =	ssyncset.done $0x0  }
0x35f: {  	s9 =	simm.s32 $0x580;
	[sflag:s23] =	ssyncadd.s32 $0xFFFFC000  }
0x360: {  	[tilespmem:s28], [sflag:$0x2] =	stream.indirect.gather [hbm4b:s4+s25], $0x80, s9, s25, $0xb8;
	[tilespmem:$0x1D000] =	vst v63  }
0x361: {  	_ =	swait.ge [sflag:s29], $0x4000  }
0x362: {  	[sflag:s29] =	ssyncset.done $0x0  }
0x363: {  	s10 =	simm.s32 $0xD00;
	[sflag:s29] =	ssyncadd.s32 $0xFFFFC000  }
0x364: {  	[spmem:s2] =	stream.indirect.scatter.add.f32 [tilespmem:s26], [sflag:$0x3], $0x80, s10, s25, $0xb8;
	[tilespmem:$0x1D000] =	vst v63  }
0x365: {  	_ =	swait.ge [sflag:s23], $0x4000  }
0x366: {  	[sflag:s23] =	ssyncset.done $0x0  }
0x367: {  	s11 =	simm.s32 $0x600;
	[sflag:s23] =	ssyncadd.s32 $0xFFFFC000  }
0x368: {  	[tilespmem:s26], [sflag:$0x1] =	stream.indirect.gather [hbm4b:s4+s25], $0x80, s11, s25, $0xb8;
	[tilespmem:$0x1D000] =	vst v63  }
0x369: {  	_ =	swait.ge [sflag:s31], $0x4000  }
0x36a: {  	[sflag:s31] =	ssyncset.done $0x0  }
0x36b: {  	s12 =	simm.s32 $0xD80;
	[sflag:s31] =	ssyncadd.s32 $0xFFFFC000  }
0x36c: {  	[spmem:s2] =	stream.indirect.scatter.add.f32 [tilespmem:s28], [sflag:$0x3], $0x80, s12, s25, $0xb8;
	[tilespmem:$0x1D000] =	vst v63  }
0x36d: {  	_ =	swait.ge [sflag:s23], $0x4000  }
0x36e: {  	[sflag:s23] =	ssyncset.done $0x0  }
0x36f: {  	s13 =	simm.s32 $0x680;
	[sflag:s23] =	ssyncadd.s32 $0xFFFFC000  }
0x370: {  	[tilespmem:s28], [sflag:$0x2] =	stream.indirect.gather [hbm4b:s4+s25], $0x80, s13, s25, $0xb8;
	[tilespmem:$0x1D000] =	vst v63  }
0x371: {  	_ =	swait.ge [sflag:s29], $0x4000  }
0x372: {  	[sflag:s29] =	ssyncset.done $0x0  }
0x373: {  	s14 =	simm.s32 $0xE00;
	[sflag:s29] =	ssyncadd.s32 $0xFFFFC000  }
0x374: {  	[spmem:s2] =	stream.indirect.scatter.add.f32 [tilespmem:s26], [sflag:$0x3], $0x80, s14, s25, $0xb8;
	[tilespmem:$0x1D000] =	vst v63  }
0x375: {  	_ =	swait.ge [sflag:s23], $0x4000  }
0x376: {  	[sflag:s23] =	ssyncset.done $0x0  }
0x377: {  	s15 =	simm.s32 $0x700;
	[sflag:s23] =	ssyncadd.s32 $0xFFFFC000  }
0x378: {  	[tilespmem:s26], [sflag:$0x1] =	stream.indirect.gather [hbm4b:s4+s25], $0x80, s15, s25, $0xb8;
	[tilespmem:$0x1D000] =	vst v63  }
0x379: {  	_ =	swait.ge [sflag:s31], $0x4000  }
0x37a: {  	[sflag:s31] =	ssyncset.done $0x0  }
0x37b: {  	s16 =	simm.s32 $0xE80;
	[sflag:s31] =	ssyncadd.s32 $0xFFFFC000  }
0x37c: {  	[spmem:s2] =	stream.indirect.scatter.add.f32 [tilespmem:s28], [sflag:$0x3], $0x80, s16, s25, $0xb8;
	[tilespmem:$0x1D000] =	vst v63  }
0x37d: {  	_ =	swait.ge [sflag:s23], $0x4000  }
0x37e: {  	[sflag:s23] =	ssyncset.done $0x0  }
0x37f: {  	s17 =	simm.s32 $0x780;
	[sflag:s23] =	ssyncadd.s32 $0xFFFFC000  }
0x380: {  	[tilespmem:s28], [sflag:$0x2] =	stream.indirect.gather [hbm4b:s4+s25], $0x80, s17, s25, $0xb8;
	[tilespmem:$0x1D000] =	vst v63  }
0x381: {  	_ =	swait.ge [sflag:s29], $0x4000  }
0x382: {  	[sflag:s29] =	ssyncset.done $0x0  }
0x383: {  	s20 =	simm.s32 $0xF00;
	[sflag:s29] =	ssyncadd.s32 $0xFFFFC000  }
0x384: {  	[spmem:s2] =	stream.indirect.scatter.add.f32 [tilespmem:s26], [sflag:$0x3], $0x80, s20, s25, $0xb8;
	[tilespmem:$0x1D000] =	vst v63  }
0x385: {  	_ =	swait.ge [sflag:s23], $0x4000  }
0x386: {  	[sflag:s23] =	ssyncset.done $0x0  }
0x387: {  	[sflag:s23] =	ssyncadd.s32 $0xFFFFC000  }
0x388: {  	_ =	swait.ge [sflag:s31], $0x4000  }
0x389: {  	[sflag:s31] =	ssyncset.done $0x0  }
.Ltmp6:
0x38a: {  	s30 =	simm.s32 $0xF80;
	[sflag:s31] =	ssyncadd.s32 $0xFFFFC000;
	(pc) =	sbr.rel .LBB2_8-.Ltmp6, $4  }
0x38b: {  	[spmem:s2] =	stream.indirect.scatter.add.f32 [tilespmem:s28], [sflag:$0x3], $0x80, s30, s25, $0xb8;
	[tilespmem:$0x1D000] =	vst v63  }
0x38c: {  	_ =	swait.ge [sflag:s23], $0x4000  }
0x38d: {  	[sflag:s23] =	ssyncset.done $0x0;
	s15 =	rddreg [dreg:$0x4]  }
0x38e: {  	s0 =	rddreg [dreg:$0x12];
	[sflag:s23] =	ssyncadd.s32 $0xFFFFC000  }
.LBB2_9:
0x38f: {  	_ =	sfence.sel $0x180000  }
0x390: {  	[bflag:$0x0] =	sbarrier.arrive $0xFFFF  }
0x391: {  	_ =	strace $0x9000004A  }
0x392: {  	s0 =	stileid.u32;
	[bflag:$0x2] =	sbarrier.arrive $0xFFFF  }
0x393: {  	p0 =	sne.s32 s0, $0x0;
	s0 =	rddreg [dreg:$0x2]  }
0x394: {  	s0 =	sadd.s32 @!p0 $0x100000, s0  }
0x395: {  	[sflag:s0] =	ssyncadd.tile.s32 @!p0 $0x1;
	_ =	shalt  }
.Lfunc_end2:
_tile_overlayer_lowered:
.L_overlay_start_2:
0x396: {  	(tag) =	ssettag $0x2  }
0x397: {  	s0 =	rddreg [dreg:$0x0];
	s2 =	stileid.u32  }
0x398: {  	s1 =	rddreg [dreg:$0x1];
	p0 =	sne.s32 s2, $0x0  }
0x399: {  	s3 =	rddreg [dreg:$0x2];
	[bflag:$0x3] =	sbarrier.arrive $0xFFFF;
	s2 =	simm.s32 @!p0 $0x1C03  }
0x39a: {  	[timem:s3], [sflag:s2] =	dma.local @!p0 [hbm:s0], s1  }
0x39b: {  	s0 =	simm.s32 @!p0 $0x3  }
0x39c: {  	_ =	swait.ge @!p0 [sflag:s0], s1  }
0x39d: {  	s1 =	ssub.s32 @!p0 $0x0, s1;
	[sflag:s0] =	ssyncset.done @!p0 $0x0  }
0x39e: {  	[sflag:s0] =	ssyncadd.s32 @!p0 s1  }
0x39f: {  	[bflag:$0x3] =	sbarrier.arrive $0xFFFF  }
0x3a0: {  	_ =	shalt  }

// kernel: kernel.16.cloned.1.call-start
scs
__scs_entry_jumppad:
0x0: {  	(pc) =	sbr.rel $0x88, $3  }
0x1: {  	(tag) =	ssettag $0x0;
	lr =	simm.s32 $0x1  }
0x2: {  	[smem:$0x3F98] =	sst lr;
	_ =	strace $0xD0000000  }
0x3: {  	_ = 	snop  }
0x4: {  	_ = 	snop  }
0x5: {  	_ = 	snop  }
0x6: {  	_ = 	snop  }
0x7: {  	_ = 	snop  }
__scs_overlays_trampoline_lowered:
0x8: {  	[smem:$0x3FA7] =	sst s0  }
0x9: {  	[smem:$0x3FA8] =	sst s1  }
0xa: {  	[smem:$0x3FA9] =	sst s2  }
0xb: {  	[smem:$0x3FAA] =	sst s3  }
0xc: {  	[smem:$0x3FAB] =	sst s4  }
0xd: {  	[smem:$0x3FAC] =	sst s5  }
0xe: {  	[smem:$0x3FAD] =	sst s6  }
0xf: {  	[smem:$0x3FAE] =	sst s7  }
0x10: {  	[smem:$0x3FAF] =	sst s8  }
0x11: {  	[smem:$0x3FB0] =	sst s9;
	s0 =	simm.s32 @!p0 $0x0  }
0x12: {  	s1 =	sld [smem:$0x3F96];
	s0 =	simm.s32 @p0 $0x1  }
0x13: {  	[smem:$0x3FB1] =	sst s0;
	s0 =	simm.s32 @!p1 $0x0  }
0x14: {  	s2 =	sld [smem:$0x3F95];
	s0 =	simm.s32 @p1 $0x1  }
0x15: {  	[smem:$0x3FB2] =	sst s0;
	s0 =	simm.s32 @!p2 $0x0  }
0x16: {  	s3 =	sld [smem:$0x3FDB];
	s0 =	simm.s32 @p2 $0x1  }
0x17: {  	s4 =	simm.s32 $0x1BF5;
	[smem:$0x3FB4] =	sst s0  }
0x18: {  	s0 =	sld [smem:$0x3F97];
	_ =	swait.ge [sflag:s4], $0x0  }
0x19: {  	s7 =	sld [smem:$0x3F98]  }
0x1a: {  	s8 =	sadd.s32 $0xFFFFE003, lr  }
0x1b: {  	s9 =	sadd.s32 $0xFFFFFEF7, lr;
	s5 =	simm.s32 $0xFFFFFFFF;
	p2 =	slt.u32 s8, $0xFFFFF086  }
0x1c: {  	p1 =	slt.u32 s9, $0xF7A;
	s5 =	simm.s32 @!p2 $0x0  }
0x1d: {  	s5 =	simm.s32 @p1 $0x1;
	p0 =	seq.s32 s7, s2  }
0x1e: {  	s7 =	smul.u32 @!p0 $0xF7A, s2;
	p2 =	seq.s32 @!p0 s5, $0x0  }
0x1f: {  	s9 =	smul.u32 $0xF7A, s1;
	s8 =	simm.s32 @!p0 $0x1BF5;
	p2 =	por !p2, p0  }
0x20: {  	[sflag:s8] =	ssyncset.s32 @!p0 $0xFFFFF086;
	s6 =	sadd.s32 @!p0 s3, s7;
	s7 =	simm.s32 @!p0 $0x108  }
0x21: {  	s3 =	sadd.s32 s3, s9;
	s6 =	sadd.s32 @!p0 $0x88, s6;
	s7 =	simm.s32 @p2 $0x1082  }
0x22: {  	[simem:s7], [sflag:s8] =	dma.local @!p0 [hbm:s6], $0xF7A  }
0x23: {  	s9 =	sor.u32 $0xD0000000, s2;
	s6 =	simm.s32 $0x108;
	_ =	swait.ge @!p0 [sflag:s8], $0x0  }
0x24: {  	s3 =	sadd.s32 $0x88, s3;
	s6 =	simm.s32 @!p1 $0x1082;
	[sflag:s4] =	ssyncset.s32 $0xFFFFF086  }
0x25: {  	[simem:s6], [sflag:s4] =	dma.local [hbm:s3], $0xF7A  }
0x26: {  	[smem:$0x3F98] =	sst s1;
	(tag) =	ssettag s2;
	_ =	strace s9  }
0x27: {  	s1 =	sld [smem:$0x3FA8]  }
0x28: {  	s2 =	sld [smem:$0x3FA9]  }
0x29: {  	s4 =	sld [smem:$0x3FAB]  }
0x2a: {  	p0 =	seq.s32 s5, $0x0;
	s5 =	sld [smem:$0x3FAC]  }
0x2b: {  	s6 =	sld [smem:$0x3FAD]  }
0x2c: {  	s7 =	sld [smem:$0x3FAE]  }
0x2d: {  	s3 =	simm.s32 $0x108;
	s8 =	sld [smem:$0x3FAF]  }
0x2e: {  	s3 =	simm.s32 @!p0 $0x1082;
	s9 =	sld [smem:$0x3FB0]  }
0x2f: {  	lr =	sadd.s32 s0, s3;
	s0 =	sld [smem:$0x3FA7]  }
0x30: {  	s3 =	sld [smem:$0x3FAA]  }
0x31: {  	[smem:$0x3FB3] =	sst s10  }
0x32: {  	s10 =	sld [smem:$0x3FB1];
	_ =	sdelay $0x3  }
0x33: {  	p0 =	seq.s32 s10, $0x1;
	s10 =	sld [smem:$0x3FB3];
	_ =	sdelay $0x3  }
0x34: {  	[smem:$0x3FB3] =	sst s10  }
0x35: {  	s10 =	sld [smem:$0x3FB2];
	_ =	sdelay $0x3  }
0x36: {  	p1 =	seq.s32 s10, $0x1;
	s10 =	sld [smem:$0x3FB3];
	_ =	sdelay $0x3  }
0x37: {  	[smem:$0x3FB3] =	sst s10  }
0x38: {  	s10 =	sld [smem:$0x3FB4]  }
0x39: {  	_ = 	snop;
	(pc) =	sbr.ind lr, $3  }
0x3a: {  	_ = 	snop  }
0x3b: {  	_ = 	snop  }
0x3c: {  	p2 =	seq.s32 s10, $0x1;
	s10 =	sld [smem:$0x3FB3]  }
0x3d: {  	_ =	shalt  }
0x3e: {  	_ =	shalt  }
0x3f: {  	_ =	shalt  }
0x40: {  	_ =	shalt  }
0x41: {  	_ =	shalt  }
0x42: {  	_ =	shalt  }
0x43: {  	_ =	shalt  }
0x44: {  	_ =	shalt  }
0x45: {  	_ =	shalt  }
0x46: {  	_ =	shalt  }
0x47: {  	_ =	shalt  }
0x48: {  	_ =	shalt  }
0x49: {  	_ =	shalt  }
0x4a: {  	_ =	shalt  }
0x4b: {  	_ =	shalt  }
0x4c: {  	_ =	shalt  }
0x4d: {  	_ =	shalt  }
0x4e: {  	_ =	shalt  }
0x4f: {  	_ =	shalt  }
0x50: {  	_ =	shalt  }
0x51: {  	_ =	shalt  }
0x52: {  	_ =	shalt  }
0x53: {  	_ =	shalt  }
0x54: {  	_ =	shalt  }
0x55: {  	_ =	shalt  }
0x56: {  	_ =	shalt  }
0x57: {  	_ =	shalt  }
0x58: {  	_ =	shalt  }
0x59: {  	_ =	shalt  }
0x5a: {  	_ =	shalt  }
0x5b: {  	_ =	shalt  }
0x5c: {  	_ =	shalt  }
0x5d: {  	_ =	shalt  }
0x5e: {  	_ =	shalt  }
0x5f: {  	_ =	shalt  }
0x60: {  	_ =	shalt  }
0x61: {  	_ =	shalt  }
0x62: {  	_ =	shalt  }
0x63: {  	_ =	shalt  }
0x64: {  	_ =	shalt  }
0x65: {  	_ =	shalt  }
0x66: {  	_ =	shalt  }
0x67: {  	_ =	shalt  }
0x68: {  	_ =	shalt  }
0x69: {  	_ =	shalt  }
0x6a: {  	_ =	shalt  }
0x6b: {  	_ =	shalt  }
0x6c: {  	_ =	shalt  }
0x6d: {  	_ =	shalt  }
0x6e: {  	_ =	shalt  }
0x6f: {  	_ =	shalt  }
0x70: {  	_ =	shalt  }
0x71: {  	_ =	shalt  }
0x72: {  	_ =	shalt  }
0x73: {  	_ =	shalt  }
0x74: {  	_ =	shalt  }
0x75: {  	_ =	shalt  }
0x76: {  	_ =	shalt  }
0x77: {  	_ =	shalt  }
0x78: {  	_ =	shalt  }
0x79: {  	_ =	shalt  }
0x7a: {  	_ =	shalt  }
0x7b: {  	_ =	shalt  }
0x7c: {  	_ =	shalt  }
0x7d: {  	_ =	shalt  }
0x7e: {  	_ =	shalt  }
0x7f: {  	_ =	shalt  }
0x80: {  	_ =	shalt  }
0x81: {  	_ =	shalt  }
0x82: {  	_ =	shalt  }
0x83: {  	_ =	shalt  }
0x84: {  	_ =	shalt  }
0x85: {  	_ =	shalt  }
0x86: {  	_ =	shalt  }
0x87: {  	_ =	shalt  }
.Lfunc_end0:
.L_simem_size_0:
called_computation.2_lowered:
.L_overlay_start_0:
0x88: {  	s2 =	sld [smem:$0x3FD9]  }
0x89: {  	s3 =	sld [smem:$0x3FFE];
	_ =	sdelay $0x1  }
0x8a: {  	s1 =	srdreg.scid  }
0x8b: {  	s0 =	sand.u32 $0x1, s1  }
0x8c: {  	s16 =	sshll.u32 s0, $0xA;
	s2 =	sadd.s32 s3, s2  }
0x8d: {  	s2 =	sadd.s32 s2, s16  }
0x8e: {  	[smem:$0x3FBF] =	sst s2  }
0x8f: {  	_ = 	snop  }
0x90: {  	(tm) =	ssettm $0x1  }
0x91: {  	s17 =	sld [smem:$0x3FFB];
	_ =	sdelay $0x3  }
0x92: {  	_ =	strace s17  }
0x93: {  	s2 =	sld [smem:$0x3FFC];
	_ =	sdelay $0x3  }
0x94: {  	_ =	strace s2  }
0x95: {  	s2 =	sld [smem:$0x3FFD];
	_ =	sdelay $0x3  }
0x96: {  	_ =	strace s2  }
0x97: {  	_ =	strace $0x8FFFFFFF  }
0x98: {  	s18 =	sld [smem:$0x3FDB];
	_ =	sdelay $0x1  }
0x99: {  	s19 =	simm.s32 $_scs_section_size  }
0x9a: {  	s4 =	simm.s32 $_size__tile_overlayer_lowered;
	s5 =	simm.s32 $_tile_overlayer_lowered  }
0x9b: {  	s22 =	simm.s32 $0x1BFF;
	s21 =	sshll.u32 s5, $0x1;
	s2 =	sadd.s32 s19, s18  }
0x9c: {  	s6 =	simm.s32 $0x0;
	s20 =	sshll.u32 s4, $0x1;
	s4 =	sadd.s32 s21, s2  }
0x9d: {  	[timem:s6], [sflag:s22] =	dma.local [hbm:s4], s20  }
0x9e: {  	_ =	swait.ge [sflag:s22], s20  }
0x9f: {  	s3 =	ssub.s32 $0x0, s20;
	[sflag:s22] =	ssyncset.done $0x0  }
0xa0: {  	[sflag:s22] =	ssyncadd.s32 s3;
	_ =	sdelay $0x1  }
0xa1: {  	s23 =	simm.s32 $0x1B8B  }
0xa2: {  	_ =	swait.ge [sflag:s23], $0x1  }
0xa3: {  	[sflag:s23] =	ssyncset.done $0x0  }
0xa4: {  	s25 =	simm.s32 $0x1B8E;
	s24 =	sld [smem:$0x3FFE];
	[sflag:s23] =	ssyncadd.s32 $0xFFFFFFFF  }
0xa5: {  	s26 =	simm.s32 $execute0_lowered;
	[smem:$0x3FD2] =	sst s25  }
0xa6: {  	s4 =	sshll.u32 s26, $0x1;
	_ =	strace $0x8000004C;
	[dreg:$0x1] =	wrdreg $0xFFFFFFFF  }
0xa7: {  	s28 =	simm.s32 $_size_execute0_lowered;
	s2 =	sadd.s32 s2, s4;
	[dreg:$0x0] =	wrdreg $0x0  }
0xa8: {  	s4 =	sshll.u32 s28, $0x1;
	[dreg:$0x2] =	wrdreg s2  }
0xa9: {  	[dreg:$0x3] =	wrdreg s4  }
0xaa: {  	[dreg:$0x4] =	wrdreg $0xC0  }
0xab: {  	_ =	task [dreg:s6], $0x5FFFF  }
0xac: {  	[dreg:$0x1] =	wrdreg $0xFFFFFFFF  }
0xad: {  	[dreg:$0x0] =	wrdreg $0x60  }
0xae: {  	[dreg:$0x2] =	wrdreg s24  }
0xaf: {  	[dreg:$0x3] =	wrdreg $0x90000  }
0xb0: {  	[dreg:$0x4] =	wrdreg $0x9  }
0xb1: {  	_ =	task.clear_ibuf [dreg:s6], $0x5FFFF;
	_ =	strace $0x9000004C  }
0xb2: {  	s29 =	simm.s32 $0x9;
	_ =	strace $0x8000004E  }
0xb3: {  	_ =	swait.ge [sflag:s29], $0x1  }
0xb4: {  	[sflag:s29] =	ssyncadd.s32 $0xFFFFFFFF  }
0xb5: {  	_ =	strace $0x9000004E  }
0xb6: {  	_ =	sfence  }
0xb7: {  	s30 =	sld [smem:$0x0];
	_ =	sdelay $0x2  }
0xb8: {  	s31 =	sshll.u32 s1, $0xD;
	s1 =	sshrl.u32 s1, $0x2  }
0xb9: {  	s3 =	sand.u32 $0x4000, s31;
	s1 =	sadd.s32 s1, s30  }
0xba: {  	s0 =	sor.u32 s3, s0;
	s1 =	sshll.u32 s1, $0x11  }
0xbb: {  	s0 =	sor.u32 s1, s0  }
0xbc: {  	s0 =	sadd.s32 $0x8F2B, s0  }
0xbd: {  	[sflag:s0] =	ssyncadd.remote.s32 $0x1  }
0xbe: {  	_ =	sfence.sel $0xFFFF  }
0xbf: {  	[dreg:$0x0] =	wrdreg $0xFFFFFFFF;
	(pc) =	sbr.abs _section_cstart, $3  }
0xc0: {  	[dreg:$0x1] =	wrdreg $0xFFFFFFFF  }
0xc1: {  	_ =	task.clear_ibuf [dreg:s6], $0x2FFFF;
	_ =	strace $0x9FFFFFFF  }
0xc2: {  	(tm) =	ssettm $0x7FFFFFFF  }
0xc3: {  	_ =	shalt  }
tec
execute0_lowered:
.L_overlay_start_1:
0x0: {  	(tag) =	ssettag $0x1  }
0x1: {  	s0 =	rddreg [dreg:$0x0]  }
0x2: {  	s2 =	rddreg [dreg:$0x1]  }
0x3: {  	s3 =	simm.s32 $0x0;
	s12 =	stileid.u32;
	s6 =	srdreg.scid  }
0x4: {  	s28 =	simm.s32 $0x5000;
	s29 =	simm.s32 $0x1;
	s31 =	simm.s32 $0x2  }
0x5: {  	[smem:$0x7FF] =	sst s3;
	s1 =	smul.u32 $0xA00, s12;
	s4 =	sadd.s32 $0x18800, s0  }
0x6: {  	s5 =	sadd.s32 $0x67A00, s0;
	s6 =	sand.u32 $0x1, s6;
	s7 =	smul.u32 $0x280, s12  }
0x7: {  	s8 =	sadd.s32 $0x40000, s0;
	s9 =	smul.u32 $0x50000, s12;
	s10 =	sadd.s32 $0x8EC00, s0  }
0x8: {  	s25 =	smul.u32 $0x2800, s12;
	_ =	strace $0x8000004D;
	[dreg:$0x3] =	wrdreg s8  }
0x9: {  	s30 =	sshll.u32 s12, $0x6;
	s14 =	ssub.s32 $0x2, s6;
	[dreg:$0x4] =	wrdreg s10  }
0xa: {  	p0 =	seq.s32 s6, $0x1;
	s1 =	sadd.s32 s1, s0;
	s0 =	sadd.s32 $0xE0200, s0  }
0xb: {  	s15 =	sshrl.u32 s14, $0x1;
	s16 =	sshrl.u32 s9, $0x2;
	s17 =	sadd.s32 $0x80, s7  }
0xc: {  	s20 =	sadd.s32 $0x100, s7;
	s21 =	sadd.s32 $0x180, s7;
	[dreg:$0xb] =	wrdreg s25  }
0xd: {  	s7 =	sadd.s32 $0x200, s7;
	s25 =	simm.s32 $0x80;
	[dreg:$0x5] =	wrdreg s0  }
0xe: {  	s0 =	ssub.s32 s14, s15;
	s18 =	sadd.s32 s16, s2;
	s19 =	sshll.u32 s17, $0x7  }
0xf: {  	s22 =	sshll.u32 s20, $0x7;
	s9 =	sshll.u32 s17, $0x4;
	[dreg:$0x6] =	wrdreg s18  }
0x10: {  	s11 =	sshll.u32 s21, $0x7;
	s26 =	sshll.u32 s21, $0x4;
	[dreg:$0xc] =	wrdreg s9  }
0x11: {  	s24 =	sshll.u32 s7, $0x7;
	s7 =	sshll.u32 s7, $0x4;
	[dreg:$0xe] =	wrdreg s26  }
0x12: {  	s17 =	sor.u32 $0x1C03, s30;
	s21 =	sadd.s32 $0x4800, s1;
	[dreg:$0xf] =	wrdreg s7  }
0x13: {  	s6 =	sadd.s32 s19, s2;
	s10 =	sadd.s32 s22, s2;
	[dreg:$0x11] =	wrdreg s17  }
0x14: {  	s23 =	sadd.s32 s11, s2;
	s0 =	smax.u32 s0, $0x1;
	[dreg:$0x7] =	wrdreg s6  }
.Ltmp0:
0x15: {  	s22 =	sadd.s32 $0xE800, s1;
	[dreg:$0x8] =	wrdreg s10;
	(pc) =	sbr.rel .LBB2_1-.Ltmp0, $4  }
0x16: {  	s26 =	simm.s32 $0x1000;
	s18 =	simm.s32 $0x100;
	[dreg:$0x9] =	wrdreg s23  }
0x17: {  	s19 =	simm.s32 $0x880;
	s10 =	sadd.s32 s24, s2;
	[dreg:$0x10] =	wrdreg s0  }
0x18: {  	s6 =	sshll.u32 s20, $0x4;
	s23 =	simm.s32 $0x3;
	[dreg:$0xa] =	wrdreg s10  }
0x19: {  	s24 =	simm.s32 $0x800;
	s0 =	simm.s32 $0x0;
	[dreg:$0xd] =	wrdreg s6  }
.LBB2_7:
0x1a: {  	s16 =	sadd.s32 s15, s22;
	[sflag:s23] =	ssyncadd.s32 $0xFFFFC000  }
0x1b: {  	[tilespmem:s3], [sflag:$0x3] =	stream.linear.gather [hbm4b:s16+s3], $0x800, $0x38;
	[tilespmem:$0x1D000] =	vst v63  }
0x1c: {  	_ =	swait.ge [sflag:s23], $0x800  }
0x1d: {  	[sflag:s23] =	ssyncset.done $0x0  }
0x1e: {  	s17 =	sadd.s32 s15, s21;
	[sflag:s23] =	ssyncadd.s32 $0xFFFFF800  }
0x1f: {  	[tilespmem:s24], [sflag:$0x3] =	stream.linear.gather [hbm4b:s17+s3], $0x800, $0x38;
	[tilespmem:$0x1D000] =	vst v63  }
0x20: {  	_ =	swait.ge [sflag:s23], $0x800  }
0x21: {  	[sflag:s23] =	ssyncset.done $0x0  }
0x22: {  	[sflag:s23] =	ssyncadd.s32 $0xFFFFF800  }
0x23: {  	[tilespmem:s26], [sflag:$0x1] =	stream.indirect.gather [hbm4b:s5+s25], $0x80, s3, s25, $0xb8;
	[tilespmem:$0x1D000] =	vst v63  }
0x24: {  	_ = 	snop  }
0x25: {  	[tilespmem:s28], [sflag:$0x2] =	stream.indirect.gather [hbm4b:s5+s25], $0x80, s25, s25, $0xb8;
	[tilespmem:$0x1D000] =	vst v63  }
0x26: {  	_ =	swait.ge [sflag:s29], $0x4000  }
0x27: {  	[sflag:s29] =	ssyncset.done $0x0  }
0x28: {  	[sflag:s29] =	ssyncadd.s32 $0xFFFFC000  }
0x29: {  	[spmem:s2] =	stream.indirect.scatter.add.f32 [tilespmem:s26], [sflag:$0x3], $0x80, s24, s25, $0xb8;
	[tilespmem:$0x1D000] =	vst v63  }
0x2a: {  	_ =	swait.ge [sflag:s23], $0x4000  }
0x2b: {  	[sflag:s23] =	ssyncset.done $0x0  }
0x2c: {  	[sflag:s23] =	ssyncadd.s32 $0xFFFFC000  }
0x2d: {  	[tilespmem:s26], [sflag:$0x1] =	stream.indirect.gather [hbm4b:s5+s25], $0x80, s18, s25, $0xb8;
	[tilespmem:$0x1D000] =	vst v63  }
0x2e: {  	_ =	swait.ge [sflag:s31], $0x4000  }
0x2f: {  	[sflag:s31] =	ssyncset.done $0x0  }
0x30: {  	[sflag:s31] =	ssyncadd.s32 $0xFFFFC000  }
0x31: {  	[spmem:s2] =	stream.indirect.scatter.add.f32 [tilespmem:s28], [sflag:$0x3], $0x80, s19, s25, $0xb8;
	[tilespmem:$0x1D000] =	vst v63  }
0x32: {  	_ =	swait.ge [sflag:s23], $0x4000  }
0x33: {  	[sflag:s23] =	ssyncset.done $0x0  }
0x34: {  	[sflag:s23] =	ssyncadd.s32 $0xFFFFC000  }
0x35: {  	[tilespmem:s28], [sflag:$0x2] =	stream.indirect.gather [hbm4b:s5+s25], $0x80, s6, s25, $0xb8;
	[tilespmem:$0x1D000] =	vst v63  }
0x36: {  	_ =	swait.ge [sflag:s29], $0x4000  }
0x37: {  	[sflag:s29] =	ssyncset.done $0x0  }
0x38: {  	[sflag:s29] =	ssyncadd.s32 $0xFFFFC000  }
0x39: {  	[spmem:s2] =	stream.indirect.scatter.add.f32 [tilespmem:s26], [sflag:$0x3], $0x80, s20, s25, $0xb8;
	[tilespmem:$0x1D000] =	vst v63  }
0x3a: {  	_ =	swait.ge [sflag:s23], $0x4000  }
0x3b: {  	[sflag:s23] =	ssyncset.done $0x0  }
0x3c: {  	[sflag:s23] =	ssyncadd.s32 $0xFFFFC000  }
0x3d: {  	[tilespmem:s26], [sflag:$0x1] =	stream.indirect.gather [hbm4b:s5+s25], $0x80, s30, s25, $0xb8;
	[tilespmem:$0x1D000] =	vst v63  }
0x3e: {  	_ =	swait.ge [sflag:s31], $0x4000  }
0x3f: {  	[sflag:s31] =	ssyncset.done $0x0  }
0x40: {  	[sflag:s31] =	ssyncadd.s32 $0xFFFFC000  }
0x41: {  	[spmem:s2] =	stream.indirect.scatter.add.f32 [tilespmem:s28], [sflag:$0x3], $0x80, s0, s25, $0xb8;
	[tilespmem:$0x1D000] =	vst v63  }
0x42: {  	_ =	swait.ge [sflag:s23], $0x4000  }
0x43: {  	[sflag:s23] =	ssyncset.done $0x0  }
0x44: {  	[sflag:s23] =	ssyncadd.s32 $0xFFFFC000  }
0x45: {  	[tilespmem:s28], [sflag:$0x2] =	stream.indirect.gather [hbm4b:s5+s25], $0x80, s1, s25, $0xb8;
	[tilespmem:$0x1D000] =	vst v63  }
0x46: {  	_ =	swait.ge [sflag:s29], $0x4000  }
0x47: {  	[sflag:s29] =	ssyncset.done $0x0  }
0x48: {  	[sflag:s29] =	ssyncadd.s32 $0xFFFFC000  }
0x49: {  	[spmem:s2] =	stream.indirect.scatter.add.f32 [tilespmem:s26], [sflag:$0x3], $0x80, s7, s25, $0xb8;
	[tilespmem:$0x1D000] =	vst v63  }
0x4a: {  	_ =	swait.ge [sflag:s23], $0x4000  }
0x4b: {  	[sflag:s23] =	ssyncset.done $0x0  }
0x4c: {  	[sflag:s23] =	ssyncadd.s32 $0xFFFFC000  }
0x4d: {  	[tilespmem:s26], [sflag:$0x1] =	stream.indirect.gather [hbm4b:s5+s25], $0x80, s8, s25, $0xb8;
	[tilespmem:$0x1D000] =	vst v63  }
0x4e: {  	_ =	swait.ge [sflag:s31], $0x4000  }
0x4f: {  	[sflag:s31] =	ssyncset.done $0x0  }
0x50: {  	[sflag:s31] =	ssyncadd.s32 $0xFFFFC000  }
0x51: {  	[spmem:s2] =	stream.indirect.scatter.add.f32 [tilespmem:s28], [sflag:$0x3], $0x80, s9, s25, $0xb8;
	[tilespmem:$0x1D000] =	vst v63  }
0x52: {  	_ =	swait.ge [sflag:s23], $0x4000  }
0x53: {  	[sflag:s23] =	ssyncset.done $0x0  }
0x54: {  	[sflag:s23] =	ssyncadd.s32 $0xFFFFC000  }
0x55: {  	[tilespmem:s28], [sflag:$0x2] =	stream.indirect.gather [hbm4b:s5+s25], $0x80, s10, s25, $0xb8;
	[tilespmem:$0x1D000] =	vst v63  }
0x56: {  	_ =	swait.ge [sflag:s29], $0x4000  }
0x57: {  	[sflag:s29] =	ssyncset.done $0x0  }
0x58: {  	[sflag:s29] =	ssyncadd.s32 $0xFFFFC000  }
0x59: {  	[spmem:s2] =	stream.indirect.scatter.add.f32 [tilespmem:s26], [sflag:$0x3], $0x80, s11, s25, $0xb8;
	[tilespmem:$0x1D000] =	vst v63  }
0x5a: {  	_ =	swait.ge [sflag:s23], $0x4000  }
0x5b: {  	[sflag:s23] =	ssyncset.done $0x0  }
0x5c: {  	[sflag:s23] =	ssyncadd.s32 $0xFFFFC000  }
0x5d: {  	[tilespmem:s26], [sflag:$0x1] =	stream.indirect.gather [hbm4b:s5+s25], $0x80, s12, s25, $0xb8;
	[tilespmem:$0x1D000] =	vst v63  }
0x5e: {  	_ =	swait.ge [sflag:s31], $0x4000  }
0x5f: {  	[sflag:s31] =	ssyncset.done $0x0  }
0x60: {  	[sflag:s31] =	ssyncadd.s32 $0xFFFFC000  }
0x61: {  	[spmem:s2] =	stream.indirect.scatter.add.f32 [tilespmem:s28], [sflag:$0x3], $0x80, s13, s25, $0xb8;
	[tilespmem:$0x1D000] =	vst v63  }
0x62: {  	_ =	swait.ge [sflag:s23], $0x4000  }
0x63: {  	[sflag:s23] =	ssyncset.done $0x0  }
0x64: {  	[sflag:s23] =	ssyncadd.s32 $0xFFFFC000  }
0x65: {  	[tilespmem:s28], [sflag:$0x2] =	stream.indirect.gather [hbm4b:s5+s25], $0x80, s14, s25, $0xb8;
	[tilespmem:$0x1D000] =	vst v63  }
0x66: {  	_ =	swait.ge [sflag:s29], $0x4000  }
0x67: {  	[sflag:s29] =	ssyncset.done $0x0  }
0x68: {  	s6 =	simm.s32 $0xC00;
	[sflag:s29] =	ssyncadd.s32 $0xFFFFC000  }
0x69: {  	[spmem:s2] =	stream.indirect.scatter.add.f32 [tilespmem:s26], [sflag:$0x3], $0x80, s6, s25, $0xb8;
	[tilespmem:$0x1D000] =	vst v63  }
0x6a: {  	_ =	swait.ge [sflag:s23], $0x4000  }
0x6b: {  	[sflag:s23] =	ssyncset.done $0x0  }
0x6c: {  	s7 =	simm.s32 $0x500;
	[sflag:s23] =	ssyncadd.s32 $0xFFFFC000  }
0x6d: {  	[tilespmem:s26], [sflag:$0x1] =	stream.indirect.gather [hbm4b:s5+s25], $0x80, s7, s25, $0xb8;
	[tilespmem:$0x1D000] =	vst v63  }
0x6e: {  	_ =	swait.ge [sflag:s31], $0x4000  }
0x6f: {  	[sflag:s31] =	ssyncset.done $0x0  }
0x70: {  	s8 =	simm.s32 $0xC80;
	[sflag:s31] =	ssyncadd.s32 $0xFFFFC000  }
0x71: {  	[spmem:s2] =	stream.indirect.scatter.add.f32 [tilespmem:s28], [sflag:$0x3], $0x80, s8, s25, $0xb8;
	[tilespmem:$0x1D000] =	vst v63  }
0x72: {  	_ =	swait.ge [sflag:s23], $0x4000  }
0x73: {  	[sflag:s23] =	ssyncset.done $0x0  }
0x74: {  	s9 =	simm.s32 $0x580;
	[sflag:s23] =	ssyncadd.s32 $0xFFFFC000  }
0x75: {  	[tilespmem:s28], [sflag:$0x2] =	stream.indirect.gather [hbm4b:s5+s25], $0x80, s9, s25, $0xb8;
	[tilespmem:$0x1D000] =	vst v63  }
0x76: {  	_ =	swait.ge [sflag:s29], $0x4000  }
0x77: {  	[sflag:s29] =	ssyncset.done $0x0  }
0x78: {  	s10 =	simm.s32 $0xD00;
	[sflag:s29] =	ssyncadd.s32 $0xFFFFC000  }
0x79: {  	[spmem:s2] =	stream.indirect.scatter.add.f32 [tilespmem:s26], [sflag:$0x3], $0x80, s10, s25, $0xb8;
	[tilespmem:$0x1D000] =	vst v63  }
0x7a: {  	_ =	swait.ge [sflag:s23], $0x4000  }
0x7b: {  	[sflag:s23] =	ssyncset.done $0x0  }
0x7c: {  	s11 =	simm.s32 $0x600;
	[sflag:s23] =	ssyncadd.s32 $0xFFFFC000  }
0x7d: {  	[tilespmem:s26], [sflag:$0x1] =	stream.indirect.gather [hbm4b:s5+s25], $0x80, s11, s25, $0xb8;
	[tilespmem:$0x1D000] =	vst v63  }
0x7e: {  	_ =	swait.ge [sflag:s31], $0x4000  }
0x7f: {  	[sflag:s31] =	ssyncset.done $0x0  }
0x80: {  	s12 =	simm.s32 $0xD80;
	[sflag:s31] =	ssyncadd.s32 $0xFFFFC000  }
0x81: {  	[spmem:s2] =	stream.indirect.scatter.add.f32 [tilespmem:s28], [sflag:$0x3], $0x80, s12, s25, $0xb8;
	[tilespmem:$0x1D000] =	vst v63  }
0x82: {  	_ =	swait.ge [sflag:s23], $0x4000  }
0x83: {  	[sflag:s23] =	ssyncset.done $0x0  }
0x84: {  	s13 =	simm.s32 $0x680;
	[sflag:s23] =	ssyncadd.s32 $0xFFFFC000  }
0x85: {  	[tilespmem:s28], [sflag:$0x2] =	stream.indirect.gather [hbm4b:s5+s25], $0x80, s13, s25, $0xb8;
	[tilespmem:$0x1D000] =	vst v63  }
0x86: {  	_ =	swait.ge [sflag:s29], $0x4000  }
0x87: {  	[sflag:s29] =	ssyncset.done $0x0  }
0x88: {  	s14 =	simm.s32 $0xE00;
	[sflag:s29] =	ssyncadd.s32 $0xFFFFC000  }
0x89: {  	[spmem:s2] =	stream.indirect.scatter.add.f32 [tilespmem:s26], [sflag:$0x3], $0x80, s14, s25, $0xb8;
	[tilespmem:$0x1D000] =	vst v63  }
0x8a: {  	_ =	swait.ge [sflag:s23], $0x4000  }
0x8b: {  	[sflag:s23] =	ssyncset.done $0x0  }
0x8c: {  	s15 =	simm.s32 $0x700;
	[sflag:s23] =	ssyncadd.s32 $0xFFFFC000  }
0x8d: {  	[tilespmem:s26], [sflag:$0x1] =	stream.indirect.gather [hbm4b:s5+s25], $0x80, s15, s25, $0xb8;
	[tilespmem:$0x1D000] =	vst v63  }
0x8e: {  	_ =	swait.ge [sflag:s31], $0x4000  }
0x8f: {  	[sflag:s31] =	ssyncset.done $0x0  }
0x90: {  	s16 =	simm.s32 $0xE80;
	[sflag:s31] =	ssyncadd.s32 $0xFFFFC000  }
0x91: {  	[spmem:s2] =	stream.indirect.scatter.add.f32 [tilespmem:s28], [sflag:$0x3], $0x80, s16, s25, $0xb8;
	[tilespmem:$0x1D000] =	vst v63  }
0x92: {  	_ =	swait.ge [sflag:s23], $0x4000  }
0x93: {  	[sflag:s23] =	ssyncset.done $0x0  }
0x94: {  	s17 =	simm.s32 $0x780;
	[sflag:s23] =	ssyncadd.s32 $0xFFFFC000  }
0x95: {  	[tilespmem:s28], [sflag:$0x2] =	stream.indirect.gather [hbm4b:s5+s25], $0x80, s17, s25, $0xb8;
	[tilespmem:$0x1D000] =	vst v63  }
0x96: {  	_ =	swait.ge [sflag:s29], $0x4000  }
0x97: {  	[sflag:s29] =	ssyncset.done $0x0  }
0x98: {  	s20 =	simm.s32 $0xF00;
	[sflag:s29] =	ssyncadd.s32 $0xFFFFC000  }
0x99: {  	[spmem:s2] =	stream.indirect.scatter.add.f32 [tilespmem:s26], [sflag:$0x3], $0x80, s20, s25, $0xb8;
	[tilespmem:$0x1D000] =	vst v63  }
0x9a: {  	_ =	swait.ge [sflag:s23], $0x4000  }
0x9b: {  	[sflag:s23] =	ssyncset.done $0x0  }
0x9c: {  	[sflag:s23] =	ssyncadd.s32 $0xFFFFC000  }
0x9d: {  	_ =	swait.ge [sflag:s31], $0x4000  }
0x9e: {  	[sflag:s31] =	ssyncset.done $0x0  }
0x9f: {  	s30 =	simm.s32 $0xF80;
	[sflag:s31] =	ssyncadd.s32 $0xFFFFC000  }
0xa0: {  	[spmem:s2] =	stream.indirect.scatter.add.f32 [tilespmem:s28], [sflag:$0x3], $0x80, s30, s25, $0xb8;
	[tilespmem:$0x1D000] =	vst v63  }
0xa1: {  	_ =	swait.ge [sflag:s23], $0x4000  }
0xa2: {  	[sflag:s23] =	ssyncset.done $0x0;
	s15 =	rddreg [dreg:$0x5]  }
0xa3: {  	s0 =	rddreg [dreg:$0x12];
	[sflag:s23] =	ssyncadd.s32 $0xFFFFC000  }
.LBB2_8:
0xa4: {  	s16 =	rddreg [dreg:$0xb];
	[bflag:$0x0] =	sbarrier.arrive $0xFFFF  }
0xa5: {  	s17 =	rddreg [dreg:$0x11]  }
0xa6: {  	s16 =	sadd.s32 s15, s16;
	s1 =	rddreg [dreg:$0x13]  }
0xa7: {  	[hbm:s16], [sflag:s17] =	dma.local [spmem:s1], $0x800  }
0xa8: {  	_ =	swait.ge [sflag:s23], $0x800  }
0xa9: {  	[sflag:s23] =	ssyncset.done $0x0;
	s8 =	rddreg [dreg:$0xc]  }
0xaa: {  	s9 =	rddreg [dreg:$0x14];
	s16 =	sadd.s32 s15, s8;
	[sflag:s23] =	ssyncadd.s32 $0xFFFFF800  }
0xab: {  	[hbm:s16], [sflag:s17] =	dma.local [spmem:s9], $0x800  }
0xac: {  	_ =	swait.ge [sflag:s23], $0x800  }
0xad: {  	[sflag:s23] =	ssyncset.done $0x0;
	s10 =	rddreg [dreg:$0xd]  }
0xae: {  	s11 =	rddreg [dreg:$0x15];
	s16 =	sadd.s32 s15, s10;
	[sflag:s23] =	ssyncadd.s32 $0xFFFFF800  }
0xaf: {  	[hbm:s16], [sflag:s17] =	dma.local [spmem:s11], $0x800  }
0xb0: {  	_ =	swait.ge [sflag:s23], $0x800  }
0xb1: {  	[sflag:s23] =	ssyncset.done $0x0;
	s12 =	rddreg [dreg:$0xe]  }
0xb2: {  	s13 =	rddreg [dreg:$0x16];
	s16 =	sadd.s32 s15, s12;
	[sflag:s23] =	ssyncadd.s32 $0xFFFFF800  }
0xb3: {  	[hbm:s16], [sflag:s17] =	dma.local [spmem:s13], $0x800  }
0xb4: {  	_ =	swait.ge [sflag:s23], $0x800  }
0xb5: {  	[sflag:s23] =	ssyncset.done $0x0;
	s14 =	rddreg [dreg:$0xf]  }
0xb6: {  	s20 =	rddreg [dreg:$0x17];
	s16 =	sadd.s32 s15, s14;
	[sflag:s23] =	ssyncadd.s32 $0xFFFFF800  }
0xb7: {  	[hbm:s16], [sflag:s17] =	dma.local [spmem:s20], $0x800  }
0xb8: {  	_ =	swait.ge [sflag:s23], $0x800  }
0xb9: {  	s0 =	sadd.s32 $0x1, s0;
	s30 =	rddreg [dreg:$0x10]  }
0xba: {  	p1 =	sne.s32 s0, s30  }
.Ltmp1:
0xbb: {  	_ = 	snop;
	(pc) =	sbr.rel @!p1 .LBB2_9-.Ltmp1, $3  }
0xbc: {  	_ =	sdelay $0x1  }
0xbd: {  	[sflag:s23] =	ssyncset.done $0x0  }
0xbe: {  	[sflag:s23] =	ssyncadd.s32 $0xFFFFF800  }
.LBB2_1:
0xbf: {  	[dreg:$0x12] =	wrdreg s0  }
0xc0: {  	s15 =	rddreg [dreg:$0x6]  }
0xc1: {  	s10 =	rddreg [dreg:$0x3];
	s9 =	sshrl.u32 s15, $0x3  }
0xc2: {  	[dreg:$0x13] =	wrdreg s9  }
0xc3: {  	[spmem:s9], [sflag:s17] =	dma.local [hbm:s10], $0x800  }
0xc4: {  	_ =	swait.ge [sflag:s23], $0x800  }
0xc5: {  	s16 =	rddreg [dreg:$0x7]  }
0xc6: {  	[sflag:s23] =	ssyncset.done $0x0;
	s11 =	sshrl.u32 s16, $0x3  }
0xc7: {  	[sflag:s23] =	ssyncadd.s32 $0xFFFFF800;
	[dreg:$0x14] =	wrdreg s11  }
0xc8: {  	[spmem:s11], [sflag:s17] =	dma.local [hbm:s10], $0x800  }
0xc9: {  	_ =	swait.ge [sflag:s23], $0x800  }
0xca: {  	s12 =	rddreg [dreg:$0x8]  }
0xcb: {  	[sflag:s23] =	ssyncset.done $0x0;
	s13 =	sshrl.u32 s12, $0x3  }
0xcc: {  	[sflag:s23] =	ssyncadd.s32 $0xFFFFF800;
	[dreg:$0x15] =	wrdreg s13  }
0xcd: {  	[spmem:s13], [sflag:s17] =	dma.local [hbm:s10], $0x800  }
0xce: {  	_ =	swait.ge [sflag:s23], $0x800  }
0xcf: {  	s14 =	rddreg [dreg:$0x9]  }
0xd0: {  	[sflag:s23] =	ssyncset.done $0x0;
	s16 =	sshrl.u32 s14, $0x3  }
0xd1: {  	[sflag:s23] =	ssyncadd.s32 $0xFFFFF800;
	[dreg:$0x16] =	wrdreg s16  }
0xd2: {  	[spmem:s16], [sflag:s17] =	dma.local [hbm:s10], $0x800  }
0xd3: {  	_ =	swait.ge [sflag:s23], $0x800  }
0xd4: {  	s20 =	rddreg [dreg:$0xa]  }
0xd5: {  	[sflag:s23] =	ssyncset.done $0x0;
	s30 =	sshrl.u32 s20, $0x3  }
0xd6: {  	[sflag:s23] =	ssyncadd.s32 $0xFFFFF800;
	[dreg:$0x17] =	wrdreg s30  }
0xd7: {  	[spmem:s30], [sflag:s17] =	dma.local [hbm:s10], $0x800  }
.Ltmp2:
0xd8: {  	_ =	swait.ge [sflag:s23], $0x800;
	(pc) =	sbr.rel @!p0 .LBB2_2-.Ltmp2, $4  }
0xd9: {  	[sflag:s23] =	ssyncset.done $0x0  }
0xda: {  	[sflag:s23] =	ssyncadd.s32 $0xFFFFF800  }
0xdb: {  	[bflag:$0x0] =	sbarrier.arrive $0xFFFF  }
0xdc: {  	s15 =	sadd.s32 $0x0, s22  }
0xdd: {  	[tilespmem:s3], [sflag:$0x3] =	stream.linear.gather [hbm4b:s15+s3], $0x800, $0x38;
	[tilespmem:$0x1D000] =	vst v63  }
0xde: {  	_ =	swait.ge [sflag:s23], $0x800  }
0xdf: {  	[sflag:s23] =	ssyncset.done $0x0  }
0xe0: {  	s17 =	sadd.s32 $0x0, s21;
	[sflag:s23] =	ssyncadd.s32 $0xFFFFF800  }
0xe1: {  	[tilespmem:s24], [sflag:$0x3] =	stream.linear.gather [hbm4b:s17+s3], $0x800, $0x38;
	[tilespmem:$0x1D000] =	vst v63  }
0xe2: {  	_ =	swait.ge [sflag:s23], $0x800  }
0xe3: {  	[sflag:s23] =	ssyncset.done $0x0  }
0xe4: {  	[sflag:s23] =	ssyncadd.s32 $0xFFFFF800  }
0xe5: {  	[tilespmem:s26], [sflag:$0x1] =	stream.indirect.gather [hbm4b:s5+s25], $0x80, s3, s25, $0xb8;
	[tilespmem:$0x1D000] =	vst v63  }
0xe6: {  	_ = 	snop  }
0xe7: {  	[tilespmem:s28], [sflag:$0x2] =	stream.indirect.gather [hbm4b:s5+s25], $0x80, s25, s25, $0xb8;
	[tilespmem:$0x1D000] =	vst v63  }
0xe8: {  	_ =	swait.ge [sflag:s29], $0x4000  }
0xe9: {  	[sflag:s29] =	ssyncset.done $0x0  }
0xea: {  	[sflag:s29] =	ssyncadd.s32 $0xFFFFC000  }
0xeb: {  	[spmem:s2] =	stream.indirect.scatter.add.f32 [tilespmem:s26], [sflag:$0x3], $0x80, s24, s25, $0xb8;
	[tilespmem:$0x1D000] =	vst v63  }
0xec: {  	_ =	swait.ge [sflag:s23], $0x4000  }
0xed: {  	[sflag:s23] =	ssyncset.done $0x0  }
0xee: {  	[sflag:s23] =	ssyncadd.s32 $0xFFFFC000  }
0xef: {  	[tilespmem:s26], [sflag:$0x1] =	stream.indirect.gather [hbm4b:s5+s25], $0x80, s18, s25, $0xb8;
	[tilespmem:$0x1D000] =	vst v63  }
0xf0: {  	_ =	swait.ge [sflag:s31], $0x4000  }
0xf1: {  	[sflag:s31] =	ssyncset.done $0x0  }
0xf2: {  	[sflag:s31] =	ssyncadd.s32 $0xFFFFC000  }
0xf3: {  	[spmem:s2] =	stream.indirect.scatter.add.f32 [tilespmem:s28], [sflag:$0x3], $0x80, s19, s25, $0xb8;
	[tilespmem:$0x1D000] =	vst v63  }
0xf4: {  	_ =	swait.ge [sflag:s23], $0x4000  }
0xf5: {  	[sflag:s23] =	ssyncset.done $0x0  }
0xf6: {  	s6 =	simm.s32 $0x180;
	[sflag:s23] =	ssyncadd.s32 $0xFFFFC000  }
0xf7: {  	[tilespmem:s28], [sflag:$0x2] =	stream.indirect.gather [hbm4b:s5+s25], $0x80, s6, s25, $0xb8;
	[tilespmem:$0x1D000] =	vst v63  }
0xf8: {  	_ =	swait.ge [sflag:s29], $0x4000  }
0xf9: {  	[sflag:s29] =	ssyncset.done $0x0  }
0xfa: {  	s20 =	simm.s32 $0x900;
	[sflag:s29] =	ssyncadd.s32 $0xFFFFC000  }
0xfb: {  	[spmem:s2] =	stream.indirect.scatter.add.f32 [tilespmem:s26], [sflag:$0x3], $0x80, s20, s25, $0xb8;
	[tilespmem:$0x1D000] =	vst v63  }
0xfc: {  	_ =	swait.ge [sflag:s23], $0x4000  }
0xfd: {  	[sflag:s23] =	ssyncset.done $0x0  }
0xfe: {  	s30 =	simm.s32 $0x200;
	[sflag:s23] =	ssyncadd.s32 $0xFFFFC000  }
0xff: {  	[tilespmem:s26], [sflag:$0x1] =	stream.indirect.gather [hbm4b:s5+s25], $0x80, s30, s25, $0xb8;
	[tilespmem:$0x1D000] =	vst v63  }
0x100: {  	_ =	swait.ge [sflag:s31], $0x4000  }
0x101: {  	[sflag:s31] =	ssyncset.done $0x0  }
0x102: {  	s0 =	simm.s32 $0x980;
	[sflag:s31] =	ssyncadd.s32 $0xFFFFC000  }
0x103: {  	[spmem:s2] =	stream.indirect.scatter.add.f32 [tilespmem:s28], [sflag:$0x3], $0x80, s0, s25, $0xb8;
	[tilespmem:$0x1D000] =	vst v63  }
0x104: {  	_ =	swait.ge [sflag:s23], $0x4000  }
0x105: {  	[sflag:s23] =	ssyncset.done $0x0  }
0x106: {  	s1 =	simm.s32 $0x280;
	[sflag:s23] =	ssyncadd.s32 $0xFFFFC000  }
0x107: {  	[tilespmem:s28], [sflag:$0x2] =	stream.indirect.gather [hbm4b:s5+s25], $0x80, s1, s25, $0xb8;
	[tilespmem:$0x1D000] =	vst v63  }
0x108: {  	_ =	swait.ge [sflag:s29], $0x4000  }
0x109: {  	[sflag:s29] =	ssyncset.done $0x0  }
0x10a: {  	s7 =	simm.s32 $0xA00;
	[sflag:s29] =	ssyncadd.s32 $0xFFFFC000  }
0x10b: {  	[spmem:s2] =	stream.indirect.scatter.add.f32 [tilespmem:s26], [sflag:$0x3], $0x80, s7, s25, $0xb8;
	[tilespmem:$0x1D000] =	vst v63  }
0x10c: {  	_ =	swait.ge [sflag:s23], $0x4000  }
0x10d: {  	[sflag:s23] =	ssyncset.done $0x0  }
0x10e: {  	s8 =	simm.s32 $0x300;
	[sflag:s23] =	ssyncadd.s32 $0xFFFFC000  }
0x10f: {  	[tilespmem:s26], [sflag:$0x1] =	stream.indirect.gather [hbm4b:s5+s25], $0x80, s8, s25, $0xb8;
	[tilespmem:$0x1D000] =	vst v63  }
0x110: {  	_ =	swait.ge [sflag:s31], $0x4000  }
0x111: {  	[sflag:s31] =	ssyncset.done $0x0  }
0x112: {  	s9 =	simm.s32 $0xA80;
	[sflag:s31] =	ssyncadd.s32 $0xFFFFC000  }
0x113: {  	[spmem:s2] =	stream.indirect.scatter.add.f32 [tilespmem:s28], [sflag:$0x3], $0x80, s9, s25, $0xb8;
	[tilespmem:$0x1D000] =	vst v63  }
0x114: {  	_ =	swait.ge [sflag:s23], $0x4000  }
0x115: {  	[sflag:s23] =	ssyncset.done $0x0  }
0x116: {  	s10 =	simm.s32 $0x380;
	[sflag:s23] =	ssyncadd.s32 $0xFFFFC000  }
0x117: {  	[tilespmem:s28], [sflag:$0x2] =	stream.indirect.gather [hbm4b:s5+s25], $0x80, s10, s25, $0xb8;
	[tilespmem:$0x1D000] =	vst v63  }
0x118: {  	_ =	swait.ge [sflag:s29], $0x4000  }
0x119: {  	[sflag:s29] =	ssyncset.done $0x0  }
0x11a: {  	s11 =	simm.s32 $0xB00;
	[sflag:s29] =	ssyncadd.s32 $0xFFFFC000  }
0x11b: {  	[spmem:s2] =	stream.indirect.scatter.add.f32 [tilespmem:s26], [sflag:$0x3], $0x80, s11, s25, $0xb8;
	[tilespmem:$0x1D000] =	vst v63  }
0x11c: {  	_ =	swait.ge [sflag:s23], $0x4000  }
0x11d: {  	[sflag:s23] =	ssyncset.done $0x0  }
0x11e: {  	s12 =	simm.s32 $0x400;
	[sflag:s23] =	ssyncadd.s32 $0xFFFFC000  }
0x11f: {  	[tilespmem:s26], [sflag:$0x1] =	stream.indirect.gather [hbm4b:s5+s25], $0x80, s12, s25, $0xb8;
	[tilespmem:$0x1D000] =	vst v63  }
0x120: {  	_ =	swait.ge [sflag:s31], $0x4000  }
0x121: {  	[sflag:s31] =	ssyncset.done $0x0  }
0x122: {  	s13 =	simm.s32 $0xB80;
	[sflag:s31] =	ssyncadd.s32 $0xFFFFC000  }
0x123: {  	[spmem:s2] =	stream.indirect.scatter.add.f32 [tilespmem:s28], [sflag:$0x3], $0x80, s13, s25, $0xb8;
	[tilespmem:$0x1D000] =	vst v63  }
0x124: {  	_ =	swait.ge [sflag:s23], $0x4000  }
0x125: {  	[sflag:s23] =	ssyncset.done $0x0  }
0x126: {  	s14 =	simm.s32 $0x480;
	[sflag:s23] =	ssyncadd.s32 $0xFFFFC000  }
0x127: {  	[tilespmem:s28], [sflag:$0x2] =	stream.indirect.gather [hbm4b:s5+s25], $0x80, s14, s25, $0xb8;
	[tilespmem:$0x1D000] =	vst v63  }
0x128: {  	_ =	swait.ge [sflag:s29], $0x4000  }
0x129: {  	[sflag:s29] =	ssyncset.done $0x0  }
0x12a: {  	s18 =	simm.s32 $0xC00;
	[sflag:s29] =	ssyncadd.s32 $0xFFFFC000  }
0x12b: {  	[spmem:s2] =	stream.indirect.scatter.add.f32 [tilespmem:s26], [sflag:$0x3], $0x80, s18, s25, $0xb8;
	[tilespmem:$0x1D000] =	vst v63  }
0x12c: {  	_ =	swait.ge [sflag:s23], $0x4000  }
0x12d: {  	[sflag:s23] =	ssyncset.done $0x0  }
0x12e: {  	s19 =	simm.s32 $0x500;
	[sflag:s23] =	ssyncadd.s32 $0xFFFFC000  }
0x12f: {  	[tilespmem:s26], [sflag:$0x1] =	stream.indirect.gather [hbm4b:s5+s25], $0x80, s19, s25, $0xb8;
	[tilespmem:$0x1D000] =	vst v63  }
0x130: {  	_ =	swait.ge [sflag:s31], $0x4000  }
0x131: {  	[sflag:s31] =	ssyncset.done $0x0  }
0x132: {  	s16 =	simm.s32 $0xC80;
	[sflag:s31] =	ssyncadd.s32 $0xFFFFC000  }
0x133: {  	[spmem:s2] =	stream.indirect.scatter.add.f32 [tilespmem:s28], [sflag:$0x3], $0x80, s16, s25, $0xb8;
	[tilespmem:$0x1D000] =	vst v63  }
0x134: {  	_ =	swait.ge [sflag:s23], $0x4000  }
0x135: {  	[sflag:s23] =	ssyncset.done $0x0  }
0x136: {  	s17 =	simm.s32 $0x580;
	[sflag:s23] =	ssyncadd.s32 $0xFFFFC000  }
0x137: {  	[tilespmem:s28], [sflag:$0x2] =	stream.indirect.gather [hbm4b:s5+s25], $0x80, s17, s25, $0xb8;
	[tilespmem:$0x1D000] =	vst v63  }
0x138: {  	_ =	swait.ge [sflag:s29], $0x4000  }
0x139: {  	[sflag:s29] =	ssyncset.done $0x0  }
0x13a: {  	s18 =	simm.s32 $0xD00;
	[sflag:s29] =	ssyncadd.s32 $0xFFFFC000  }
0x13b: {  	[spmem:s2] =	stream.indirect.scatter.add.f32 [tilespmem:s26], [sflag:$0x3], $0x80, s18, s25, $0xb8;
	[tilespmem:$0x1D000] =	vst v63  }
0x13c: {  	_ =	swait.ge [sflag:s23], $0x4000  }
0x13d: {  	[sflag:s23] =	ssyncset.done $0x0  }
0x13e: {  	s19 =	simm.s32 $0x600;
	[sflag:s23] =	ssyncadd.s32 $0xFFFFC000  }
0x13f: {  	[tilespmem:s26], [sflag:$0x1] =	stream.indirect.gather [hbm4b:s5+s25], $0x80, s19, s25, $0xb8;
	[tilespmem:$0x1D000] =	vst v63  }
0x140: {  	_ =	swait.ge [sflag:s31], $0x4000  }
0x141: {  	[sflag:s31] =	ssyncset.done $0x0  }
0x142: {  	s16 =	simm.s32 $0xD80;
	[sflag:s31] =	ssyncadd.s32 $0xFFFFC000  }
0x143: {  	[spmem:s2] =	stream.indirect.scatter.add.f32 [tilespmem:s28], [sflag:$0x3], $0x80, s16, s25, $0xb8;
	[tilespmem:$0x1D000] =	vst v63  }
0x144: {  	_ =	swait.ge [sflag:s23], $0x4000  }
0x145: {  	[sflag:s23] =	ssyncset.done $0x0  }
0x146: {  	s17 =	simm.s32 $0x680;
	[sflag:s23] =	ssyncadd.s32 $0xFFFFC000  }
0x147: {  	[tilespmem:s28], [sflag:$0x2] =	stream.indirect.gather [hbm4b:s5+s25], $0x80, s17, s25, $0xb8;
	[tilespmem:$0x1D000] =	vst v63  }
0x148: {  	_ =	swait.ge [sflag:s29], $0x4000  }
0x149: {  	[sflag:s29] =	ssyncset.done $0x0  }
0x14a: {  	s18 =	simm.s32 $0xE00;
	[sflag:s29] =	ssyncadd.s32 $0xFFFFC000  }
0x14b: {  	[spmem:s2] =	stream.indirect.scatter.add.f32 [tilespmem:s26], [sflag:$0x3], $0x80, s18, s25, $0xb8;
	[tilespmem:$0x1D000] =	vst v63  }
0x14c: {  	_ =	swait.ge [sflag:s23], $0x4000  }
0x14d: {  	[sflag:s23] =	ssyncset.done $0x0  }
0x14e: {  	s19 =	simm.s32 $0x700;
	[sflag:s23] =	ssyncadd.s32 $0xFFFFC000  }
0x14f: {  	[tilespmem:s26], [sflag:$0x1] =	stream.indirect.gather [hbm4b:s5+s25], $0x80, s19, s25, $0xb8;
	[tilespmem:$0x1D000] =	vst v63  }
0x150: {  	_ =	swait.ge [sflag:s31], $0x4000  }
0x151: {  	[sflag:s31] =	ssyncset.done $0x0  }
0x152: {  	s16 =	simm.s32 $0xE80;
	[sflag:s31] =	ssyncadd.s32 $0xFFFFC000  }
0x153: {  	[spmem:s2] =	stream.indirect.scatter.add.f32 [tilespmem:s28], [sflag:$0x3], $0x80, s16, s25, $0xb8;
	[tilespmem:$0x1D000] =	vst v63  }
0x154: {  	_ =	swait.ge [sflag:s23], $0x4000  }
0x155: {  	[sflag:s23] =	ssyncset.done $0x0  }
0x156: {  	s17 =	simm.s32 $0x780;
	[sflag:s23] =	ssyncadd.s32 $0xFFFFC000  }
0x157: {  	[tilespmem:s28], [sflag:$0x2] =	stream.indirect.gather [hbm4b:s5+s25], $0x80, s17, s25, $0xb8;
	[tilespmem:$0x1D000] =	vst v63  }
0x158: {  	_ =	swait.ge [sflag:s29], $0x4000  }
0x159: {  	[sflag:s29] =	ssyncset.done $0x0  }
0x15a: {  	s18 =	simm.s32 $0xF00;
	[sflag:s29] =	ssyncadd.s32 $0xFFFFC000  }
0x15b: {  	[spmem:s2] =	stream.indirect.scatter.add.f32 [tilespmem:s26], [sflag:$0x3], $0x80, s18, s25, $0xb8;
	[tilespmem:$0x1D000] =	vst v63  }
0x15c: {  	_ =	swait.ge [sflag:s23], $0x4000  }
0x15d: {  	[sflag:s23] =	ssyncset.done $0x0  }
0x15e: {  	[sflag:s23] =	ssyncadd.s32 $0xFFFFC000  }
0x15f: {  	_ =	swait.ge [sflag:s31], $0x4000  }
0x160: {  	[sflag:s31] =	ssyncset.done $0x0  }
0x161: {  	s19 =	simm.s32 $0xF80;
	[sflag:s31] =	ssyncadd.s32 $0xFFFFC000  }
0x162: {  	[spmem:s2] =	stream.indirect.scatter.add.f32 [tilespmem:s28], [sflag:$0x3], $0x80, s19, s25, $0xb8;
	[tilespmem:$0x1D000] =	vst v63  }
0x163: {  	_ =	swait.ge [sflag:s23], $0x4000  }
0x164: {  	s15 =	simm.s32 $0x100;
	s17 =	simm.s32 $0x200;
	[sflag:s23] =	ssyncset.done $0x0  }
.LBB2_6:
0x165: {  	s18 =	sadd.s32 s15, s22  }
0x166: {  	[sflag:s23] =	ssyncadd.s32 $0xFFFFC000;
	s19 =	smov.u32 s17;
	s16 =	sadd.s32 $0x100, s17  }
0x167: {  	[tilespmem:s3], [sflag:$0x3] =	stream.linear.gather [hbm4b:s18+s3], $0x800, $0x38;
	[tilespmem:$0x1D000] =	vst v63  }
0x168: {  	s18 =	simm.s32 $0x100  }
0x169: {  	p1 =	sne.s32 s17, $0x900;
	_ =	swait.ge [sflag:s23], $0x800  }
0x16a: {  	s17 =	sadd.s32 s15, s21;
	[sflag:s23] =	ssyncset.done $0x0  }
0x16b: {  	s15 =	smov.u32 s19;
	s19 =	simm.s32 $0x880;
	[sflag:s23] =	ssyncadd.s32 $0xFFFFF800  }
0x16c: {  	[tilespmem:s24], [sflag:$0x3] =	stream.linear.gather [hbm4b:s17+s3], $0x800, $0x38;
	[tilespmem:$0x1D000] =	vst v63  }
0x16d: {  	_ =	swait.ge [sflag:s23], $0x800  }
0x16e: {  	[sflag:s23] =	ssyncset.done $0x0  }
0x16f: {  	[sflag:s23] =	ssyncadd.s32 $0xFFFFF800  }
0x170: {  	[tilespmem:s26], [sflag:$0x1] =	stream.indirect.gather [hbm4b:s5+s25], $0x80, s3, s25, $0xb8;
	[tilespmem:$0x1D000] =	vst v63  }
0x171: {  	_ = 	snop  }
0x172: {  	[tilespmem:s28], [sflag:$0x2] =	stream.indirect.gather [hbm4b:s5+s25], $0x80, s25, s25, $0xb8;
	[tilespmem:$0x1D000] =	vst v63  }
0x173: {  	_ =	swait.ge [sflag:s29], $0x4000  }
0x174: {  	[sflag:s29] =	ssyncset.done $0x0  }
0x175: {  	[sflag:s29] =	ssyncadd.s32 $0xFFFFC000  }
0x176: {  	[spmem:s2] =	stream.indirect.scatter.add.f32 [tilespmem:s26], [sflag:$0x3], $0x80, s24, s25, $0xb8;
	[tilespmem:$0x1D000] =	vst v63  }
0x177: {  	_ =	swait.ge [sflag:s23], $0x4000  }
0x178: {  	[sflag:s23] =	ssyncset.done $0x0  }
0x179: {  	[sflag:s23] =	ssyncadd.s32 $0xFFFFC000  }
0x17a: {  	[tilespmem:s26], [sflag:$0x1] =	stream.indirect.gather [hbm4b:s5+s25], $0x80, s18, s25, $0xb8;
	[tilespmem:$0x1D000] =	vst v63  }
0x17b: {  	_ =	swait.ge [sflag:s31], $0x4000  }
0x17c: {  	[sflag:s31] =	ssyncset.done $0x0  }
0x17d: {  	[sflag:s31] =	ssyncadd.s32 $0xFFFFC000  }
0x17e: {  	[spmem:s2] =	stream.indirect.scatter.add.f32 [tilespmem:s28], [sflag:$0x3], $0x80, s19, s25, $0xb8;
	[tilespmem:$0x1D000] =	vst v63  }
0x17f: {  	_ =	swait.ge [sflag:s23], $0x4000  }
0x180: {  	[sflag:s23] =	ssyncset.done $0x0  }
0x181: {  	[sflag:s23] =	ssyncadd.s32 $0xFFFFC000  }
0x182: {  	[tilespmem:s28], [sflag:$0x2] =	stream.indirect.gather [hbm4b:s5+s25], $0x80, s6, s25, $0xb8;
	[tilespmem:$0x1D000] =	vst v63  }
0x183: {  	_ =	swait.ge [sflag:s29], $0x4000  }
0x184: {  	[sflag:s29] =	ssyncset.done $0x0  }
0x185: {  	[sflag:s29] =	ssyncadd.s32 $0xFFFFC000  }
0x186: {  	[spmem:s2] =	stream.indirect.scatter.add.f32 [tilespmem:s26], [sflag:$0x3], $0x80, s20, s25, $0xb8;
	[tilespmem:$0x1D000] =	vst v63  }
0x187: {  	_ =	swait.ge [sflag:s23], $0x4000  }
0x188: {  	[sflag:s23] =	ssyncset.done $0x0  }
0x189: {  	[sflag:s23] =	ssyncadd.s32 $0xFFFFC000  }
0x18a: {  	[tilespmem:s26], [sflag:$0x1] =	stream.indirect.gather [hbm4b:s5+s25], $0x80, s30, s25, $0xb8;
	[tilespmem:$0x1D000] =	vst v63  }
0x18b: {  	_ =	swait.ge [sflag:s31], $0x4000  }
0x18c: {  	[sflag:s31] =	ssyncset.done $0x0  }
0x18d: {  	[sflag:s31] =	ssyncadd.s32 $0xFFFFC000  }
0x18e: {  	[spmem:s2] =	stream.indirect.scatter.add.f32 [tilespmem:s28], [sflag:$0x3], $0x80, s0, s25, $0xb8;
	[tilespmem:$0x1D000] =	vst v63  }
0x18f: {  	_ =	swait.ge [sflag:s23], $0x4000  }
0x190: {  	[sflag:s23] =	ssyncset.done $0x0  }
0x191: {  	[sflag:s23] =	ssyncadd.s32 $0xFFFFC000  }
0x192: {  	[tilespmem:s28], [sflag:$0x2] =	stream.indirect.gather [hbm4b:s5+s25], $0x80, s1, s25, $0xb8;
	[tilespmem:$0x1D000] =	vst v63  }
0x193: {  	_ =	swait.ge [sflag:s29], $0x4000  }
0x194: {  	[sflag:s29] =	ssyncset.done $0x0  }
0x195: {  	[sflag:s29] =	ssyncadd.s32 $0xFFFFC000  }
0x196: {  	[spmem:s2] =	stream.indirect.scatter.add.f32 [tilespmem:s26], [sflag:$0x3], $0x80, s7, s25, $0xb8;
	[tilespmem:$0x1D000] =	vst v63  }
0x197: {  	_ =	swait.ge [sflag:s23], $0x4000  }
0x198: {  	[sflag:s23] =	ssyncset.done $0x0  }
0x199: {  	[sflag:s23] =	ssyncadd.s32 $0xFFFFC000  }
0x19a: {  	[tilespmem:s26], [sflag:$0x1] =	stream.indirect.gather [hbm4b:s5+s25], $0x80, s8, s25, $0xb8;
	[tilespmem:$0x1D000] =	vst v63  }
0x19b: {  	_ =	swait.ge [sflag:s31], $0x4000  }
0x19c: {  	[sflag:s31] =	ssyncset.done $0x0  }
0x19d: {  	[sflag:s31] =	ssyncadd.s32 $0xFFFFC000  }
0x19e: {  	[spmem:s2] =	stream.indirect.scatter.add.f32 [tilespmem:s28], [sflag:$0x3], $0x80, s9, s25, $0xb8;
	[tilespmem:$0x1D000] =	vst v63  }
0x19f: {  	_ =	swait.ge [sflag:s23], $0x4000  }
0x1a0: {  	[sflag:s23] =	ssyncset.done $0x0  }
0x1a1: {  	[sflag:s23] =	ssyncadd.s32 $0xFFFFC000  }
0x1a2: {  	[tilespmem:s28], [sflag:$0x2] =	stream.indirect.gather [hbm4b:s5+s25], $0x80, s10, s25, $0xb8;
	[tilespmem:$0x1D000] =	vst v63  }
0x1a3: {  	_ =	swait.ge [sflag:s29], $0x4000  }
0x1a4: {  	[sflag:s29] =	ssyncset.done $0x0  }
0x1a5: {  	[sflag:s29] =	ssyncadd.s32 $0xFFFFC000  }
0x1a6: {  	[spmem:s2] =	stream.indirect.scatter.add.f32 [tilespmem:s26], [sflag:$0x3], $0x80, s11, s25, $0xb8;
	[tilespmem:$0x1D000] =	vst v63  }
0x1a7: {  	_ =	swait.ge [sflag:s23], $0x4000  }
0x1a8: {  	[sflag:s23] =	ssyncset.done $0x0  }
0x1a9: {  	[sflag:s23] =	ssyncadd.s32 $0xFFFFC000  }
0x1aa: {  	[tilespmem:s26], [sflag:$0x1] =	stream.indirect.gather [hbm4b:s5+s25], $0x80, s12, s25, $0xb8;
	[tilespmem:$0x1D000] =	vst v63  }
0x1ab: {  	_ =	swait.ge [sflag:s31], $0x4000  }
0x1ac: {  	[sflag:s31] =	ssyncset.done $0x0  }
0x1ad: {  	[sflag:s31] =	ssyncadd.s32 $0xFFFFC000  }
0x1ae: {  	[spmem:s2] =	stream.indirect.scatter.add.f32 [tilespmem:s28], [sflag:$0x3], $0x80, s13, s25, $0xb8;
	[tilespmem:$0x1D000] =	vst v63  }
0x1af: {  	_ =	swait.ge [sflag:s23], $0x4000  }
0x1b0: {  	[sflag:s23] =	ssyncset.done $0x0  }
0x1b1: {  	[sflag:s23] =	ssyncadd.s32 $0xFFFFC000  }
0x1b2: {  	[tilespmem:s28], [sflag:$0x2] =	stream.indirect.gather [hbm4b:s5+s25], $0x80, s14, s25, $0xb8;
	[tilespmem:$0x1D000] =	vst v63  }
0x1b3: {  	_ =	swait.ge [sflag:s29], $0x4000  }
0x1b4: {  	[sflag:s29] =	ssyncset.done $0x0  }
0x1b5: {  	s17 =	simm.s32 $0xC00;
	[sflag:s29] =	ssyncadd.s32 $0xFFFFC000  }
0x1b6: {  	[spmem:s2] =	stream.indirect.scatter.add.f32 [tilespmem:s26], [sflag:$0x3], $0x80, s17, s25, $0xb8;
	[tilespmem:$0x1D000] =	vst v63  }
0x1b7: {  	_ =	swait.ge [sflag:s23], $0x4000  }
0x1b8: {  	[sflag:s23] =	ssyncset.done $0x0  }
0x1b9: {  	s17 =	simm.s32 $0x500;
	[sflag:s23] =	ssyncadd.s32 $0xFFFFC000  }
0x1ba: {  	[tilespmem:s26], [sflag:$0x1] =	stream.indirect.gather [hbm4b:s5+s25], $0x80, s17, s25, $0xb8;
	[tilespmem:$0x1D000] =	vst v63  }
0x1bb: {  	_ =	swait.ge [sflag:s31], $0x4000  }
0x1bc: {  	[sflag:s31] =	ssyncset.done $0x0  }
0x1bd: {  	s17 =	simm.s32 $0xC80;
	[sflag:s31] =	ssyncadd.s32 $0xFFFFC000  }
0x1be: {  	[spmem:s2] =	stream.indirect.scatter.add.f32 [tilespmem:s28], [sflag:$0x3], $0x80, s17, s25, $0xb8;
	[tilespmem:$0x1D000] =	vst v63  }
0x1bf: {  	_ =	swait.ge [sflag:s23], $0x4000  }
0x1c0: {  	[sflag:s23] =	ssyncset.done $0x0  }
0x1c1: {  	s17 =	simm.s32 $0x580;
	[sflag:s23] =	ssyncadd.s32 $0xFFFFC000  }
0x1c2: {  	[tilespmem:s28], [sflag:$0x2] =	stream.indirect.gather [hbm4b:s5+s25], $0x80, s17, s25, $0xb8;
	[tilespmem:$0x1D000] =	vst v63  }
0x1c3: {  	_ =	swait.ge [sflag:s29], $0x4000  }
0x1c4: {  	[sflag:s29] =	ssyncset.done $0x0  }
0x1c5: {  	s17 =	simm.s32 $0xD00;
	[sflag:s29] =	ssyncadd.s32 $0xFFFFC000  }
0x1c6: {  	[spmem:s2] =	stream.indirect.scatter.add.f32 [tilespmem:s26], [sflag:$0x3], $0x80, s17, s25, $0xb8;
	[tilespmem:$0x1D000] =	vst v63  }
0x1c7: {  	_ =	swait.ge [sflag:s23], $0x4000  }
0x1c8: {  	[sflag:s23] =	ssyncset.done $0x0  }
0x1c9: {  	s17 =	simm.s32 $0x600;
	[sflag:s23] =	ssyncadd.s32 $0xFFFFC000  }
0x1ca: {  	[tilespmem:s26], [sflag:$0x1] =	stream.indirect.gather [hbm4b:s5+s25], $0x80, s17, s25, $0xb8;
	[tilespmem:$0x1D000] =	vst v63  }
0x1cb: {  	_ =	swait.ge [sflag:s31], $0x4000  }
0x1cc: {  	[sflag:s31] =	ssyncset.done $0x0  }
0x1cd: {  	s17 =	simm.s32 $0xD80;
	[sflag:s31] =	ssyncadd.s32 $0xFFFFC000  }
0x1ce: {  	[spmem:s2] =	stream.indirect.scatter.add.f32 [tilespmem:s28], [sflag:$0x3], $0x80, s17, s25, $0xb8;
	[tilespmem:$0x1D000] =	vst v63  }
0x1cf: {  	_ =	swait.ge [sflag:s23], $0x4000  }
0x1d0: {  	[sflag:s23] =	ssyncset.done $0x0  }
0x1d1: {  	s17 =	simm.s32 $0x680;
	[sflag:s23] =	ssyncadd.s32 $0xFFFFC000  }
0x1d2: {  	[tilespmem:s28], [sflag:$0x2] =	stream.indirect.gather [hbm4b:s5+s25], $0x80, s17, s25, $0xb8;
	[tilespmem:$0x1D000] =	vst v63  }
0x1d3: {  	_ =	swait.ge [sflag:s29], $0x4000  }
0x1d4: {  	[sflag:s29] =	ssyncset.done $0x0  }
0x1d5: {  	s17 =	simm.s32 $0xE00;
	[sflag:s29] =	ssyncadd.s32 $0xFFFFC000  }
0x1d6: {  	[spmem:s2] =	stream.indirect.scatter.add.f32 [tilespmem:s26], [sflag:$0x3], $0x80, s17, s25, $0xb8;
	[tilespmem:$0x1D000] =	vst v63  }
0x1d7: {  	_ =	swait.ge [sflag:s23], $0x4000  }
0x1d8: {  	[sflag:s23] =	ssyncset.done $0x0  }
0x1d9: {  	s17 =	simm.s32 $0x700;
	[sflag:s23] =	ssyncadd.s32 $0xFFFFC000  }
0x1da: {  	[tilespmem:s26], [sflag:$0x1] =	stream.indirect.gather [hbm4b:s5+s25], $0x80, s17, s25, $0xb8;
	[tilespmem:$0x1D000] =	vst v63  }
0x1db: {  	_ =	swait.ge [sflag:s31], $0x4000  }
0x1dc: {  	[sflag:s31] =	ssyncset.done $0x0  }
0x1dd: {  	s17 =	simm.s32 $0xE80;
	[sflag:s31] =	ssyncadd.s32 $0xFFFFC000  }
0x1de: {  	[spmem:s2] =	stream.indirect.scatter.add.f32 [tilespmem:s28], [sflag:$0x3], $0x80, s17, s25, $0xb8;
	[tilespmem:$0x1D000] =	vst v63  }
0x1df: {  	_ =	swait.ge [sflag:s23], $0x4000  }
0x1e0: {  	[sflag:s23] =	ssyncset.done $0x0  }
0x1e1: {  	s17 =	simm.s32 $0x780;
	[sflag:s23] =	ssyncadd.s32 $0xFFFFC000  }
0x1e2: {  	[tilespmem:s28], [sflag:$0x2] =	stream.indirect.gather [hbm4b:s5+s25], $0x80, s17, s25, $0xb8;
	[tilespmem:$0x1D000] =	vst v63  }
0x1e3: {  	_ =	swait.ge [sflag:s29], $0x4000  }
0x1e4: {  	[sflag:s29] =	ssyncset.done $0x0  }
0x1e5: {  	s17 =	simm.s32 $0xF00;
	[sflag:s29] =	ssyncadd.s32 $0xFFFFC000  }
0x1e6: {  	[spmem:s2] =	stream.indirect.scatter.add.f32 [tilespmem:s26], [sflag:$0x3], $0x80, s17, s25, $0xb8;
	[tilespmem:$0x1D000] =	vst v63  }
0x1e7: {  	_ =	swait.ge [sflag:s23], $0x4000  }
0x1e8: {  	[sflag:s23] =	ssyncset.done $0x0  }
0x1e9: {  	[sflag:s23] =	ssyncadd.s32 $0xFFFFC000  }
0x1ea: {  	_ =	swait.ge [sflag:s31], $0x4000  }
.Ltmp3:
0x1eb: {  	[sflag:s31] =	ssyncset.done $0x0;
	(pc) =	sbr.rel @p1 .LBB2_6-.Ltmp3, $4  }
0x1ec: {  	s17 =	simm.s32 $0xF80;
	[sflag:s31] =	ssyncadd.s32 $0xFFFFC000  }
0x1ed: {  	[spmem:s2] =	stream.indirect.scatter.add.f32 [tilespmem:s28], [sflag:$0x3], $0x80, s17, s25, $0xb8;
	[tilespmem:$0x1D000] =	vst v63  }
0x1ee: {  	_ =	swait.ge [sflag:s23], $0x4000  }
0x1ef: {  	s17 =	smov.u32 s16;
	[sflag:s23] =	ssyncset.done $0x0  }
.Ltmp4:
0x1f0: {  	_ = 	snop;
	(pc) =	sbr.rel .LBB2_7-.Ltmp4, $1  }
0x1f1: {  	_ =	sdelay $0x3  }
.LBB2_2:
0x1f2: {  	[tilespmem:s3], [sflag:$0x3] =	stream.linear.gather [hbm4b:s15+s3], $0x800, $0x38;
	[tilespmem:$0x1D000] =	vst v63  }
0x1f3: {  	_ =	swait.ge [sflag:s23], $0x800  }
0x1f4: {  	[sflag:s23] =	ssyncset.done $0x0  }
0x1f5: {  	s17 =	sadd.s32 $0x0, s21;
	[sflag:s23] =	ssyncadd.s32 $0xFFFFF800  }
0x1f6: {  	[tilespmem:s24], [sflag:$0x3] =	stream.linear.gather [hbm4b:s17+s3], $0x800, $0x38;
	[tilespmem:$0x1D000] =	vst v63  }
0x1f7: {  	_ =	swait.ge [sflag:s23], $0x800  }
0x1f8: {  	[sflag:s23] =	ssyncset.done $0x0  }
0x1f9: {  	[sflag:s23] =	ssyncadd.s32 $0xFFFFF800  }
0x1fa: {  	[tilespmem:s26], [sflag:$0x1] =	stream.indirect.gather [hbm4b:s4+s25], $0x80, s3, s25, $0xb8;
	[tilespmem:$0x1D000] =	vst v63  }
0x1fb: {  	_ = 	snop  }
0x1fc: {  	[tilespmem:s28], [sflag:$0x2] =	stream.indirect.gather [hbm4b:s4+s25], $0x80, s25, s25, $0xb8;
	[tilespmem:$0x1D000] =	vst v63  }
0x1fd: {  	_ =	swait.ge [sflag:s29], $0x4000  }
0x1fe: {  	[sflag:s29] =	ssyncset.done $0x0  }
0x1ff: {  	[sflag:s29] =	ssyncadd.s32 $0xFFFFC000  }
0x200: {  	[spmem:s2] =	stream.indirect.scatter.add.f32 [tilespmem:s26], [sflag:$0x3], $0x80, s24, s25, $0xb8;
	[tilespmem:$0x1D000] =	vst v63  }
0x201: {  	_ =	swait.ge [sflag:s23], $0x4000  }
0x202: {  	[sflag:s23] =	ssyncset.done $0x0  }
0x203: {  	[sflag:s23] =	ssyncadd.s32 $0xFFFFC000  }
0x204: {  	[tilespmem:s26], [sflag:$0x1] =	stream.indirect.gather [hbm4b:s4+s25], $0x80, s18, s25, $0xb8;
	[tilespmem:$0x1D000] =	vst v63  }
0x205: {  	_ =	swait.ge [sflag:s31], $0x4000  }
0x206: {  	[sflag:s31] =	ssyncset.done $0x0  }
0x207: {  	[sflag:s31] =	ssyncadd.s32 $0xFFFFC000  }
0x208: {  	[spmem:s2] =	stream.indirect.scatter.add.f32 [tilespmem:s28], [sflag:$0x3], $0x80, s19, s25, $0xb8;
	[tilespmem:$0x1D000] =	vst v63  }
0x209: {  	_ =	swait.ge [sflag:s23], $0x4000  }
0x20a: {  	[sflag:s23] =	ssyncset.done $0x0  }
0x20b: {  	s6 =	simm.s32 $0x180;
	[sflag:s23] =	ssyncadd.s32 $0xFFFFC000  }
0x20c: {  	[tilespmem:s28], [sflag:$0x2] =	stream.indirect.gather [hbm4b:s4+s25], $0x80, s6, s25, $0xb8;
	[tilespmem:$0x1D000] =	vst v63  }
0x20d: {  	_ =	swait.ge [sflag:s29], $0x4000  }
0x20e: {  	[sflag:s29] =	ssyncset.done $0x0  }
0x20f: {  	s20 =	simm.s32 $0x900;
	[sflag:s29] =	ssyncadd.s32 $0xFFFFC000  }
0x210: {  	[spmem:s2] =	stream.indirect.scatter.add.f32 [tilespmem:s26], [sflag:$0x3], $0x80, s20, s25, $0xb8;
	[tilespmem:$0x1D000] =	vst v63  }
0x211: {  	_ =	swait.ge [sflag:s23], $0x4000  }
0x212: {  	[sflag:s23] =	ssyncset.done $0x0  }
0x213: {  	s30 =	simm.s32 $0x200;
	[sflag:s23] =	ssyncadd.s32 $0xFFFFC000  }
0x214: {  	[tilespmem:s26], [sflag:$0x1] =	stream.indirect.gather [hbm4b:s4+s25], $0x80, s30, s25, $0xb8;
	[tilespmem:$0x1D000] =	vst v63  }
0x215: {  	_ =	swait.ge [sflag:s31], $0x4000  }
0x216: {  	[sflag:s31] =	ssyncset.done $0x0  }
0x217: {  	s0 =	simm.s32 $0x980;
	[sflag:s31] =	ssyncadd.s32 $0xFFFFC000  }
0x218: {  	[spmem:s2] =	stream.indirect.scatter.add.f32 [tilespmem:s28], [sflag:$0x3], $0x80, s0, s25, $0xb8;
	[tilespmem:$0x1D000] =	vst v63  }
0x219: {  	_ =	swait.ge [sflag:s23], $0x4000  }
0x21a: {  	[sflag:s23] =	ssyncset.done $0x0  }
0x21b: {  	s1 =	simm.s32 $0x280;
	[sflag:s23] =	ssyncadd.s32 $0xFFFFC000  }
0x21c: {  	[tilespmem:s28], [sflag:$0x2] =	stream.indirect.gather [hbm4b:s4+s25], $0x80, s1, s25, $0xb8;
	[tilespmem:$0x1D000] =	vst v63  }
0x21d: {  	_ =	swait.ge [sflag:s29], $0x4000  }
0x21e: {  	[sflag:s29] =	ssyncset.done $0x0  }
0x21f: {  	s7 =	simm.s32 $0xA00;
	[sflag:s29] =	ssyncadd.s32 $0xFFFFC000  }
0x220: {  	[spmem:s2] =	stream.indirect.scatter.add.f32 [tilespmem:s26], [sflag:$0x3], $0x80, s7, s25, $0xb8;
	[tilespmem:$0x1D000] =	vst v63  }
0x221: {  	_ =	swait.ge [sflag:s23], $0x4000  }
0x222: {  	[sflag:s23] =	ssyncset.done $0x0  }
0x223: {  	s8 =	simm.s32 $0x300;
	[sflag:s23] =	ssyncadd.s32 $0xFFFFC000  }
0x224: {  	[tilespmem:s26], [sflag:$0x1] =	stream.indirect.gather [hbm4b:s4+s25], $0x80, s8, s25, $0xb8;
	[tilespmem:$0x1D000] =	vst v63  }
0x225: {  	_ =	swait.ge [sflag:s31], $0x4000  }
0x226: {  	[sflag:s31] =	ssyncset.done $0x0  }
0x227: {  	s9 =	simm.s32 $0xA80;
	[sflag:s31] =	ssyncadd.s32 $0xFFFFC000  }
0x228: {  	[spmem:s2] =	stream.indirect.scatter.add.f32 [tilespmem:s28], [sflag:$0x3], $0x80, s9, s25, $0xb8;
	[tilespmem:$0x1D000] =	vst v63  }
0x229: {  	_ =	swait.ge [sflag:s23], $0x4000  }
0x22a: {  	[sflag:s23] =	ssyncset.done $0x0  }
0x22b: {  	s10 =	simm.s32 $0x380;
	[sflag:s23] =	ssyncadd.s32 $0xFFFFC000  }
0x22c: {  	[tilespmem:s28], [sflag:$0x2] =	stream.indirect.gather [hbm4b:s4+s25], $0x80, s10, s25, $0xb8;
	[tilespmem:$0x1D000] =	vst v63  }
0x22d: {  	_ =	swait.ge [sflag:s29], $0x4000  }
0x22e: {  	[sflag:s29] =	ssyncset.done $0x0  }
0x22f: {  	s11 =	simm.s32 $0xB00;
	[sflag:s29] =	ssyncadd.s32 $0xFFFFC000  }
0x230: {  	[spmem:s2] =	stream.indirect.scatter.add.f32 [tilespmem:s26], [sflag:$0x3], $0x80, s11, s25, $0xb8;
	[tilespmem:$0x1D000] =	vst v63  }
0x231: {  	_ =	swait.ge [sflag:s23], $0x4000  }
0x232: {  	[sflag:s23] =	ssyncset.done $0x0  }
0x233: {  	s12 =	simm.s32 $0x400;
	[sflag:s23] =	ssyncadd.s32 $0xFFFFC000  }
0x234: {  	[tilespmem:s26], [sflag:$0x1] =	stream.indirect.gather [hbm4b:s4+s25], $0x80, s12, s25, $0xb8;
	[tilespmem:$0x1D000] =	vst v63  }
0x235: {  	_ =	swait.ge [sflag:s31], $0x4000  }
0x236: {  	[sflag:s31] =	ssyncset.done $0x0  }
0x237: {  	s13 =	simm.s32 $0xB80;
	[sflag:s31] =	ssyncadd.s32 $0xFFFFC000  }
0x238: {  	[spmem:s2] =	stream.indirect.scatter.add.f32 [tilespmem:s28], [sflag:$0x3], $0x80, s13, s25, $0xb8;
	[tilespmem:$0x1D000] =	vst v63  }
0x239: {  	_ =	swait.ge [sflag:s23], $0x4000  }
0x23a: {  	[sflag:s23] =	ssyncset.done $0x0  }
0x23b: {  	s14 =	simm.s32 $0x480;
	[sflag:s23] =	ssyncadd.s32 $0xFFFFC000  }
0x23c: {  	[tilespmem:s28], [sflag:$0x2] =	stream.indirect.gather [hbm4b:s4+s25], $0x80, s14, s25, $0xb8;
	[tilespmem:$0x1D000] =	vst v63  }
0x23d: {  	_ =	swait.ge [sflag:s29], $0x4000  }
0x23e: {  	[sflag:s29] =	ssyncset.done $0x0  }
0x23f: {  	s18 =	simm.s32 $0xC00;
	[sflag:s29] =	ssyncadd.s32 $0xFFFFC000  }
0x240: {  	[spmem:s2] =	stream.indirect.scatter.add.f32 [tilespmem:s26], [sflag:$0x3], $0x80, s18, s25, $0xb8;
	[tilespmem:$0x1D000] =	vst v63  }
0x241: {  	_ =	swait.ge [sflag:s23], $0x4000  }
0x242: {  	[sflag:s23] =	ssyncset.done $0x0  }
0x243: {  	s19 =	simm.s32 $0x500;
	[sflag:s23] =	ssyncadd.s32 $0xFFFFC000  }
0x244: {  	[tilespmem:s26], [sflag:$0x1] =	stream.indirect.gather [hbm4b:s4+s25], $0x80, s19, s25, $0xb8;
	[tilespmem:$0x1D000] =	vst v63  }
0x245: {  	_ =	swait.ge [sflag:s31], $0x4000  }
0x246: {  	[sflag:s31] =	ssyncset.done $0x0  }
0x247: {  	s16 =	simm.s32 $0xC80;
	[sflag:s31] =	ssyncadd.s32 $0xFFFFC000  }
0x248: {  	[spmem:s2] =	stream.indirect.scatter.add.f32 [tilespmem:s28], [sflag:$0x3], $0x80, s16, s25, $0xb8;
	[tilespmem:$0x1D000] =	vst v63  }
0x249: {  	_ =	swait.ge [sflag:s23], $0x4000  }
0x24a: {  	[sflag:s23] =	ssyncset.done $0x0  }
0x24b: {  	s17 =	simm.s32 $0x580;
	[sflag:s23] =	ssyncadd.s32 $0xFFFFC000  }
0x24c: {  	[tilespmem:s28], [sflag:$0x2] =	stream.indirect.gather [hbm4b:s4+s25], $0x80, s17, s25, $0xb8;
	[tilespmem:$0x1D000] =	vst v63  }
0x24d: {  	_ =	swait.ge [sflag:s29], $0x4000  }
0x24e: {  	[sflag:s29] =	ssyncset.done $0x0  }
0x24f: {  	s18 =	simm.s32 $0xD00;
	[sflag:s29] =	ssyncadd.s32 $0xFFFFC000  }
0x250: {  	[spmem:s2] =	stream.indirect.scatter.add.f32 [tilespmem:s26], [sflag:$0x3], $0x80, s18, s25, $0xb8;
	[tilespmem:$0x1D000] =	vst v63  }
0x251: {  	_ =	swait.ge [sflag:s23], $0x4000  }
0x252: {  	[sflag:s23] =	ssyncset.done $0x0  }
0x253: {  	s19 =	simm.s32 $0x600;
	[sflag:s23] =	ssyncadd.s32 $0xFFFFC000  }
0x254: {  	[tilespmem:s26], [sflag:$0x1] =	stream.indirect.gather [hbm4b:s4+s25], $0x80, s19, s25, $0xb8;
	[tilespmem:$0x1D000] =	vst v63  }
0x255: {  	_ =	swait.ge [sflag:s31], $0x4000  }
0x256: {  	[sflag:s31] =	ssyncset.done $0x0  }
0x257: {  	s16 =	simm.s32 $0xD80;
	[sflag:s31] =	ssyncadd.s32 $0xFFFFC000  }
0x258: {  	[spmem:s2] =	stream.indirect.scatter.add.f32 [tilespmem:s28], [sflag:$0x3], $0x80, s16, s25, $0xb8;
	[tilespmem:$0x1D000] =	vst v63  }
0x259: {  	_ =	swait.ge [sflag:s23], $0x4000  }
0x25a: {  	[sflag:s23] =	ssyncset.done $0x0  }
0x25b: {  	s17 =	simm.s32 $0x680;
	[sflag:s23] =	ssyncadd.s32 $0xFFFFC000  }
0x25c: {  	[tilespmem:s28], [sflag:$0x2] =	stream.indirect.gather [hbm4b:s4+s25], $0x80, s17, s25, $0xb8;
	[tilespmem:$0x1D000] =	vst v63  }
0x25d: {  	_ =	swait.ge [sflag:s29], $0x4000  }
0x25e: {  	[sflag:s29] =	ssyncset.done $0x0  }
0x25f: {  	s18 =	simm.s32 $0xE00;
	[sflag:s29] =	ssyncadd.s32 $0xFFFFC000  }
0x260: {  	[spmem:s2] =	stream.indirect.scatter.add.f32 [tilespmem:s26], [sflag:$0x3], $0x80, s18, s25, $0xb8;
	[tilespmem:$0x1D000] =	vst v63  }
0x261: {  	_ =	swait.ge [sflag:s23], $0x4000  }
0x262: {  	[sflag:s23] =	ssyncset.done $0x0  }
0x263: {  	s19 =	simm.s32 $0x700;
	[sflag:s23] =	ssyncadd.s32 $0xFFFFC000  }
0x264: {  	[tilespmem:s26], [sflag:$0x1] =	stream.indirect.gather [hbm4b:s4+s25], $0x80, s19, s25, $0xb8;
	[tilespmem:$0x1D000] =	vst v63  }
0x265: {  	_ =	swait.ge [sflag:s31], $0x4000  }
0x266: {  	[sflag:s31] =	ssyncset.done $0x0  }
0x267: {  	s16 =	simm.s32 $0xE80;
	[sflag:s31] =	ssyncadd.s32 $0xFFFFC000  }
0x268: {  	[spmem:s2] =	stream.indirect.scatter.add.f32 [tilespmem:s28], [sflag:$0x3], $0x80, s16, s25, $0xb8;
	[tilespmem:$0x1D000] =	vst v63  }
0x269: {  	_ =	swait.ge [sflag:s23], $0x4000  }
0x26a: {  	[sflag:s23] =	ssyncset.done $0x0  }
0x26b: {  	s17 =	simm.s32 $0x780;
	[sflag:s23] =	ssyncadd.s32 $0xFFFFC000  }
0x26c: {  	[tilespmem:s28], [sflag:$0x2] =	stream.indirect.gather [hbm4b:s4+s25], $0x80, s17, s25, $0xb8;
	[tilespmem:$0x1D000] =	vst v63  }
0x26d: {  	_ =	swait.ge [sflag:s29], $0x4000  }
0x26e: {  	[sflag:s29] =	ssyncset.done $0x0  }
0x26f: {  	s18 =	simm.s32 $0xF00;
	[sflag:s29] =	ssyncadd.s32 $0xFFFFC000  }
0x270: {  	[spmem:s2] =	stream.indirect.scatter.add.f32 [tilespmem:s26], [sflag:$0x3], $0x80, s18, s25, $0xb8;
	[tilespmem:$0x1D000] =	vst v63  }
0x271: {  	_ =	swait.ge [sflag:s23], $0x4000  }
0x272: {  	[sflag:s23] =	ssyncset.done $0x0  }
0x273: {  	[sflag:s23] =	ssyncadd.s32 $0xFFFFC000  }
0x274: {  	_ =	swait.ge [sflag:s31], $0x4000  }
0x275: {  	[sflag:s31] =	ssyncset.done $0x0  }
0x276: {  	s19 =	simm.s32 $0xF80;
	[sflag:s31] =	ssyncadd.s32 $0xFFFFC000  }
0x277: {  	[spmem:s2] =	stream.indirect.scatter.add.f32 [tilespmem:s28], [sflag:$0x3], $0x80, s19, s25, $0xb8;
	[tilespmem:$0x1D000] =	vst v63  }
0x278: {  	_ =	swait.ge [sflag:s23], $0x4000  }
0x279: {  	s15 =	simm.s32 $0x100;
	s16 =	simm.s32 $0x200;
	[sflag:s23] =	ssyncset.done $0x0  }
.LBB2_3:
0x27a: {  	s18 =	sadd.s32 s15, s22  }
0x27b: {  	[sflag:s23] =	ssyncadd.s32 $0xFFFFC000;
	s19 =	smov.u32 s16;
	s17 =	sadd.s32 $0x100, s16  }
0x27c: {  	[tilespmem:s3], [sflag:$0x3] =	stream.linear.gather [hbm4b:s18+s3], $0x800, $0x38;
	[tilespmem:$0x1D000] =	vst v63  }
0x27d: {  	s18 =	simm.s32 $0x100  }
0x27e: {  	p1 =	seq.s32 s16, $0x900;
	_ =	swait.ge [sflag:s23], $0x800  }
0x27f: {  	s16 =	sadd.s32 s15, s21;
	[sflag:s23] =	ssyncset.done $0x0  }
0x280: {  	s15 =	smov.u32 s19;
	s19 =	simm.s32 $0x880;
	[sflag:s23] =	ssyncadd.s32 $0xFFFFF800  }
0x281: {  	[tilespmem:s24], [sflag:$0x3] =	stream.linear.gather [hbm4b:s16+s3], $0x800, $0x38;
	[tilespmem:$0x1D000] =	vst v63  }
0x282: {  	_ =	swait.ge [sflag:s23], $0x800  }
0x283: {  	[sflag:s23] =	ssyncset.done $0x0  }
0x284: {  	[sflag:s23] =	ssyncadd.s32 $0xFFFFF800  }
0x285: {  	[tilespmem:s26], [sflag:$0x1] =	stream.indirect.gather [hbm4b:s4+s25], $0x80, s3, s25, $0xb8;
	[tilespmem:$0x1D000] =	vst v63  }
0x286: {  	_ = 	snop  }
0x287: {  	[tilespmem:s28], [sflag:$0x2] =	stream.indirect.gather [hbm4b:s4+s25], $0x80, s25, s25, $0xb8;
	[tilespmem:$0x1D000] =	vst v63  }
0x288: {  	_ =	swait.ge [sflag:s29], $0x4000  }
0x289: {  	[sflag:s29] =	ssyncset.done $0x0  }
0x28a: {  	[sflag:s29] =	ssyncadd.s32 $0xFFFFC000  }
0x28b: {  	[spmem:s2] =	stream.indirect.scatter.add.f32 [tilespmem:s26], [sflag:$0x3], $0x80, s24, s25, $0xb8;
	[tilespmem:$0x1D000] =	vst v63  }
0x28c: {  	_ =	swait.ge [sflag:s23], $0x4000  }
0x28d: {  	[sflag:s23] =	ssyncset.done $0x0  }
0x28e: {  	[sflag:s23] =	ssyncadd.s32 $0xFFFFC000  }
0x28f: {  	[tilespmem:s26], [sflag:$0x1] =	stream.indirect.gather [hbm4b:s4+s25], $0x80, s18, s25, $0xb8;
	[tilespmem:$0x1D000] =	vst v63  }
0x290: {  	_ =	swait.ge [sflag:s31], $0x4000  }
0x291: {  	[sflag:s31] =	ssyncset.done $0x0  }
0x292: {  	[sflag:s31] =	ssyncadd.s32 $0xFFFFC000  }
0x293: {  	[spmem:s2] =	stream.indirect.scatter.add.f32 [tilespmem:s28], [sflag:$0x3], $0x80, s19, s25, $0xb8;
	[tilespmem:$0x1D000] =	vst v63  }
0x294: {  	_ =	swait.ge [sflag:s23], $0x4000  }
0x295: {  	[sflag:s23] =	ssyncset.done $0x0  }
0x296: {  	[sflag:s23] =	ssyncadd.s32 $0xFFFFC000  }
0x297: {  	[tilespmem:s28], [sflag:$0x2] =	stream.indirect.gather [hbm4b:s4+s25], $0x80, s6, s25, $0xb8;
	[tilespmem:$0x1D000] =	vst v63  }
0x298: {  	_ =	swait.ge [sflag:s29], $0x4000  }
0x299: {  	[sflag:s29] =	ssyncset.done $0x0  }
0x29a: {  	[sflag:s29] =	ssyncadd.s32 $0xFFFFC000  }
0x29b: {  	[spmem:s2] =	stream.indirect.scatter.add.f32 [tilespmem:s26], [sflag:$0x3], $0x80, s20, s25, $0xb8;
	[tilespmem:$0x1D000] =	vst v63  }
0x29c: {  	_ =	swait.ge [sflag:s23], $0x4000  }
0x29d: {  	[sflag:s23] =	ssyncset.done $0x0  }
0x29e: {  	[sflag:s23] =	ssyncadd.s32 $0xFFFFC000  }
0x29f: {  	[tilespmem:s26], [sflag:$0x1] =	stream.indirect.gather [hbm4b:s4+s25], $0x80, s30, s25, $0xb8;
	[tilespmem:$0x1D000] =	vst v63  }
0x2a0: {  	_ =	swait.ge [sflag:s31], $0x4000  }
0x2a1: {  	[sflag:s31] =	ssyncset.done $0x0  }
0x2a2: {  	[sflag:s31] =	ssyncadd.s32 $0xFFFFC000  }
0x2a3: {  	[spmem:s2] =	stream.indirect.scatter.add.f32 [tilespmem:s28], [sflag:$0x3], $0x80, s0, s25, $0xb8;
	[tilespmem:$0x1D000] =	vst v63  }
0x2a4: {  	_ =	swait.ge [sflag:s23], $0x4000  }
0x2a5: {  	[sflag:s23] =	ssyncset.done $0x0  }
0x2a6: {  	[sflag:s23] =	ssyncadd.s32 $0xFFFFC000  }
0x2a7: {  	[tilespmem:s28], [sflag:$0x2] =	stream.indirect.gather [hbm4b:s4+s25], $0x80, s1, s25, $0xb8;
	[tilespmem:$0x1D000] =	vst v63  }
0x2a8: {  	_ =	swait.ge [sflag:s29], $0x4000  }
0x2a9: {  	[sflag:s29] =	ssyncset.done $0x0  }
0x2aa: {  	[sflag:s29] =	ssyncadd.s32 $0xFFFFC000  }
0x2ab: {  	[spmem:s2] =	stream.indirect.scatter.add.f32 [tilespmem:s26], [sflag:$0x3], $0x80, s7, s25, $0xb8;
	[tilespmem:$0x1D000] =	vst v63  }
0x2ac: {  	_ =	swait.ge [sflag:s23], $0x4000  }
0x2ad: {  	[sflag:s23] =	ssyncset.done $0x0  }
0x2ae: {  	[sflag:s23] =	ssyncadd.s32 $0xFFFFC000  }
0x2af: {  	[tilespmem:s26], [sflag:$0x1] =	stream.indirect.gather [hbm4b:s4+s25], $0x80, s8, s25, $0xb8;
	[tilespmem:$0x1D000] =	vst v63  }
0x2b0: {  	_ =	swait.ge [sflag:s31], $0x4000  }
0x2b1: {  	[sflag:s31] =	ssyncset.done $0x0  }
0x2b2: {  	[sflag:s31] =	ssyncadd.s32 $0xFFFFC000  }
0x2b3: {  	[spmem:s2] =	stream.indirect.scatter.add.f32 [tilespmem:s28], [sflag:$0x3], $0x80, s9, s25, $0xb8;
	[tilespmem:$0x1D000] =	vst v63  }
0x2b4: {  	_ =	swait.ge [sflag:s23], $0x4000  }
0x2b5: {  	[sflag:s23] =	ssyncset.done $0x0  }
0x2b6: {  	[sflag:s23] =	ssyncadd.s32 $0xFFFFC000  }
0x2b7: {  	[tilespmem:s28], [sflag:$0x2] =	stream.indirect.gather [hbm4b:s4+s25], $0x80, s10, s25, $0xb8;
	[tilespmem:$0x1D000] =	vst v63  }
0x2b8: {  	_ =	swait.ge [sflag:s29], $0x4000  }
0x2b9: {  	[sflag:s29] =	ssyncset.done $0x0  }
0x2ba: {  	[sflag:s29] =	ssyncadd.s32 $0xFFFFC000  }
0x2bb: {  	[spmem:s2] =	stream.indirect.scatter.add.f32 [tilespmem:s26], [sflag:$0x3], $0x80, s11, s25, $0xb8;
	[tilespmem:$0x1D000] =	vst v63  }
0x2bc: {  	_ =	swait.ge [sflag:s23], $0x4000  }
0x2bd: {  	[sflag:s23] =	ssyncset.done $0x0  }
0x2be: {  	[sflag:s23] =	ssyncadd.s32 $0xFFFFC000  }
0x2bf: {  	[tilespmem:s26], [sflag:$0x1] =	stream.indirect.gather [hbm4b:s4+s25], $0x80, s12, s25, $0xb8;
	[tilespmem:$0x1D000] =	vst v63  }
0x2c0: {  	_ =	swait.ge [sflag:s31], $0x4000  }
0x2c1: {  	[sflag:s31] =	ssyncset.done $0x0  }
0x2c2: {  	[sflag:s31] =	ssyncadd.s32 $0xFFFFC000  }
0x2c3: {  	[spmem:s2] =	stream.indirect.scatter.add.f32 [tilespmem:s28], [sflag:$0x3], $0x80, s13, s25, $0xb8;
	[tilespmem:$0x1D000] =	vst v63  }
0x2c4: {  	_ =	swait.ge [sflag:s23], $0x4000  }
0x2c5: {  	[sflag:s23] =	ssyncset.done $0x0  }
0x2c6: {  	[sflag:s23] =	ssyncadd.s32 $0xFFFFC000  }
0x2c7: {  	[tilespmem:s28], [sflag:$0x2] =	stream.indirect.gather [hbm4b:s4+s25], $0x80, s14, s25, $0xb8;
	[tilespmem:$0x1D000] =	vst v63  }
0x2c8: {  	_ =	swait.ge [sflag:s29], $0x4000  }
0x2c9: {  	[sflag:s29] =	ssyncset.done $0x0  }
0x2ca: {  	s16 =	simm.s32 $0xC00;
	[sflag:s29] =	ssyncadd.s32 $0xFFFFC000  }
0x2cb: {  	[spmem:s2] =	stream.indirect.scatter.add.f32 [tilespmem:s26], [sflag:$0x3], $0x80, s16, s25, $0xb8;
	[tilespmem:$0x1D000] =	vst v63  }
0x2cc: {  	_ =	swait.ge [sflag:s23], $0x4000  }
0x2cd: {  	[sflag:s23] =	ssyncset.done $0x0  }
0x2ce: {  	s16 =	simm.s32 $0x500;
	[sflag:s23] =	ssyncadd.s32 $0xFFFFC000  }
0x2cf: {  	[tilespmem:s26], [sflag:$0x1] =	stream.indirect.gather [hbm4b:s4+s25], $0x80, s16, s25, $0xb8;
	[tilespmem:$0x1D000] =	vst v63  }
0x2d0: {  	_ =	swait.ge [sflag:s31], $0x4000  }
0x2d1: {  	[sflag:s31] =	ssyncset.done $0x0  }
0x2d2: {  	s16 =	simm.s32 $0xC80;
	[sflag:s31] =	ssyncadd.s32 $0xFFFFC000  }
0x2d3: {  	[spmem:s2] =	stream.indirect.scatter.add.f32 [tilespmem:s28], [sflag:$0x3], $0x80, s16, s25, $0xb8;
	[tilespmem:$0x1D000] =	vst v63  }
0x2d4: {  	_ =	swait.ge [sflag:s23], $0x4000  }
0x2d5: {  	[sflag:s23] =	ssyncset.done $0x0  }
0x2d6: {  	s16 =	simm.s32 $0x580;
	[sflag:s23] =	ssyncadd.s32 $0xFFFFC000  }
0x2d7: {  	[tilespmem:s28], [sflag:$0x2] =	stream.indirect.gather [hbm4b:s4+s25], $0x80, s16, s25, $0xb8;
	[tilespmem:$0x1D000] =	vst v63  }
0x2d8: {  	_ =	swait.ge [sflag:s29], $0x4000  }
0x2d9: {  	[sflag:s29] =	ssyncset.done $0x0  }
0x2da: {  	s16 =	simm.s32 $0xD00;
	[sflag:s29] =	ssyncadd.s32 $0xFFFFC000  }
0x2db: {  	[spmem:s2] =	stream.indirect.scatter.add.f32 [tilespmem:s26], [sflag:$0x3], $0x80, s16, s25, $0xb8;
	[tilespmem:$0x1D000] =	vst v63  }
0x2dc: {  	_ =	swait.ge [sflag:s23], $0x4000  }
0x2dd: {  	[sflag:s23] =	ssyncset.done $0x0  }
0x2de: {  	s16 =	simm.s32 $0x600;
	[sflag:s23] =	ssyncadd.s32 $0xFFFFC000  }
0x2df: {  	[tilespmem:s26], [sflag:$0x1] =	stream.indirect.gather [hbm4b:s4+s25], $0x80, s16, s25, $0xb8;
	[tilespmem:$0x1D000] =	vst v63  }
0x2e0: {  	_ =	swait.ge [sflag:s31], $0x4000  }
0x2e1: {  	[sflag:s31] =	ssyncset.done $0x0  }
0x2e2: {  	s16 =	simm.s32 $0xD80;
	[sflag:s31] =	ssyncadd.s32 $0xFFFFC000  }
0x2e3: {  	[spmem:s2] =	stream.indirect.scatter.add.f32 [tilespmem:s28], [sflag:$0x3], $0x80, s16, s25, $0xb8;
	[tilespmem:$0x1D000] =	vst v63  }
0x2e4: {  	_ =	swait.ge [sflag:s23], $0x4000  }
0x2e5: {  	[sflag:s23] =	ssyncset.done $0x0  }
0x2e6: {  	s16 =	simm.s32 $0x680;
	[sflag:s23] =	ssyncadd.s32 $0xFFFFC000  }
0x2e7: {  	[tilespmem:s28], [sflag:$0x2] =	stream.indirect.gather [hbm4b:s4+s25], $0x80, s16, s25, $0xb8;
	[tilespmem:$0x1D000] =	vst v63  }
0x2e8: {  	_ =	swait.ge [sflag:s29], $0x4000  }
0x2e9: {  	[sflag:s29] =	ssyncset.done $0x0  }
0x2ea: {  	s16 =	simm.s32 $0xE00;
	[sflag:s29] =	ssyncadd.s32 $0xFFFFC000  }
0x2eb: {  	[spmem:s2] =	stream.indirect.scatter.add.f32 [tilespmem:s26], [sflag:$0x3], $0x80, s16, s25, $0xb8;
	[tilespmem:$0x1D000] =	vst v63  }
0x2ec: {  	_ =	swait.ge [sflag:s23], $0x4000  }
0x2ed: {  	[sflag:s23] =	ssyncset.done $0x0  }
0x2ee: {  	s16 =	simm.s32 $0x700;
	[sflag:s23] =	ssyncadd.s32 $0xFFFFC000  }
0x2ef: {  	[tilespmem:s26], [sflag:$0x1] =	stream.indirect.gather [hbm4b:s4+s25], $0x80, s16, s25, $0xb8;
	[tilespmem:$0x1D000] =	vst v63  }
0x2f0: {  	_ =	swait.ge [sflag:s31], $0x4000  }
0x2f1: {  	[sflag:s31] =	ssyncset.done $0x0  }
0x2f2: {  	s16 =	simm.s32 $0xE80;
	[sflag:s31] =	ssyncadd.s32 $0xFFFFC000  }
0x2f3: {  	[spmem:s2] =	stream.indirect.scatter.add.f32 [tilespmem:s28], [sflag:$0x3], $0x80, s16, s25, $0xb8;
	[tilespmem:$0x1D000] =	vst v63  }
0x2f4: {  	_ =	swait.ge [sflag:s23], $0x4000  }
0x2f5: {  	[sflag:s23] =	ssyncset.done $0x0  }
0x2f6: {  	s16 =	simm.s32 $0x780;
	[sflag:s23] =	ssyncadd.s32 $0xFFFFC000  }
0x2f7: {  	[tilespmem:s28], [sflag:$0x2] =	stream.indirect.gather [hbm4b:s4+s25], $0x80, s16, s25, $0xb8;
	[tilespmem:$0x1D000] =	vst v63  }
0x2f8: {  	_ =	swait.ge [sflag:s29], $0x4000  }
0x2f9: {  	[sflag:s29] =	ssyncset.done $0x0  }
0x2fa: {  	s16 =	simm.s32 $0xF00;
	[sflag:s29] =	ssyncadd.s32 $0xFFFFC000  }
0x2fb: {  	[spmem:s2] =	stream.indirect.scatter.add.f32 [tilespmem:s26], [sflag:$0x3], $0x80, s16, s25, $0xb8;
	[tilespmem:$0x1D000] =	vst v63  }
0x2fc: {  	_ =	swait.ge [sflag:s23], $0x4000  }
0x2fd: {  	[sflag:s23] =	ssyncset.done $0x0  }
0x2fe: {  	[sflag:s23] =	ssyncadd.s32 $0xFFFFC000  }
0x2ff: {  	_ =	swait.ge [sflag:s31], $0x4000  }
.Ltmp5:
0x300: {  	[sflag:s31] =	ssyncset.done $0x0;
	(pc) =	sbr.rel @!p1 .LBB2_3-.Ltmp5, $4  }
0x301: {  	s16 =	simm.s32 $0xF80;
	[sflag:s31] =	ssyncadd.s32 $0xFFFFC000  }
0x302: {  	[spmem:s2] =	stream.indirect.scatter.add.f32 [tilespmem:s28], [sflag:$0x3], $0x80, s16, s25, $0xb8;
	[tilespmem:$0x1D000] =	vst v63  }
0x303: {  	_ =	swait.ge [sflag:s23], $0x4000  }
0x304: {  	s16 =	smov.u32 s17;
	[sflag:s23] =	ssyncset.done $0x0  }
0x305: {  	s16 =	sadd.s32 s15, s22;
	[sflag:s23] =	ssyncadd.s32 $0xFFFFC000  }
0x306: {  	[tilespmem:s3], [sflag:$0x3] =	stream.linear.gather [hbm4b:s16+s3], $0x800, $0x38;
	[tilespmem:$0x1D000] =	vst v63  }
0x307: {  	_ =	swait.ge [sflag:s23], $0x800  }
0x308: {  	[sflag:s23] =	ssyncset.done $0x0  }
0x309: {  	s17 =	sadd.s32 s15, s21;
	[sflag:s23] =	ssyncadd.s32 $0xFFFFF800  }
0x30a: {  	[tilespmem:s24], [sflag:$0x3] =	stream.linear.gather [hbm4b:s17+s3], $0x800, $0x38;
	[tilespmem:$0x1D000] =	vst v63  }
0x30b: {  	_ =	swait.ge [sflag:s23], $0x800  }
0x30c: {  	[sflag:s23] =	ssyncset.done $0x0  }
0x30d: {  	[sflag:s23] =	ssyncadd.s32 $0xFFFFF800  }
0x30e: {  	[tilespmem:s26], [sflag:$0x1] =	stream.indirect.gather [hbm4b:s4+s25], $0x80, s3, s25, $0xb8;
	[tilespmem:$0x1D000] =	vst v63  }
0x30f: {  	_ = 	snop  }
0x310: {  	[tilespmem:s28], [sflag:$0x2] =	stream.indirect.gather [hbm4b:s4+s25], $0x80, s25, s25, $0xb8;
	[tilespmem:$0x1D000] =	vst v63  }
0x311: {  	_ =	swait.ge [sflag:s29], $0x4000  }
0x312: {  	[sflag:s29] =	ssyncset.done $0x0  }
0x313: {  	[sflag:s29] =	ssyncadd.s32 $0xFFFFC000  }
0x314: {  	[spmem:s2] =	stream.indirect.scatter.add.f32 [tilespmem:s26], [sflag:$0x3], $0x80, s24, s25, $0xb8;
	[tilespmem:$0x1D000] =	vst v63  }
0x315: {  	_ =	swait.ge [sflag:s23], $0x4000  }
0x316: {  	[sflag:s23] =	ssyncset.done $0x0  }
0x317: {  	[sflag:s23] =	ssyncadd.s32 $0xFFFFC000  }
0x318: {  	[tilespmem:s26], [sflag:$0x1] =	stream.indirect.gather [hbm4b:s4+s25], $0x80, s18, s25, $0xb8;
	[tilespmem:$0x1D000] =	vst v63  }
0x319: {  	_ =	swait.ge [sflag:s31], $0x4000  }
0x31a: {  	[sflag:s31] =	ssyncset.done $0x0  }
0x31b: {  	[sflag:s31] =	ssyncadd.s32 $0xFFFFC000  }
0x31c: {  	[spmem:s2] =	stream.indirect.scatter.add.f32 [tilespmem:s28], [sflag:$0x3], $0x80, s19, s25, $0xb8;
	[tilespmem:$0x1D000] =	vst v63  }
0x31d: {  	_ =	swait.ge [sflag:s23], $0x4000  }
0x31e: {  	[sflag:s23] =	ssyncset.done $0x0  }
0x31f: {  	[sflag:s23] =	ssyncadd.s32 $0xFFFFC000  }
0x320: {  	[tilespmem:s28], [sflag:$0x2] =	stream.indirect.gather [hbm4b:s4+s25], $0x80, s6, s25, $0xb8;
	[tilespmem:$0x1D000] =	vst v63  }
0x321: {  	_ =	swait.ge [sflag:s29], $0x4000  }
0x322: {  	[sflag:s29] =	ssyncset.done $0x0  }
0x323: {  	[sflag:s29] =	ssyncadd.s32 $0xFFFFC000  }
0x324: {  	[spmem:s2] =	stream.indirect.scatter.add.f32 [tilespmem:s26], [sflag:$0x3], $0x80, s20, s25, $0xb8;
	[tilespmem:$0x1D000] =	vst v63  }
0x325: {  	_ =	swait.ge [sflag:s23], $0x4000  }
0x326: {  	[sflag:s23] =	ssyncset.done $0x0  }
0x327: {  	[sflag:s23] =	ssyncadd.s32 $0xFFFFC000  }
0x328: {  	[tilespmem:s26], [sflag:$0x1] =	stream.indirect.gather [hbm4b:s4+s25], $0x80, s30, s25, $0xb8;
	[tilespmem:$0x1D000] =	vst v63  }
0x329: {  	_ =	swait.ge [sflag:s31], $0x4000  }
0x32a: {  	[sflag:s31] =	ssyncset.done $0x0  }
0x32b: {  	[sflag:s31] =	ssyncadd.s32 $0xFFFFC000  }
0x32c: {  	[spmem:s2] =	stream.indirect.scatter.add.f32 [tilespmem:s28], [sflag:$0x3], $0x80, s0, s25, $0xb8;
	[tilespmem:$0x1D000] =	vst v63  }
0x32d: {  	_ =	swait.ge [sflag:s23], $0x4000  }
0x32e: {  	[sflag:s23] =	ssyncset.done $0x0  }
0x32f: {  	[sflag:s23] =	ssyncadd.s32 $0xFFFFC000  }
0x330: {  	[tilespmem:s28], [sflag:$0x2] =	stream.indirect.gather [hbm4b:s4+s25], $0x80, s1, s25, $0xb8;
	[tilespmem:$0x1D000] =	vst v63  }
0x331: {  	_ =	swait.ge [sflag:s29], $0x4000  }
0x332: {  	[sflag:s29] =	ssyncset.done $0x0  }
0x333: {  	[sflag:s29] =	ssyncadd.s32 $0xFFFFC000  }
0x334: {  	[spmem:s2] =	stream.indirect.scatter.add.f32 [tilespmem:s26], [sflag:$0x3], $0x80, s7, s25, $0xb8;
	[tilespmem:$0x1D000] =	vst v63  }
0x335: {  	_ =	swait.ge [sflag:s23], $0x4000  }
0x336: {  	[sflag:s23] =	ssyncset.done $0x0  }
0x337: {  	[sflag:s23] =	ssyncadd.s32 $0xFFFFC000  }
0x338: {  	[tilespmem:s26], [sflag:$0x1] =	stream.indirect.gather [hbm4b:s4+s25], $0x80, s8, s25, $0xb8;
	[tilespmem:$0x1D000] =	vst v63  }
0x339: {  	_ =	swait.ge [sflag:s31], $0x4000  }
0x33a: {  	[sflag:s31] =	ssyncset.done $0x0  }
0x33b: {  	[sflag:s31] =	ssyncadd.s32 $0xFFFFC000  }
0x33c: {  	[spmem:s2] =	stream.indirect.scatter.add.f32 [tilespmem:s28], [sflag:$0x3], $0x80, s9, s25, $0xb8;
	[tilespmem:$0x1D000] =	vst v63  }
0x33d: {  	_ =	swait.ge [sflag:s23], $0x4000  }
0x33e: {  	[sflag:s23] =	ssyncset.done $0x0  }
0x33f: {  	[sflag:s23] =	ssyncadd.s32 $0xFFFFC000  }
0x340: {  	[tilespmem:s28], [sflag:$0x2] =	stream.indirect.gather [hbm4b:s4+s25], $0x80, s10, s25, $0xb8;
	[tilespmem:$0x1D000] =	vst v63  }
0x341: {  	_ =	swait.ge [sflag:s29], $0x4000  }
0x342: {  	[sflag:s29] =	ssyncset.done $0x0  }
0x343: {  	[sflag:s29] =	ssyncadd.s32 $0xFFFFC000  }
0x344: {  	[spmem:s2] =	stream.indirect.scatter.add.f32 [tilespmem:s26], [sflag:$0x3], $0x80, s11, s25, $0xb8;
	[tilespmem:$0x1D000] =	vst v63  }
0x345: {  	_ =	swait.ge [sflag:s23], $0x4000  }
0x346: {  	[sflag:s23] =	ssyncset.done $0x0  }
0x347: {  	[sflag:s23] =	ssyncadd.s32 $0xFFFFC000  }
0x348: {  	[tilespmem:s26], [sflag:$0x1] =	stream.indirect.gather [hbm4b:s4+s25], $0x80, s12, s25, $0xb8;
	[tilespmem:$0x1D000] =	vst v63  }
0x349: {  	_ =	swait.ge [sflag:s31], $0x4000  }
0x34a: {  	[sflag:s31] =	ssyncset.done $0x0  }
0x34b: {  	[sflag:s31] =	ssyncadd.s32 $0xFFFFC000  }
0x34c: {  	[spmem:s2] =	stream.indirect.scatter.add.f32 [tilespmem:s28], [sflag:$0x3], $0x80, s13, s25, $0xb8;
	[tilespmem:$0x1D000] =	vst v63  }
0x34d: {  	_ =	swait.ge [sflag:s23], $0x4000  }
0x34e: {  	[sflag:s23] =	ssyncset.done $0x0  }
0x34f: {  	[sflag:s23] =	ssyncadd.s32 $0xFFFFC000  }
0x350: {  	[tilespmem:s28], [sflag:$0x2] =	stream.indirect.gather [hbm4b:s4+s25], $0x80, s14, s25, $0xb8;
	[tilespmem:$0x1D000] =	vst v63  }
0x351: {  	_ =	swait.ge [sflag:s29], $0x4000  }
0x352: {  	[sflag:s29] =	ssyncset.done $0x0  }
0x353: {  	s6 =	simm.s32 $0xC00;
	[sflag:s29] =	ssyncadd.s32 $0xFFFFC000  }
0x354: {  	[spmem:s2] =	stream.indirect.scatter.add.f32 [tilespmem:s26], [sflag:$0x3], $0x80, s6, s25, $0xb8;
	[tilespmem:$0x1D000] =	vst v63  }
0x355: {  	_ =	swait.ge [sflag:s23], $0x4000  }
0x356: {  	[sflag:s23] =	ssyncset.done $0x0  }
0x357: {  	s7 =	simm.s32 $0x500;
	[sflag:s23] =	ssyncadd.s32 $0xFFFFC000  }
0x358: {  	[tilespmem:s26], [sflag:$0x1] =	stream.indirect.gather [hbm4b:s4+s25], $0x80, s7, s25, $0xb8;
	[tilespmem:$0x1D000] =	vst v63  }
0x359: {  	_ =	swait.ge [sflag:s31], $0x4000  }
0x35a: {  	[sflag:s31] =	ssyncset.done $0x0  }
0x35b: {  	s8 =	simm.s32 $0xC80;
	[sflag:s31] =	ssyncadd.s32 $0xFFFFC000  }
0x35c: {  	[spmem:s2] =	stream.indirect.scatter.add.f32 [tilespmem:s28], [sflag:$0x3], $0x80, s8, s25, $0xb8;
	[tilespmem:$0x1D000] =	vst v63  }
0x35d: {  	_ =	swait.ge [sflag:s23], $0x4000  }
0x35e: {  	[sflag:s23] =	ssyncset.done $0x0  }
0x35f: {  	s9 =	simm.s32 $0x580;
	[sflag:s23] =	ssyncadd.s32 $0xFFFFC000  }
0x360: {  	[tilespmem:s28], [sflag:$0x2] =	stream.indirect.gather [hbm4b:s4+s25], $0x80, s9, s25, $0xb8;
	[tilespmem:$0x1D000] =	vst v63  }
0x361: {  	_ =	swait.ge [sflag:s29], $0x4000  }
0x362: {  	[sflag:s29] =	ssyncset.done $0x0  }
0x363: {  	s10 =	simm.s32 $0xD00;
	[sflag:s29] =	ssyncadd.s32 $0xFFFFC000  }
0x364: {  	[spmem:s2] =	stream.indirect.scatter.add.f32 [tilespmem:s26], [sflag:$0x3], $0x80, s10, s25, $0xb8;
	[tilespmem:$0x1D000] =	vst v63  }
0x365: {  	_ =	swait.ge [sflag:s23], $0x4000  }
0x366: {  	[sflag:s23] =	ssyncset.done $0x0  }
0x367: {  	s11 =	simm.s32 $0x600;
	[sflag:s23] =	ssyncadd.s32 $0xFFFFC000  }
0x368: {  	[tilespmem:s26], [sflag:$0x1] =	stream.indirect.gather [hbm4b:s4+s25], $0x80, s11, s25, $0xb8;
	[tilespmem:$0x1D000] =	vst v63  }
0x369: {  	_ =	swait.ge [sflag:s31], $0x4000  }
0x36a: {  	[sflag:s31] =	ssyncset.done $0x0  }
0x36b: {  	s12 =	simm.s32 $0xD80;
	[sflag:s31] =	ssyncadd.s32 $0xFFFFC000  }
0x36c: {  	[spmem:s2] =	stream.indirect.scatter.add.f32 [tilespmem:s28], [sflag:$0x3], $0x80, s12, s25, $0xb8;
	[tilespmem:$0x1D000] =	vst v63  }
0x36d: {  	_ =	swait.ge [sflag:s23], $0x4000  }
0x36e: {  	[sflag:s23] =	ssyncset.done $0x0  }
0x36f: {  	s13 =	simm.s32 $0x680;
	[sflag:s23] =	ssyncadd.s32 $0xFFFFC000  }
0x370: {  	[tilespmem:s28], [sflag:$0x2] =	stream.indirect.gather [hbm4b:s4+s25], $0x80, s13, s25, $0xb8;
	[tilespmem:$0x1D000] =	vst v63  }
0x371: {  	_ =	swait.ge [sflag:s29], $0x4000  }
0x372: {  	[sflag:s29] =	ssyncset.done $0x0  }
0x373: {  	s14 =	simm.s32 $0xE00;
	[sflag:s29] =	ssyncadd.s32 $0xFFFFC000  }
0x374: {  	[spmem:s2] =	stream.indirect.scatter.add.f32 [tilespmem:s26], [sflag:$0x3], $0x80, s14, s25, $0xb8;
	[tilespmem:$0x1D000] =	vst v63  }
0x375: {  	_ =	swait.ge [sflag:s23], $0x4000  }
0x376: {  	[sflag:s23] =	ssyncset.done $0x0  }
0x377: {  	s15 =	simm.s32 $0x700;
	[sflag:s23] =	ssyncadd.s32 $0xFFFFC000  }
0x378: {  	[tilespmem:s26], [sflag:$0x1] =	stream.indirect.gather [hbm4b:s4+s25], $0x80, s15, s25, $0xb8;
	[tilespmem:$0x1D000] =	vst v63  }
0x379: {  	_ =	swait.ge [sflag:s31], $0x4000  }
0x37a: {  	[sflag:s31] =	ssyncset.done $0x0  }
0x37b: {  	s16 =	simm.s32 $0xE80;
	[sflag:s31] =	ssyncadd.s32 $0xFFFFC000  }
0x37c: {  	[spmem:s2] =	stream.indirect.scatter.add.f32 [tilespmem:s28], [sflag:$0x3], $0x80, s16, s25, $0xb8;
	[tilespmem:$0x1D000] =	vst v63  }
0x37d: {  	_ =	swait.ge [sflag:s23], $0x4000  }
0x37e: {  	[sflag:s23] =	ssyncset.done $0x0  }
0x37f: {  	s17 =	simm.s32 $0x780;
	[sflag:s23] =	ssyncadd.s32 $0xFFFFC000  }
0x380: {  	[tilespmem:s28], [sflag:$0x2] =	stream.indirect.gather [hbm4b:s4+s25], $0x80, s17, s25, $0xb8;
	[tilespmem:$0x1D000] =	vst v63  }
0x381: {  	_ =	swait.ge [sflag:s29], $0x4000  }
0x382: {  	[sflag:s29] =	ssyncset.done $0x0  }
0x383: {  	s20 =	simm.s32 $0xF00;
	[sflag:s29] =	ssyncadd.s32 $0xFFFFC000  }
0x384: {  	[spmem:s2] =	stream.indirect.scatter.add.f32 [tilespmem:s26], [sflag:$0x3], $0x80, s20, s25, $0xb8;
	[tilespmem:$0x1D000] =	vst v63  }
0x385: {  	_ =	swait.ge [sflag:s23], $0x4000  }
0x386: {  	[sflag:s23] =	ssyncset.done $0x0  }
0x387: {  	[sflag:s23] =	ssyncadd.s32 $0xFFFFC000  }
0x388: {  	_ =	swait.ge [sflag:s31], $0x4000  }
0x389: {  	[sflag:s31] =	ssyncset.done $0x0  }
.Ltmp6:
0x38a: {  	s30 =	simm.s32 $0xF80;
	[sflag:s31] =	ssyncadd.s32 $0xFFFFC000;
	(pc) =	sbr.rel .LBB2_8-.Ltmp6, $4  }
0x38b: {  	[spmem:s2] =	stream.indirect.scatter.add.f32 [tilespmem:s28], [sflag:$0x3], $0x80, s30, s25, $0xb8;
	[tilespmem:$0x1D000] =	vst v63  }
0x38c: {  	_ =	swait.ge [sflag:s23], $0x4000  }
0x38d: {  	[sflag:s23] =	ssyncset.done $0x0;
	s15 =	rddreg [dreg:$0x4]  }
0x38e: {  	s0 =	rddreg [dreg:$0x12];
	[sflag:s23] =	ssyncadd.s32 $0xFFFFC000  }
.LBB2_9:
0x38f: {  	_ =	sfence.sel $0x180000  }
0x390: {  	[bflag:$0x0] =	sbarrier.arrive $0xFFFF  }
0x391: {  	_ =	strace $0x9000004D  }
0x392: {  	s0 =	stileid.u32;
	[bflag:$0x2] =	sbarrier.arrive $0xFFFF  }
0x393: {  	p0 =	sne.s32 s0, $0x0;
	s0 =	rddreg [dreg:$0x2]  }
0x394: {  	s0 =	sadd.s32 @!p0 $0x100000, s0  }
0x395: {  	[sflag:s0] =	ssyncadd.tile.s32 @!p0 $0x1;
	_ =	shalt  }
.Lfunc_end2:
_tile_overlayer_lowered:
.L_overlay_start_2:
0x396: {  	(tag) =	ssettag $0x2  }
0x397: {  	s0 =	rddreg [dreg:$0x0];
	s2 =	stileid.u32  }
0x398: {  	s1 =	rddreg [dreg:$0x1];
	p0 =	sne.s32 s2, $0x0  }
0x399: {  	s3 =	rddreg [dreg:$0x2];
	[bflag:$0x3] =	sbarrier.arrive $0xFFFF;
	s2 =	simm.s32 @!p0 $0x1C03  }
0x39a: {  	[timem:s3], [sflag:s2] =	dma.local @!p0 [hbm:s0], s1  }
0x39b: {  	s0 =	simm.s32 @!p0 $0x3  }
0x39c: {  	_ =	swait.ge @!p0 [sflag:s0], s1  }
0x39d: {  	s1 =	ssub.s32 @!p0 $0x0, s1;
	[sflag:s0] =	ssyncset.done @!p0 $0x0  }
0x39e: {  	[sflag:s0] =	ssyncadd.s32 @!p0 s1  }
0x39f: {  	[bflag:$0x3] =	sbarrier.arrive $0xFFFF  }
0x3a0: {  	_ =	shalt  }

</sc_bundles>
